<compile_context>
chip_gen: v7x
topology: tpu7x:2x2x1
jax: 0.10.2.dev20260603
libtpu: 0.0.44.dev20260713+nightly
codegen_flags: <defaults>
</compile_context>

<pallas_src>
import functools

import jax
import jax.numpy as jnp
from jax import lax
from jax.experimental import pallas as pl
from jax.experimental.pallas import tpu as pltpu
from jax.experimental.pallas import tpu_sc as plsc

B = 4
C = 32
D = H = W = 64
N = D * H * W
TOTAL = B * N
NW = 32
PTS_PER_W = TOTAL // NW
P = 256
NCH = PTS_PER_W // P
NG = P // 16
ROWS = 8 * P
NSTREAM = ROWS // 128
WS = 9
FL = 4
OS = FL * P + 1


def _floor(v):
    t = v.astype(jnp.int32)
    tf = t.astype(jnp.float32)
    return jnp.where(v < tf, t - 1, t)


def _axis_prep(f):
    i0 = _floor(f)
    w1 = f - i0.astype(jnp.float32)
    w0 = 1.0 - w1
    v0 = (i0 >= 0) & (i0 < 64)
    v1 = (i0 >= -1) & (i0 < 63)
    w0 = jnp.where(v0, w0, 0.0)
    w1 = jnp.where(v1, w1, 0.0)
    c0 = jnp.minimum(jnp.maximum(i0, 0), 63)
    c1 = jnp.minimum(jnp.maximum(i0 + 1, 0), 63)
    return c0, c1, w0, w1


def _body(table, cx, cy, cz, out,
          crd0, crd1, idx0, idx1, wv0, wv1, rows0, rows1, out_v,
          sg0, sg1, sc0, sc1):
    c_id = lax.axis_index("c")
    s_id = lax.axis_index("s")
    wid = c_id * 16 + s_id
    b = wid // 8
    base_pt = wid * PTS_PER_W
    row_off = b * N
    bufs = ((crd0, idx0, wv0, rows0, sg0, sc0),
            (crd1, idx1, wv1, rows1, sg1, sc1))
    lane = lax.iota(jnp.int32, 16)
    lane9 = lane * WS
    lane2 = lane * 2

    def prefetch(q, ci):
        crd, _, _, _, _, sc = bufs[q]
        gbase = base_pt + ci * P
        pltpu.async_copy(cx.at[pl.ds(gbase, P)], crd.at[pl.ds(0, P)], sc)
        pltpu.async_copy(cy.at[pl.ds(gbase, P)], crd.at[pl.ds(P, P)], sc)
        pltpu.async_copy(cz.at[pl.ds(gbase, P)], crd.at[pl.ds(2 * P, P)], sc)

    def build(q, ci):
        crd, idxb, wvb, rows, sg, sc = bufs[q]
        for _ in range(3):
            pltpu.make_async_copy(
                cx.at[pl.ds(0, P)], crd.at[pl.ds(0, P)], sc
            ).wait()

        def group1(g, carry1):
            fx = crd[pl.ds(g * 16, 16)] * 32.0 + 31.5
            fy = crd[pl.ds(P + g * 16, 16)] * 32.0 + 31.5
            fz = crd[pl.ds(2 * P + g * 16, 16)] * 32.0 + 31.5
            xi0, xi1, wx0, wx1 = _axis_prep(fx)
            yi0, yi1, wy0, wy1 = _axis_prep(fy)
            zi0, zi1, wz0, wz1 = _axis_prep(fz)
            xs = (xi0, xi1)
            ys = (yi0 * 64, yi1 * 64)
            zs = (zi0 * 4096, zi1 * 4096)
            wxs = (wx0, wx1)
            wys = (wy0, wy1)
            wzs = (wz0, wz1)
            wbase = lane9 + g * (16 * WS)
            for k in range(8):
                kz, ky, kx = (k >> 2) & 1, (k >> 1) & 1, k & 1
                idxb[pl.ds(k * P + g * 16, 16)] = (
                    zs[kz] + ys[ky] + xs[kx] + row_off
                )
                plsc.store_scatter(
                    wvb, [wbase + k], wzs[kz] * wys[ky] * wxs[kx]
                )
            return carry1

        lax.fori_loop(0, NG, group1, 0, unroll=2)
        for r in range(NSTREAM):
            pltpu.async_copy(
                table.at[idxb.at[pl.ds(r * 128, 128)]],
                rows.at[pl.ds(r * 128, 128)],
                sg,
            )

    def finish(q, ci):
        crd, idxb, wvb, rows, sg, sc = bufs[q]
        pltpu.make_async_copy(table.at[pl.ds(0, ROWS)], rows, sg).wait()
        col = (ci % FL) * P

        def point2(p, carry2):
            wvec = wvb[pl.ds(p * WS, 16)]
            ws = [wvec[k] for k in range(8)]
            e, o = plsc.unpack(
                rows[0 * P + p, pl.ds(0, C)],
                format=plsc.PackFormat.INTERLEAVED,
            )
            acc_e = ws[0] * e
            acc_o = ws[0] * o
            for k in range(1, 8):
                e, o = plsc.unpack(
                    rows[k * P + p, pl.ds(0, C)],
                    format=plsc.PackFormat.INTERLEAVED,
                )
                acc_e = acc_e + ws[k] * e
                acc_o = acc_o + ws[k] * o
            pvec = jnp.full((16,), col + p, jnp.int32)
            plsc.store_scatter(out_v, [lane2, pvec], acc_e)
            plsc.store_scatter(out_v, [lane2 + 1, pvec], acc_o)
            return carry2

        lax.fori_loop(0, P, point2, 0, unroll=4)

        @pl.when(ci % FL == FL - 1)
        def _flush():
            gbase = base_pt + (ci - (FL - 1)) * P
            pltpu.sync_copy(
                out_v.at[pl.ds(0, C), pl.ds(0, FL * P)],
                out.at[pl.ds(b * C, C), pl.ds(gbase - b * N, FL * P)],
            )

    prefetch(0, 0)
    build(0, 0)
    prefetch(1, 1)

    def pair(j, carry):
        c0 = 2 * j
        not_last = j < NCH // 2 - 1
        build(1, c0 + 1)

        @pl.when(not_last)
        def _pre0():
            prefetch(0, c0 + 2)

        finish(0, c0)

        @pl.when(not_last)
        def _next0():
            build(0, c0 + 2)
            prefetch(1, c0 + 3)

        finish(1, c0 + 1)
        return carry

    lax.fori_loop(0, NCH // 2, pair, 0)


_sc_grid_sample = functools.partial(
    pl.kernel,
    out_type=jax.ShapeDtypeStruct((B * C, N), jnp.float32),
    mesh=plsc.VectorSubcoreMesh(core_axis_name="c", subcore_axis_name="s"),
    scratch_types=[
        pltpu.VMEM((3 * P,), jnp.float32),
        pltpu.VMEM((3 * P,), jnp.float32),
        pltpu.VMEM((ROWS,), jnp.int32),
        pltpu.VMEM((ROWS,), jnp.int32),
        pltpu.VMEM((P * WS + 16,), jnp.float32),
        pltpu.VMEM((P * WS + 16,), jnp.float32),
        pltpu.VMEM((ROWS, C), jnp.bfloat16),
        pltpu.VMEM((ROWS, C), jnp.bfloat16),
        pltpu.VMEM((C, OS), jnp.float32),
        pltpu.SemaphoreType.DMA,
        pltpu.SemaphoreType.DMA,
        pltpu.SemaphoreType.DMA,
        pltpu.SemaphoreType.DMA,
    ],
    compiler_params=pltpu.CompilerParams(
        needs_layout_passes=False, use_tc_tiling_on_sc=False
    ),
)(_body)


def kernel(input_tensor, grid_tensor):
    table = (
        input_tensor.astype(jnp.bfloat16)
        .transpose(0, 2, 3, 4, 1)
        .reshape(B * N, C)
    )
    g = grid_tensor.reshape(TOTAL, 3)
    out = _sc_grid_sample(table, g[:, 0], g[:, 1], g[:, 2])
    return out.reshape(B, C, D, H, W)

# --- scband reference (transcript-rebuilt; emitter-appended) ---
"""Pipeline reference for scband-grid-sample-11879879543068 (READ-ONLY COPY).

The authoritative reference and input builder live on the scoring server;
editing this copy changes nothing except your own understanding.
"""

import jax, jax.numpy as jnp
import numpy as np


def setup_inputs(seed: int = 0) -> dict:
    key = jax.random.key(seed)
    k1, k2 = jax.random.split(key)
    input_tensor = jax.random.uniform(k1, (4, 32, 64, 64, 64), dtype=jnp.float32)
    grid_tensor = jax.random.uniform(k2, (4, 64, 64, 64, 3), dtype=jnp.float32)
    return {"input_tensor": input_tensor, "grid_tensor": grid_tensor}


def _grid_sample_3d(inp, grid):
    # inp: [C, D, H, W]; grid: [Do, Ho, Wo, 3] with last dim = (x, y, z)
    # mode='bilinear' (trilinear), padding_mode='zeros', align_corners=False
    C, D, H, W = inp.shape
    x = grid[..., 0]
    y = grid[..., 1]
    z = grid[..., 2]
    # unnormalize (align_corners=False)
    ix = ((x + 1.0) * W - 1.0) / 2.0
    iy = ((y + 1.0) * H - 1.0) / 2.0
    iz = ((z + 1.0) * D - 1.0) / 2.0
    ix0 = jnp.floor(ix)
    iy0 = jnp.floor(iy)
    iz0 = jnp.floor(iz)
    wx1 = ix - ix0
    wy1 = iy - iy0
    wz1 = iz - iz0
    wx0 = 1.0 - wx1
    wy0 = 1.0 - wy1
    wz0 = 1.0 - wz1
    ix0i = ix0.astype(jnp.int32)
    iy0i = iy0.astype(jnp.int32)
    iz0i = iz0.astype(jnp.int32)
    out = jnp.zeros((C,) + x.shape, dtype=inp.dtype)
    for zc, wz in ((iz0i, wz0), (iz0i + 1, wz1)):
        for yc, wy in ((iy0i, wy0), (iy0i + 1, wy1)):
            for xc, wx in ((ix0i, wx0), (ix0i + 1, wx1)):
                valid = ((xc >= 0) & (xc < W) & (yc >= 0) & (yc < H) & (zc >= 0) & (zc < D))
                xi = jnp.clip(xc, 0, W - 1)
                yi = jnp.clip(yc, 0, H - 1)
                zi = jnp.clip(zc, 0, D - 1)
                vals = inp[:, zi, yi, xi]  # gather: [C, Do, Ho, Wo]
                w = (wz * wy * wx) * valid.astype(inp.dtype)
                out = out + vals * w[None]
    return out


def reference(input_tensor, grid_tensor):
    return jax.vmap(_grid_sample_3d)(input_tensor, grid_tensor)

if __name__ == "__main__":
    import jax
    _d = setup_inputs()
    print(jax.jit(kernel)(*tuple(_d.values())))

</pallas_src>

<mosaic_0001>
#map = affine_map<(d0, d1) -> (0, 0)>
#map1 = affine_map<(d0, d1) -> (0)>
module attributes {stable_mosaic.version = 14 : i64} {
  func.func @_body(%arg0: i32, %arg1: i32, %arg2: memref<1048576x32xbf16, #tpu.memory_space<hbm>>, %arg3: memref<1048576xf32, #tpu.memory_space<hbm>>, %arg4: memref<1048576xf32, #tpu.memory_space<hbm>>, %arg5: memref<1048576xf32, #tpu.memory_space<hbm>>, %arg6: memref<128x262144xf32, #tpu.memory_space<hbm>>, %arg7: memref<768xf32, #tpu.memory_space<vmem>>, %arg8: memref<768xf32, #tpu.memory_space<vmem>>, %arg9: memref<2048xi32, #tpu.memory_space<vmem>>, %arg10: memref<2048xi32, #tpu.memory_space<vmem>>, %arg11: memref<2320xf32, #tpu.memory_space<vmem>>, %arg12: memref<2320xf32, #tpu.memory_space<vmem>>, %arg13: memref<2048x32xbf16, #tpu.memory_space<vmem>>, %arg14: memref<2048x32xbf16, #tpu.memory_space<vmem>>, %arg15: memref<32x1025xf32, #tpu.memory_space<vmem>>, %arg16: memref<!tpu.dma_semaphore, #tpu.memory_space<semaphore_mem>>, %arg17: memref<!tpu.dma_semaphore, #tpu.memory_space<semaphore_mem>>, %arg18: memref<!tpu.dma_semaphore, #tpu.memory_space<semaphore_mem>>, %arg19: memref<!tpu.dma_semaphore, #tpu.memory_space<semaphore_mem>>) attributes {dimension_semantics = [#tpu.dimension_semantics<core_parallel>, #tpu.dimension_semantics<subcore_parallel>], iteration_bounds = array<i64: 2, 16>, scalar_prefetch = 0 : i64, scratch_operands = 13 : i64, tpu.core_type = #tpu.core_type<sc_vector_subcore>, window_params = [{transform_indices = #map}, {transform_indices = #map1}, {transform_indices = #map1}, {transform_indices = #map1}, {transform_indices = #map}]} {
    %mul3A = arith.constant 16 : i32
    %mul3A_0 = arith.muli %arg0, %mul3A : i32
    %add3A = arith.addi %mul3A_0, %arg1 : i32
    %jit3A = arith.constant 8 : i32
    %div3A = arith.divsi %add3A, %jit3A : i32
    %sign3A = arith.constant 0 : i32
    %sign3A_1 = arith.cmpi sgt, %add3A, %sign3A : i32
    %sign3A_2 = arith.extui %sign3A_1 : i1 to i32
    %sign3A_3 = arith.constant 0 : i32
    %sign3A_4 = arith.cmpi slt, %add3A, %sign3A_3 : i32
    %sign3A_5 = arith.extui %sign3A_4 : i1 to i32
    %sign3A_6 = arith.subi %sign3A_2, %sign3A_5 : i32
    %sign3A_7 = arith.constant 0 : i32
    %sign3A_8 = arith.cmpi sgt, %jit3A, %sign3A_7 : i32
    %sign3A_9 = arith.extui %sign3A_8 : i1 to i32
    %sign3A_10 = arith.constant 0 : i32
    %sign3A_11 = arith.cmpi slt, %jit3A, %sign3A_10 : i32
    %sign3A_12 = arith.extui %sign3A_11 : i1 to i32
    %sign3A_13 = arith.subi %sign3A_9, %sign3A_12 : i32
    %ne3A = arith.cmpi ne, %sign3A_6, %sign3A_13 : i32
    %rem3A = arith.remsi %add3A, %jit3A : i32
    %ne3A_14 = arith.constant 0 : i32
    %ne3A_15 = arith.cmpi ne, %rem3A, %ne3A_14 : i32
    %and3A = arith.andi %ne3A, %ne3A_15 : i1
    %sub3A = arith.constant 1 : i32
    %sub3A_16 = arith.subi %div3A, %sub3A : i32
    %select_n3A = arith.select %and3A, %sub3A_16, %div3A : i32
    %mul3A_17 = arith.constant 32768 : i32
    %mul3A_18 = arith.muli %add3A, %mul3A_17 : i32
    %mul3A_19 = arith.constant 262144 : i32
    %mul3A_20 = arith.muli %select_n3A, %mul3A_19 : i32
    %iota3A = tpu.iota {dimensions = array<i32: 0>} : vector<16xi32>
    %mul3A_21 = arith.constant 9 : i32
    %mul3A_22 = vector.broadcast %mul3A_21 : i32 to vector<16xi32>
    %mul3A_23 = arith.muli %iota3A, %mul3A_22 : vector<16xi32>
    %mul3A_24 = arith.constant 2 : i32
    %mul3A_25 = vector.broadcast %mul3A_24 : i32 to vector<16xi32>
    %mul3A_26 = arith.muli %iota3A, %mul3A_25 : vector<16xi32>
    %add3A_27 = arith.constant 0 : i32
    %add3A_28 = arith.addi %mul3A_18, %add3A_27 : i32
    %dma_start3A = arith.constant 0 : i32
    %dma_start3A_29 = tpu.memref_slice %arg7[%dma_start3A] : memref<768xf32, #tpu.memory_space<vmem>> -> memref<256xf32, #tpu.memory_space<vmem>>
    %dma_start3A_30 = tpu.memref_slice %arg3[%add3A_28] : memref<1048576xf32, #tpu.memory_space<hbm>> -> memref<256xf32, #tpu.memory_space<hbm>>
    %dma_start3A_31 = arith.constant 0 : i32
    %dma_start3A_32 = tpu.memref_slice %arg7[%dma_start3A_31] : memref<768xf32, #tpu.memory_space<vmem>> -> memref<256xf32, #tpu.memory_space<vmem>>
    %dma_start3A_33 = tpu.memref_slice %arg3[%add3A_28] : memref<1048576xf32, #tpu.memory_space<hbm>> -> memref<256xf32, #tpu.memory_space<hbm>>
    tpu.enqueue_dma source(%dma_start3A_33 : memref<256xf32, #tpu.memory_space<hbm>>) target(%dma_start3A_32 : memref<256xf32, #tpu.memory_space<vmem>>) target_semaphore(%arg18 : memref<!tpu.dma_semaphore, #tpu.memory_space<semaphore_mem>>)
    %dma_start3A_34 = arith.constant 256 : i32
    %dma_start3A_35 = tpu.memref_slice %arg7[%dma_start3A_34] : memref<768xf32, #tpu.memory_space<vmem>> -> memref<256xf32, #tpu.memory_space<vmem>>
    %dma_start3A_36 = tpu.memref_slice %arg4[%add3A_28] : memref<1048576xf32, #tpu.memory_space<hbm>> -> memref<256xf32, #tpu.memory_space<hbm>>
    %dma_start3A_37 = arith.constant 256 : i32
    %dma_start3A_38 = tpu.memref_slice %arg7[%dma_start3A_37] : memref<768xf32, #tpu.memory_space<vmem>> -> memref<256xf32, #tpu.memory_space<vmem>>
    %dma_start3A_39 = tpu.memref_slice %arg4[%add3A_28] : memref<1048576xf32, #tpu.memory_space<hbm>> -> memref<256xf32, #tpu.memory_space<hbm>>
    tpu.enqueue_dma source(%dma_start3A_39 : memref<256xf32, #tpu.memory_space<hbm>>) target(%dma_start3A_38 : memref<256xf32, #tpu.memory_space<vmem>>) target_semaphore(%arg18 : memref<!tpu.dma_semaphore, #tpu.memory_space<semaphore_mem>>)
    %dma_start3A_40 = arith.constant 512 : i32
    %dma_start3A_41 = tpu.memref_slice %arg7[%dma_start3A_40] : memref<768xf32, #tpu.memory_space<vmem>> -> memref<256xf32, #tpu.memory_space<vmem>>
    %dma_start3A_42 = tpu.memref_slice %arg5[%add3A_28] : memref<1048576xf32, #tpu.memory_space<hbm>> -> memref<256xf32, #tpu.memory_space<hbm>>
    %dma_start3A_43 = arith.constant 512 : i32
    %dma_start3A_44 = tpu.memref_slice %arg7[%dma_start3A_43] : memref<768xf32, #tpu.memory_space<vmem>> -> memref<256xf32, #tpu.memory_space<vmem>>
    %dma_start3A_45 = tpu.memref_slice %arg5[%add3A_28] : memref<1048576xf32, #tpu.memory_space<hbm>> -> memref<256xf32, #tpu.memory_space<hbm>>
    tpu.enqueue_dma source(%dma_start3A_45 : memref<256xf32, #tpu.memory_space<hbm>>) target(%dma_start3A_44 : memref<256xf32, #tpu.memory_space<vmem>>) target_semaphore(%arg18 : memref<!tpu.dma_semaphore, #tpu.memory_space<semaphore_mem>>)
    %dma_wait3A = arith.constant 0 : i32
    %dma_wait3A_46 = tpu.memref_slice %arg7[%dma_wait3A] : memref<768xf32, #tpu.memory_space<vmem>> -> memref<256xf32, #tpu.memory_space<vmem>>
    %dma_wait3A_47 = arith.constant 0 : i32
    %dma_wait3A_48 = tpu.memref_slice %arg3[%dma_wait3A_47] : memref<1048576xf32, #tpu.memory_space<hbm>> -> memref<256xf32, #tpu.memory_space<hbm>>
    %dma_wait3A_49 = arith.constant 0 : i32
    %dma_wait3A_50 = tpu.memref_slice %arg7[%dma_wait3A_49] : memref<768xf32, #tpu.memory_space<vmem>> -> memref<256xf32, #tpu.memory_space<vmem>>
    %dma_wait3A_51 = arith.constant 0 : i32
    %dma_wait3A_52 = tpu.memref_slice %arg3[%dma_wait3A_51] : memref<1048576xf32, #tpu.memory_space<hbm>> -> memref<256xf32, #tpu.memory_space<hbm>>
    tpu.wait_dma2 semaphore(%arg18 : memref<!tpu.dma_semaphore, #tpu.memory_space<semaphore_mem>>) src(%dma_wait3A_52 : memref<256xf32, #tpu.memory_space<hbm>>) dst(%dma_wait3A_50 : memref<256xf32, #tpu.memory_space<vmem>>)
    %dma_wait3A_53 = arith.constant 0 : i32
    %dma_wait3A_54 = tpu.memref_slice %arg7[%dma_wait3A_53] : memref<768xf32, #tpu.memory_space<vmem>> -> memref<256xf32, #tpu.memory_space<vmem>>
    %dma_wait3A_55 = arith.constant 0 : i32
    %dma_wait3A_56 = tpu.memref_slice %arg3[%dma_wait3A_55] : memref<1048576xf32, #tpu.memory_space<hbm>> -> memref<256xf32, #tpu.memory_space<hbm>>
    %dma_wait3A_57 = arith.constant 0 : i32
    %dma_wait3A_58 = tpu.memref_slice %arg7[%dma_wait3A_57] : memref<768xf32, #tpu.memory_space<vmem>> -> memref<256xf32, #tpu.memory_space<vmem>>
    %dma_wait3A_59 = arith.constant 0 : i32
    %dma_wait3A_60 = tpu.memref_slice %arg3[%dma_wait3A_59] : memref<1048576xf32, #tpu.memory_space<hbm>> -> memref<256xf32, #tpu.memory_space<hbm>>
    tpu.wait_dma2 semaphore(%arg18 : memref<!tpu.dma_semaphore, #tpu.memory_space<semaphore_mem>>) src(%dma_wait3A_60 : memref<256xf32, #tpu.memory_space<hbm>>) dst(%dma_wait3A_58 : memref<256xf32, #tpu.memory_space<vmem>>)
    %dma_wait3A_61 = arith.constant 0 : i32
    %dma_wait3A_62 = tpu.memref_slice %arg7[%dma_wait3A_61] : memref<768xf32, #tpu.memory_space<vmem>> -> memref<256xf32, #tpu.memory_space<vmem>>
    %dma_wait3A_63 = arith.constant 0 : i32
    %dma_wait3A_64 = tpu.memref_slice %arg3[%dma_wait3A_63] : memref<1048576xf32, #tpu.memory_space<hbm>> -> memref<256xf32, #tpu.memory_space<hbm>>
    %dma_wait3A_65 = arith.constant 0 : i32
    %dma_wait3A_66 = tpu.memref_slice %arg7[%dma_wait3A_65] : memref<768xf32, #tpu.memory_space<vmem>> -> memref<256xf32, #tpu.memory_space<vmem>>
    %dma_wait3A_67 = arith.constant 0 : i32
    %dma_wait3A_68 = tpu.memref_slice %arg3[%dma_wait3A_67] : memref<1048576xf32, #tpu.memory_space<hbm>> -> memref<256xf32, #tpu.memory_space<hbm>>
    tpu.wait_dma2 semaphore(%arg18 : memref<!tpu.dma_semaphore, #tpu.memory_space<semaphore_mem>>) src(%dma_wait3A_68 : memref<256xf32, #tpu.memory_space<hbm>>) dst(%dma_wait3A_66 : memref<256xf32, #tpu.memory_space<vmem>>)
    %scan3A = arith.constant 0 : i32
    %scan3A_69 = arith.constant 0 : i32
    %scan3A_70 = arith.constant 16 : i32
    %scan3A_71 = arith.addi %scan3A_69, %scan3A_70 : i32
    %scan3A_72 = arith.constant 2 : i32
    scf.for %scan3A_228 = %scan3A_69 to %scan3A_71 step %scan3A_72  : i32 {
      %mul3A_229 = arith.constant 16 : i32
      %mul3A_230 = arith.muli %scan3A_228, %mul3A_229 : i32
      %get3A = arith.index_cast %mul3A_230 : i32 to index
      %get3A_231 = tpu.vector_load %arg7[%get3A] {strides = array<i32>} : memref<768xf32, #tpu.memory_space<vmem>>, vector<16xf32>,
      %mul3A_232 = arith.constant 3.200000e+01 : f32
      %mul3A_233 = vector.broadcast %mul3A_232 : f32 to vector<16xf32>
      %mul3A_234 = arith.mulf %get3A_231, %mul3A_233 : vector<16xf32>
      %add3A_235 = arith.constant 3.150000e+01 : f32
      %add3A_236 = vector.broadcast %add3A_235 : f32 to vector<16xf32>
      %add3A_237 = arith.addf %mul3A_234, %add3A_236 : vector<16xf32>
      %mul3A_238 = arith.constant 16 : i32
      %mul3A_239 = arith.muli %scan3A_228, %mul3A_238 : i32
      %add3A_240 = arith.constant 256 : i32
      %add3A_241 = arith.addi %add3A_240, %mul3A_239 : i32
      %get3A_242 = arith.index_cast %add3A_241 : i32 to index
      %get3A_243 = tpu.vector_load %arg7[%get3A_242] {strides = array<i32>} : memref<768xf32, #tpu.memory_space<vmem>>, vector<16xf32>,
      %mul3A_244 = arith.constant 3.200000e+01 : f32
      %mul3A_245 = vector.broadcast %mul3A_244 : f32 to vector<16xf32>
      %mul3A_246 = arith.mulf %get3A_243, %mul3A_245 : vector<16xf32>
      %add3A_247 = arith.constant 3.150000e+01 : f32
      %add3A_248 = vector.broadcast %add3A_247 : f32 to vector<16xf32>
      %add3A_249 = arith.addf %mul3A_246, %add3A_248 : vector<16xf32>
      %mul3A_250 = arith.constant 16 : i32
      %mul3A_251 = arith.muli %scan3A_228, %mul3A_250 : i32
      %add3A_252 = arith.constant 512 : i32
      %add3A_253 = arith.addi %add3A_252, %mul3A_251 : i32
      %get3A_254 = arith.index_cast %add3A_253 : i32 to index
      %get3A_255 = tpu.vector_load %arg7[%get3A_254] {strides = array<i32>} : memref<768xf32, #tpu.memory_space<vmem>>, vector<16xf32>,
      %mul3A_256 = arith.constant 3.200000e+01 : f32
      %mul3A_257 = vector.broadcast %mul3A_256 : f32 to vector<16xf32>
      %mul3A_258 = arith.mulf %get3A_255, %mul3A_257 : vector<16xf32>
      %add3A_259 = arith.constant 3.150000e+01 : f32
      %add3A_260 = vector.broadcast %add3A_259 : f32 to vector<16xf32>
      %add3A_261 = arith.addf %mul3A_258, %add3A_260 : vector<16xf32>
      %convert_element_type3A = arith.fptosi %add3A_237 : vector<16xf32> to vector<16xi32>
      %convert_element_type3A_262 = arith.sitofp %convert_element_type3A : vector<16xi32> to vector<16xf32>
      %lt3A = arith.cmpf olt, %add3A_237, %convert_element_type3A_262 : vector<16xf32>
      %sub3A_263 = arith.constant 1 : i32
      %sub3A_264 = vector.broadcast %sub3A_263 : i32 to vector<16xi32>
      %sub3A_265 = arith.subi %convert_element_type3A, %sub3A_264 : vector<16xi32>
      %select_n3A_266 = arith.select %lt3A, %sub3A_265, %convert_element_type3A : vector<16xi1>, vector<16xi32>
      %convert_element_type3A_267 = arith.sitofp %select_n3A_266 : vector<16xi32> to vector<16xf32>
      %sub3A_268 = arith.subf %add3A_237, %convert_element_type3A_267 : vector<16xf32>
      %sub3A_269 = arith.constant 1.000000e+00 : f32
      %sub3A_270 = vector.broadcast %sub3A_269 : f32 to vector<16xf32>
      %sub3A_271 = arith.subf %sub3A_270, %sub3A_268 : vector<16xf32>
      %ge3A = arith.constant 0 : i32
      %ge3A_272 = vector.broadcast %ge3A : i32 to vector<16xi32>
      %ge3A_273 = arith.cmpi sge, %select_n3A_266, %ge3A_272 : vector<16xi32>
      %lt3A_274 = arith.constant 64 : i32
      %lt3A_275 = vector.broadcast %lt3A_274 : i32 to vector<16xi32>
      %lt3A_276 = arith.cmpi slt, %select_n3A_266, %lt3A_275 : vector<16xi32>
      %and3A_277 = arith.andi %ge3A_273, %lt3A_276 : vector<16xi1>
      %ge3A_278 = arith.constant -1 : i32
      %ge3A_279 = vector.broadcast %ge3A_278 : i32 to vector<16xi32>
      %ge3A_280 = arith.cmpi sge, %select_n3A_266, %ge3A_279 : vector<16xi32>
      %lt3A_281 = arith.constant 63 : i32
      %lt3A_282 = vector.broadcast %lt3A_281 : i32 to vector<16xi32>
      %lt3A_283 = arith.cmpi slt, %select_n3A_266, %lt3A_282 : vector<16xi32>
      %and3A_284 = arith.andi %ge3A_280, %lt3A_283 : vector<16xi1>
      %jit3A_285 = arith.constant 0.000000e+00 : f32
      %broadcast_in_dim3A = vector.broadcast %jit3A_285 : f32 to vector<16xf32>
      %select_n3A_286 = arith.select %and3A_277, %sub3A_271, %broadcast_in_dim3A : vector<16xi1>, vector<16xf32>
      %jit3A_287 = arith.constant 0.000000e+00 : f32
      %broadcast_in_dim3A_288 = vector.broadcast %jit3A_287 : f32 to vector<16xf32>
      %select_n3A_289 = arith.select %and3A_284, %sub3A_268, %broadcast_in_dim3A_288 : vector<16xi1>, vector<16xf32>
      %max3A = arith.constant 0 : i32
      %max3A_290 = vector.broadcast %max3A : i32 to vector<16xi32>
      %max3A_291 = arith.maxsi %select_n3A_266, %max3A_290 : vector<16xi32>
      %min3A = arith.constant 63 : i32
      %min3A_292 = vector.broadcast %min3A : i32 to vector<16xi32>
      %min3A_293 = arith.minsi %max3A_291, %min3A_292 : vector<16xi32>
      %add3A_294 = arith.constant 1 : i32
      %add3A_295 = vector.broadcast %add3A_294 : i32 to vector<16xi32>
      %add3A_296 = arith.addi %select_n3A_266, %add3A_295 : vector<16xi32>
      %max3A_297 = arith.constant 0 : i32
      %max3A_298 = vector.broadcast %max3A_297 : i32 to vector<16xi32>
      %max3A_299 = arith.maxsi %add3A_296, %max3A_298 : vector<16xi32>
      %min3A_300 = arith.constant 63 : i32
      %min3A_301 = vector.broadcast %min3A_300 : i32 to vector<16xi32>
      %min3A_302 = arith.minsi %max3A_299, %min3A_301 : vector<16xi32>
      %convert_element_type3A_303 = arith.fptosi %add3A_249 : vector<16xf32> to vector<16xi32>
      %convert_element_type3A_304 = arith.sitofp %convert_element_type3A_303 : vector<16xi32> to vector<16xf32>
      %lt3A_305 = arith.cmpf olt, %add3A_249, %convert_element_type3A_304 : vector<16xf32>
      %sub3A_306 = arith.constant 1 : i32
      %sub3A_307 = vector.broadcast %sub3A_306 : i32 to vector<16xi32>
      %sub3A_308 = arith.subi %convert_element_type3A_303, %sub3A_307 : vector<16xi32>
      %select_n3A_309 = arith.select %lt3A_305, %sub3A_308, %convert_element_type3A_303 : vector<16xi1>, vector<16xi32>
      %convert_element_type3A_310 = arith.sitofp %select_n3A_309 : vector<16xi32> to vector<16xf32>
      %sub3A_311 = arith.subf %add3A_249, %convert_element_type3A_310 : vector<16xf32>
      %sub3A_312 = arith.constant 1.000000e+00 : f32
      %sub3A_313 = vector.broadcast %sub3A_312 : f32 to vector<16xf32>
      %sub3A_314 = arith.subf %sub3A_313, %sub3A_311 : vector<16xf32>
      %ge3A_315 = arith.constant 0 : i32
      %ge3A_316 = vector.broadcast %ge3A_315 : i32 to vector<16xi32>
      %ge3A_317 = arith.cmpi sge, %select_n3A_309, %ge3A_316 : vector<16xi32>
      %lt3A_318 = arith.constant 64 : i32
      %lt3A_319 = vector.broadcast %lt3A_318 : i32 to vector<16xi32>
      %lt3A_320 = arith.cmpi slt, %select_n3A_309, %lt3A_319 : vector<16xi32>
      %and3A_321 = arith.andi %ge3A_317, %lt3A_320 : vector<16xi1>
      %ge3A_322 = arith.constant -1 : i32
      %ge3A_323 = vector.broadcast %ge3A_322 : i32 to vector<16xi32>
      %ge3A_324 = arith.cmpi sge, %select_n3A_309, %ge3A_323 : vector<16xi32>
      %lt3A_325 = arith.constant 63 : i32
      %lt3A_326 = vector.broadcast %lt3A_325 : i32 to vector<16xi32>
      %lt3A_327 = arith.cmpi slt, %select_n3A_309, %lt3A_326 : vector<16xi32>
      %and3A_328 = arith.andi %ge3A_324, %lt3A_327 : vector<16xi1>
      %jit3A_329 = arith.constant 0.000000e+00 : f32
      %broadcast_in_dim3A_330 = vector.broadcast %jit3A_329 : f32 to vector<16xf32>
      %select_n3A_331 = arith.select %and3A_321, %sub3A_314, %broadcast_in_dim3A_330 : vector<16xi1>, vector<16xf32>
      %jit3A_332 = arith.constant 0.000000e+00 : f32
      %broadcast_in_dim3A_333 = vector.broadcast %jit3A_332 : f32 to vector<16xf32>
      %select_n3A_334 = arith.select %and3A_328, %sub3A_311, %broadcast_in_dim3A_333 : vector<16xi1>, vector<16xf32>
      %max3A_335 = arith.constant 0 : i32
      %max3A_336 = vector.broadcast %max3A_335 : i32 to vector<16xi32>
      %max3A_337 = arith.maxsi %select_n3A_309, %max3A_336 : vector<16xi32>
      %min3A_338 = arith.constant 63 : i32
      %min3A_339 = vector.broadcast %min3A_338 : i32 to vector<16xi32>
      %min3A_340 = arith.minsi %max3A_337, %min3A_339 : vector<16xi32>
      %add3A_341 = arith.constant 1 : i32
      %add3A_342 = vector.broadcast %add3A_341 : i32 to vector<16xi32>
      %add3A_343 = arith.addi %select_n3A_309, %add3A_342 : vector<16xi32>
      %max3A_344 = arith.constant 0 : i32
      %max3A_345 = vector.broadcast %max3A_344 : i32 to vector<16xi32>
      %max3A_346 = arith.maxsi %add3A_343, %max3A_345 : vector<16xi32>
      %min3A_347 = arith.constant 63 : i32
      %min3A_348 = vector.broadcast %min3A_347 : i32 to vector<16xi32>
      %min3A_349 = arith.minsi %max3A_346, %min3A_348 : vector<16xi32>
      %convert_element_type3A_350 = arith.fptosi %add3A_261 : vector<16xf32> to vector<16xi32>
      %convert_element_type3A_351 = arith.sitofp %convert_element_type3A_350 : vector<16xi32> to vector<16xf32>
      %lt3A_352 = arith.cmpf olt, %add3A_261, %convert_element_type3A_351 : vector<16xf32>
      %sub3A_353 = arith.constant 1 : i32
      %sub3A_354 = vector.broadcast %sub3A_353 : i32 to vector<16xi32>
      %sub3A_355 = arith.subi %convert_element_type3A_350, %sub3A_354 : vector<16xi32>
      %select_n3A_356 = arith.select %lt3A_352, %sub3A_355, %convert_element_type3A_350 : vector<16xi1>, vector<16xi32>
      %convert_element_type3A_357 = arith.sitofp %select_n3A_356 : vector<16xi32> to vector<16xf32>
      %sub3A_358 = arith.subf %add3A_261, %convert_element_type3A_357 : vector<16xf32>
      %sub3A_359 = arith.constant 1.000000e+00 : f32
      %sub3A_360 = vector.broadcast %sub3A_359 : f32 to vector<16xf32>
      %sub3A_361 = arith.subf %sub3A_360, %sub3A_358 : vector<16xf32>
      %ge3A_362 = arith.constant 0 : i32
      %ge3A_363 = vector.broadcast %ge3A_362 : i32 to vector<16xi32>
      %ge3A_364 = arith.cmpi sge, %select_n3A_356, %ge3A_363 : vector<16xi32>
      %lt3A_365 = arith.constant 64 : i32
      %lt3A_366 = vector.broadcast %lt3A_365 : i32 to vector<16xi32>
      %lt3A_367 = arith.cmpi slt, %select_n3A_356, %lt3A_366 : vector<16xi32>
      %and3A_368 = arith.andi %ge3A_364, %lt3A_367 : vector<16xi1>
      %ge3A_369 = arith.constant -1 : i32
      %ge3A_370 = vector.broadcast %ge3A_369 : i32 to vector<16xi32>
      %ge3A_371 = arith.cmpi sge, %select_n3A_356, %ge3A_370 : vector<16xi32>
      %lt3A_372 = arith.constant 63 : i32
      %lt3A_373 = vector.broadcast %lt3A_372 : i32 to vector<16xi32>
      %lt3A_374 = arith.cmpi slt, %select_n3A_356, %lt3A_373 : vector<16xi32>
      %and3A_375 = arith.andi %ge3A_371, %lt3A_374 : vector<16xi1>
      %jit3A_376 = arith.constant 0.000000e+00 : f32
      %broadcast_in_dim3A_377 = vector.broadcast %jit3A_376 : f32 to vector<16xf32>
      %select_n3A_378 = arith.select %and3A_368, %sub3A_361, %broadcast_in_dim3A_377 : vector<16xi1>, vector<16xf32>
      %jit3A_379 = arith.constant 0.000000e+00 : f32
      %broadcast_in_dim3A_380 = vector.broadcast %jit3A_379 : f32 to vector<16xf32>
      %select_n3A_381 = arith.select %and3A_375, %sub3A_358, %broadcast_in_dim3A_380 : vector<16xi1>, vector<16xf32>
      %max3A_382 = arith.constant 0 : i32
      %max3A_383 = vector.broadcast %max3A_382 : i32 to vector<16xi32>
      %max3A_384 = arith.maxsi %select_n3A_356, %max3A_383 : vector<16xi32>
      %min3A_385 = arith.constant 63 : i32
      %min3A_386 = vector.broadcast %min3A_385 : i32 to vector<16xi32>
      %min3A_387 = arith.minsi %max3A_384, %min3A_386 : vector<16xi32>
      %add3A_388 = arith.constant 1 : i32
      %add3A_389 = vector.broadcast %add3A_388 : i32 to vector<16xi32>
      %add3A_390 = arith.addi %select_n3A_356, %add3A_389 : vector<16xi32>
      %max3A_391 = arith.constant 0 : i32
      %max3A_392 = vector.broadcast %max3A_391 : i32 to vector<16xi32>
      %max3A_393 = arith.maxsi %add3A_390, %max3A_392 : vector<16xi32>
      %min3A_394 = arith.constant 63 : i32
      %min3A_395 = vector.broadcast %min3A_394 : i32 to vector<16xi32>
      %min3A_396 = arith.minsi %max3A_393, %min3A_395 : vector<16xi32>
      %mul3A_397 = arith.constant 64 : i32
      %mul3A_398 = vector.broadcast %mul3A_397 : i32 to vector<16xi32>
      %mul3A_399 = arith.muli %min3A_340, %mul3A_398 : vector<16xi32>
      %mul3A_400 = arith.constant 64 : i32
      %mul3A_401 = vector.broadcast %mul3A_400 : i32 to vector<16xi32>
      %mul3A_402 = arith.muli %min3A_349, %mul3A_401 : vector<16xi32>
      %mul3A_403 = arith.constant 4096 : i32
      %mul3A_404 = vector.broadcast %mul3A_403 : i32 to vector<16xi32>
      %mul3A_405 = arith.muli %min3A_387, %mul3A_404 : vector<16xi32>
      %mul3A_406 = arith.constant 4096 : i32
      %mul3A_407 = vector.broadcast %mul3A_406 : i32 to vector<16xi32>
      %mul3A_408 = arith.muli %min3A_396, %mul3A_407 : vector<16xi32>
      %mul3A_409 = arith.constant 144 : i32
      %mul3A_410 = arith.muli %scan3A_228, %mul3A_409 : i32
      %add3A_411 = vector.broadcast %mul3A_410 : i32 to vector<16xi32>
      %add3A_412 = arith.addi %mul3A_23, %add3A_411 : vector<16xi32>
      %add3A_413 = arith.addi %mul3A_405, %mul3A_399 : vector<16xi32>
      %add3A_414 = arith.addi %add3A_413, %min3A_293 : vector<16xi32>
      %add3A_415 = vector.broadcast %mul3A_20 : i32 to vector<16xi32>
      %add3A_416 = arith.addi %add3A_414, %add3A_415 : vector<16xi32>
      %mul3A_417 = arith.constant 16 : i32
      %mul3A_418 = arith.muli %scan3A_228, %mul3A_417 : i32
      %add3A_419 = arith.constant 0 : i32
      %add3A_420 = arith.addi %add3A_419, %mul3A_418 : i32
      %swap3A = arith.index_cast %add3A_420 : i32 to index
      %swap3A_421 = tpu.vector_load %arg9[%swap3A] {strides = array<i32>} : memref<2048xi32, #tpu.memory_space<vmem>>, vector<16xi32>,
      tpu.vector_store %arg9[%swap3A], %add3A_416 {strides = array<i32>} : memref<2048xi32, #tpu.memory_space<vmem>>, vector<16xi32>,
      %add3A_422 = arith.constant 0 : i32
      %add3A_423 = vector.broadcast %add3A_422 : i32 to vector<16xi32>
      %add3A_424 = arith.addi %add3A_412, %add3A_423 : vector<16xi32>
      %mul3A_425 = arith.mulf %select_n3A_378, %select_n3A_331 : vector<16xf32>
      %mul3A_426 = arith.mulf %mul3A_425, %select_n3A_286 : vector<16xf32>
      tpu.vector_store_idx %arg11[%add3A_424], %mul3A_426 : memref<2320xf32, #tpu.memory_space<vmem>>[vector<16xi32>], vector<16xf32>,
      %add3A_427 = arith.addi %mul3A_405, %mul3A_399 : vector<16xi32>
      %add3A_428 = arith.addi %add3A_427, %min3A_302 : vector<16xi32>
      %add3A_429 = vector.broadcast %mul3A_20 : i32 to vector<16xi32>
      %add3A_430 = arith.addi %add3A_428, %add3A_429 : vector<16xi32>
      %mul3A_431 = arith.constant 16 : i32
      %mul3A_432 = arith.muli %scan3A_228, %mul3A_431 : i32
      %add3A_433 = arith.constant 256 : i32
      %add3A_434 = arith.addi %add3A_433, %mul3A_432 : i32
      %swap3A_435 = arith.index_cast %add3A_434 : i32 to index
      %swap3A_436 = tpu.vector_load %arg9[%swap3A_435] {strides = array<i32>} : memref<2048xi32, #tpu.memory_space<vmem>>, vector<16xi32>,
      tpu.vector_store %arg9[%swap3A_435], %add3A_430 {strides = array<i32>} : memref<2048xi32, #tpu.memory_space<vmem>>, vector<16xi32>,
      %add3A_437 = arith.constant 1 : i32
      %add3A_438 = vector.broadcast %add3A_437 : i32 to vector<16xi32>
      %add3A_439 = arith.addi %add3A_412, %add3A_438 : vector<16xi32>
      %mul3A_440 = arith.mulf %select_n3A_378, %select_n3A_331 : vector<16xf32>
      %mul3A_441 = arith.mulf %mul3A_440, %select_n3A_289 : vector<16xf32>
      tpu.vector_store_idx %arg11[%add3A_439], %mul3A_441 : memref<2320xf32, #tpu.memory_space<vmem>>[vector<16xi32>], vector<16xf32>,
      %add3A_442 = arith.addi %mul3A_405, %mul3A_402 : vector<16xi32>
      %add3A_443 = arith.addi %add3A_442, %min3A_293 : vector<16xi32>
      %add3A_444 = vector.broadcast %mul3A_20 : i32 to vector<16xi32>
      %add3A_445 = arith.addi %add3A_443, %add3A_444 : vector<16xi32>
      %mul3A_446 = arith.constant 16 : i32
      %mul3A_447 = arith.muli %scan3A_228, %mul3A_446 : i32
      %add3A_448 = arith.constant 512 : i32
      %add3A_449 = arith.addi %add3A_448, %mul3A_447 : i32
      %swap3A_450 = arith.index_cast %add3A_449 : i32 to index
      %swap3A_451 = tpu.vector_load %arg9[%swap3A_450] {strides = array<i32>} : memref<2048xi32, #tpu.memory_space<vmem>>, vector<16xi32>,
      tpu.vector_store %arg9[%swap3A_450], %add3A_445 {strides = array<i32>} : memref<2048xi32, #tpu.memory_space<vmem>>, vector<16xi32>,
      %add3A_452 = arith.constant 2 : i32
      %add3A_453 = vector.broadcast %add3A_452 : i32 to vector<16xi32>
      %add3A_454 = arith.addi %add3A_412, %add3A_453 : vector<16xi32>
      %mul3A_455 = arith.mulf %select_n3A_378, %select_n3A_334 : vector<16xf32>
      %mul3A_456 = arith.mulf %mul3A_455, %select_n3A_286 : vector<16xf32>
      tpu.vector_store_idx %arg11[%add3A_454], %mul3A_456 : memref<2320xf32, #tpu.memory_space<vmem>>[vector<16xi32>], vector<16xf32>,
      %add3A_457 = arith.addi %mul3A_405, %mul3A_402 : vector<16xi32>
      %add3A_458 = arith.addi %add3A_457, %min3A_302 : vector<16xi32>
      %add3A_459 = vector.broadcast %mul3A_20 : i32 to vector<16xi32>
      %add3A_460 = arith.addi %add3A_458, %add3A_459 : vector<16xi32>
      %mul3A_461 = arith.constant 16 : i32
      %mul3A_462 = arith.muli %scan3A_228, %mul3A_461 : i32
      %add3A_463 = arith.constant 768 : i32
      %add3A_464 = arith.addi %add3A_463, %mul3A_462 : i32
      %swap3A_465 = arith.index_cast %add3A_464 : i32 to index
      %swap3A_466 = tpu.vector_load %arg9[%swap3A_465] {strides = array<i32>} : memref<2048xi32, #tpu.memory_space<vmem>>, vector<16xi32>,
      tpu.vector_store %arg9[%swap3A_465], %add3A_460 {strides = array<i32>} : memref<2048xi32, #tpu.memory_space<vmem>>, vector<16xi32>,
      %add3A_467 = arith.constant 3 : i32
      %add3A_468 = vector.broadcast %add3A_467 : i32 to vector<16xi32>
      %add3A_469 = arith.addi %add3A_412, %add3A_468 : vector<16xi32>
      %mul3A_470 = arith.mulf %select_n3A_378, %select_n3A_334 : vector<16xf32>
      %mul3A_471 = arith.mulf %mul3A_470, %select_n3A_289 : vector<16xf32>
      tpu.vector_store_idx %arg11[%add3A_469], %mul3A_471 : memref<2320xf32, #tpu.memory_space<vmem>>[vector<16xi32>], vector<16xf32>,
      %add3A_472 = arith.addi %mul3A_408, %mul3A_399 : vector<16xi32>
      %add3A_473 = arith.addi %add3A_472, %min3A_293 : vector<16xi32>
      %add3A_474 = vector.broadcast %mul3A_20 : i32 to vector<16xi32>
      %add3A_475 = arith.addi %add3A_473, %add3A_474 : vector<16xi32>
      %mul3A_476 = arith.constant 16 : i32
      %mul3A_477 = arith.muli %scan3A_228, %mul3A_476 : i32
      %add3A_478 = arith.constant 1024 : i32
      %add3A_479 = arith.addi %add3A_478, %mul3A_477 : i32
      %swap3A_480 = arith.index_cast %add3A_479 : i32 to index
      %swap3A_481 = tpu.vector_load %arg9[%swap3A_480] {strides = array<i32>} : memref<2048xi32, #tpu.memory_space<vmem>>, vector<16xi32>,
      tpu.vector_store %arg9[%swap3A_480], %add3A_475 {strides = array<i32>} : memref<2048xi32, #tpu.memory_space<vmem>>, vector<16xi32>,
      %add3A_482 = arith.constant 4 : i32
      %add3A_483 = vector.broadcast %add3A_482 : i32 to vector<16xi32>
      %add3A_484 = arith.addi %add3A_412, %add3A_483 : vector<16xi32>
      %mul3A_485 = arith.mulf %select_n3A_381, %select_n3A_331 : vector<16xf32>
      %mul3A_486 = arith.mulf %mul3A_485, %select_n3A_286 : vector<16xf32>
      tpu.vector_store_idx %arg11[%add3A_484], %mul3A_486 : memref<2320xf32, #tpu.memory_space<vmem>>[vector<16xi32>], vector<16xf32>,
      %add3A_487 = arith.addi %mul3A_408, %mul3A_399 : vector<16xi32>
      %add3A_488 = arith.addi %add3A_487, %min3A_302 : vector<16xi32>
      %add3A_489 = vector.broadcast %mul3A_20 : i32 to vector<16xi32>
      %add3A_490 = arith.addi %add3A_488, %add3A_489 : vector<16xi32>
      %mul3A_491 = arith.constant 16 : i32
      %mul3A_492 = arith.muli %scan3A_228, %mul3A_491 : i32
      %add3A_493 = arith.constant 1280 : i32
      %add3A_494 = arith.addi %add3A_493, %mul3A_492 : i32
      %swap3A_495 = arith.index_cast %add3A_494 : i32 to index
      %swap3A_496 = tpu.vector_load %arg9[%swap3A_495] {strides = array<i32>} : memref<2048xi32, #tpu.memory_space<vmem>>, vector<16xi32>,
      tpu.vector_store %arg9[%swap3A_495], %add3A_490 {strides = array<i32>} : memref<2048xi32, #tpu.memory_space<vmem>>, vector<16xi32>,
      %add3A_497 = arith.constant 5 : i32
      %add3A_498 = vector.broadcast %add3A_497 : i32 to vector<16xi32>
      %add3A_499 = arith.addi %add3A_412, %add3A_498 : vector<16xi32>
      %mul3A_500 = arith.mulf %select_n3A_381, %select_n3A_331 : vector<16xf32>
      %mul3A_501 = arith.mulf %mul3A_500, %select_n3A_289 : vector<16xf32>
      tpu.vector_store_idx %arg11[%add3A_499], %mul3A_501 : memref<2320xf32, #tpu.memory_space<vmem>>[vector<16xi32>], vector<16xf32>,
      %add3A_502 = arith.addi %mul3A_408, %mul3A_402 : vector<16xi32>
      %add3A_503 = arith.addi %add3A_502, %min3A_293 : vector<16xi32>
      %add3A_504 = vector.broadcast %mul3A_20 : i32 to vector<16xi32>
      %add3A_505 = arith.addi %add3A_503, %add3A_504 : vector<16xi32>
      %mul3A_506 = arith.constant 16 : i32
      %mul3A_507 = arith.muli %scan3A_228, %mul3A_506 : i32
      %add3A_508 = arith.constant 1536 : i32
      %add3A_509 = arith.addi %add3A_508, %mul3A_507 : i32
      %swap3A_510 = arith.index_cast %add3A_509 : i32 to index
      %swap3A_511 = tpu.vector_load %arg9[%swap3A_510] {strides = array<i32>} : memref<2048xi32, #tpu.memory_space<vmem>>, vector<16xi32>,
      tpu.vector_store %arg9[%swap3A_510], %add3A_505 {strides = array<i32>} : memref<2048xi32, #tpu.memory_space<vmem>>, vector<16xi32>,
      %add3A_512 = arith.constant 6 : i32
      %add3A_513 = vector.broadcast %add3A_512 : i32 to vector<16xi32>
      %add3A_514 = arith.addi %add3A_412, %add3A_513 : vector<16xi32>
      %mul3A_515 = arith.mulf %select_n3A_381, %select_n3A_334 : vector<16xf32>
      %mul3A_516 = arith.mulf %mul3A_515, %select_n3A_286 : vector<16xf32>
      tpu.vector_store_idx %arg11[%add3A_514], %mul3A_516 : memref<2320xf32, #tpu.memory_space<vmem>>[vector<16xi32>], vector<16xf32>,
      %add3A_517 = arith.addi %mul3A_408, %mul3A_402 : vector<16xi32>
      %add3A_518 = arith.addi %add3A_517, %min3A_302 : vector<16xi32>
      %add3A_519 = vector.broadcast %mul3A_20 : i32 to vector<16xi32>
      %add3A_520 = arith.addi %add3A_518, %add3A_519 : vector<16xi32>
      %mul3A_521 = arith.constant 16 : i32
      %mul3A_522 = arith.muli %scan3A_228, %mul3A_521 : i32
      %add3A_523 = arith.constant 1792 : i32
      %add3A_524 = arith.addi %add3A_523, %mul3A_522 : i32
      %swap3A_525 = arith.index_cast %add3A_524 : i32 to index
      %swap3A_526 = tpu.vector_load %arg9[%swap3A_525] {strides = array<i32>} : memref<2048xi32, #tpu.memory_space<vmem>>, vector<16xi32>,
      tpu.vector_store %arg9[%swap3A_525], %add3A_520 {strides = array<i32>} : memref<2048xi32, #tpu.memory_space<vmem>>, vector<16xi32>,
      %add3A_527 = arith.constant 7 : i32
      %add3A_528 = vector.broadcast %add3A_527 : i32 to vector<16xi32>
      %add3A_529 = arith.addi %add3A_412, %add3A_528 : vector<16xi32>
      %mul3A_530 = arith.mulf %select_n3A_381, %select_n3A_334 : vector<16xf32>
      %mul3A_531 = arith.mulf %mul3A_530, %select_n3A_289 : vector<16xf32>
      tpu.vector_store_idx %arg11[%add3A_529], %mul3A_531 : memref<2320xf32, #tpu.memory_space<vmem>>[vector<16xi32>], vector<16xf32>,
      %scan3A_532 = arith.constant 1 : i32
      %scan3A_533 = arith.addi %scan3A_228, %scan3A_532 : i32
      %mul3A_534 = arith.constant 16 : i32
      %mul3A_535 = arith.muli %scan3A_533, %mul3A_534 : i32
      %get3A_536 = arith.index_cast %mul3A_535 : i32 to index
      %get3A_537 = tpu.vector_load %arg7[%get3A_536] {strides = array<i32>} : memref<768xf32, #tpu.memory_space<vmem>>, vector<16xf32>,
      %mul3A_538 = arith.constant 3.200000e+01 : f32
      %mul3A_539 = vector.broadcast %mul3A_538 : f32 to vector<16xf32>
      %mul3A_540 = arith.mulf %get3A_537, %mul3A_539 : vector<16xf32>
      %add3A_541 = arith.constant 3.150000e+01 : f32
      %add3A_542 = vector.broadcast %add3A_541 : f32 to vector<16xf32>
      %add3A_543 = arith.addf %mul3A_540, %add3A_542 : vector<16xf32>
      %mul3A_544 = arith.constant 16 : i32
      %mul3A_545 = arith.muli %scan3A_533, %mul3A_544 : i32
      %add3A_546 = arith.constant 256 : i32
      %add3A_547 = arith.addi %add3A_546, %mul3A_545 : i32
      %get3A_548 = arith.index_cast %add3A_547 : i32 to index
      %get3A_549 = tpu.vector_load %arg7[%get3A_548] {strides = array<i32>} : memref<768xf32, #tpu.memory_space<vmem>>, vector<16xf32>,
      %mul3A_550 = arith.constant 3.200000e+01 : f32
      %mul3A_551 = vector.broadcast %mul3A_550 : f32 to vector<16xf32>
      %mul3A_552 = arith.mulf %get3A_549, %mul3A_551 : vector<16xf32>
      %add3A_553 = arith.constant 3.150000e+01 : f32
      %add3A_554 = vector.broadcast %add3A_553 : f32 to vector<16xf32>
      %add3A_555 = arith.addf %mul3A_552, %add3A_554 : vector<16xf32>
      %mul3A_556 = arith.constant 16 : i32
      %mul3A_557 = arith.muli %scan3A_533, %mul3A_556 : i32
      %add3A_558 = arith.constant 512 : i32
      %add3A_559 = arith.addi %add3A_558, %mul3A_557 : i32
      %get3A_560 = arith.index_cast %add3A_559 : i32 to index
      %get3A_561 = tpu.vector_load %arg7[%get3A_560] {strides = array<i32>} : memref<768xf32, #tpu.memory_space<vmem>>, vector<16xf32>,
      %mul3A_562 = arith.constant 3.200000e+01 : f32
      %mul3A_563 = vector.broadcast %mul3A_562 : f32 to vector<16xf32>
      %mul3A_564 = arith.mulf %get3A_561, %mul3A_563 : vector<16xf32>
      %add3A_565 = arith.constant 3.150000e+01 : f32
      %add3A_566 = vector.broadcast %add3A_565 : f32 to vector<16xf32>
      %add3A_567 = arith.addf %mul3A_564, %add3A_566 : vector<16xf32>
      %convert_element_type3A_568 = arith.fptosi %add3A_543 : vector<16xf32> to vector<16xi32>
      %convert_element_type3A_569 = arith.sitofp %convert_element_type3A_568 : vector<16xi32> to vector<16xf32>
      %lt3A_570 = arith.cmpf olt, %add3A_543, %convert_element_type3A_569 : vector<16xf32>
      %sub3A_571 = arith.constant 1 : i32
      %sub3A_572 = vector.broadcast %sub3A_571 : i32 to vector<16xi32>
      %sub3A_573 = arith.subi %convert_element_type3A_568, %sub3A_572 : vector<16xi32>
      %select_n3A_574 = arith.select %lt3A_570, %sub3A_573, %convert_element_type3A_568 : vector<16xi1>, vector<16xi32>
      %convert_element_type3A_575 = arith.sitofp %select_n3A_574 : vector<16xi32> to vector<16xf32>
      %sub3A_576 = arith.subf %add3A_543, %convert_element_type3A_575 : vector<16xf32>
      %sub3A_577 = arith.constant 1.000000e+00 : f32
      %sub3A_578 = vector.broadcast %sub3A_577 : f32 to vector<16xf32>
      %sub3A_579 = arith.subf %sub3A_578, %sub3A_576 : vector<16xf32>
      %ge3A_580 = arith.constant 0 : i32
      %ge3A_581 = vector.broadcast %ge3A_580 : i32 to vector<16xi32>
      %ge3A_582 = arith.cmpi sge, %select_n3A_574, %ge3A_581 : vector<16xi32>
      %lt3A_583 = arith.constant 64 : i32
      %lt3A_584 = vector.broadcast %lt3A_583 : i32 to vector<16xi32>
      %lt3A_585 = arith.cmpi slt, %select_n3A_574, %lt3A_584 : vector<16xi32>
      %and3A_586 = arith.andi %ge3A_582, %lt3A_585 : vector<16xi1>
      %ge3A_587 = arith.constant -1 : i32
      %ge3A_588 = vector.broadcast %ge3A_587 : i32 to vector<16xi32>
      %ge3A_589 = arith.cmpi sge, %select_n3A_574, %ge3A_588 : vector<16xi32>
      %lt3A_590 = arith.constant 63 : i32
      %lt3A_591 = vector.broadcast %lt3A_590 : i32 to vector<16xi32>
      %lt3A_592 = arith.cmpi slt, %select_n3A_574, %lt3A_591 : vector<16xi32>
      %and3A_593 = arith.andi %ge3A_589, %lt3A_592 : vector<16xi1>
      %jit3A_594 = arith.constant 0.000000e+00 : f32
      %broadcast_in_dim3A_595 = vector.broadcast %jit3A_594 : f32 to vector<16xf32>
      %select_n3A_596 = arith.select %and3A_586, %sub3A_579, %broadcast_in_dim3A_595 : vector<16xi1>, vector<16xf32>
      %jit3A_597 = arith.constant 0.000000e+00 : f32
      %broadcast_in_dim3A_598 = vector.broadcast %jit3A_597 : f32 to vector<16xf32>
      %select_n3A_599 = arith.select %and3A_593, %sub3A_576, %broadcast_in_dim3A_598 : vector<16xi1>, vector<16xf32>
      %max3A_600 = arith.constant 0 : i32
      %max3A_601 = vector.broadcast %max3A_600 : i32 to vector<16xi32>
      %max3A_602 = arith.maxsi %select_n3A_574, %max3A_601 : vector<16xi32>
      %min3A_603 = arith.constant 63 : i32
      %min3A_604 = vector.broadcast %min3A_603 : i32 to vector<16xi32>
      %min3A_605 = arith.minsi %max3A_602, %min3A_604 : vector<16xi32>
      %add3A_606 = arith.constant 1 : i32
      %add3A_607 = vector.broadcast %add3A_606 : i32 to vector<16xi32>
      %add3A_608 = arith.addi %select_n3A_574, %add3A_607 : vector<16xi32>
      %max3A_609 = arith.constant 0 : i32
      %max3A_610 = vector.broadcast %max3A_609 : i32 to vector<16xi32>
      %max3A_611 = arith.maxsi %add3A_608, %max3A_610 : vector<16xi32>
      %min3A_612 = arith.constant 63 : i32
      %min3A_613 = vector.broadcast %min3A_612 : i32 to vector<16xi32>
      %min3A_614 = arith.minsi %max3A_611, %min3A_613 : vector<16xi32>
      %convert_element_type3A_615 = arith.fptosi %add3A_555 : vector<16xf32> to vector<16xi32>
      %convert_element_type3A_616 = arith.sitofp %convert_element_type3A_615 : vector<16xi32> to vector<16xf32>
      %lt3A_617 = arith.cmpf olt, %add3A_555, %convert_element_type3A_616 : vector<16xf32>
      %sub3A_618 = arith.constant 1 : i32
      %sub3A_619 = vector.broadcast %sub3A_618 : i32 to vector<16xi32>
      %sub3A_620 = arith.subi %convert_element_type3A_615, %sub3A_619 : vector<16xi32>
      %select_n3A_621 = arith.select %lt3A_617, %sub3A_620, %convert_element_type3A_615 : vector<16xi1>, vector<16xi32>
      %convert_element_type3A_622 = arith.sitofp %select_n3A_621 : vector<16xi32> to vector<16xf32>
      %sub3A_623 = arith.subf %add3A_555, %convert_element_type3A_622 : vector<16xf32>
      %sub3A_624 = arith.constant 1.000000e+00 : f32
      %sub3A_625 = vector.broadcast %sub3A_624 : f32 to vector<16xf32>
      %sub3A_626 = arith.subf %sub3A_625, %sub3A_623 : vector<16xf32>
      %ge3A_627 = arith.constant 0 : i32
      %ge3A_628 = vector.broadcast %ge3A_627 : i32 to vector<16xi32>
      %ge3A_629 = arith.cmpi sge, %select_n3A_621, %ge3A_628 : vector<16xi32>
      %lt3A_630 = arith.constant 64 : i32
      %lt3A_631 = vector.broadcast %lt3A_630 : i32 to vector<16xi32>
      %lt3A_632 = arith.cmpi slt, %select_n3A_621, %lt3A_631 : vector<16xi32>
      %and3A_633 = arith.andi %ge3A_629, %lt3A_632 : vector<16xi1>
      %ge3A_634 = arith.constant -1 : i32
      %ge3A_635 = vector.broadcast %ge3A_634 : i32 to vector<16xi32>
      %ge3A_636 = arith.cmpi sge, %select_n3A_621, %ge3A_635 : vector<16xi32>
      %lt3A_637 = arith.constant 63 : i32
      %lt3A_638 = vector.broadcast %lt3A_637 : i32 to vector<16xi32>
      %lt3A_639 = arith.cmpi slt, %select_n3A_621, %lt3A_638 : vector<16xi32>
      %and3A_640 = arith.andi %ge3A_636, %lt3A_639 : vector<16xi1>
      %jit3A_641 = arith.constant 0.000000e+00 : f32
      %broadcast_in_dim3A_642 = vector.broadcast %jit3A_641 : f32 to vector<16xf32>
      %select_n3A_643 = arith.select %and3A_633, %sub3A_626, %broadcast_in_dim3A_642 : vector<16xi1>, vector<16xf32>
      %jit3A_644 = arith.constant 0.000000e+00 : f32
      %broadcast_in_dim3A_645 = vector.broadcast %jit3A_644 : f32 to vector<16xf32>
      %select_n3A_646 = arith.select %and3A_640, %sub3A_623, %broadcast_in_dim3A_645 : vector<16xi1>, vector<16xf32>
      %max3A_647 = arith.constant 0 : i32
      %max3A_648 = vector.broadcast %max3A_647 : i32 to vector<16xi32>
      %max3A_649 = arith.maxsi %select_n3A_621, %max3A_648 : vector<16xi32>
      %min3A_650 = arith.constant 63 : i32
      %min3A_651 = vector.broadcast %min3A_650 : i32 to vector<16xi32>
      %min3A_652 = arith.minsi %max3A_649, %min3A_651 : vector<16xi32>
      %add3A_653 = arith.constant 1 : i32
      %add3A_654 = vector.broadcast %add3A_653 : i32 to vector<16xi32>
      %add3A_655 = arith.addi %select_n3A_621, %add3A_654 : vector<16xi32>
      %max3A_656 = arith.constant 0 : i32
      %max3A_657 = vector.broadcast %max3A_656 : i32 to vector<16xi32>
      %max3A_658 = arith.maxsi %add3A_655, %max3A_657 : vector<16xi32>
      %min3A_659 = arith.constant 63 : i32
      %min3A_660 = vector.broadcast %min3A_659 : i32 to vector<16xi32>
      %min3A_661 = arith.minsi %max3A_658, %min3A_660 : vector<16xi32>
      %convert_element_type3A_662 = arith.fptosi %add3A_567 : vector<16xf32> to vector<16xi32>
      %convert_element_type3A_663 = arith.sitofp %convert_element_type3A_662 : vector<16xi32> to vector<16xf32>
      %lt3A_664 = arith.cmpf olt, %add3A_567, %convert_element_type3A_663 : vector<16xf32>
      %sub3A_665 = arith.constant 1 : i32
      %sub3A_666 = vector.broadcast %sub3A_665 : i32 to vector<16xi32>
      %sub3A_667 = arith.subi %convert_element_type3A_662, %sub3A_666 : vector<16xi32>
      %select_n3A_668 = arith.select %lt3A_664, %sub3A_667, %convert_element_type3A_662 : vector<16xi1>, vector<16xi32>
      %convert_element_type3A_669 = arith.sitofp %select_n3A_668 : vector<16xi32> to vector<16xf32>
      %sub3A_670 = arith.subf %add3A_567, %convert_element_type3A_669 : vector<16xf32>
      %sub3A_671 = arith.constant 1.000000e+00 : f32
      %sub3A_672 = vector.broadcast %sub3A_671 : f32 to vector<16xf32>
      %sub3A_673 = arith.subf %sub3A_672, %sub3A_670 : vector<16xf32>
      %ge3A_674 = arith.constant 0 : i32
      %ge3A_675 = vector.broadcast %ge3A_674 : i32 to vector<16xi32>
      %ge3A_676 = arith.cmpi sge, %select_n3A_668, %ge3A_675 : vector<16xi32>
      %lt3A_677 = arith.constant 64 : i32
      %lt3A_678 = vector.broadcast %lt3A_677 : i32 to vector<16xi32>
      %lt3A_679 = arith.cmpi slt, %select_n3A_668, %lt3A_678 : vector<16xi32>
      %and3A_680 = arith.andi %ge3A_676, %lt3A_679 : vector<16xi1>
      %ge3A_681 = arith.constant -1 : i32
      %ge3A_682 = vector.broadcast %ge3A_681 : i32 to vector<16xi32>
      %ge3A_683 = arith.cmpi sge, %select_n3A_668, %ge3A_682 : vector<16xi32>
      %lt3A_684 = arith.constant 63 : i32
      %lt3A_685 = vector.broadcast %lt3A_684 : i32 to vector<16xi32>
      %lt3A_686 = arith.cmpi slt, %select_n3A_668, %lt3A_685 : vector<16xi32>
      %and3A_687 = arith.andi %ge3A_683, %lt3A_686 : vector<16xi1>
      %jit3A_688 = arith.constant 0.000000e+00 : f32
      %broadcast_in_dim3A_689 = vector.broadcast %jit3A_688 : f32 to vector<16xf32>
      %select_n3A_690 = arith.select %and3A_680, %sub3A_673, %broadcast_in_dim3A_689 : vector<16xi1>, vector<16xf32>
      %jit3A_691 = arith.constant 0.000000e+00 : f32
      %broadcast_in_dim3A_692 = vector.broadcast %jit3A_691 : f32 to vector<16xf32>
      %select_n3A_693 = arith.select %and3A_687, %sub3A_670, %broadcast_in_dim3A_692 : vector<16xi1>, vector<16xf32>
      %max3A_694 = arith.constant 0 : i32
      %max3A_695 = vector.broadcast %max3A_694 : i32 to vector<16xi32>
      %max3A_696 = arith.maxsi %select_n3A_668, %max3A_695 : vector<16xi32>
      %min3A_697 = arith.constant 63 : i32
      %min3A_698 = vector.broadcast %min3A_697 : i32 to vector<16xi32>
      %min3A_699 = arith.minsi %max3A_696, %min3A_698 : vector<16xi32>
      %add3A_700 = arith.constant 1 : i32
      %add3A_701 = vector.broadcast %add3A_700 : i32 to vector<16xi32>
      %add3A_702 = arith.addi %select_n3A_668, %add3A_701 : vector<16xi32>
      %max3A_703 = arith.constant 0 : i32
      %max3A_704 = vector.broadcast %max3A_703 : i32 to vector<16xi32>
      %max3A_705 = arith.maxsi %add3A_702, %max3A_704 : vector<16xi32>
      %min3A_706 = arith.constant 63 : i32
      %min3A_707 = vector.broadcast %min3A_706 : i32 to vector<16xi32>
      %min3A_708 = arith.minsi %max3A_705, %min3A_707 : vector<16xi32>
      %mul3A_709 = arith.constant 64 : i32
      %mul3A_710 = vector.broadcast %mul3A_709 : i32 to vector<16xi32>
      %mul3A_711 = arith.muli %min3A_652, %mul3A_710 : vector<16xi32>
      %mul3A_712 = arith.constant 64 : i32
      %mul3A_713 = vector.broadcast %mul3A_712 : i32 to vector<16xi32>
      %mul3A_714 = arith.muli %min3A_661, %mul3A_713 : vector<16xi32>
      %mul3A_715 = arith.constant 4096 : i32
      %mul3A_716 = vector.broadcast %mul3A_715 : i32 to vector<16xi32>
      %mul3A_717 = arith.muli %min3A_699, %mul3A_716 : vector<16xi32>
      %mul3A_718 = arith.constant 4096 : i32
      %mul3A_719 = vector.broadcast %mul3A_718 : i32 to vector<16xi32>
      %mul3A_720 = arith.muli %min3A_708, %mul3A_719 : vector<16xi32>
      %mul3A_721 = arith.constant 144 : i32
      %mul3A_722 = arith.muli %scan3A_533, %mul3A_721 : i32
      %add3A_723 = vector.broadcast %mul3A_722 : i32 to vector<16xi32>
      %add3A_724 = arith.addi %mul3A_23, %add3A_723 : vector<16xi32>
      %add3A_725 = arith.addi %mul3A_717, %mul3A_711 : vector<16xi32>
      %add3A_726 = arith.addi %add3A_725, %min3A_605 : vector<16xi32>
      %add3A_727 = vector.broadcast %mul3A_20 : i32 to vector<16xi32>
      %add3A_728 = arith.addi %add3A_726, %add3A_727 : vector<16xi32>
      %mul3A_729 = arith.constant 16 : i32
      %mul3A_730 = arith.muli %scan3A_533, %mul3A_729 : i32
      %add3A_731 = arith.constant 0 : i32
      %add3A_732 = arith.addi %add3A_731, %mul3A_730 : i32
      %swap3A_733 = arith.index_cast %add3A_732 : i32 to index
      %swap3A_734 = tpu.vector_load %arg9[%swap3A_733] {strides = array<i32>} : memref<2048xi32, #tpu.memory_space<vmem>>, vector<16xi32>,
      tpu.vector_store %arg9[%swap3A_733], %add3A_728 {strides = array<i32>} : memref<2048xi32, #tpu.memory_space<vmem>>, vector<16xi32>,
      %add3A_735 = arith.constant 0 : i32
      %add3A_736 = vector.broadcast %add3A_735 : i32 to vector<16xi32>
      %add3A_737 = arith.addi %add3A_724, %add3A_736 : vector<16xi32>
      %mul3A_738 = arith.mulf %select_n3A_690, %select_n3A_643 : vector<16xf32>
      %mul3A_739 = arith.mulf %mul3A_738, %select_n3A_596 : vector<16xf32>
      tpu.vector_store_idx %arg11[%add3A_737], %mul3A_739 : memref<2320xf32, #tpu.memory_space<vmem>>[vector<16xi32>], vector<16xf32>,
      %add3A_740 = arith.addi %mul3A_717, %mul3A_711 : vector<16xi32>
      %add3A_741 = arith.addi %add3A_740, %min3A_614 : vector<16xi32>
      %add3A_742 = vector.broadcast %mul3A_20 : i32 to vector<16xi32>
      %add3A_743 = arith.addi %add3A_741, %add3A_742 : vector<16xi32>
      %mul3A_744 = arith.constant 16 : i32
      %mul3A_745 = arith.muli %scan3A_533, %mul3A_744 : i32
      %add3A_746 = arith.constant 256 : i32
      %add3A_747 = arith.addi %add3A_746, %mul3A_745 : i32
      %swap3A_748 = arith.index_cast %add3A_747 : i32 to index
      %swap3A_749 = tpu.vector_load %arg9[%swap3A_748] {strides = array<i32>} : memref<2048xi32, #tpu.memory_space<vmem>>, vector<16xi32>,
      tpu.vector_store %arg9[%swap3A_748], %add3A_743 {strides = array<i32>} : memref<2048xi32, #tpu.memory_space<vmem>>, vector<16xi32>,
      %add3A_750 = arith.constant 1 : i32
      %add3A_751 = vector.broadcast %add3A_750 : i32 to vector<16xi32>
      %add3A_752 = arith.addi %add3A_724, %add3A_751 : vector<16xi32>
      %mul3A_753 = arith.mulf %select_n3A_690, %select_n3A_643 : vector<16xf32>
      %mul3A_754 = arith.mulf %mul3A_753, %select_n3A_599 : vector<16xf32>
      tpu.vector_store_idx %arg11[%add3A_752], %mul3A_754 : memref<2320xf32, #tpu.memory_space<vmem>>[vector<16xi32>], vector<16xf32>,
      %add3A_755 = arith.addi %mul3A_717, %mul3A_714 : vector<16xi32>
      %add3A_756 = arith.addi %add3A_755, %min3A_605 : vector<16xi32>
      %add3A_757 = vector.broadcast %mul3A_20 : i32 to vector<16xi32>
      %add3A_758 = arith.addi %add3A_756, %add3A_757 : vector<16xi32>
      %mul3A_759 = arith.constant 16 : i32
      %mul3A_760 = arith.muli %scan3A_533, %mul3A_759 : i32
      %add3A_761 = arith.constant 512 : i32
      %add3A_762 = arith.addi %add3A_761, %mul3A_760 : i32
      %swap3A_763 = arith.index_cast %add3A_762 : i32 to index
      %swap3A_764 = tpu.vector_load %arg9[%swap3A_763] {strides = array<i32>} : memref<2048xi32, #tpu.memory_space<vmem>>, vector<16xi32>,
      tpu.vector_store %arg9[%swap3A_763], %add3A_758 {strides = array<i32>} : memref<2048xi32, #tpu.memory_space<vmem>>, vector<16xi32>,
      %add3A_765 = arith.constant 2 : i32
      %add3A_766 = vector.broadcast %add3A_765 : i32 to vector<16xi32>
      %add3A_767 = arith.addi %add3A_724, %add3A_766 : vector<16xi32>
      %mul3A_768 = arith.mulf %select_n3A_690, %select_n3A_646 : vector<16xf32>
      %mul3A_769 = arith.mulf %mul3A_768, %select_n3A_596 : vector<16xf32>
      tpu.vector_store_idx %arg11[%add3A_767], %mul3A_769 : memref<2320xf32, #tpu.memory_space<vmem>>[vector<16xi32>], vector<16xf32>,
      %add3A_770 = arith.addi %mul3A_717, %mul3A_714 : vector<16xi32>
      %add3A_771 = arith.addi %add3A_770, %min3A_614 : vector<16xi32>
      %add3A_772 = vector.broadcast %mul3A_20 : i32 to vector<16xi32>
      %add3A_773 = arith.addi %add3A_771, %add3A_772 : vector<16xi32>
      %mul3A_774 = arith.constant 16 : i32
      %mul3A_775 = arith.muli %scan3A_533, %mul3A_774 : i32
      %add3A_776 = arith.constant 768 : i32
      %add3A_777 = arith.addi %add3A_776, %mul3A_775 : i32
      %swap3A_778 = arith.index_cast %add3A_777 : i32 to index
      %swap3A_779 = tpu.vector_load %arg9[%swap3A_778] {strides = array<i32>} : memref<2048xi32, #tpu.memory_space<vmem>>, vector<16xi32>,
      tpu.vector_store %arg9[%swap3A_778], %add3A_773 {strides = array<i32>} : memref<2048xi32, #tpu.memory_space<vmem>>, vector<16xi32>,
      %add3A_780 = arith.constant 3 : i32
      %add3A_781 = vector.broadcast %add3A_780 : i32 to vector<16xi32>
      %add3A_782 = arith.addi %add3A_724, %add3A_781 : vector<16xi32>
      %mul3A_783 = arith.mulf %select_n3A_690, %select_n3A_646 : vector<16xf32>
      %mul3A_784 = arith.mulf %mul3A_783, %select_n3A_599 : vector<16xf32>
      tpu.vector_store_idx %arg11[%add3A_782], %mul3A_784 : memref<2320xf32, #tpu.memory_space<vmem>>[vector<16xi32>], vector<16xf32>,
      %add3A_785 = arith.addi %mul3A_720, %mul3A_711 : vector<16xi32>
      %add3A_786 = arith.addi %add3A_785, %min3A_605 : vector<16xi32>
      %add3A_787 = vector.broadcast %mul3A_20 : i32 to vector<16xi32>
      %add3A_788 = arith.addi %add3A_786, %add3A_787 : vector<16xi32>
      %mul3A_789 = arith.constant 16 : i32
      %mul3A_790 = arith.muli %scan3A_533, %mul3A_789 : i32
      %add3A_791 = arith.constant 1024 : i32
      %add3A_792 = arith.addi %add3A_791, %mul3A_790 : i32
      %swap3A_793 = arith.index_cast %add3A_792 : i32 to index
      %swap3A_794 = tpu.vector_load %arg9[%swap3A_793] {strides = array<i32>} : memref<2048xi32, #tpu.memory_space<vmem>>, vector<16xi32>,
      tpu.vector_store %arg9[%swap3A_793], %add3A_788 {strides = array<i32>} : memref<2048xi32, #tpu.memory_space<vmem>>, vector<16xi32>,
      %add3A_795 = arith.constant 4 : i32
      %add3A_796 = vector.broadcast %add3A_795 : i32 to vector<16xi32>
      %add3A_797 = arith.addi %add3A_724, %add3A_796 : vector<16xi32>
      %mul3A_798 = arith.mulf %select_n3A_693, %select_n3A_643 : vector<16xf32>
      %mul3A_799 = arith.mulf %mul3A_798, %select_n3A_596 : vector<16xf32>
      tpu.vector_store_idx %arg11[%add3A_797], %mul3A_799 : memref<2320xf32, #tpu.memory_space<vmem>>[vector<16xi32>], vector<16xf32>,
      %add3A_800 = arith.addi %mul3A_720, %mul3A_711 : vector<16xi32>
      %add3A_801 = arith.addi %add3A_800, %min3A_614 : vector<16xi32>
      %add3A_802 = vector.broadcast %mul3A_20 : i32 to vector<16xi32>
      %add3A_803 = arith.addi %add3A_801, %add3A_802 : vector<16xi32>
      %mul3A_804 = arith.constant 16 : i32
      %mul3A_805 = arith.muli %scan3A_533, %mul3A_804 : i32
      %add3A_806 = arith.constant 1280 : i32
      %add3A_807 = arith.addi %add3A_806, %mul3A_805 : i32
      %swap3A_808 = arith.index_cast %add3A_807 : i32 to index
      %swap3A_809 = tpu.vector_load %arg9[%swap3A_808] {strides = array<i32>} : memref<2048xi32, #tpu.memory_space<vmem>>, vector<16xi32>,
      tpu.vector_store %arg9[%swap3A_808], %add3A_803 {strides = array<i32>} : memref<2048xi32, #tpu.memory_space<vmem>>, vector<16xi32>,
      %add3A_810 = arith.constant 5 : i32
      %add3A_811 = vector.broadcast %add3A_810 : i32 to vector<16xi32>
      %add3A_812 = arith.addi %add3A_724, %add3A_811 : vector<16xi32>
      %mul3A_813 = arith.mulf %select_n3A_693, %select_n3A_643 : vector<16xf32>
      %mul3A_814 = arith.mulf %mul3A_813, %select_n3A_599 : vector<16xf32>
      tpu.vector_store_idx %arg11[%add3A_812], %mul3A_814 : memref<2320xf32, #tpu.memory_space<vmem>>[vector<16xi32>], vector<16xf32>,
      %add3A_815 = arith.addi %mul3A_720, %mul3A_714 : vector<16xi32>
      %add3A_816 = arith.addi %add3A_815, %min3A_605 : vector<16xi32>
      %add3A_817 = vector.broadcast %mul3A_20 : i32 to vector<16xi32>
      %add3A_818 = arith.addi %add3A_816, %add3A_817 : vector<16xi32>
      %mul3A_819 = arith.constant 16 : i32
      %mul3A_820 = arith.muli %scan3A_533, %mul3A_819 : i32
      %add3A_821 = arith.constant 1536 : i32
      %add3A_822 = arith.addi %add3A_821, %mul3A_820 : i32
      %swap3A_823 = arith.index_cast %add3A_822 : i32 to index
      %swap3A_824 = tpu.vector_load %arg9[%swap3A_823] {strides = array<i32>} : memref<2048xi32, #tpu.memory_space<vmem>>, vector<16xi32>,
      tpu.vector_store %arg9[%swap3A_823], %add3A_818 {strides = array<i32>} : memref<2048xi32, #tpu.memory_space<vmem>>, vector<16xi32>,
      %add3A_825 = arith.constant 6 : i32
      %add3A_826 = vector.broadcast %add3A_825 : i32 to vector<16xi32>
      %add3A_827 = arith.addi %add3A_724, %add3A_826 : vector<16xi32>
      %mul3A_828 = arith.mulf %select_n3A_693, %select_n3A_646 : vector<16xf32>
      %mul3A_829 = arith.mulf %mul3A_828, %select_n3A_596 : vector<16xf32>
      tpu.vector_store_idx %arg11[%add3A_827], %mul3A_829 : memref<2320xf32, #tpu.memory_space<vmem>>[vector<16xi32>], vector<16xf32>,
      %add3A_830 = arith.addi %mul3A_720, %mul3A_714 : vector<16xi32>
      %add3A_831 = arith.addi %add3A_830, %min3A_614 : vector<16xi32>
      %add3A_832 = vector.broadcast %mul3A_20 : i32 to vector<16xi32>
      %add3A_833 = arith.addi %add3A_831, %add3A_832 : vector<16xi32>
      %mul3A_834 = arith.constant 16 : i32
      %mul3A_835 = arith.muli %scan3A_533, %mul3A_834 : i32
      %add3A_836 = arith.constant 1792 : i32
      %add3A_837 = arith.addi %add3A_836, %mul3A_835 : i32
      %swap3A_838 = arith.index_cast %add3A_837 : i32 to index
      %swap3A_839 = tpu.vector_load %arg9[%swap3A_838] {strides = array<i32>} : memref<2048xi32, #tpu.memory_space<vmem>>, vector<16xi32>,
      tpu.vector_store %arg9[%swap3A_838], %add3A_833 {strides = array<i32>} : memref<2048xi32, #tpu.memory_space<vmem>>, vector<16xi32>,
      %add3A_840 = arith.constant 7 : i32
      %add3A_841 = vector.broadcast %add3A_840 : i32 to vector<16xi32>
      %add3A_842 = arith.addi %add3A_724, %add3A_841 : vector<16xi32>
      %mul3A_843 = arith.mulf %select_n3A_693, %select_n3A_646 : vector<16xf32>
      %mul3A_844 = arith.mulf %mul3A_843, %select_n3A_599 : vector<16xf32>
      tpu.vector_store_idx %arg11[%add3A_842], %mul3A_844 : memref<2320xf32, #tpu.memory_space<vmem>>[vector<16xi32>], vector<16xf32>,
    }
    %scan3A_73 = arith.constant 16 : i32
    %dma_start3A_74 = arith.constant 0 : i32
    %dma_start3A_75 = arith.constant 0 : i32
    %dma_start3A_76 = tpu.memref_slice %arg13[%dma_start3A_74, %dma_start3A_75] : memref<2048x32xbf16, #tpu.memory_space<vmem>> -> memref<128x32xbf16, #tpu.memory_space<vmem>>
    %dma_start3A_77 = arith.constant 0 : i32
    %dma_start3A_78 = tpu.memref_slice %arg9[%dma_start3A_77] : memref<2048xi32, #tpu.memory_space<vmem>> -> memref<128xi32, #tpu.memory_space<vmem>>
    %dma_start3A_79 = arith.constant 0 : i32
    %dma_start3A_80 = arith.constant 0 : i32
    %dma_start3A_81 = tpu.memref_slice %arg2[%dma_start3A_79, %dma_start3A_80] : memref<1048576x32xbf16, #tpu.memory_space<hbm>> -> memref<1048576x32xbf16, #tpu.memory_space<hbm>>
    tpu.enqueue_indirect_dma source(%dma_start3A_81 : memref<1048576x32xbf16, #tpu.memory_space<hbm>>) target(%dma_start3A_76 : memref<128x32xbf16, #tpu.memory_space<vmem>>) offsets(%dma_start3A_78 : memref<128xi32, #tpu.memory_space<vmem>>) semaphore(%arg16 : memref<!tpu.dma_semaphore, #tpu.memory_space<semaphore_mem>>)
    %dma_start3A_82 = arith.constant 128 : i32
    %dma_start3A_83 = arith.constant 0 : i32
    %dma_start3A_84 = tpu.memref_slice %arg13[%dma_start3A_82, %dma_start3A_83] : memref<2048x32xbf16, #tpu.memory_space<vmem>> -> memref<128x32xbf16, #tpu.memory_space<vmem>>
    %dma_start3A_85 = arith.constant 128 : i32
    %dma_start3A_86 = tpu.memref_slice %arg9[%dma_start3A_85] : memref<2048xi32, #tpu.memory_space<vmem>> -> memref<128xi32, #tpu.memory_space<vmem>>
    %dma_start3A_87 = arith.constant 0 : i32
    %dma_start3A_88 = arith.constant 0 : i32
    %dma_start3A_89 = tpu.memref_slice %arg2[%dma_start3A_87, %dma_start3A_88] : memref<1048576x32xbf16, #tpu.memory_space<hbm>> -> memref<1048576x32xbf16, #tpu.memory_space<hbm>>
    tpu.enqueue_indirect_dma source(%dma_start3A_89 : memref<1048576x32xbf16, #tpu.memory_space<hbm>>) target(%dma_start3A_84 : memref<128x32xbf16, #tpu.memory_space<vmem>>) offsets(%dma_start3A_86 : memref<128xi32, #tpu.memory_space<vmem>>) semaphore(%arg16 : memref<!tpu.dma_semaphore, #tpu.memory_space<semaphore_mem>>)
    %dma_start3A_90 = arith.constant 256 : i32
    %dma_start3A_91 = arith.constant 0 : i32
    %dma_start3A_92 = tpu.memref_slice %arg13[%dma_start3A_90, %dma_start3A_91] : memref<2048x32xbf16, #tpu.memory_space<vmem>> -> memref<128x32xbf16, #tpu.memory_space<vmem>>
    %dma_start3A_93 = arith.constant 256 : i32
    %dma_start3A_94 = tpu.memref_slice %arg9[%dma_start3A_93] : memref<2048xi32, #tpu.memory_space<vmem>> -> memref<128xi32, #tpu.memory_space<vmem>>
    %dma_start3A_95 = arith.constant 0 : i32
    %dma_start3A_96 = arith.constant 0 : i32
    %dma_start3A_97 = tpu.memref_slice %arg2[%dma_start3A_95, %dma_start3A_96] : memref<1048576x32xbf16, #tpu.memory_space<hbm>> -> memref<1048576x32xbf16, #tpu.memory_space<hbm>>
    tpu.enqueue_indirect_dma source(%dma_start3A_97 : memref<1048576x32xbf16, #tpu.memory_space<hbm>>) target(%dma_start3A_92 : memref<128x32xbf16, #tpu.memory_space<vmem>>) offsets(%dma_start3A_94 : memref<128xi32, #tpu.memory_space<vmem>>) semaphore(%arg16 : memref<!tpu.dma_semaphore, #tpu.memory_space<semaphore_mem>>)
    %dma_start3A_98 = arith.constant 384 : i32
    %dma_start3A_99 = arith.constant 0 : i32
    %dma_start3A_100 = tpu.memref_slice %arg13[%dma_start3A_98, %dma_start3A_99] : memref<2048x32xbf16, #tpu.memory_space<vmem>> -> memref<128x32xbf16, #tpu.memory_space<vmem>>
    %dma_start3A_101 = arith.constant 384 : i32
    %dma_start3A_102 = tpu.memref_slice %arg9[%dma_start3A_101] : memref<2048xi32, #tpu.memory_space<vmem>> -> memref<128xi32, #tpu.memory_space<vmem>>
    %dma_start3A_103 = arith.constant 0 : i32
    %dma_start3A_104 = arith.constant 0 : i32
    %dma_start3A_105 = tpu.memref_slice %arg2[%dma_start3A_103, %dma_start3A_104] : memref<1048576x32xbf16, #tpu.memory_space<hbm>> -> memref<1048576x32xbf16, #tpu.memory_space<hbm>>
    tpu.enqueue_indirect_dma source(%dma_start3A_105 : memref<1048576x32xbf16, #tpu.memory_space<hbm>>) target(%dma_start3A_100 : memref<128x32xbf16, #tpu.memory_space<vmem>>) offsets(%dma_start3A_102 : memref<128xi32, #tpu.memory_space<vmem>>) semaphore(%arg16 : memref<!tpu.dma_semaphore, #tpu.memory_space<semaphore_mem>>)
    %dma_start3A_106 = arith.constant 512 : i32
    %dma_start3A_107 = arith.constant 0 : i32
    %dma_start3A_108 = tpu.memref_slice %arg13[%dma_start3A_106, %dma_start3A_107] : memref<2048x32xbf16, #tpu.memory_space<vmem>> -> memref<128x32xbf16, #tpu.memory_space<vmem>>
    %dma_start3A_109 = arith.constant 512 : i32
    %dma_start3A_110 = tpu.memref_slice %arg9[%dma_start3A_109] : memref<2048xi32, #tpu.memory_space<vmem>> -> memref<128xi32, #tpu.memory_space<vmem>>
    %dma_start3A_111 = arith.constant 0 : i32
    %dma_start3A_112 = arith.constant 0 : i32
    %dma_start3A_113 = tpu.memref_slice %arg2[%dma_start3A_111, %dma_start3A_112] : memref<1048576x32xbf16, #tpu.memory_space<hbm>> -> memref<1048576x32xbf16, #tpu.memory_space<hbm>>
    tpu.enqueue_indirect_dma source(%dma_start3A_113 : memref<1048576x32xbf16, #tpu.memory_space<hbm>>) target(%dma_start3A_108 : memref<128x32xbf16, #tpu.memory_space<vmem>>) offsets(%dma_start3A_110 : memref<128xi32, #tpu.memory_space<vmem>>) semaphore(%arg16 : memref<!tpu.dma_semaphore, #tpu.memory_space<semaphore_mem>>)
    %dma_start3A_114 = arith.constant 640 : i32
    %dma_start3A_115 = arith.constant 0 : i32
    %dma_start3A_116 = tpu.memref_slice %arg13[%dma_start3A_114, %dma_start3A_115] : memref<2048x32xbf16, #tpu.memory_space<vmem>> -> memref<128x32xbf16, #tpu.memory_space<vmem>>
    %dma_start3A_117 = arith.constant 640 : i32
    %dma_start3A_118 = tpu.memref_slice %arg9[%dma_start3A_117] : memref<2048xi32, #tpu.memory_space<vmem>> -> memref<128xi32, #tpu.memory_space<vmem>>
    %dma_start3A_119 = arith.constant 0 : i32
    %dma_start3A_120 = arith.constant 0 : i32
    %dma_start3A_121 = tpu.memref_slice %arg2[%dma_start3A_119, %dma_start3A_120] : memref<1048576x32xbf16, #tpu.memory_space<hbm>> -> memref<1048576x32xbf16, #tpu.memory_space<hbm>>
    tpu.enqueue_indirect_dma source(%dma_start3A_121 : memref<1048576x32xbf16, #tpu.memory_space<hbm>>) target(%dma_start3A_116 : memref<128x32xbf16, #tpu.memory_space<vmem>>) offsets(%dma_start3A_118 : memref<128xi32, #tpu.memory_space<vmem>>) semaphore(%arg16 : memref<!tpu.dma_semaphore, #tpu.memory_space<semaphore_mem>>)
    %dma_start3A_122 = arith.constant 768 : i32
    %dma_start3A_123 = arith.constant 0 : i32
    %dma_start3A_124 = tpu.memref_slice %arg13[%dma_start3A_122, %dma_start3A_123] : memref<2048x32xbf16, #tpu.memory_space<vmem>> -> memref<128x32xbf16, #tpu.memory_space<vmem>>
    %dma_start3A_125 = arith.constant 768 : i32
    %dma_start3A_126 = tpu.memref_slice %arg9[%dma_start3A_125] : memref<2048xi32, #tpu.memory_space<vmem>> -> memref<128xi32, #tpu.memory_space<vmem>>
    %dma_start3A_127 = arith.constant 0 : i32
    %dma_start3A_128 = arith.constant 0 : i32
    %dma_start3A_129 = tpu.memref_slice %arg2[%dma_start3A_127, %dma_start3A_128] : memref<1048576x32xbf16, #tpu.memory_space<hbm>> -> memref<1048576x32xbf16, #tpu.memory_space<hbm>>
    tpu.enqueue_indirect_dma source(%dma_start3A_129 : memref<1048576x32xbf16, #tpu.memory_space<hbm>>) target(%dma_start3A_124 : memref<128x32xbf16, #tpu.memory_space<vmem>>) offsets(%dma_start3A_126 : memref<128xi32, #tpu.memory_space<vmem>>) semaphore(%arg16 : memref<!tpu.dma_semaphore, #tpu.memory_space<semaphore_mem>>)
    %dma_start3A_130 = arith.constant 896 : i32
    %dma_start3A_131 = arith.constant 0 : i32
    %dma_start3A_132 = tpu.memref_slice %arg13[%dma_start3A_130, %dma_start3A_131] : memref<2048x32xbf16, #tpu.memory_space<vmem>> -> memref<128x32xbf16, #tpu.memory_space<vmem>>
    %dma_start3A_133 = arith.constant 896 : i32
    %dma_start3A_134 = tpu.memref_slice %arg9[%dma_start3A_133] : memref<2048xi32, #tpu.memory_space<vmem>> -> memref<128xi32, #tpu.memory_space<vmem>>
    %dma_start3A_135 = arith.constant 0 : i32
    %dma_start3A_136 = arith.constant 0 : i32
    %dma_start3A_137 = tpu.memref_slice %arg2[%dma_start3A_135, %dma_start3A_136] : memref<1048576x32xbf16, #tpu.memory_space<hbm>> -> memref<1048576x32xbf16, #tpu.memory_space<hbm>>
    tpu.enqueue_indirect_dma source(%dma_start3A_137 : memref<1048576x32xbf16, #tpu.memory_space<hbm>>) target(%dma_start3A_132 : memref<128x32xbf16, #tpu.memory_space<vmem>>) offsets(%dma_start3A_134 : memref<128xi32, #tpu.memory_space<vmem>>) semaphore(%arg16 : memref<!tpu.dma_semaphore, #tpu.memory_space<semaphore_mem>>)
    %dma_start3A_138 = arith.constant 1024 : i32
    %dma_start3A_139 = arith.constant 0 : i32
    %dma_start3A_140 = tpu.memref_slice %arg13[%dma_start3A_138, %dma_start3A_139] : memref<2048x32xbf16, #tpu.memory_space<vmem>> -> memref<128x32xbf16, #tpu.memory_space<vmem>>
    %dma_start3A_141 = arith.constant 1024 : i32
    %dma_start3A_142 = tpu.memref_slice %arg9[%dma_start3A_141] : memref<2048xi32, #tpu.memory_space<vmem>> -> memref<128xi32, #tpu.memory_space<vmem>>
    %dma_start3A_143 = arith.constant 0 : i32
    %dma_start3A_144 = arith.constant 0 : i32
    %dma_start3A_145 = tpu.memref_slice %arg2[%dma_start3A_143, %dma_start3A_144] : memref<1048576x32xbf16, #tpu.memory_space<hbm>> -> memref<1048576x32xbf16, #tpu.memory_space<hbm>>
    tpu.enqueue_indirect_dma source(%dma_start3A_145 : memref<1048576x32xbf16, #tpu.memory_space<hbm>>) target(%dma_start3A_140 : memref<128x32xbf16, #tpu.memory_space<vmem>>) offsets(%dma_start3A_142 : memref<128xi32, #tpu.memory_space<vmem>>) semaphore(%arg16 : memref<!tpu.dma_semaphore, #tpu.memory_space<semaphore_mem>>)
    %dma_start3A_146 = arith.constant 1152 : i32
    %dma_start3A_147 = arith.constant 0 : i32
    %dma_start3A_148 = tpu.memref_slice %arg13[%dma_start3A_146, %dma_start3A_147] : memref<2048x32xbf16, #tpu.memory_space<vmem>> -> memref<128x32xbf16, #tpu.memory_space<vmem>>
    %dma_start3A_149 = arith.constant 1152 : i32
    %dma_start3A_150 = tpu.memref_slice %arg9[%dma_start3A_149] : memref<2048xi32, #tpu.memory_space<vmem>> -> memref<128xi32, #tpu.memory_space<vmem>>
    %dma_start3A_151 = arith.constant 0 : i32
    %dma_start3A_152 = arith.constant 0 : i32
    %dma_start3A_153 = tpu.memref_slice %arg2[%dma_start3A_151, %dma_start3A_152] : memref<1048576x32xbf16, #tpu.memory_space<hbm>> -> memref<1048576x32xbf16, #tpu.memory_space<hbm>>
    tpu.enqueue_indirect_dma source(%dma_start3A_153 : memref<1048576x32xbf16, #tpu.memory_space<hbm>>) target(%dma_start3A_148 : memref<128x32xbf16, #tpu.memory_space<vmem>>) offsets(%dma_start3A_150 : memref<128xi32, #tpu.memory_space<vmem>>) semaphore(%arg16 : memref<!tpu.dma_semaphore, #tpu.memory_space<semaphore_mem>>)
    %dma_start3A_154 = arith.constant 1280 : i32
    %dma_start3A_155 = arith.constant 0 : i32
    %dma_start3A_156 = tpu.memref_slice %arg13[%dma_start3A_154, %dma_start3A_155] : memref<2048x32xbf16, #tpu.memory_space<vmem>> -> memref<128x32xbf16, #tpu.memory_space<vmem>>
    %dma_start3A_157 = arith.constant 1280 : i32
    %dma_start3A_158 = tpu.memref_slice %arg9[%dma_start3A_157] : memref<2048xi32, #tpu.memory_space<vmem>> -> memref<128xi32, #tpu.memory_space<vmem>>
    %dma_start3A_159 = arith.constant 0 : i32
    %dma_start3A_160 = arith.constant 0 : i32
    %dma_start3A_161 = tpu.memref_slice %arg2[%dma_start3A_159, %dma_start3A_160] : memref<1048576x32xbf16, #tpu.memory_space<hbm>> -> memref<1048576x32xbf16, #tpu.memory_space<hbm>>
    tpu.enqueue_indirect_dma source(%dma_start3A_161 : memref<1048576x32xbf16, #tpu.memory_space<hbm>>) target(%dma_start3A_156 : memref<128x32xbf16, #tpu.memory_space<vmem>>) offsets(%dma_start3A_158 : memref<128xi32, #tpu.memory_space<vmem>>) semaphore(%arg16 : memref<!tpu.dma_semaphore, #tpu.memory_space<semaphore_mem>>)
    %dma_start3A_162 = arith.constant 1408 : i32
    %dma_start3A_163 = arith.constant 0 : i32
    %dma_start3A_164 = tpu.memref_slice %arg13[%dma_start3A_162, %dma_start3A_163] : memref<2048x32xbf16, #tpu.memory_space<vmem>> -> memref<128x32xbf16, #tpu.memory_space<vmem>>
    %dma_start3A_165 = arith.constant 1408 : i32
    %dma_start3A_166 = tpu.memref_slice %arg9[%dma_start3A_165] : memref<2048xi32, #tpu.memory_space<vmem>> -> memref<128xi32, #tpu.memory_space<vmem>>
    %dma_start3A_167 = arith.constant 0 : i32
    %dma_start3A_168 = arith.constant 0 : i32
    %dma_start3A_169 = tpu.memref_slice %arg2[%dma_start3A_167, %dma_start3A_168] : memref<1048576x32xbf16, #tpu.memory_space<hbm>> -> memref<1048576x32xbf16, #tpu.memory_space<hbm>>
    tpu.enqueue_indirect_dma source(%dma_start3A_169 : memref<1048576x32xbf16, #tpu.memory_space<hbm>>) target(%dma_start3A_164 : memref<128x32xbf16, #tpu.memory_space<vmem>>) offsets(%dma_start3A_166 : memref<128xi32, #tpu.memory_space<vmem>>) semaphore(%arg16 : memref<!tpu.dma_semaphore, #tpu.memory_space<semaphore_mem>>)
    %dma_start3A_170 = arith.constant 1536 : i32
    %dma_start3A_171 = arith.constant 0 : i32
    %dma_start3A_172 = tpu.memref_slice %arg13[%dma_start3A_170, %dma_start3A_171] : memref<2048x32xbf16, #tpu.memory_space<vmem>> -> memref<128x32xbf16, #tpu.memory_space<vmem>>
    %dma_start3A_173 = arith.constant 1536 : i32
    %dma_start3A_174 = tpu.memref_slice %arg9[%dma_start3A_173] : memref<2048xi32, #tpu.memory_space<vmem>> -> memref<128xi32, #tpu.memory_space<vmem>>
    %dma_start3A_175 = arith.constant 0 : i32
    %dma_start3A_176 = arith.constant 0 : i32
    %dma_start3A_177 = tpu.memref_slice %arg2[%dma_start3A_175, %dma_start3A_176] : memref<1048576x32xbf16, #tpu.memory_space<hbm>> -> memref<1048576x32xbf16, #tpu.memory_space<hbm>>
    tpu.enqueue_indirect_dma source(%dma_start3A_177 : memref<1048576x32xbf16, #tpu.memory_space<hbm>>) target(%dma_start3A_172 : memref<128x32xbf16, #tpu.memory_space<vmem>>) offsets(%dma_start3A_174 : memref<128xi32, #tpu.memory_space<vmem>>) semaphore(%arg16 : memref<!tpu.dma_semaphore, #tpu.memory_space<semaphore_mem>>)
    %dma_start3A_178 = arith.constant 1664 : i32
    %dma_start3A_179 = arith.constant 0 : i32
    %dma_start3A_180 = tpu.memref_slice %arg13[%dma_start3A_178, %dma_start3A_179] : memref<2048x32xbf16, #tpu.memory_space<vmem>> -> memref<128x32xbf16, #tpu.memory_space<vmem>>
    %dma_start3A_181 = arith.constant 1664 : i32
    %dma_start3A_182 = tpu.memref_slice %arg9[%dma_start3A_181] : memref<2048xi32, #tpu.memory_space<vmem>> -> memref<128xi32, #tpu.memory_space<vmem>>
    %dma_start3A_183 = arith.constant 0 : i32
    %dma_start3A_184 = arith.constant 0 : i32
    %dma_start3A_185 = tpu.memref_slice %arg2[%dma_start3A_183, %dma_start3A_184] : memref<1048576x32xbf16, #tpu.memory_space<hbm>> -> memref<1048576x32xbf16, #tpu.memory_space<hbm>>
    tpu.enqueue_indirect_dma source(%dma_start3A_185 : memref<1048576x32xbf16, #tpu.memory_space<hbm>>) target(%dma_start3A_180 : memref<128x32xbf16, #tpu.memory_space<vmem>>) offsets(%dma_start3A_182 : memref<128xi32, #tpu.memory_space<vmem>>) semaphore(%arg16 : memref<!tpu.dma_semaphore, #tpu.memory_space<semaphore_mem>>)
    %dma_start3A_186 = arith.constant 1792 : i32
    %dma_start3A_187 = arith.constant 0 : i32
    %dma_start3A_188 = tpu.memref_slice %arg13[%dma_start3A_186, %dma_start3A_187] : memref<2048x32xbf16, #tpu.memory_space<vmem>> -> memref<128x32xbf16, #tpu.memory_space<vmem>>
    %dma_start3A_189 = arith.constant 1792 : i32
    %dma_start3A_190 = tpu.memref_slice %arg9[%dma_start3A_189] : memref<2048xi32, #tpu.memory_space<vmem>> -> memref<128xi32, #tpu.memory_space<vmem>>
    %dma_start3A_191 = arith.constant 0 : i32
    %dma_start3A_192 = arith.constant 0 : i32
    %dma_start3A_193 = tpu.memref_slice %arg2[%dma_start3A_191, %dma_start3A_192] : memref<1048576x32xbf16, #tpu.memory_space<hbm>> -> memref<1048576x32xbf16, #tpu.memory_space<hbm>>
    tpu.enqueue_indirect_dma source(%dma_start3A_193 : memref<1048576x32xbf16, #tpu.memory_space<hbm>>) target(%dma_start3A_188 : memref<128x32xbf16, #tpu.memory_space<vmem>>) offsets(%dma_start3A_190 : memref<128xi32, #tpu.memory_space<vmem>>) semaphore(%arg16 : memref<!tpu.dma_semaphore, #tpu.memory_space<semaphore_mem>>)
    %dma_start3A_194 = arith.constant 1920 : i32
    %dma_start3A_195 = arith.constant 0 : i32
    %dma_start3A_196 = tpu.memref_slice %arg13[%dma_start3A_194, %dma_start3A_195] : memref<2048x32xbf16, #tpu.memory_space<vmem>> -> memref<128x32xbf16, #tpu.memory_space<vmem>>
    %dma_start3A_197 = arith.constant 1920 : i32
    %dma_start3A_198 = tpu.memref_slice %arg9[%dma_start3A_197] : memref<2048xi32, #tpu.memory_space<vmem>> -> memref<128xi32, #tpu.memory_space<vmem>>
    %dma_start3A_199 = arith.constant 0 : i32
    %dma_start3A_200 = arith.constant 0 : i32
    %dma_start3A_201 = tpu.memref_slice %arg2[%dma_start3A_199, %dma_start3A_200] : memref<1048576x32xbf16, #tpu.memory_space<hbm>> -> memref<1048576x32xbf16, #tpu.memory_space<hbm>>
    tpu.enqueue_indirect_dma source(%dma_start3A_201 : memref<1048576x32xbf16, #tpu.memory_space<hbm>>) target(%dma_start3A_196 : memref<128x32xbf16, #tpu.memory_space<vmem>>) offsets(%dma_start3A_198 : memref<128xi32, #tpu.memory_space<vmem>>) semaphore(%arg16 : memref<!tpu.dma_semaphore, #tpu.memory_space<semaphore_mem>>)
    %add3A_202 = arith.constant 256 : i32
    %add3A_203 = arith.addi %mul3A_18, %add3A_202 : i32
    %dma_start3A_204 = arith.constant 0 : i32
    %dma_start3A_205 = tpu.memref_slice %arg8[%dma_start3A_204] : memref<768xf32, #tpu.memory_space<vmem>> -> memref<256xf32, #tpu.memory_space<vmem>>
    %dma_start3A_206 = tpu.memref_slice %arg3[%add3A_203] : memref<1048576xf32, #tpu.memory_space<hbm>> -> memref<256xf32, #tpu.memory_space<hbm>>
    %dma_start3A_207 = arith.constant 0 : i32
    %dma_start3A_208 = tpu.memref_slice %arg8[%dma_start3A_207] : memref<768xf32, #tpu.memory_space<vmem>> -> memref<256xf32, #tpu.memory_space<vmem>>
    %dma_start3A_209 = tpu.memref_slice %arg3[%add3A_203] : memref<1048576xf32, #tpu.memory_space<hbm>> -> memref<256xf32, #tpu.memory_space<hbm>>
    tpu.enqueue_dma source(%dma_start3A_209 : memref<256xf32, #tpu.memory_space<hbm>>) target(%dma_start3A_208 : memref<256xf32, #tpu.memory_space<vmem>>) target_semaphore(%arg19 : memref<!tpu.dma_semaphore, #tpu.memory_space<semaphore_mem>>)
    %dma_start3A_210 = arith.constant 256 : i32
    %dma_start3A_211 = tpu.memref_slice %arg8[%dma_start3A_210] : memref<768xf32, #tpu.memory_space<vmem>> -> memref<256xf32, #tpu.memory_space<vmem>>
    %dma_start3A_212 = tpu.memref_slice %arg4[%add3A_203] : memref<1048576xf32, #tpu.memory_space<hbm>> -> memref<256xf32, #tpu.memory_space<hbm>>
    %dma_start3A_213 = arith.constant 256 : i32
    %dma_start3A_214 = tpu.memref_slice %arg8[%dma_start3A_213] : memref<768xf32, #tpu.memory_space<vmem>> -> memref<256xf32, #tpu.memory_space<vmem>>
    %dma_start3A_215 = tpu.memref_slice %arg4[%add3A_203] : memref<1048576xf32, #tpu.memory_space<hbm>> -> memref<256xf32, #tpu.memory_space<hbm>>
    tpu.enqueue_dma source(%dma_start3A_215 : memref<256xf32, #tpu.memory_space<hbm>>) target(%dma_start3A_214 : memref<256xf32, #tpu.memory_space<vmem>>) target_semaphore(%arg19 : memref<!tpu.dma_semaphore, #tpu.memory_space<semaphore_mem>>)
    %dma_start3A_216 = arith.constant 512 : i32
    %dma_start3A_217 = tpu.memref_slice %arg8[%dma_start3A_216] : memref<768xf32, #tpu.memory_space<vmem>> -> memref<256xf32, #tpu.memory_space<vmem>>
    %dma_start3A_218 = tpu.memref_slice %arg5[%add3A_203] : memref<1048576xf32, #tpu.memory_space<hbm>> -> memref<256xf32, #tpu.memory_space<hbm>>
    %dma_start3A_219 = arith.constant 512 : i32
    %dma_start3A_220 = tpu.memref_slice %arg8[%dma_start3A_219] : memref<768xf32, #tpu.memory_space<vmem>> -> memref<256xf32, #tpu.memory_space<vmem>>
    %dma_start3A_221 = tpu.memref_slice %arg5[%add3A_203] : memref<1048576xf32, #tpu.memory_space<hbm>> -> memref<256xf32, #tpu.memory_space<hbm>>
    tpu.enqueue_dma source(%dma_start3A_221 : memref<256xf32, #tpu.memory_space<hbm>>) target(%dma_start3A_220 : memref<256xf32, #tpu.memory_space<vmem>>) target_semaphore(%arg19 : memref<!tpu.dma_semaphore, #tpu.memory_space<semaphore_mem>>)
    %scan3A_222 = arith.constant 0 : i32
    %scan3A_223 = arith.constant 0 : i32
    %scan3A_224 = arith.constant 64 : i32
    %scan3A_225 = arith.addi %scan3A_223, %scan3A_224 : i32
    %scan3A_226 = arith.constant 1 : i32
    scf.for %scan3A_228 = %scan3A_223 to %scan3A_225 step %scan3A_226  : i32 {
      %mul3A_229 = arith.constant 2 : i32
      %mul3A_230 = arith.muli %mul3A_229, %scan3A_228 : i32
      %lt3A = arith.constant 63 : i32
      %lt3A_231 = arith.cmpi slt, %scan3A_228, %lt3A : i32
      %add3A_232 = arith.constant 1 : i32
      %add3A_233 = arith.addi %mul3A_230, %add3A_232 : i32
      %dma_wait3A_234 = arith.constant 0 : i32
      %dma_wait3A_235 = tpu.memref_slice %arg8[%dma_wait3A_234] : memref<768xf32, #tpu.memory_space<vmem>> -> memref<256xf32, #tpu.memory_space<vmem>>
      %dma_wait3A_236 = arith.constant 0 : i32
      %dma_wait3A_237 = tpu.memref_slice %arg3[%dma_wait3A_236] : memref<1048576xf32, #tpu.memory_space<hbm>> -> memref<256xf32, #tpu.memory_space<hbm>>
      %dma_wait3A_238 = arith.constant 0 : i32
      %dma_wait3A_239 = tpu.memref_slice %arg8[%dma_wait3A_238] : memref<768xf32, #tpu.memory_space<vmem>> -> memref<256xf32, #tpu.memory_space<vmem>>
      %dma_wait3A_240 = arith.constant 0 : i32
      %dma_wait3A_241 = tpu.memref_slice %arg3[%dma_wait3A_240] : memref<1048576xf32, #tpu.memory_space<hbm>> -> memref<256xf32, #tpu.memory_space<hbm>>
      tpu.wait_dma2 semaphore(%arg19 : memref<!tpu.dma_semaphore, #tpu.memory_space<semaphore_mem>>) src(%dma_wait3A_241 : memref<256xf32, #tpu.memory_space<hbm>>) dst(%dma_wait3A_239 : memref<256xf32, #tpu.memory_space<vmem>>)
      %dma_wait3A_242 = arith.constant 0 : i32
      %dma_wait3A_243 = tpu.memref_slice %arg8[%dma_wait3A_242] : memref<768xf32, #tpu.memory_space<vmem>> -> memref<256xf32, #tpu.memory_space<vmem>>
      %dma_wait3A_244 = arith.constant 0 : i32
      %dma_wait3A_245 = tpu.memref_slice %arg3[%dma_wait3A_244] : memref<1048576xf32, #tpu.memory_space<hbm>> -> memref<256xf32, #tpu.memory_space<hbm>>
      %dma_wait3A_246 = arith.constant 0 : i32
      %dma_wait3A_247 = tpu.memref_slice %arg8[%dma_wait3A_246] : memref<768xf32, #tpu.memory_space<vmem>> -> memref<256xf32, #tpu.memory_space<vmem>>
      %dma_wait3A_248 = arith.constant 0 : i32
      %dma_wait3A_249 = tpu.memref_slice %arg3[%dma_wait3A_248] : memref<1048576xf32, #tpu.memory_space<hbm>> -> memref<256xf32, #tpu.memory_space<hbm>>
      tpu.wait_dma2 semaphore(%arg19 : memref<!tpu.dma_semaphore, #tpu.memory_space<semaphore_mem>>) src(%dma_wait3A_249 : memref<256xf32, #tpu.memory_space<hbm>>) dst(%dma_wait3A_247 : memref<256xf32, #tpu.memory_space<vmem>>)
      %dma_wait3A_250 = arith.constant 0 : i32
      %dma_wait3A_251 = tpu.memref_slice %arg8[%dma_wait3A_250] : memref<768xf32, #tpu.memory_space<vmem>> -> memref<256xf32, #tpu.memory_space<vmem>>
      %dma_wait3A_252 = arith.constant 0 : i32
      %dma_wait3A_253 = tpu.memref_slice %arg3[%dma_wait3A_252] : memref<1048576xf32, #tpu.memory_space<hbm>> -> memref<256xf32, #tpu.memory_space<hbm>>
      %dma_wait3A_254 = arith.constant 0 : i32
      %dma_wait3A_255 = tpu.memref_slice %arg8[%dma_wait3A_254] : memref<768xf32, #tpu.memory_space<vmem>> -> memref<256xf32, #tpu.memory_space<vmem>>
      %dma_wait3A_256 = arith.constant 0 : i32
      %dma_wait3A_257 = tpu.memref_slice %arg3[%dma_wait3A_256] : memref<1048576xf32, #tpu.memory_space<hbm>> -> memref<256xf32, #tpu.memory_space<hbm>>
      tpu.wait_dma2 semaphore(%arg19 : memref<!tpu.dma_semaphore, #tpu.memory_space<semaphore_mem>>) src(%dma_wait3A_257 : memref<256xf32, #tpu.memory_space<hbm>>) dst(%dma_wait3A_255 : memref<256xf32, #tpu.memory_space<vmem>>)
      %scan3A_258 = arith.constant 0 : i32
      %scan3A_259 = arith.constant 0 : i32
      %scan3A_260 = arith.constant 16 : i32
      %scan3A_261 = arith.addi %scan3A_259, %scan3A_260 : i32
      %scan3A_262 = arith.constant 2 : i32
      scf.for %scan3A_499 = %scan3A_259 to %scan3A_261 step %scan3A_262  : i32 {
        %mul3A_500 = arith.constant 16 : i32
        %mul3A_501 = arith.muli %scan3A_499, %mul3A_500 : i32
        %get3A = arith.index_cast %mul3A_501 : i32 to index
        %get3A_502 = tpu.vector_load %arg8[%get3A] {strides = array<i32>} : memref<768xf32, #tpu.memory_space<vmem>>, vector<16xf32>,
        %mul3A_503 = arith.constant 3.200000e+01 : f32
        %mul3A_504 = vector.broadcast %mul3A_503 : f32 to vector<16xf32>
        %mul3A_505 = arith.mulf %get3A_502, %mul3A_504 : vector<16xf32>
        %add3A_506 = arith.constant 3.150000e+01 : f32
        %add3A_507 = vector.broadcast %add3A_506 : f32 to vector<16xf32>
        %add3A_508 = arith.addf %mul3A_505, %add3A_507 : vector<16xf32>
        %mul3A_509 = arith.constant 16 : i32
        %mul3A_510 = arith.muli %scan3A_499, %mul3A_509 : i32
        %add3A_511 = arith.constant 256 : i32
        %add3A_512 = arith.addi %add3A_511, %mul3A_510 : i32
        %get3A_513 = arith.index_cast %add3A_512 : i32 to index
        %get3A_514 = tpu.vector_load %arg8[%get3A_513] {strides = array<i32>} : memref<768xf32, #tpu.memory_space<vmem>>, vector<16xf32>,
        %mul3A_515 = arith.constant 3.200000e+01 : f32
        %mul3A_516 = vector.broadcast %mul3A_515 : f32 to vector<16xf32>
        %mul3A_517 = arith.mulf %get3A_514, %mul3A_516 : vector<16xf32>
        %add3A_518 = arith.constant 3.150000e+01 : f32
        %add3A_519 = vector.broadcast %add3A_518 : f32 to vector<16xf32>
        %add3A_520 = arith.addf %mul3A_517, %add3A_519 : vector<16xf32>
        %mul3A_521 = arith.constant 16 : i32
        %mul3A_522 = arith.muli %scan3A_499, %mul3A_521 : i32
        %add3A_523 = arith.constant 512 : i32
        %add3A_524 = arith.addi %add3A_523, %mul3A_522 : i32
        %get3A_525 = arith.index_cast %add3A_524 : i32 to index
        %get3A_526 = tpu.vector_load %arg8[%get3A_525] {strides = array<i32>} : memref<768xf32, #tpu.memory_space<vmem>>, vector<16xf32>,
        %mul3A_527 = arith.constant 3.200000e+01 : f32
        %mul3A_528 = vector.broadcast %mul3A_527 : f32 to vector<16xf32>
        %mul3A_529 = arith.mulf %get3A_526, %mul3A_528 : vector<16xf32>
        %add3A_530 = arith.constant 3.150000e+01 : f32
        %add3A_531 = vector.broadcast %add3A_530 : f32 to vector<16xf32>
        %add3A_532 = arith.addf %mul3A_529, %add3A_531 : vector<16xf32>
        %convert_element_type3A_533 = arith.fptosi %add3A_508 : vector<16xf32> to vector<16xi32>
        %convert_element_type3A_534 = arith.sitofp %convert_element_type3A_533 : vector<16xi32> to vector<16xf32>
        %lt3A_535 = arith.cmpf olt, %add3A_508, %convert_element_type3A_534 : vector<16xf32>
        %sub3A_536 = arith.constant 1 : i32
        %sub3A_537 = vector.broadcast %sub3A_536 : i32 to vector<16xi32>
        %sub3A_538 = arith.subi %convert_element_type3A_533, %sub3A_537 : vector<16xi32>
        %select_n3A_539 = arith.select %lt3A_535, %sub3A_538, %convert_element_type3A_533 : vector<16xi1>, vector<16xi32>
        %convert_element_type3A_540 = arith.sitofp %select_n3A_539 : vector<16xi32> to vector<16xf32>
        %sub3A_541 = arith.subf %add3A_508, %convert_element_type3A_540 : vector<16xf32>
        %sub3A_542 = arith.constant 1.000000e+00 : f32
        %sub3A_543 = vector.broadcast %sub3A_542 : f32 to vector<16xf32>
        %sub3A_544 = arith.subf %sub3A_543, %sub3A_541 : vector<16xf32>
        %ge3A = arith.constant 0 : i32
        %ge3A_545 = vector.broadcast %ge3A : i32 to vector<16xi32>
        %ge3A_546 = arith.cmpi sge, %select_n3A_539, %ge3A_545 : vector<16xi32>
        %lt3A_547 = arith.constant 64 : i32
        %lt3A_548 = vector.broadcast %lt3A_547 : i32 to vector<16xi32>
        %lt3A_549 = arith.cmpi slt, %select_n3A_539, %lt3A_548 : vector<16xi32>
        %and3A_550 = arith.andi %ge3A_546, %lt3A_549 : vector<16xi1>
        %ge3A_551 = arith.constant -1 : i32
        %ge3A_552 = vector.broadcast %ge3A_551 : i32 to vector<16xi32>
        %ge3A_553 = arith.cmpi sge, %select_n3A_539, %ge3A_552 : vector<16xi32>
        %lt3A_554 = arith.constant 63 : i32
        %lt3A_555 = vector.broadcast %lt3A_554 : i32 to vector<16xi32>
        %lt3A_556 = arith.cmpi slt, %select_n3A_539, %lt3A_555 : vector<16xi32>
        %and3A_557 = arith.andi %ge3A_553, %lt3A_556 : vector<16xi1>
        %jit3A_558 = arith.constant 0.000000e+00 : f32
        %broadcast_in_dim3A = vector.broadcast %jit3A_558 : f32 to vector<16xf32>
        %select_n3A_559 = arith.select %and3A_550, %sub3A_544, %broadcast_in_dim3A : vector<16xi1>, vector<16xf32>
        %jit3A_560 = arith.constant 0.000000e+00 : f32
        %broadcast_in_dim3A_561 = vector.broadcast %jit3A_560 : f32 to vector<16xf32>
        %select_n3A_562 = arith.select %and3A_557, %sub3A_541, %broadcast_in_dim3A_561 : vector<16xi1>, vector<16xf32>
        %max3A = arith.constant 0 : i32
        %max3A_563 = vector.broadcast %max3A : i32 to vector<16xi32>
        %max3A_564 = arith.maxsi %select_n3A_539, %max3A_563 : vector<16xi32>
        %min3A = arith.constant 63 : i32
        %min3A_565 = vector.broadcast %min3A : i32 to vector<16xi32>
        %min3A_566 = arith.minsi %max3A_564, %min3A_565 : vector<16xi32>
        %add3A_567 = arith.constant 1 : i32
        %add3A_568 = vector.broadcast %add3A_567 : i32 to vector<16xi32>
        %add3A_569 = arith.addi %select_n3A_539, %add3A_568 : vector<16xi32>
        %max3A_570 = arith.constant 0 : i32
        %max3A_571 = vector.broadcast %max3A_570 : i32 to vector<16xi32>
        %max3A_572 = arith.maxsi %add3A_569, %max3A_571 : vector<16xi32>
        %min3A_573 = arith.constant 63 : i32
        %min3A_574 = vector.broadcast %min3A_573 : i32 to vector<16xi32>
        %min3A_575 = arith.minsi %max3A_572, %min3A_574 : vector<16xi32>
        %convert_element_type3A_576 = arith.fptosi %add3A_520 : vector<16xf32> to vector<16xi32>
        %convert_element_type3A_577 = arith.sitofp %convert_element_type3A_576 : vector<16xi32> to vector<16xf32>
        %lt3A_578 = arith.cmpf olt, %add3A_520, %convert_element_type3A_577 : vector<16xf32>
        %sub3A_579 = arith.constant 1 : i32
        %sub3A_580 = vector.broadcast %sub3A_579 : i32 to vector<16xi32>
        %sub3A_581 = arith.subi %convert_element_type3A_576, %sub3A_580 : vector<16xi32>
        %select_n3A_582 = arith.select %lt3A_578, %sub3A_581, %convert_element_type3A_576 : vector<16xi1>, vector<16xi32>
        %convert_element_type3A_583 = arith.sitofp %select_n3A_582 : vector<16xi32> to vector<16xf32>
        %sub3A_584 = arith.subf %add3A_520, %convert_element_type3A_583 : vector<16xf32>
        %sub3A_585 = arith.constant 1.000000e+00 : f32
        %sub3A_586 = vector.broadcast %sub3A_585 : f32 to vector<16xf32>
        %sub3A_587 = arith.subf %sub3A_586, %sub3A_584 : vector<16xf32>
        %ge3A_588 = arith.constant 0 : i32
        %ge3A_589 = vector.broadcast %ge3A_588 : i32 to vector<16xi32>
        %ge3A_590 = arith.cmpi sge, %select_n3A_582, %ge3A_589 : vector<16xi32>
        %lt3A_591 = arith.constant 64 : i32
        %lt3A_592 = vector.broadcast %lt3A_591 : i32 to vector<16xi32>
        %lt3A_593 = arith.cmpi slt, %select_n3A_582, %lt3A_592 : vector<16xi32>
        %and3A_594 = arith.andi %ge3A_590, %lt3A_593 : vector<16xi1>
        %ge3A_595 = arith.constant -1 : i32
        %ge3A_596 = vector.broadcast %ge3A_595 : i32 to vector<16xi32>
        %ge3A_597 = arith.cmpi sge, %select_n3A_582, %ge3A_596 : vector<16xi32>
        %lt3A_598 = arith.constant 63 : i32
        %lt3A_599 = vector.broadcast %lt3A_598 : i32 to vector<16xi32>
        %lt3A_600 = arith.cmpi slt, %select_n3A_582, %lt3A_599 : vector<16xi32>
        %and3A_601 = arith.andi %ge3A_597, %lt3A_600 : vector<16xi1>
        %jit3A_602 = arith.constant 0.000000e+00 : f32
        %broadcast_in_dim3A_603 = vector.broadcast %jit3A_602 : f32 to vector<16xf32>
        %select_n3A_604 = arith.select %and3A_594, %sub3A_587, %broadcast_in_dim3A_603 : vector<16xi1>, vector<16xf32>
        %jit3A_605 = arith.constant 0.000000e+00 : f32
        %broadcast_in_dim3A_606 = vector.broadcast %jit3A_605 : f32 to vector<16xf32>
        %select_n3A_607 = arith.select %and3A_601, %sub3A_584, %broadcast_in_dim3A_606 : vector<16xi1>, vector<16xf32>
        %max3A_608 = arith.constant 0 : i32
        %max3A_609 = vector.broadcast %max3A_608 : i32 to vector<16xi32>
        %max3A_610 = arith.maxsi %select_n3A_582, %max3A_609 : vector<16xi32>
        %min3A_611 = arith.constant 63 : i32
        %min3A_612 = vector.broadcast %min3A_611 : i32 to vector<16xi32>
        %min3A_613 = arith.minsi %max3A_610, %min3A_612 : vector<16xi32>
        %add3A_614 = arith.constant 1 : i32
        %add3A_615 = vector.broadcast %add3A_614 : i32 to vector<16xi32>
        %add3A_616 = arith.addi %select_n3A_582, %add3A_615 : vector<16xi32>
        %max3A_617 = arith.constant 0 : i32
        %max3A_618 = vector.broadcast %max3A_617 : i32 to vector<16xi32>
        %max3A_619 = arith.maxsi %add3A_616, %max3A_618 : vector<16xi32>
        %min3A_620 = arith.constant 63 : i32
        %min3A_621 = vector.broadcast %min3A_620 : i32 to vector<16xi32>
        %min3A_622 = arith.minsi %max3A_619, %min3A_621 : vector<16xi32>
        %convert_element_type3A_623 = arith.fptosi %add3A_532 : vector<16xf32> to vector<16xi32>
        %convert_element_type3A_624 = arith.sitofp %convert_element_type3A_623 : vector<16xi32> to vector<16xf32>
        %lt3A_625 = arith.cmpf olt, %add3A_532, %convert_element_type3A_624 : vector<16xf32>
        %sub3A_626 = arith.constant 1 : i32
        %sub3A_627 = vector.broadcast %sub3A_626 : i32 to vector<16xi32>
        %sub3A_628 = arith.subi %convert_element_type3A_623, %sub3A_627 : vector<16xi32>
        %select_n3A_629 = arith.select %lt3A_625, %sub3A_628, %convert_element_type3A_623 : vector<16xi1>, vector<16xi32>
        %convert_element_type3A_630 = arith.sitofp %select_n3A_629 : vector<16xi32> to vector<16xf32>
        %sub3A_631 = arith.subf %add3A_532, %convert_element_type3A_630 : vector<16xf32>
        %sub3A_632 = arith.constant 1.000000e+00 : f32
        %sub3A_633 = vector.broadcast %sub3A_632 : f32 to vector<16xf32>
        %sub3A_634 = arith.subf %sub3A_633, %sub3A_631 : vector<16xf32>
        %ge3A_635 = arith.constant 0 : i32
        %ge3A_636 = vector.broadcast %ge3A_635 : i32 to vector<16xi32>
        %ge3A_637 = arith.cmpi sge, %select_n3A_629, %ge3A_636 : vector<16xi32>
        %lt3A_638 = arith.constant 64 : i32
        %lt3A_639 = vector.broadcast %lt3A_638 : i32 to vector<16xi32>
        %lt3A_640 = arith.cmpi slt, %select_n3A_629, %lt3A_639 : vector<16xi32>
        %and3A_641 = arith.andi %ge3A_637, %lt3A_640 : vector<16xi1>
        %ge3A_642 = arith.constant -1 : i32
        %ge3A_643 = vector.broadcast %ge3A_642 : i32 to vector<16xi32>
        %ge3A_644 = arith.cmpi sge, %select_n3A_629, %ge3A_643 : vector<16xi32>
        %lt3A_645 = arith.constant 63 : i32
        %lt3A_646 = vector.broadcast %lt3A_645 : i32 to vector<16xi32>
        %lt3A_647 = arith.cmpi slt, %select_n3A_629, %lt3A_646 : vector<16xi32>
        %and3A_648 = arith.andi %ge3A_644, %lt3A_647 : vector<16xi1>
        %jit3A_649 = arith.constant 0.000000e+00 : f32
        %broadcast_in_dim3A_650 = vector.broadcast %jit3A_649 : f32 to vector<16xf32>
        %select_n3A_651 = arith.select %and3A_641, %sub3A_634, %broadcast_in_dim3A_650 : vector<16xi1>, vector<16xf32>
        %jit3A_652 = arith.constant 0.000000e+00 : f32
        %broadcast_in_dim3A_653 = vector.broadcast %jit3A_652 : f32 to vector<16xf32>
        %select_n3A_654 = arith.select %and3A_648, %sub3A_631, %broadcast_in_dim3A_653 : vector<16xi1>, vector<16xf32>
        %max3A_655 = arith.constant 0 : i32
        %max3A_656 = vector.broadcast %max3A_655 : i32 to vector<16xi32>
        %max3A_657 = arith.maxsi %select_n3A_629, %max3A_656 : vector<16xi32>
        %min3A_658 = arith.constant 63 : i32
        %min3A_659 = vector.broadcast %min3A_658 : i32 to vector<16xi32>
        %min3A_660 = arith.minsi %max3A_657, %min3A_659 : vector<16xi32>
        %add3A_661 = arith.constant 1 : i32
        %add3A_662 = vector.broadcast %add3A_661 : i32 to vector<16xi32>
        %add3A_663 = arith.addi %select_n3A_629, %add3A_662 : vector<16xi32>
        %max3A_664 = arith.constant 0 : i32
        %max3A_665 = vector.broadcast %max3A_664 : i32 to vector<16xi32>
        %max3A_666 = arith.maxsi %add3A_663, %max3A_665 : vector<16xi32>
        %min3A_667 = arith.constant 63 : i32
        %min3A_668 = vector.broadcast %min3A_667 : i32 to vector<16xi32>
        %min3A_669 = arith.minsi %max3A_666, %min3A_668 : vector<16xi32>
        %mul3A_670 = arith.constant 64 : i32
        %mul3A_671 = vector.broadcast %mul3A_670 : i32 to vector<16xi32>
        %mul3A_672 = arith.muli %min3A_613, %mul3A_671 : vector<16xi32>
        %mul3A_673 = arith.constant 64 : i32
        %mul3A_674 = vector.broadcast %mul3A_673 : i32 to vector<16xi32>
        %mul3A_675 = arith.muli %min3A_622, %mul3A_674 : vector<16xi32>
        %mul3A_676 = arith.constant 4096 : i32
        %mul3A_677 = vector.broadcast %mul3A_676 : i32 to vector<16xi32>
        %mul3A_678 = arith.muli %min3A_660, %mul3A_677 : vector<16xi32>
        %mul3A_679 = arith.constant 4096 : i32
        %mul3A_680 = vector.broadcast %mul3A_679 : i32 to vector<16xi32>
        %mul3A_681 = arith.muli %min3A_669, %mul3A_680 : vector<16xi32>
        %mul3A_682 = arith.constant 144 : i32
        %mul3A_683 = arith.muli %scan3A_499, %mul3A_682 : i32
        %add3A_684 = vector.broadcast %mul3A_683 : i32 to vector<16xi32>
        %add3A_685 = arith.addi %mul3A_23, %add3A_684 : vector<16xi32>
        %add3A_686 = arith.addi %mul3A_678, %mul3A_672 : vector<16xi32>
        %add3A_687 = arith.addi %add3A_686, %min3A_566 : vector<16xi32>
        %add3A_688 = vector.broadcast %mul3A_20 : i32 to vector<16xi32>
        %add3A_689 = arith.addi %add3A_687, %add3A_688 : vector<16xi32>
        %mul3A_690 = arith.constant 16 : i32
        %mul3A_691 = arith.muli %scan3A_499, %mul3A_690 : i32
        %add3A_692 = arith.constant 0 : i32
        %add3A_693 = arith.addi %add3A_692, %mul3A_691 : i32
        %swap3A = arith.index_cast %add3A_693 : i32 to index
        %swap3A_694 = tpu.vector_load %arg10[%swap3A] {strides = array<i32>} : memref<2048xi32, #tpu.memory_space<vmem>>, vector<16xi32>,
        tpu.vector_store %arg10[%swap3A], %add3A_689 {strides = array<i32>} : memref<2048xi32, #tpu.memory_space<vmem>>, vector<16xi32>,
        %add3A_695 = arith.constant 0 : i32
        %add3A_696 = vector.broadcast %add3A_695 : i32 to vector<16xi32>
        %add3A_697 = arith.addi %add3A_685, %add3A_696 : vector<16xi32>
        %mul3A_698 = arith.mulf %select_n3A_651, %select_n3A_604 : vector<16xf32>
        %mul3A_699 = arith.mulf %mul3A_698, %select_n3A_559 : vector<16xf32>
        tpu.vector_store_idx %arg12[%add3A_697], %mul3A_699 : memref<2320xf32, #tpu.memory_space<vmem>>[vector<16xi32>], vector<16xf32>,
        %add3A_700 = arith.addi %mul3A_678, %mul3A_672 : vector<16xi32>
        %add3A_701 = arith.addi %add3A_700, %min3A_575 : vector<16xi32>
        %add3A_702 = vector.broadcast %mul3A_20 : i32 to vector<16xi32>
        %add3A_703 = arith.addi %add3A_701, %add3A_702 : vector<16xi32>
        %mul3A_704 = arith.constant 16 : i32
        %mul3A_705 = arith.muli %scan3A_499, %mul3A_704 : i32
        %add3A_706 = arith.constant 256 : i32
        %add3A_707 = arith.addi %add3A_706, %mul3A_705 : i32
        %swap3A_708 = arith.index_cast %add3A_707 : i32 to index
        %swap3A_709 = tpu.vector_load %arg10[%swap3A_708] {strides = array<i32>} : memref<2048xi32, #tpu.memory_space<vmem>>, vector<16xi32>,
        tpu.vector_store %arg10[%swap3A_708], %add3A_703 {strides = array<i32>} : memref<2048xi32, #tpu.memory_space<vmem>>, vector<16xi32>,
        %add3A_710 = arith.constant 1 : i32
        %add3A_711 = vector.broadcast %add3A_710 : i32 to vector<16xi32>
        %add3A_712 = arith.addi %add3A_685, %add3A_711 : vector<16xi32>
        %mul3A_713 = arith.mulf %select_n3A_651, %select_n3A_604 : vector<16xf32>
        %mul3A_714 = arith.mulf %mul3A_713, %select_n3A_562 : vector<16xf32>
        tpu.vector_store_idx %arg12[%add3A_712], %mul3A_714 : memref<2320xf32, #tpu.memory_space<vmem>>[vector<16xi32>], vector<16xf32>,
        %add3A_715 = arith.addi %mul3A_678, %mul3A_675 : vector<16xi32>
        %add3A_716 = arith.addi %add3A_715, %min3A_566 : vector<16xi32>
        %add3A_717 = vector.broadcast %mul3A_20 : i32 to vector<16xi32>
        %add3A_718 = arith.addi %add3A_716, %add3A_717 : vector<16xi32>
        %mul3A_719 = arith.constant 16 : i32
        %mul3A_720 = arith.muli %scan3A_499, %mul3A_719 : i32
        %add3A_721 = arith.constant 512 : i32
        %add3A_722 = arith.addi %add3A_721, %mul3A_720 : i32
        %swap3A_723 = arith.index_cast %add3A_722 : i32 to index
        %swap3A_724 = tpu.vector_load %arg10[%swap3A_723] {strides = array<i32>} : memref<2048xi32, #tpu.memory_space<vmem>>, vector<16xi32>,
        tpu.vector_store %arg10[%swap3A_723], %add3A_718 {strides = array<i32>} : memref<2048xi32, #tpu.memory_space<vmem>>, vector<16xi32>,
        %add3A_725 = arith.constant 2 : i32
        %add3A_726 = vector.broadcast %add3A_725 : i32 to vector<16xi32>
        %add3A_727 = arith.addi %add3A_685, %add3A_726 : vector<16xi32>
        %mul3A_728 = arith.mulf %select_n3A_651, %select_n3A_607 : vector<16xf32>
        %mul3A_729 = arith.mulf %mul3A_728, %select_n3A_559 : vector<16xf32>
        tpu.vector_store_idx %arg12[%add3A_727], %mul3A_729 : memref<2320xf32, #tpu.memory_space<vmem>>[vector<16xi32>], vector<16xf32>,
        %add3A_730 = arith.addi %mul3A_678, %mul3A_675 : vector<16xi32>
        %add3A_731 = arith.addi %add3A_730, %min3A_575 : vector<16xi32>
        %add3A_732 = vector.broadcast %mul3A_20 : i32 to vector<16xi32>
        %add3A_733 = arith.addi %add3A_731, %add3A_732 : vector<16xi32>
        %mul3A_734 = arith.constant 16 : i32
        %mul3A_735 = arith.muli %scan3A_499, %mul3A_734 : i32
        %add3A_736 = arith.constant 768 : i32
        %add3A_737 = arith.addi %add3A_736, %mul3A_735 : i32
        %swap3A_738 = arith.index_cast %add3A_737 : i32 to index
        %swap3A_739 = tpu.vector_load %arg10[%swap3A_738] {strides = array<i32>} : memref<2048xi32, #tpu.memory_space<vmem>>, vector<16xi32>,
        tpu.vector_store %arg10[%swap3A_738], %add3A_733 {strides = array<i32>} : memref<2048xi32, #tpu.memory_space<vmem>>, vector<16xi32>,
        %add3A_740 = arith.constant 3 : i32
        %add3A_741 = vector.broadcast %add3A_740 : i32 to vector<16xi32>
        %add3A_742 = arith.addi %add3A_685, %add3A_741 : vector<16xi32>
        %mul3A_743 = arith.mulf %select_n3A_651, %select_n3A_607 : vector<16xf32>
        %mul3A_744 = arith.mulf %mul3A_743, %select_n3A_562 : vector<16xf32>
        tpu.vector_store_idx %arg12[%add3A_742], %mul3A_744 : memref<2320xf32, #tpu.memory_space<vmem>>[vector<16xi32>], vector<16xf32>,
        %add3A_745 = arith.addi %mul3A_681, %mul3A_672 : vector<16xi32>
        %add3A_746 = arith.addi %add3A_745, %min3A_566 : vector<16xi32>
        %add3A_747 = vector.broadcast %mul3A_20 : i32 to vector<16xi32>
        %add3A_748 = arith.addi %add3A_746, %add3A_747 : vector<16xi32>
        %mul3A_749 = arith.constant 16 : i32
        %mul3A_750 = arith.muli %scan3A_499, %mul3A_749 : i32
        %add3A_751 = arith.constant 1024 : i32
        %add3A_752 = arith.addi %add3A_751, %mul3A_750 : i32
        %swap3A_753 = arith.index_cast %add3A_752 : i32 to index
        %swap3A_754 = tpu.vector_load %arg10[%swap3A_753] {strides = array<i32>} : memref<2048xi32, #tpu.memory_space<vmem>>, vector<16xi32>,
        tpu.vector_store %arg10[%swap3A_753], %add3A_748 {strides = array<i32>} : memref<2048xi32, #tpu.memory_space<vmem>>, vector<16xi32>,
        %add3A_755 = arith.constant 4 : i32
        %add3A_756 = vector.broadcast %add3A_755 : i32 to vector<16xi32>
        %add3A_757 = arith.addi %add3A_685, %add3A_756 : vector<16xi32>
        %mul3A_758 = arith.mulf %select_n3A_654, %select_n3A_604 : vector<16xf32>
        %mul3A_759 = arith.mulf %mul3A_758, %select_n3A_559 : vector<16xf32>
        tpu.vector_store_idx %arg12[%add3A_757], %mul3A_759 : memref<2320xf32, #tpu.memory_space<vmem>>[vector<16xi32>], vector<16xf32>,
        %add3A_760 = arith.addi %mul3A_681, %mul3A_672 : vector<16xi32>
        %add3A_761 = arith.addi %add3A_760, %min3A_575 : vector<16xi32>
        %add3A_762 = vector.broadcast %mul3A_20 : i32 to vector<16xi32>
        %add3A_763 = arith.addi %add3A_761, %add3A_762 : vector<16xi32>
        %mul3A_764 = arith.constant 16 : i32
        %mul3A_765 = arith.muli %scan3A_499, %mul3A_764 : i32
        %add3A_766 = arith.constant 1280 : i32
        %add3A_767 = arith.addi %add3A_766, %mul3A_765 : i32
        %swap3A_768 = arith.index_cast %add3A_767 : i32 to index
        %swap3A_769 = tpu.vector_load %arg10[%swap3A_768] {strides = array<i32>} : memref<2048xi32, #tpu.memory_space<vmem>>, vector<16xi32>,
        tpu.vector_store %arg10[%swap3A_768], %add3A_763 {strides = array<i32>} : memref<2048xi32, #tpu.memory_space<vmem>>, vector<16xi32>,
        %add3A_770 = arith.constant 5 : i32
        %add3A_771 = vector.broadcast %add3A_770 : i32 to vector<16xi32>
        %add3A_772 = arith.addi %add3A_685, %add3A_771 : vector<16xi32>
        %mul3A_773 = arith.mulf %select_n3A_654, %select_n3A_604 : vector<16xf32>
        %mul3A_774 = arith.mulf %mul3A_773, %select_n3A_562 : vector<16xf32>
        tpu.vector_store_idx %arg12[%add3A_772], %mul3A_774 : memref<2320xf32, #tpu.memory_space<vmem>>[vector<16xi32>], vector<16xf32>,
        %add3A_775 = arith.addi %mul3A_681, %mul3A_675 : vector<16xi32>
        %add3A_776 = arith.addi %add3A_775, %min3A_566 : vector<16xi32>
        %add3A_777 = vector.broadcast %mul3A_20 : i32 to vector<16xi32>
        %add3A_778 = arith.addi %add3A_776, %add3A_777 : vector<16xi32>
        %mul3A_779 = arith.constant 16 : i32
        %mul3A_780 = arith.muli %scan3A_499, %mul3A_779 : i32
        %add3A_781 = arith.constant 1536 : i32
        %add3A_782 = arith.addi %add3A_781, %mul3A_780 : i32
        %swap3A_783 = arith.index_cast %add3A_782 : i32 to index
        %swap3A_784 = tpu.vector_load %arg10[%swap3A_783] {strides = array<i32>} : memref<2048xi32, #tpu.memory_space<vmem>>, vector<16xi32>,
        tpu.vector_store %arg10[%swap3A_783], %add3A_778 {strides = array<i32>} : memref<2048xi32, #tpu.memory_space<vmem>>, vector<16xi32>,
        %add3A_785 = arith.constant 6 : i32
        %add3A_786 = vector.broadcast %add3A_785 : i32 to vector<16xi32>
        %add3A_787 = arith.addi %add3A_685, %add3A_786 : vector<16xi32>
        %mul3A_788 = arith.mulf %select_n3A_654, %select_n3A_607 : vector<16xf32>
        %mul3A_789 = arith.mulf %mul3A_788, %select_n3A_559 : vector<16xf32>
        tpu.vector_store_idx %arg12[%add3A_787], %mul3A_789 : memref<2320xf32, #tpu.memory_space<vmem>>[vector<16xi32>], vector<16xf32>,
        %add3A_790 = arith.addi %mul3A_681, %mul3A_675 : vector<16xi32>
        %add3A_791 = arith.addi %add3A_790, %min3A_575 : vector<16xi32>
        %add3A_792 = vector.broadcast %mul3A_20 : i32 to vector<16xi32>
        %add3A_793 = arith.addi %add3A_791, %add3A_792 : vector<16xi32>
        %mul3A_794 = arith.constant 16 : i32
        %mul3A_795 = arith.muli %scan3A_499, %mul3A_794 : i32
        %add3A_796 = arith.constant 1792 : i32
        %add3A_797 = arith.addi %add3A_796, %mul3A_795 : i32
        %swap3A_798 = arith.index_cast %add3A_797 : i32 to index
        %swap3A_799 = tpu.vector_load %arg10[%swap3A_798] {strides = array<i32>} : memref<2048xi32, #tpu.memory_space<vmem>>, vector<16xi32>,
        tpu.vector_store %arg10[%swap3A_798], %add3A_793 {strides = array<i32>} : memref<2048xi32, #tpu.memory_space<vmem>>, vector<16xi32>,
        %add3A_800 = arith.constant 7 : i32
        %add3A_801 = vector.broadcast %add3A_800 : i32 to vector<16xi32>
        %add3A_802 = arith.addi %add3A_685, %add3A_801 : vector<16xi32>
        %mul3A_803 = arith.mulf %select_n3A_654, %select_n3A_607 : vector<16xf32>
        %mul3A_804 = arith.mulf %mul3A_803, %select_n3A_562 : vector<16xf32>
        tpu.vector_store_idx %arg12[%add3A_802], %mul3A_804 : memref<2320xf32, #tpu.memory_space<vmem>>[vector<16xi32>], vector<16xf32>,
        %scan3A_805 = arith.constant 1 : i32
        %scan3A_806 = arith.addi %scan3A_499, %scan3A_805 : i32
        %mul3A_807 = arith.constant 16 : i32
        %mul3A_808 = arith.muli %scan3A_806, %mul3A_807 : i32
        %get3A_809 = arith.index_cast %mul3A_808 : i32 to index
        %get3A_810 = tpu.vector_load %arg8[%get3A_809] {strides = array<i32>} : memref<768xf32, #tpu.memory_space<vmem>>, vector<16xf32>,
        %mul3A_811 = arith.constant 3.200000e+01 : f32
        %mul3A_812 = vector.broadcast %mul3A_811 : f32 to vector<16xf32>
        %mul3A_813 = arith.mulf %get3A_810, %mul3A_812 : vector<16xf32>
        %add3A_814 = arith.constant 3.150000e+01 : f32
        %add3A_815 = vector.broadcast %add3A_814 : f32 to vector<16xf32>
        %add3A_816 = arith.addf %mul3A_813, %add3A_815 : vector<16xf32>
        %mul3A_817 = arith.constant 16 : i32
        %mul3A_818 = arith.muli %scan3A_806, %mul3A_817 : i32
        %add3A_819 = arith.constant 256 : i32
        %add3A_820 = arith.addi %add3A_819, %mul3A_818 : i32
        %get3A_821 = arith.index_cast %add3A_820 : i32 to index
        %get3A_822 = tpu.vector_load %arg8[%get3A_821] {strides = array<i32>} : memref<768xf32, #tpu.memory_space<vmem>>, vector<16xf32>,
        %mul3A_823 = arith.constant 3.200000e+01 : f32
        %mul3A_824 = vector.broadcast %mul3A_823 : f32 to vector<16xf32>
        %mul3A_825 = arith.mulf %get3A_822, %mul3A_824 : vector<16xf32>
        %add3A_826 = arith.constant 3.150000e+01 : f32
        %add3A_827 = vector.broadcast %add3A_826 : f32 to vector<16xf32>
        %add3A_828 = arith.addf %mul3A_825, %add3A_827 : vector<16xf32>
        %mul3A_829 = arith.constant 16 : i32
        %mul3A_830 = arith.muli %scan3A_806, %mul3A_829 : i32
        %add3A_831 = arith.constant 512 : i32
        %add3A_832 = arith.addi %add3A_831, %mul3A_830 : i32
        %get3A_833 = arith.index_cast %add3A_832 : i32 to index
        %get3A_834 = tpu.vector_load %arg8[%get3A_833] {strides = array<i32>} : memref<768xf32, #tpu.memory_space<vmem>>, vector<16xf32>,
        %mul3A_835 = arith.constant 3.200000e+01 : f32
        %mul3A_836 = vector.broadcast %mul3A_835 : f32 to vector<16xf32>
        %mul3A_837 = arith.mulf %get3A_834, %mul3A_836 : vector<16xf32>
        %add3A_838 = arith.constant 3.150000e+01 : f32
        %add3A_839 = vector.broadcast %add3A_838 : f32 to vector<16xf32>
        %add3A_840 = arith.addf %mul3A_837, %add3A_839 : vector<16xf32>
        %convert_element_type3A_841 = arith.fptosi %add3A_816 : vector<16xf32> to vector<16xi32>
        %convert_element_type3A_842 = arith.sitofp %convert_element_type3A_841 : vector<16xi32> to vector<16xf32>
        %lt3A_843 = arith.cmpf olt, %add3A_816, %convert_element_type3A_842 : vector<16xf32>
        %sub3A_844 = arith.constant 1 : i32
        %sub3A_845 = vector.broadcast %sub3A_844 : i32 to vector<16xi32>
        %sub3A_846 = arith.subi %convert_element_type3A_841, %sub3A_845 : vector<16xi32>
        %select_n3A_847 = arith.select %lt3A_843, %sub3A_846, %convert_element_type3A_841 : vector<16xi1>, vector<16xi32>
        %convert_element_type3A_848 = arith.sitofp %select_n3A_847 : vector<16xi32> to vector<16xf32>
        %sub3A_849 = arith.subf %add3A_816, %convert_element_type3A_848 : vector<16xf32>
        %sub3A_850 = arith.constant 1.000000e+00 : f32
        %sub3A_851 = vector.broadcast %sub3A_850 : f32 to vector<16xf32>
        %sub3A_852 = arith.subf %sub3A_851, %sub3A_849 : vector<16xf32>
        %ge3A_853 = arith.constant 0 : i32
        %ge3A_854 = vector.broadcast %ge3A_853 : i32 to vector<16xi32>
        %ge3A_855 = arith.cmpi sge, %select_n3A_847, %ge3A_854 : vector<16xi32>
        %lt3A_856 = arith.constant 64 : i32
        %lt3A_857 = vector.broadcast %lt3A_856 : i32 to vector<16xi32>
        %lt3A_858 = arith.cmpi slt, %select_n3A_847, %lt3A_857 : vector<16xi32>
        %and3A_859 = arith.andi %ge3A_855, %lt3A_858 : vector<16xi1>
        %ge3A_860 = arith.constant -1 : i32
        %ge3A_861 = vector.broadcast %ge3A_860 : i32 to vector<16xi32>
        %ge3A_862 = arith.cmpi sge, %select_n3A_847, %ge3A_861 : vector<16xi32>
        %lt3A_863 = arith.constant 63 : i32
        %lt3A_864 = vector.broadcast %lt3A_863 : i32 to vector<16xi32>
        %lt3A_865 = arith.cmpi slt, %select_n3A_847, %lt3A_864 : vector<16xi32>
        %and3A_866 = arith.andi %ge3A_862, %lt3A_865 : vector<16xi1>
        %jit3A_867 = arith.constant 0.000000e+00 : f32
        %broadcast_in_dim3A_868 = vector.broadcast %jit3A_867 : f32 to vector<16xf32>
        %select_n3A_869 = arith.select %and3A_859, %sub3A_852, %broadcast_in_dim3A_868 : vector<16xi1>, vector<16xf32>
        %jit3A_870 = arith.constant 0.000000e+00 : f32
        %broadcast_in_dim3A_871 = vector.broadcast %jit3A_870 : f32 to vector<16xf32>
        %select_n3A_872 = arith.select %and3A_866, %sub3A_849, %broadcast_in_dim3A_871 : vector<16xi1>, vector<16xf32>
        %max3A_873 = arith.constant 0 : i32
        %max3A_874 = vector.broadcast %max3A_873 : i32 to vector<16xi32>
        %max3A_875 = arith.maxsi %select_n3A_847, %max3A_874 : vector<16xi32>
        %min3A_876 = arith.constant 63 : i32
        %min3A_877 = vector.broadcast %min3A_876 : i32 to vector<16xi32>
        %min3A_878 = arith.minsi %max3A_875, %min3A_877 : vector<16xi32>
        %add3A_879 = arith.constant 1 : i32
        %add3A_880 = vector.broadcast %add3A_879 : i32 to vector<16xi32>
        %add3A_881 = arith.addi %select_n3A_847, %add3A_880 : vector<16xi32>
        %max3A_882 = arith.constant 0 : i32
        %max3A_883 = vector.broadcast %max3A_882 : i32 to vector<16xi32>
        %max3A_884 = arith.maxsi %add3A_881, %max3A_883 : vector<16xi32>
        %min3A_885 = arith.constant 63 : i32
        %min3A_886 = vector.broadcast %min3A_885 : i32 to vector<16xi32>
        %min3A_887 = arith.minsi %max3A_884, %min3A_886 : vector<16xi32>
        %convert_element_type3A_888 = arith.fptosi %add3A_828 : vector<16xf32> to vector<16xi32>
        %convert_element_type3A_889 = arith.sitofp %convert_element_type3A_888 : vector<16xi32> to vector<16xf32>
        %lt3A_890 = arith.cmpf olt, %add3A_828, %convert_element_type3A_889 : vector<16xf32>
        %sub3A_891 = arith.constant 1 : i32
        %sub3A_892 = vector.broadcast %sub3A_891 : i32 to vector<16xi32>
        %sub3A_893 = arith.subi %convert_element_type3A_888, %sub3A_892 : vector<16xi32>
        %select_n3A_894 = arith.select %lt3A_890, %sub3A_893, %convert_element_type3A_888 : vector<16xi1>, vector<16xi32>
        %convert_element_type3A_895 = arith.sitofp %select_n3A_894 : vector<16xi32> to vector<16xf32>
        %sub3A_896 = arith.subf %add3A_828, %convert_element_type3A_895 : vector<16xf32>
        %sub3A_897 = arith.constant 1.000000e+00 : f32
        %sub3A_898 = vector.broadcast %sub3A_897 : f32 to vector<16xf32>
        %sub3A_899 = arith.subf %sub3A_898, %sub3A_896 : vector<16xf32>
        %ge3A_900 = arith.constant 0 : i32
        %ge3A_901 = vector.broadcast %ge3A_900 : i32 to vector<16xi32>
        %ge3A_902 = arith.cmpi sge, %select_n3A_894, %ge3A_901 : vector<16xi32>
        %lt3A_903 = arith.constant 64 : i32
        %lt3A_904 = vector.broadcast %lt3A_903 : i32 to vector<16xi32>
        %lt3A_905 = arith.cmpi slt, %select_n3A_894, %lt3A_904 : vector<16xi32>
        %and3A_906 = arith.andi %ge3A_902, %lt3A_905 : vector<16xi1>
        %ge3A_907 = arith.constant -1 : i32
        %ge3A_908 = vector.broadcast %ge3A_907 : i32 to vector<16xi32>
        %ge3A_909 = arith.cmpi sge, %select_n3A_894, %ge3A_908 : vector<16xi32>
        %lt3A_910 = arith.constant 63 : i32
        %lt3A_911 = vector.broadcast %lt3A_910 : i32 to vector<16xi32>
        %lt3A_912 = arith.cmpi slt, %select_n3A_894, %lt3A_911 : vector<16xi32>
        %and3A_913 = arith.andi %ge3A_909, %lt3A_912 : vector<16xi1>
        %jit3A_914 = arith.constant 0.000000e+00 : f32
        %broadcast_in_dim3A_915 = vector.broadcast %jit3A_914 : f32 to vector<16xf32>
        %select_n3A_916 = arith.select %and3A_906, %sub3A_899, %broadcast_in_dim3A_915 : vector<16xi1>, vector<16xf32>
        %jit3A_917 = arith.constant 0.000000e+00 : f32
        %broadcast_in_dim3A_918 = vector.broadcast %jit3A_917 : f32 to vector<16xf32>
        %select_n3A_919 = arith.select %and3A_913, %sub3A_896, %broadcast_in_dim3A_918 : vector<16xi1>, vector<16xf32>
        %max3A_920 = arith.constant 0 : i32
        %max3A_921 = vector.broadcast %max3A_920 : i32 to vector<16xi32>
        %max3A_922 = arith.maxsi %select_n3A_894, %max3A_921 : vector<16xi32>
        %min3A_923 = arith.constant 63 : i32
        %min3A_924 = vector.broadcast %min3A_923 : i32 to vector<16xi32>
        %min3A_925 = arith.minsi %max3A_922, %min3A_924 : vector<16xi32>
        %add3A_926 = arith.constant 1 : i32
        %add3A_927 = vector.broadcast %add3A_926 : i32 to vector<16xi32>
        %add3A_928 = arith.addi %select_n3A_894, %add3A_927 : vector<16xi32>
        %max3A_929 = arith.constant 0 : i32
        %max3A_930 = vector.broadcast %max3A_929 : i32 to vector<16xi32>
        %max3A_931 = arith.maxsi %add3A_928, %max3A_930 : vector<16xi32>
        %min3A_932 = arith.constant 63 : i32
        %min3A_933 = vector.broadcast %min3A_932 : i32 to vector<16xi32>
        %min3A_934 = arith.minsi %max3A_931, %min3A_933 : vector<16xi32>
        %convert_element_type3A_935 = arith.fptosi %add3A_840 : vector<16xf32> to vector<16xi32>
        %convert_element_type3A_936 = arith.sitofp %convert_element_type3A_935 : vector<16xi32> to vector<16xf32>
        %lt3A_937 = arith.cmpf olt, %add3A_840, %convert_element_type3A_936 : vector<16xf32>
        %sub3A_938 = arith.constant 1 : i32
        %sub3A_939 = vector.broadcast %sub3A_938 : i32 to vector<16xi32>
        %sub3A_940 = arith.subi %convert_element_type3A_935, %sub3A_939 : vector<16xi32>
        %select_n3A_941 = arith.select %lt3A_937, %sub3A_940, %convert_element_type3A_935 : vector<16xi1>, vector<16xi32>
        %convert_element_type3A_942 = arith.sitofp %select_n3A_941 : vector<16xi32> to vector<16xf32>
        %sub3A_943 = arith.subf %add3A_840, %convert_element_type3A_942 : vector<16xf32>
        %sub3A_944 = arith.constant 1.000000e+00 : f32
        %sub3A_945 = vector.broadcast %sub3A_944 : f32 to vector<16xf32>
        %sub3A_946 = arith.subf %sub3A_945, %sub3A_943 : vector<16xf32>
        %ge3A_947 = arith.constant 0 : i32
        %ge3A_948 = vector.broadcast %ge3A_947 : i32 to vector<16xi32>
        %ge3A_949 = arith.cmpi sge, %select_n3A_941, %ge3A_948 : vector<16xi32>
        %lt3A_950 = arith.constant 64 : i32
        %lt3A_951 = vector.broadcast %lt3A_950 : i32 to vector<16xi32>
        %lt3A_952 = arith.cmpi slt, %select_n3A_941, %lt3A_951 : vector<16xi32>
        %and3A_953 = arith.andi %ge3A_949, %lt3A_952 : vector<16xi1>
        %ge3A_954 = arith.constant -1 : i32
        %ge3A_955 = vector.broadcast %ge3A_954 : i32 to vector<16xi32>
        %ge3A_956 = arith.cmpi sge, %select_n3A_941, %ge3A_955 : vector<16xi32>
        %lt3A_957 = arith.constant 63 : i32
        %lt3A_958 = vector.broadcast %lt3A_957 : i32 to vector<16xi32>
        %lt3A_959 = arith.cmpi slt, %select_n3A_941, %lt3A_958 : vector<16xi32>
        %and3A_960 = arith.andi %ge3A_956, %lt3A_959 : vector<16xi1>
        %jit3A_961 = arith.constant 0.000000e+00 : f32
        %broadcast_in_dim3A_962 = vector.broadcast %jit3A_961 : f32 to vector<16xf32>
        %select_n3A_963 = arith.select %and3A_953, %sub3A_946, %broadcast_in_dim3A_962 : vector<16xi1>, vector<16xf32>
        %jit3A_964 = arith.constant 0.000000e+00 : f32
        %broadcast_in_dim3A_965 = vector.broadcast %jit3A_964 : f32 to vector<16xf32>
        %select_n3A_966 = arith.select %and3A_960, %sub3A_943, %broadcast_in_dim3A_965 : vector<16xi1>, vector<16xf32>
        %max3A_967 = arith.constant 0 : i32
        %max3A_968 = vector.broadcast %max3A_967 : i32 to vector<16xi32>
        %max3A_969 = arith.maxsi %select_n3A_941, %max3A_968 : vector<16xi32>
        %min3A_970 = arith.constant 63 : i32
        %min3A_971 = vector.broadcast %min3A_970 : i32 to vector<16xi32>
        %min3A_972 = arith.minsi %max3A_969, %min3A_971 : vector<16xi32>
        %add3A_973 = arith.constant 1 : i32
        %add3A_974 = vector.broadcast %add3A_973 : i32 to vector<16xi32>
        %add3A_975 = arith.addi %select_n3A_941, %add3A_974 : vector<16xi32>
        %max3A_976 = arith.constant 0 : i32
        %max3A_977 = vector.broadcast %max3A_976 : i32 to vector<16xi32>
        %max3A_978 = arith.maxsi %add3A_975, %max3A_977 : vector<16xi32>
        %min3A_979 = arith.constant 63 : i32
        %min3A_980 = vector.broadcast %min3A_979 : i32 to vector<16xi32>
        %min3A_981 = arith.minsi %max3A_978, %min3A_980 : vector<16xi32>
        %mul3A_982 = arith.constant 64 : i32
        %mul3A_983 = vector.broadcast %mul3A_982 : i32 to vector<16xi32>
        %mul3A_984 = arith.muli %min3A_925, %mul3A_983 : vector<16xi32>
        %mul3A_985 = arith.constant 64 : i32
        %mul3A_986 = vector.broadcast %mul3A_985 : i32 to vector<16xi32>
        %mul3A_987 = arith.muli %min3A_934, %mul3A_986 : vector<16xi32>
        %mul3A_988 = arith.constant 4096 : i32
        %mul3A_989 = vector.broadcast %mul3A_988 : i32 to vector<16xi32>
        %mul3A_990 = arith.muli %min3A_972, %mul3A_989 : vector<16xi32>
        %mul3A_991 = arith.constant 4096 : i32
        %mul3A_992 = vector.broadcast %mul3A_991 : i32 to vector<16xi32>
        %mul3A_993 = arith.muli %min3A_981, %mul3A_992 : vector<16xi32>
        %mul3A_994 = arith.constant 144 : i32
        %mul3A_995 = arith.muli %scan3A_806, %mul3A_994 : i32
        %add3A_996 = vector.broadcast %mul3A_995 : i32 to vector<16xi32>
        %add3A_997 = arith.addi %mul3A_23, %add3A_996 : vector<16xi32>
        %add3A_998 = arith.addi %mul3A_990, %mul3A_984 : vector<16xi32>
        %add3A_999 = arith.addi %add3A_998, %min3A_878 : vector<16xi32>
        %add3A_1000 = vector.broadcast %mul3A_20 : i32 to vector<16xi32>
        %add3A_1001 = arith.addi %add3A_999, %add3A_1000 : vector<16xi32>
        %mul3A_1002 = arith.constant 16 : i32
        %mul3A_1003 = arith.muli %scan3A_806, %mul3A_1002 : i32
        %add3A_1004 = arith.constant 0 : i32
        %add3A_1005 = arith.addi %add3A_1004, %mul3A_1003 : i32
        %swap3A_1006 = arith.index_cast %add3A_1005 : i32 to index
        %swap3A_1007 = tpu.vector_load %arg10[%swap3A_1006] {strides = array<i32>} : memref<2048xi32, #tpu.memory_space<vmem>>, vector<16xi32>,
        tpu.vector_store %arg10[%swap3A_1006], %add3A_1001 {strides = array<i32>} : memref<2048xi32, #tpu.memory_space<vmem>>, vector<16xi32>,
        %add3A_1008 = arith.constant 0 : i32
        %add3A_1009 = vector.broadcast %add3A_1008 : i32 to vector<16xi32>
        %add3A_1010 = arith.addi %add3A_997, %add3A_1009 : vector<16xi32>
        %mul3A_1011 = arith.mulf %select_n3A_963, %select_n3A_916 : vector<16xf32>
        %mul3A_1012 = arith.mulf %mul3A_1011, %select_n3A_869 : vector<16xf32>
        tpu.vector_store_idx %arg12[%add3A_1010], %mul3A_1012 : memref<2320xf32, #tpu.memory_space<vmem>>[vector<16xi32>], vector<16xf32>,
        %add3A_1013 = arith.addi %mul3A_990, %mul3A_984 : vector<16xi32>
        %add3A_1014 = arith.addi %add3A_1013, %min3A_887 : vector<16xi32>
        %add3A_1015 = vector.broadcast %mul3A_20 : i32 to vector<16xi32>
        %add3A_1016 = arith.addi %add3A_1014, %add3A_1015 : vector<16xi32>
        %mul3A_1017 = arith.constant 16 : i32
        %mul3A_1018 = arith.muli %scan3A_806, %mul3A_1017 : i32
        %add3A_1019 = arith.constant 256 : i32
        %add3A_1020 = arith.addi %add3A_1019, %mul3A_1018 : i32
        %swap3A_1021 = arith.index_cast %add3A_1020 : i32 to index
        %swap3A_1022 = tpu.vector_load %arg10[%swap3A_1021] {strides = array<i32>} : memref<2048xi32, #tpu.memory_space<vmem>>, vector<16xi32>,
        tpu.vector_store %arg10[%swap3A_1021], %add3A_1016 {strides = array<i32>} : memref<2048xi32, #tpu.memory_space<vmem>>, vector<16xi32>,
        %add3A_1023 = arith.constant 1 : i32
        %add3A_1024 = vector.broadcast %add3A_1023 : i32 to vector<16xi32>
        %add3A_1025 = arith.addi %add3A_997, %add3A_1024 : vector<16xi32>
        %mul3A_1026 = arith.mulf %select_n3A_963, %select_n3A_916 : vector<16xf32>
        %mul3A_1027 = arith.mulf %mul3A_1026, %select_n3A_872 : vector<16xf32>
        tpu.vector_store_idx %arg12[%add3A_1025], %mul3A_1027 : memref<2320xf32, #tpu.memory_space<vmem>>[vector<16xi32>], vector<16xf32>,
        %add3A_1028 = arith.addi %mul3A_990, %mul3A_987 : vector<16xi32>
        %add3A_1029 = arith.addi %add3A_1028, %min3A_878 : vector<16xi32>
        %add3A_1030 = vector.broadcast %mul3A_20 : i32 to vector<16xi32>
        %add3A_1031 = arith.addi %add3A_1029, %add3A_1030 : vector<16xi32>
        %mul3A_1032 = arith.constant 16 : i32
        %mul3A_1033 = arith.muli %scan3A_806, %mul3A_1032 : i32
        %add3A_1034 = arith.constant 512 : i32
        %add3A_1035 = arith.addi %add3A_1034, %mul3A_1033 : i32
        %swap3A_1036 = arith.index_cast %add3A_1035 : i32 to index
        %swap3A_1037 = tpu.vector_load %arg10[%swap3A_1036] {strides = array<i32>} : memref<2048xi32, #tpu.memory_space<vmem>>, vector<16xi32>,
        tpu.vector_store %arg10[%swap3A_1036], %add3A_1031 {strides = array<i32>} : memref<2048xi32, #tpu.memory_space<vmem>>, vector<16xi32>,
        %add3A_1038 = arith.constant 2 : i32
        %add3A_1039 = vector.broadcast %add3A_1038 : i32 to vector<16xi32>
        %add3A_1040 = arith.addi %add3A_997, %add3A_1039 : vector<16xi32>
        %mul3A_1041 = arith.mulf %select_n3A_963, %select_n3A_919 : vector<16xf32>
        %mul3A_1042 = arith.mulf %mul3A_1041, %select_n3A_869 : vector<16xf32>
        tpu.vector_store_idx %arg12[%add3A_1040], %mul3A_1042 : memref<2320xf32, #tpu.memory_space<vmem>>[vector<16xi32>], vector<16xf32>,
        %add3A_1043 = arith.addi %mul3A_990, %mul3A_987 : vector<16xi32>
        %add3A_1044 = arith.addi %add3A_1043, %min3A_887 : vector<16xi32>
        %add3A_1045 = vector.broadcast %mul3A_20 : i32 to vector<16xi32>
        %add3A_1046 = arith.addi %add3A_1044, %add3A_1045 : vector<16xi32>
        %mul3A_1047 = arith.constant 16 : i32
        %mul3A_1048 = arith.muli %scan3A_806, %mul3A_1047 : i32
        %add3A_1049 = arith.constant 768 : i32
        %add3A_1050 = arith.addi %add3A_1049, %mul3A_1048 : i32
        %swap3A_1051 = arith.index_cast %add3A_1050 : i32 to index
        %swap3A_1052 = tpu.vector_load %arg10[%swap3A_1051] {strides = array<i32>} : memref<2048xi32, #tpu.memory_space<vmem>>, vector<16xi32>,
        tpu.vector_store %arg10[%swap3A_1051], %add3A_1046 {strides = array<i32>} : memref<2048xi32, #tpu.memory_space<vmem>>, vector<16xi32>,
        %add3A_1053 = arith.constant 3 : i32
        %add3A_1054 = vector.broadcast %add3A_1053 : i32 to vector<16xi32>
        %add3A_1055 = arith.addi %add3A_997, %add3A_1054 : vector<16xi32>
        %mul3A_1056 = arith.mulf %select_n3A_963, %select_n3A_919 : vector<16xf32>
        %mul3A_1057 = arith.mulf %mul3A_1056, %select_n3A_872 : vector<16xf32>
        tpu.vector_store_idx %arg12[%add3A_1055], %mul3A_1057 : memref<2320xf32, #tpu.memory_space<vmem>>[vector<16xi32>], vector<16xf32>,
        %add3A_1058 = arith.addi %mul3A_993, %mul3A_984 : vector<16xi32>
        %add3A_1059 = arith.addi %add3A_1058, %min3A_878 : vector<16xi32>
        %add3A_1060 = vector.broadcast %mul3A_20 : i32 to vector<16xi32>
        %add3A_1061 = arith.addi %add3A_1059, %add3A_1060 : vector<16xi32>
        %mul3A_1062 = arith.constant 16 : i32
        %mul3A_1063 = arith.muli %scan3A_806, %mul3A_1062 : i32
        %add3A_1064 = arith.constant 1024 : i32
        %add3A_1065 = arith.addi %add3A_1064, %mul3A_1063 : i32
        %swap3A_1066 = arith.index_cast %add3A_1065 : i32 to index
        %swap3A_1067 = tpu.vector_load %arg10[%swap3A_1066] {strides = array<i32>} : memref<2048xi32, #tpu.memory_space<vmem>>, vector<16xi32>,
        tpu.vector_store %arg10[%swap3A_1066], %add3A_1061 {strides = array<i32>} : memref<2048xi32, #tpu.memory_space<vmem>>, vector<16xi32>,
        %add3A_1068 = arith.constant 4 : i32
        %add3A_1069 = vector.broadcast %add3A_1068 : i32 to vector<16xi32>
        %add3A_1070 = arith.addi %add3A_997, %add3A_1069 : vector<16xi32>
        %mul3A_1071 = arith.mulf %select_n3A_966, %select_n3A_916 : vector<16xf32>
        %mul3A_1072 = arith.mulf %mul3A_1071, %select_n3A_869 : vector<16xf32>
        tpu.vector_store_idx %arg12[%add3A_1070], %mul3A_1072 : memref<2320xf32, #tpu.memory_space<vmem>>[vector<16xi32>], vector<16xf32>,
        %add3A_1073 = arith.addi %mul3A_993, %mul3A_984 : vector<16xi32>
        %add3A_1074 = arith.addi %add3A_1073, %min3A_887 : vector<16xi32>
        %add3A_1075 = vector.broadcast %mul3A_20 : i32 to vector<16xi32>
        %add3A_1076 = arith.addi %add3A_1074, %add3A_1075 : vector<16xi32>
        %mul3A_1077 = arith.constant 16 : i32
        %mul3A_1078 = arith.muli %scan3A_806, %mul3A_1077 : i32
        %add3A_1079 = arith.constant 1280 : i32
        %add3A_1080 = arith.addi %add3A_1079, %mul3A_1078 : i32
        %swap3A_1081 = arith.index_cast %add3A_1080 : i32 to index
        %swap3A_1082 = tpu.vector_load %arg10[%swap3A_1081] {strides = array<i32>} : memref<2048xi32, #tpu.memory_space<vmem>>, vector<16xi32>,
        tpu.vector_store %arg10[%swap3A_1081], %add3A_1076 {strides = array<i32>} : memref<2048xi32, #tpu.memory_space<vmem>>, vector<16xi32>,
        %add3A_1083 = arith.constant 5 : i32
        %add3A_1084 = vector.broadcast %add3A_1083 : i32 to vector<16xi32>
        %add3A_1085 = arith.addi %add3A_997, %add3A_1084 : vector<16xi32>
        %mul3A_1086 = arith.mulf %select_n3A_966, %select_n3A_916 : vector<16xf32>
        %mul3A_1087 = arith.mulf %mul3A_1086, %select_n3A_872 : vector<16xf32>
        tpu.vector_store_idx %arg12[%add3A_1085], %mul3A_1087 : memref<2320xf32, #tpu.memory_space<vmem>>[vector<16xi32>], vector<16xf32>,
        %add3A_1088 = arith.addi %mul3A_993, %mul3A_987 : vector<16xi32>
        %add3A_1089 = arith.addi %add3A_1088, %min3A_878 : vector<16xi32>
        %add3A_1090 = vector.broadcast %mul3A_20 : i32 to vector<16xi32>
        %add3A_1091 = arith.addi %add3A_1089, %add3A_1090 : vector<16xi32>
        %mul3A_1092 = arith.constant 16 : i32
        %mul3A_1093 = arith.muli %scan3A_806, %mul3A_1092 : i32
        %add3A_1094 = arith.constant 1536 : i32
        %add3A_1095 = arith.addi %add3A_1094, %mul3A_1093 : i32
        %swap3A_1096 = arith.index_cast %add3A_1095 : i32 to index
        %swap3A_1097 = tpu.vector_load %arg10[%swap3A_1096] {strides = array<i32>} : memref<2048xi32, #tpu.memory_space<vmem>>, vector<16xi32>,
        tpu.vector_store %arg10[%swap3A_1096], %add3A_1091 {strides = array<i32>} : memref<2048xi32, #tpu.memory_space<vmem>>, vector<16xi32>,
        %add3A_1098 = arith.constant 6 : i32
        %add3A_1099 = vector.broadcast %add3A_1098 : i32 to vector<16xi32>
        %add3A_1100 = arith.addi %add3A_997, %add3A_1099 : vector<16xi32>
        %mul3A_1101 = arith.mulf %select_n3A_966, %select_n3A_919 : vector<16xf32>
        %mul3A_1102 = arith.mulf %mul3A_1101, %select_n3A_869 : vector<16xf32>
        tpu.vector_store_idx %arg12[%add3A_1100], %mul3A_1102 : memref<2320xf32, #tpu.memory_space<vmem>>[vector<16xi32>], vector<16xf32>,
        %add3A_1103 = arith.addi %mul3A_993, %mul3A_987 : vector<16xi32>
        %add3A_1104 = arith.addi %add3A_1103, %min3A_887 : vector<16xi32>
        %add3A_1105 = vector.broadcast %mul3A_20 : i32 to vector<16xi32>
        %add3A_1106 = arith.addi %add3A_1104, %add3A_1105 : vector<16xi32>
        %mul3A_1107 = arith.constant 16 : i32
        %mul3A_1108 = arith.muli %scan3A_806, %mul3A_1107 : i32
        %add3A_1109 = arith.constant 1792 : i32
        %add3A_1110 = arith.addi %add3A_1109, %mul3A_1108 : i32
        %swap3A_1111 = arith.index_cast %add3A_1110 : i32 to index
        %swap3A_1112 = tpu.vector_load %arg10[%swap3A_1111] {strides = array<i32>} : memref<2048xi32, #tpu.memory_space<vmem>>, vector<16xi32>,
        tpu.vector_store %arg10[%swap3A_1111], %add3A_1106 {strides = array<i32>} : memref<2048xi32, #tpu.memory_space<vmem>>, vector<16xi32>,
        %add3A_1113 = arith.constant 7 : i32
        %add3A_1114 = vector.broadcast %add3A_1113 : i32 to vector<16xi32>
        %add3A_1115 = arith.addi %add3A_997, %add3A_1114 : vector<16xi32>
        %mul3A_1116 = arith.mulf %select_n3A_966, %select_n3A_919 : vector<16xf32>
        %mul3A_1117 = arith.mulf %mul3A_1116, %select_n3A_872 : vector<16xf32>
        tpu.vector_store_idx %arg12[%add3A_1115], %mul3A_1117 : memref<2320xf32, #tpu.memory_space<vmem>>[vector<16xi32>], vector<16xf32>,
      }
      %scan3A_263 = arith.constant 16 : i32
      %dma_start3A_264 = arith.constant 0 : i32
      %dma_start3A_265 = arith.constant 0 : i32
      %dma_start3A_266 = tpu.memref_slice %arg14[%dma_start3A_264, %dma_start3A_265] : memref<2048x32xbf16, #tpu.memory_space<vmem>> -> memref<128x32xbf16, #tpu.memory_space<vmem>>
      %dma_start3A_267 = arith.constant 0 : i32
      %dma_start3A_268 = tpu.memref_slice %arg10[%dma_start3A_267] : memref<2048xi32, #tpu.memory_space<vmem>> -> memref<128xi32, #tpu.memory_space<vmem>>
      %dma_start3A_269 = arith.constant 0 : i32
      %dma_start3A_270 = arith.constant 0 : i32
      %dma_start3A_271 = tpu.memref_slice %arg2[%dma_start3A_269, %dma_start3A_270] : memref<1048576x32xbf16, #tpu.memory_space<hbm>> -> memref<1048576x32xbf16, #tpu.memory_space<hbm>>
      tpu.enqueue_indirect_dma source(%dma_start3A_271 : memref<1048576x32xbf16, #tpu.memory_space<hbm>>) target(%dma_start3A_266 : memref<128x32xbf16, #tpu.memory_space<vmem>>) offsets(%dma_start3A_268 : memref<128xi32, #tpu.memory_space<vmem>>) semaphore(%arg17 : memref<!tpu.dma_semaphore, #tpu.memory_space<semaphore_mem>>)
      %dma_start3A_272 = arith.constant 128 : i32
      %dma_start3A_273 = arith.constant 0 : i32
      %dma_start3A_274 = tpu.memref_slice %arg14[%dma_start3A_272, %dma_start3A_273] : memref<2048x32xbf16, #tpu.memory_space<vmem>> -> memref<128x32xbf16, #tpu.memory_space<vmem>>
      %dma_start3A_275 = arith.constant 128 : i32
      %dma_start3A_276 = tpu.memref_slice %arg10[%dma_start3A_275] : memref<2048xi32, #tpu.memory_space<vmem>> -> memref<128xi32, #tpu.memory_space<vmem>>
      %dma_start3A_277 = arith.constant 0 : i32
      %dma_start3A_278 = arith.constant 0 : i32
      %dma_start3A_279 = tpu.memref_slice %arg2[%dma_start3A_277, %dma_start3A_278] : memref<1048576x32xbf16, #tpu.memory_space<hbm>> -> memref<1048576x32xbf16, #tpu.memory_space<hbm>>
      tpu.enqueue_indirect_dma source(%dma_start3A_279 : memref<1048576x32xbf16, #tpu.memory_space<hbm>>) target(%dma_start3A_274 : memref<128x32xbf16, #tpu.memory_space<vmem>>) offsets(%dma_start3A_276 : memref<128xi32, #tpu.memory_space<vmem>>) semaphore(%arg17 : memref<!tpu.dma_semaphore, #tpu.memory_space<semaphore_mem>>)
      %dma_start3A_280 = arith.constant 256 : i32
      %dma_start3A_281 = arith.constant 0 : i32
      %dma_start3A_282 = tpu.memref_slice %arg14[%dma_start3A_280, %dma_start3A_281] : memref<2048x32xbf16, #tpu.memory_space<vmem>> -> memref<128x32xbf16, #tpu.memory_space<vmem>>
      %dma_start3A_283 = arith.constant 256 : i32
      %dma_start3A_284 = tpu.memref_slice %arg10[%dma_start3A_283] : memref<2048xi32, #tpu.memory_space<vmem>> -> memref<128xi32, #tpu.memory_space<vmem>>
      %dma_start3A_285 = arith.constant 0 : i32
      %dma_start3A_286 = arith.constant 0 : i32
      %dma_start3A_287 = tpu.memref_slice %arg2[%dma_start3A_285, %dma_start3A_286] : memref<1048576x32xbf16, #tpu.memory_space<hbm>> -> memref<1048576x32xbf16, #tpu.memory_space<hbm>>
      tpu.enqueue_indirect_dma source(%dma_start3A_287 : memref<1048576x32xbf16, #tpu.memory_space<hbm>>) target(%dma_start3A_282 : memref<128x32xbf16, #tpu.memory_space<vmem>>) offsets(%dma_start3A_284 : memref<128xi32, #tpu.memory_space<vmem>>) semaphore(%arg17 : memref<!tpu.dma_semaphore, #tpu.memory_space<semaphore_mem>>)
      %dma_start3A_288 = arith.constant 384 : i32
      %dma_start3A_289 = arith.constant 0 : i32
      %dma_start3A_290 = tpu.memref_slice %arg14[%dma_start3A_288, %dma_start3A_289] : memref<2048x32xbf16, #tpu.memory_space<vmem>> -> memref<128x32xbf16, #tpu.memory_space<vmem>>
      %dma_start3A_291 = arith.constant 384 : i32
      %dma_start3A_292 = tpu.memref_slice %arg10[%dma_start3A_291] : memref<2048xi32, #tpu.memory_space<vmem>> -> memref<128xi32, #tpu.memory_space<vmem>>
      %dma_start3A_293 = arith.constant 0 : i32
      %dma_start3A_294 = arith.constant 0 : i32
      %dma_start3A_295 = tpu.memref_slice %arg2[%dma_start3A_293, %dma_start3A_294] : memref<1048576x32xbf16, #tpu.memory_space<hbm>> -> memref<1048576x32xbf16, #tpu.memory_space<hbm>>
      tpu.enqueue_indirect_dma source(%dma_start3A_295 : memref<1048576x32xbf16, #tpu.memory_space<hbm>>) target(%dma_start3A_290 : memref<128x32xbf16, #tpu.memory_space<vmem>>) offsets(%dma_start3A_292 : memref<128xi32, #tpu.memory_space<vmem>>) semaphore(%arg17 : memref<!tpu.dma_semaphore, #tpu.memory_space<semaphore_mem>>)
      %dma_start3A_296 = arith.constant 512 : i32
      %dma_start3A_297 = arith.constant 0 : i32
      %dma_start3A_298 = tpu.memref_slice %arg14[%dma_start3A_296, %dma_start3A_297] : memref<2048x32xbf16, #tpu.memory_space<vmem>> -> memref<128x32xbf16, #tpu.memory_space<vmem>>
      %dma_start3A_299 = arith.constant 512 : i32
      %dma_start3A_300 = tpu.memref_slice %arg10[%dma_start3A_299] : memref<2048xi32, #tpu.memory_space<vmem>> -> memref<128xi32, #tpu.memory_space<vmem>>
      %dma_start3A_301 = arith.constant 0 : i32
      %dma_start3A_302 = arith.constant 0 : i32
      %dma_start3A_303 = tpu.memref_slice %arg2[%dma_start3A_301, %dma_start3A_302] : memref<1048576x32xbf16, #tpu.memory_space<hbm>> -> memref<1048576x32xbf16, #tpu.memory_space<hbm>>
      tpu.enqueue_indirect_dma source(%dma_start3A_303 : memref<1048576x32xbf16, #tpu.memory_space<hbm>>) target(%dma_start3A_298 : memref<128x32xbf16, #tpu.memory_space<vmem>>) offsets(%dma_start3A_300 : memref<128xi32, #tpu.memory_space<vmem>>) semaphore(%arg17 : memref<!tpu.dma_semaphore, #tpu.memory_space<semaphore_mem>>)
      %dma_start3A_304 = arith.constant 640 : i32
      %dma_start3A_305 = arith.constant 0 : i32
      %dma_start3A_306 = tpu.memref_slice %arg14[%dma_start3A_304, %dma_start3A_305] : memref<2048x32xbf16, #tpu.memory_space<vmem>> -> memref<128x32xbf16, #tpu.memory_space<vmem>>
      %dma_start3A_307 = arith.constant 640 : i32
      %dma_start3A_308 = tpu.memref_slice %arg10[%dma_start3A_307] : memref<2048xi32, #tpu.memory_space<vmem>> -> memref<128xi32, #tpu.memory_space<vmem>>
      %dma_start3A_309 = arith.constant 0 : i32
      %dma_start3A_310 = arith.constant 0 : i32
      %dma_start3A_311 = tpu.memref_slice %arg2[%dma_start3A_309, %dma_start3A_310] : memref<1048576x32xbf16, #tpu.memory_space<hbm>> -> memref<1048576x32xbf16, #tpu.memory_space<hbm>>
      tpu.enqueue_indirect_dma source(%dma_start3A_311 : memref<1048576x32xbf16, #tpu.memory_space<hbm>>) target(%dma_start3A_306 : memref<128x32xbf16, #tpu.memory_space<vmem>>) offsets(%dma_start3A_308 : memref<128xi32, #tpu.memory_space<vmem>>) semaphore(%arg17 : memref<!tpu.dma_semaphore, #tpu.memory_space<semaphore_mem>>)
      %dma_start3A_312 = arith.constant 768 : i32
      %dma_start3A_313 = arith.constant 0 : i32
      %dma_start3A_314 = tpu.memref_slice %arg14[%dma_start3A_312, %dma_start3A_313] : memref<2048x32xbf16, #tpu.memory_space<vmem>> -> memref<128x32xbf16, #tpu.memory_space<vmem>>
      %dma_start3A_315 = arith.constant 768 : i32
      %dma_start3A_316 = tpu.memref_slice %arg10[%dma_start3A_315] : memref<2048xi32, #tpu.memory_space<vmem>> -> memref<128xi32, #tpu.memory_space<vmem>>
      %dma_start3A_317 = arith.constant 0 : i32
      %dma_start3A_318 = arith.constant 0 : i32
      %dma_start3A_319 = tpu.memref_slice %arg2[%dma_start3A_317, %dma_start3A_318] : memref<1048576x32xbf16, #tpu.memory_space<hbm>> -> memref<1048576x32xbf16, #tpu.memory_space<hbm>>
      tpu.enqueue_indirect_dma source(%dma_start3A_319 : memref<1048576x32xbf16, #tpu.memory_space<hbm>>) target(%dma_start3A_314 : memref<128x32xbf16, #tpu.memory_space<vmem>>) offsets(%dma_start3A_316 : memref<128xi32, #tpu.memory_space<vmem>>) semaphore(%arg17 : memref<!tpu.dma_semaphore, #tpu.memory_space<semaphore_mem>>)
      %dma_start3A_320 = arith.constant 896 : i32
      %dma_start3A_321 = arith.constant 0 : i32
      %dma_start3A_322 = tpu.memref_slice %arg14[%dma_start3A_320, %dma_start3A_321] : memref<2048x32xbf16, #tpu.memory_space<vmem>> -> memref<128x32xbf16, #tpu.memory_space<vmem>>
      %dma_start3A_323 = arith.constant 896 : i32
      %dma_start3A_324 = tpu.memref_slice %arg10[%dma_start3A_323] : memref<2048xi32, #tpu.memory_space<vmem>> -> memref<128xi32, #tpu.memory_space<vmem>>
      %dma_start3A_325 = arith.constant 0 : i32
      %dma_start3A_326 = arith.constant 0 : i32
      %dma_start3A_327 = tpu.memref_slice %arg2[%dma_start3A_325, %dma_start3A_326] : memref<1048576x32xbf16, #tpu.memory_space<hbm>> -> memref<1048576x32xbf16, #tpu.memory_space<hbm>>
      tpu.enqueue_indirect_dma source(%dma_start3A_327 : memref<1048576x32xbf16, #tpu.memory_space<hbm>>) target(%dma_start3A_322 : memref<128x32xbf16, #tpu.memory_space<vmem>>) offsets(%dma_start3A_324 : memref<128xi32, #tpu.memory_space<vmem>>) semaphore(%arg17 : memref<!tpu.dma_semaphore, #tpu.memory_space<semaphore_mem>>)
      %dma_start3A_328 = arith.constant 1024 : i32
      %dma_start3A_329 = arith.constant 0 : i32
      %dma_start3A_330 = tpu.memref_slice %arg14[%dma_start3A_328, %dma_start3A_329] : memref<2048x32xbf16, #tpu.memory_space<vmem>> -> memref<128x32xbf16, #tpu.memory_space<vmem>>
      %dma_start3A_331 = arith.constant 1024 : i32
      %dma_start3A_332 = tpu.memref_slice %arg10[%dma_start3A_331] : memref<2048xi32, #tpu.memory_space<vmem>> -> memref<128xi32, #tpu.memory_space<vmem>>
      %dma_start3A_333 = arith.constant 0 : i32
      %dma_start3A_334 = arith.constant 0 : i32
      %dma_start3A_335 = tpu.memref_slice %arg2[%dma_start3A_333, %dma_start3A_334] : memref<1048576x32xbf16, #tpu.memory_space<hbm>> -> memref<1048576x32xbf16, #tpu.memory_space<hbm>>
      tpu.enqueue_indirect_dma source(%dma_start3A_335 : memref<1048576x32xbf16, #tpu.memory_space<hbm>>) target(%dma_start3A_330 : memref<128x32xbf16, #tpu.memory_space<vmem>>) offsets(%dma_start3A_332 : memref<128xi32, #tpu.memory_space<vmem>>) semaphore(%arg17 : memref<!tpu.dma_semaphore, #tpu.memory_space<semaphore_mem>>)
      %dma_start3A_336 = arith.constant 1152 : i32
      %dma_start3A_337 = arith.constant 0 : i32
      %dma_start3A_338 = tpu.memref_slice %arg14[%dma_start3A_336, %dma_start3A_337] : memref<2048x32xbf16, #tpu.memory_space<vmem>> -> memref<128x32xbf16, #tpu.memory_space<vmem>>
      %dma_start3A_339 = arith.constant 1152 : i32
      %dma_start3A_340 = tpu.memref_slice %arg10[%dma_start3A_339] : memref<2048xi32, #tpu.memory_space<vmem>> -> memref<128xi32, #tpu.memory_space<vmem>>
      %dma_start3A_341 = arith.constant 0 : i32
      %dma_start3A_342 = arith.constant 0 : i32
      %dma_start3A_343 = tpu.memref_slice %arg2[%dma_start3A_341, %dma_start3A_342] : memref<1048576x32xbf16, #tpu.memory_space<hbm>> -> memref<1048576x32xbf16, #tpu.memory_space<hbm>>
      tpu.enqueue_indirect_dma source(%dma_start3A_343 : memref<1048576x32xbf16, #tpu.memory_space<hbm>>) target(%dma_start3A_338 : memref<128x32xbf16, #tpu.memory_space<vmem>>) offsets(%dma_start3A_340 : memref<128xi32, #tpu.memory_space<vmem>>) semaphore(%arg17 : memref<!tpu.dma_semaphore, #tpu.memory_space<semaphore_mem>>)
      %dma_start3A_344 = arith.constant 1280 : i32
      %dma_start3A_345 = arith.constant 0 : i32
      %dma_start3A_346 = tpu.memref_slice %arg14[%dma_start3A_344, %dma_start3A_345] : memref<2048x32xbf16, #tpu.memory_space<vmem>> -> memref<128x32xbf16, #tpu.memory_space<vmem>>
      %dma_start3A_347 = arith.constant 1280 : i32
      %dma_start3A_348 = tpu.memref_slice %arg10[%dma_start3A_347] : memref<2048xi32, #tpu.memory_space<vmem>> -> memref<128xi32, #tpu.memory_space<vmem>>
      %dma_start3A_349 = arith.constant 0 : i32
      %dma_start3A_350 = arith.constant 0 : i32
      %dma_start3A_351 = tpu.memref_slice %arg2[%dma_start3A_349, %dma_start3A_350] : memref<1048576x32xbf16, #tpu.memory_space<hbm>> -> memref<1048576x32xbf16, #tpu.memory_space<hbm>>
      tpu.enqueue_indirect_dma source(%dma_start3A_351 : memref<1048576x32xbf16, #tpu.memory_space<hbm>>) target(%dma_start3A_346 : memref<128x32xbf16, #tpu.memory_space<vmem>>) offsets(%dma_start3A_348 : memref<128xi32, #tpu.memory_space<vmem>>) semaphore(%arg17 : memref<!tpu.dma_semaphore, #tpu.memory_space<semaphore_mem>>)
      %dma_start3A_352 = arith.constant 1408 : i32
      %dma_start3A_353 = arith.constant 0 : i32
      %dma_start3A_354 = tpu.memref_slice %arg14[%dma_start3A_352, %dma_start3A_353] : memref<2048x32xbf16, #tpu.memory_space<vmem>> -> memref<128x32xbf16, #tpu.memory_space<vmem>>
      %dma_start3A_355 = arith.constant 1408 : i32
      %dma_start3A_356 = tpu.memref_slice %arg10[%dma_start3A_355] : memref<2048xi32, #tpu.memory_space<vmem>> -> memref<128xi32, #tpu.memory_space<vmem>>
      %dma_start3A_357 = arith.constant 0 : i32
      %dma_start3A_358 = arith.constant 0 : i32
      %dma_start3A_359 = tpu.memref_slice %arg2[%dma_start3A_357, %dma_start3A_358] : memref<1048576x32xbf16, #tpu.memory_space<hbm>> -> memref<1048576x32xbf16, #tpu.memory_space<hbm>>
      tpu.enqueue_indirect_dma source(%dma_start3A_359 : memref<1048576x32xbf16, #tpu.memory_space<hbm>>) target(%dma_start3A_354 : memref<128x32xbf16, #tpu.memory_space<vmem>>) offsets(%dma_start3A_356 : memref<128xi32, #tpu.memory_space<vmem>>) semaphore(%arg17 : memref<!tpu.dma_semaphore, #tpu.memory_space<semaphore_mem>>)
      %dma_start3A_360 = arith.constant 1536 : i32
      %dma_start3A_361 = arith.constant 0 : i32
      %dma_start3A_362 = tpu.memref_slice %arg14[%dma_start3A_360, %dma_start3A_361] : memref<2048x32xbf16, #tpu.memory_space<vmem>> -> memref<128x32xbf16, #tpu.memory_space<vmem>>
      %dma_start3A_363 = arith.constant 1536 : i32
      %dma_start3A_364 = tpu.memref_slice %arg10[%dma_start3A_363] : memref<2048xi32, #tpu.memory_space<vmem>> -> memref<128xi32, #tpu.memory_space<vmem>>
      %dma_start3A_365 = arith.constant 0 : i32
      %dma_start3A_366 = arith.constant 0 : i32
      %dma_start3A_367 = tpu.memref_slice %arg2[%dma_start3A_365, %dma_start3A_366] : memref<1048576x32xbf16, #tpu.memory_space<hbm>> -> memref<1048576x32xbf16, #tpu.memory_space<hbm>>
      tpu.enqueue_indirect_dma source(%dma_start3A_367 : memref<1048576x32xbf16, #tpu.memory_space<hbm>>) target(%dma_start3A_362 : memref<128x32xbf16, #tpu.memory_space<vmem>>) offsets(%dma_start3A_364 : memref<128xi32, #tpu.memory_space<vmem>>) semaphore(%arg17 : memref<!tpu.dma_semaphore, #tpu.memory_space<semaphore_mem>>)
      %dma_start3A_368 = arith.constant 1664 : i32
      %dma_start3A_369 = arith.constant 0 : i32
      %dma_start3A_370 = tpu.memref_slice %arg14[%dma_start3A_368, %dma_start3A_369] : memref<2048x32xbf16, #tpu.memory_space<vmem>> -> memref<128x32xbf16, #tpu.memory_space<vmem>>
      %dma_start3A_371 = arith.constant 1664 : i32
      %dma_start3A_372 = tpu.memref_slice %arg10[%dma_start3A_371] : memref<2048xi32, #tpu.memory_space<vmem>> -> memref<128xi32, #tpu.memory_space<vmem>>
      %dma_start3A_373 = arith.constant 0 : i32
      %dma_start3A_374 = arith.constant 0 : i32
      %dma_start3A_375 = tpu.memref_slice %arg2[%dma_start3A_373, %dma_start3A_374] : memref<1048576x32xbf16, #tpu.memory_space<hbm>> -> memref<1048576x32xbf16, #tpu.memory_space<hbm>>
      tpu.enqueue_indirect_dma source(%dma_start3A_375 : memref<1048576x32xbf16, #tpu.memory_space<hbm>>) target(%dma_start3A_370 : memref<128x32xbf16, #tpu.memory_space<vmem>>) offsets(%dma_start3A_372 : memref<128xi32, #tpu.memory_space<vmem>>) semaphore(%arg17 : memref<!tpu.dma_semaphore, #tpu.memory_space<semaphore_mem>>)
      %dma_start3A_376 = arith.constant 1792 : i32
      %dma_start3A_377 = arith.constant 0 : i32
      %dma_start3A_378 = tpu.memref_slice %arg14[%dma_start3A_376, %dma_start3A_377] : memref<2048x32xbf16, #tpu.memory_space<vmem>> -> memref<128x32xbf16, #tpu.memory_space<vmem>>
      %dma_start3A_379 = arith.constant 1792 : i32
      %dma_start3A_380 = tpu.memref_slice %arg10[%dma_start3A_379] : memref<2048xi32, #tpu.memory_space<vmem>> -> memref<128xi32, #tpu.memory_space<vmem>>
      %dma_start3A_381 = arith.constant 0 : i32
      %dma_start3A_382 = arith.constant 0 : i32
      %dma_start3A_383 = tpu.memref_slice %arg2[%dma_start3A_381, %dma_start3A_382] : memref<1048576x32xbf16, #tpu.memory_space<hbm>> -> memref<1048576x32xbf16, #tpu.memory_space<hbm>>
      tpu.enqueue_indirect_dma source(%dma_start3A_383 : memref<1048576x32xbf16, #tpu.memory_space<hbm>>) target(%dma_start3A_378 : memref<128x32xbf16, #tpu.memory_space<vmem>>) offsets(%dma_start3A_380 : memref<128xi32, #tpu.memory_space<vmem>>) semaphore(%arg17 : memref<!tpu.dma_semaphore, #tpu.memory_space<semaphore_mem>>)
      %dma_start3A_384 = arith.constant 1920 : i32
      %dma_start3A_385 = arith.constant 0 : i32
      %dma_start3A_386 = tpu.memref_slice %arg14[%dma_start3A_384, %dma_start3A_385] : memref<2048x32xbf16, #tpu.memory_space<vmem>> -> memref<128x32xbf16, #tpu.memory_space<vmem>>
      %dma_start3A_387 = arith.constant 1920 : i32
      %dma_start3A_388 = tpu.memref_slice %arg10[%dma_start3A_387] : memref<2048xi32, #tpu.memory_space<vmem>> -> memref<128xi32, #tpu.memory_space<vmem>>
      %dma_start3A_389 = arith.constant 0 : i32
      %dma_start3A_390 = arith.constant 0 : i32
      %dma_start3A_391 = tpu.memref_slice %arg2[%dma_start3A_389, %dma_start3A_390] : memref<1048576x32xbf16, #tpu.memory_space<hbm>> -> memref<1048576x32xbf16, #tpu.memory_space<hbm>>
      tpu.enqueue_indirect_dma source(%dma_start3A_391 : memref<1048576x32xbf16, #tpu.memory_space<hbm>>) target(%dma_start3A_386 : memref<128x32xbf16, #tpu.memory_space<vmem>>) offsets(%dma_start3A_388 : memref<128xi32, #tpu.memory_space<vmem>>) semaphore(%arg17 : memref<!tpu.dma_semaphore, #tpu.memory_space<semaphore_mem>>)
      %convert_element_type3A = arith.extui %lt3A_231 : i1 to i32
      %cond3A = arith.constant 0 : i32
      %cond3A_392 = arith.cmpi ne, %convert_element_type3A, %cond3A : i32
      scf.if %cond3A_392 {
        %add3A_499 = arith.constant 2 : i32
        %add3A_500 = arith.addi %mul3A_230, %add3A_499 : i32
        %mul3A_501 = arith.constant 256 : i32
        %mul3A_502 = arith.muli %add3A_500, %mul3A_501 : i32
        %add3A_503 = arith.addi %mul3A_18, %mul3A_502 : i32
        %dma_start3A_504 = arith.constant 0 : i32
        %dma_start3A_505 = tpu.memref_slice %arg7[%dma_start3A_504] : memref<768xf32, #tpu.memory_space<vmem>> -> memref<256xf32, #tpu.memory_space<vmem>>
        %dma_start3A_506 = tpu.memref_slice %arg3[%add3A_503] : memref<1048576xf32, #tpu.memory_space<hbm>> -> memref<256xf32, #tpu.memory_space<hbm>>
        %dma_start3A_507 = arith.constant 0 : i32
        %dma_start3A_508 = tpu.memref_slice %arg7[%dma_start3A_507] : memref<768xf32, #tpu.memory_space<vmem>> -> memref<256xf32, #tpu.memory_space<vmem>>
        %dma_start3A_509 = tpu.memref_slice %arg3[%add3A_503] : memref<1048576xf32, #tpu.memory_space<hbm>> -> memref<256xf32, #tpu.memory_space<hbm>>
        tpu.enqueue_dma source(%dma_start3A_509 : memref<256xf32, #tpu.memory_space<hbm>>) target(%dma_start3A_508 : memref<256xf32, #tpu.memory_space<vmem>>) target_semaphore(%arg18 : memref<!tpu.dma_semaphore, #tpu.memory_space<semaphore_mem>>)
        %dma_start3A_510 = arith.constant 256 : i32
        %dma_start3A_511 = tpu.memref_slice %arg7[%dma_start3A_510] : memref<768xf32, #tpu.memory_space<vmem>> -> memref<256xf32, #tpu.memory_space<vmem>>
        %dma_start3A_512 = tpu.memref_slice %arg4[%add3A_503] : memref<1048576xf32, #tpu.memory_space<hbm>> -> memref<256xf32, #tpu.memory_space<hbm>>
        %dma_start3A_513 = arith.constant 256 : i32
        %dma_start3A_514 = tpu.memref_slice %arg7[%dma_start3A_513] : memref<768xf32, #tpu.memory_space<vmem>> -> memref<256xf32, #tpu.memory_space<vmem>>
        %dma_start3A_515 = tpu.memref_slice %arg4[%add3A_503] : memref<1048576xf32, #tpu.memory_space<hbm>> -> memref<256xf32, #tpu.memory_space<hbm>>
        tpu.enqueue_dma source(%dma_start3A_515 : memref<256xf32, #tpu.memory_space<hbm>>) target(%dma_start3A_514 : memref<256xf32, #tpu.memory_space<vmem>>) target_semaphore(%arg18 : memref<!tpu.dma_semaphore, #tpu.memory_space<semaphore_mem>>)
        %dma_start3A_516 = arith.constant 512 : i32
        %dma_start3A_517 = tpu.memref_slice %arg7[%dma_start3A_516] : memref<768xf32, #tpu.memory_space<vmem>> -> memref<256xf32, #tpu.memory_space<vmem>>
        %dma_start3A_518 = tpu.memref_slice %arg5[%add3A_503] : memref<1048576xf32, #tpu.memory_space<hbm>> -> memref<256xf32, #tpu.memory_space<hbm>>
        %dma_start3A_519 = arith.constant 512 : i32
        %dma_start3A_520 = tpu.memref_slice %arg7[%dma_start3A_519] : memref<768xf32, #tpu.memory_space<vmem>> -> memref<256xf32, #tpu.memory_space<vmem>>
        %dma_start3A_521 = tpu.memref_slice %arg5[%add3A_503] : memref<1048576xf32, #tpu.memory_space<hbm>> -> memref<256xf32, #tpu.memory_space<hbm>>
        tpu.enqueue_dma source(%dma_start3A_521 : memref<256xf32, #tpu.memory_space<hbm>>) target(%dma_start3A_520 : memref<256xf32, #tpu.memory_space<vmem>>) target_semaphore(%arg18 : memref<!tpu.dma_semaphore, #tpu.memory_space<semaphore_mem>>)
      } else {
      }
      %dma_wait3A_393 = arith.constant 0 : i32
      %dma_wait3A_394 = arith.constant 0 : i32
      %dma_wait3A_395 = tpu.memref_slice %arg2[%dma_wait3A_393, %dma_wait3A_394] : memref<1048576x32xbf16, #tpu.memory_space<hbm>> -> memref<2048x32xbf16, #tpu.memory_space<hbm>>
      %dma_wait3A_396 = arith.constant 0 : i32
      %dma_wait3A_397 = arith.constant 0 : i32
      %dma_wait3A_398 = tpu.memref_slice %arg2[%dma_wait3A_396, %dma_wait3A_397] : memref<1048576x32xbf16, #tpu.memory_space<hbm>> -> memref<2048x32xbf16, #tpu.memory_space<hbm>>
      tpu.wait_dma2 semaphore(%arg16 : memref<!tpu.dma_semaphore, #tpu.memory_space<semaphore_mem>>) src(%dma_wait3A_398 : memref<2048x32xbf16, #tpu.memory_space<hbm>>) dst(%arg13 : memref<2048x32xbf16, #tpu.memory_space<vmem>>)
      %jit3A_399 = arith.constant 4 : i32
      %eq3A = arith.constant 0 : i32
      %eq3A_400 = arith.cmpi eq, %jit3A_399, %eq3A : i32
      %jit3A_401 = arith.constant 1 : i32
      %select_n3A_402 = arith.select %eq3A_400, %jit3A_401, %jit3A_399 : i32
      %rem3A_403 = arith.remsi %mul3A_230, %select_n3A_402 : i32
      %ne3A_404 = arith.constant 0 : i32
      %ne3A_405 = arith.cmpi ne, %rem3A_403, %ne3A_404 : i32
      %lt3A_406 = arith.constant 0 : i32
      %lt3A_407 = arith.cmpi slt, %rem3A_403, %lt3A_406 : i32
      %lt3A_408 = arith.constant 0 : i32
      %lt3A_409 = arith.cmpi slt, %select_n3A_402, %lt3A_408 : i32
      %ne3A_410 = arith.xori %lt3A_407, %lt3A_409 : i1
      %and3A_411 = arith.andi %ne3A_410, %ne3A_405 : i1
      %add3A_412 = arith.addi %rem3A_403, %select_n3A_402 : i32
      %select_n3A_413 = arith.select %and3A_411, %add3A_412, %rem3A_403 : i32
      %mul3A_414 = arith.constant 256 : i32
      %mul3A_415 = arith.muli %select_n3A_413, %mul3A_414 : i32
      %scan3A_416 = arith.constant 0 : i32
      %scan3A_417 = arith.constant 0 : i32
      %scan3A_418 = arith.constant 256 : i32
      %scan3A_419 = arith.addi %scan3A_417, %scan3A_418 : i32
      %scan3A_420 = arith.constant 4 : i32
      scf.for %scan3A_499 = %scan3A_417 to %scan3A_419 step %scan3A_420  : i32 {
        %mul3A_500 = arith.constant 9 : i32
        %mul3A_501 = arith.muli %scan3A_499, %mul3A_500 : i32
        %get3A = arith.index_cast %mul3A_501 : i32 to index
        %get3A_502 = tpu.vector_load %arg11[%get3A] {strides = array<i32>} : memref<2320xf32, #tpu.memory_space<vmem>>, vector<16xf32>,
        %slice3A = vector.extract_strided_slice %get3A_502 {offsets = [0], sizes = [1], strides = [1]} : vector<16xf32> to vector<1xf32>
        %squeeze3A = vector.extract %slice3A[0] : f32 from vector<1xf32>
        %slice3A_503 = vector.extract_strided_slice %get3A_502 {offsets = [1], sizes = [1], strides = [1]} : vector<16xf32> to vector<1xf32>
        %squeeze3A_504 = vector.extract %slice3A_503[0] : f32 from vector<1xf32>
        %slice3A_505 = vector.extract_strided_slice %get3A_502 {offsets = [2], sizes = [1], strides = [1]} : vector<16xf32> to vector<1xf32>
        %squeeze3A_506 = vector.extract %slice3A_505[0] : f32 from vector<1xf32>
        %slice3A_507 = vector.extract_strided_slice %get3A_502 {offsets = [3], sizes = [1], strides = [1]} : vector<16xf32> to vector<1xf32>
        %squeeze3A_508 = vector.extract %slice3A_507[0] : f32 from vector<1xf32>
        %slice3A_509 = vector.extract_strided_slice %get3A_502 {offsets = [4], sizes = [1], strides = [1]} : vector<16xf32> to vector<1xf32>
        %squeeze3A_510 = vector.extract %slice3A_509[0] : f32 from vector<1xf32>
        %slice3A_511 = vector.extract_strided_slice %get3A_502 {offsets = [5], sizes = [1], strides = [1]} : vector<16xf32> to vector<1xf32>
        %squeeze3A_512 = vector.extract %slice3A_511[0] : f32 from vector<1xf32>
        %slice3A_513 = vector.extract_strided_slice %get3A_502 {offsets = [6], sizes = [1], strides = [1]} : vector<16xf32> to vector<1xf32>
        %squeeze3A_514 = vector.extract %slice3A_513[0] : f32 from vector<1xf32>
        %slice3A_515 = vector.extract_strided_slice %get3A_502 {offsets = [7], sizes = [1], strides = [1]} : vector<16xf32> to vector<1xf32>
        %squeeze3A_516 = vector.extract %slice3A_515[0] : f32 from vector<1xf32>
        %add3A_517 = arith.constant 0 : i32
        %add3A_518 = arith.addi %add3A_517, %scan3A_499 : i32
        %get3A_519 = arith.index_cast %add3A_518 : i32 to index
        %get3A_520 = arith.constant 0 : index
        %get3A_521 = tpu.vector_load %arg13[%get3A_519, %get3A_520] {strides = array<i32>} : memref<2048x32xbf16, #tpu.memory_space<vmem>>, vector<32xbf16>,
        %unpack3A = tpu.unpack_subelements %get3A_521, 0 {pack_format = #tpu.pack_format<interleaved>} : vector<32xbf16> -> vector<16xf32>
        %unpack3A_522 = tpu.unpack_subelements %get3A_521, 1 {pack_format = #tpu.pack_format<interleaved>} : vector<32xbf16> -> vector<16xf32>
        %mul3A_523 = vector.broadcast %squeeze3A : f32 to vector<16xf32>
        %mul3A_524 = arith.mulf %mul3A_523, %unpack3A : vector<16xf32>
        %mul3A_525 = vector.broadcast %squeeze3A : f32 to vector<16xf32>
        %mul3A_526 = arith.mulf %mul3A_525, %unpack3A_522 : vector<16xf32>
        %add3A_527 = arith.constant 256 : i32
        %add3A_528 = arith.addi %add3A_527, %scan3A_499 : i32
        %get3A_529 = arith.index_cast %add3A_528 : i32 to index
        %get3A_530 = arith.constant 0 : index
        %get3A_531 = tpu.vector_load %arg13[%get3A_529, %get3A_530] {strides = array<i32>} : memref<2048x32xbf16, #tpu.memory_space<vmem>>, vector<32xbf16>,
        %unpack3A_532 = tpu.unpack_subelements %get3A_531, 0 {pack_format = #tpu.pack_format<interleaved>} : vector<32xbf16> -> vector<16xf32>
        %unpack3A_533 = tpu.unpack_subelements %get3A_531, 1 {pack_format = #tpu.pack_format<interleaved>} : vector<32xbf16> -> vector<16xf32>
        %mul3A_534 = vector.broadcast %squeeze3A_504 : f32 to vector<16xf32>
        %mul3A_535 = arith.mulf %mul3A_534, %unpack3A_532 : vector<16xf32>
        %add3A_536 = arith.addf %mul3A_524, %mul3A_535 : vector<16xf32>
        %mul3A_537 = vector.broadcast %squeeze3A_504 : f32 to vector<16xf32>
        %mul3A_538 = arith.mulf %mul3A_537, %unpack3A_533 : vector<16xf32>
        %add3A_539 = arith.addf %mul3A_526, %mul3A_538 : vector<16xf32>
        %add3A_540 = arith.constant 512 : i32
        %add3A_541 = arith.addi %add3A_540, %scan3A_499 : i32
        %get3A_542 = arith.index_cast %add3A_541 : i32 to index
        %get3A_543 = arith.constant 0 : index
        %get3A_544 = tpu.vector_load %arg13[%get3A_542, %get3A_543] {strides = array<i32>} : memref<2048x32xbf16, #tpu.memory_space<vmem>>, vector<32xbf16>,
        %unpack3A_545 = tpu.unpack_subelements %get3A_544, 0 {pack_format = #tpu.pack_format<interleaved>} : vector<32xbf16> -> vector<16xf32>
        %unpack3A_546 = tpu.unpack_subelements %get3A_544, 1 {pack_format = #tpu.pack_format<interleaved>} : vector<32xbf16> -> vector<16xf32>
        %mul3A_547 = vector.broadcast %squeeze3A_506 : f32 to vector<16xf32>
        %mul3A_548 = arith.mulf %mul3A_547, %unpack3A_545 : vector<16xf32>
        %add3A_549 = arith.addf %add3A_536, %mul3A_548 : vector<16xf32>
        %mul3A_550 = vector.broadcast %squeeze3A_506 : f32 to vector<16xf32>
        %mul3A_551 = arith.mulf %mul3A_550, %unpack3A_546 : vector<16xf32>
        %add3A_552 = arith.addf %add3A_539, %mul3A_551 : vector<16xf32>
        %add3A_553 = arith.constant 768 : i32
        %add3A_554 = arith.addi %add3A_553, %scan3A_499 : i32
        %get3A_555 = arith.index_cast %add3A_554 : i32 to index
        %get3A_556 = arith.constant 0 : index
        %get3A_557 = tpu.vector_load %arg13[%get3A_555, %get3A_556] {strides = array<i32>} : memref<2048x32xbf16, #tpu.memory_space<vmem>>, vector<32xbf16>,
        %unpack3A_558 = tpu.unpack_subelements %get3A_557, 0 {pack_format = #tpu.pack_format<interleaved>} : vector<32xbf16> -> vector<16xf32>
        %unpack3A_559 = tpu.unpack_subelements %get3A_557, 1 {pack_format = #tpu.pack_format<interleaved>} : vector<32xbf16> -> vector<16xf32>
        %mul3A_560 = vector.broadcast %squeeze3A_508 : f32 to vector<16xf32>
        %mul3A_561 = arith.mulf %mul3A_560, %unpack3A_558 : vector<16xf32>
        %add3A_562 = arith.addf %add3A_549, %mul3A_561 : vector<16xf32>
        %mul3A_563 = vector.broadcast %squeeze3A_508 : f32 to vector<16xf32>
        %mul3A_564 = arith.mulf %mul3A_563, %unpack3A_559 : vector<16xf32>
        %add3A_565 = arith.addf %add3A_552, %mul3A_564 : vector<16xf32>
        %add3A_566 = arith.constant 1024 : i32
        %add3A_567 = arith.addi %add3A_566, %scan3A_499 : i32
        %get3A_568 = arith.index_cast %add3A_567 : i32 to index
        %get3A_569 = arith.constant 0 : index
        %get3A_570 = tpu.vector_load %arg13[%get3A_568, %get3A_569] {strides = array<i32>} : memref<2048x32xbf16, #tpu.memory_space<vmem>>, vector<32xbf16>,
        %unpack3A_571 = tpu.unpack_subelements %get3A_570, 0 {pack_format = #tpu.pack_format<interleaved>} : vector<32xbf16> -> vector<16xf32>
        %unpack3A_572 = tpu.unpack_subelements %get3A_570, 1 {pack_format = #tpu.pack_format<interleaved>} : vector<32xbf16> -> vector<16xf32>
        %mul3A_573 = vector.broadcast %squeeze3A_510 : f32 to vector<16xf32>
        %mul3A_574 = arith.mulf %mul3A_573, %unpack3A_571 : vector<16xf32>
        %add3A_575 = arith.addf %add3A_562, %mul3A_574 : vector<16xf32>
        %mul3A_576 = vector.broadcast %squeeze3A_510 : f32 to vector<16xf32>
        %mul3A_577 = arith.mulf %mul3A_576, %unpack3A_572 : vector<16xf32>
        %add3A_578 = arith.addf %add3A_565, %mul3A_577 : vector<16xf32>
        %add3A_579 = arith.constant 1280 : i32
        %add3A_580 = arith.addi %add3A_579, %scan3A_499 : i32
        %get3A_581 = arith.index_cast %add3A_580 : i32 to index
        %get3A_582 = arith.constant 0 : index
        %get3A_583 = tpu.vector_load %arg13[%get3A_581, %get3A_582] {strides = array<i32>} : memref<2048x32xbf16, #tpu.memory_space<vmem>>, vector<32xbf16>,
        %unpack3A_584 = tpu.unpack_subelements %get3A_583, 0 {pack_format = #tpu.pack_format<interleaved>} : vector<32xbf16> -> vector<16xf32>
        %unpack3A_585 = tpu.unpack_subelements %get3A_583, 1 {pack_format = #tpu.pack_format<interleaved>} : vector<32xbf16> -> vector<16xf32>
        %mul3A_586 = vector.broadcast %squeeze3A_512 : f32 to vector<16xf32>
        %mul3A_587 = arith.mulf %mul3A_586, %unpack3A_584 : vector<16xf32>
        %add3A_588 = arith.addf %add3A_575, %mul3A_587 : vector<16xf32>
        %mul3A_589 = vector.broadcast %squeeze3A_512 : f32 to vector<16xf32>
        %mul3A_590 = arith.mulf %mul3A_589, %unpack3A_585 : vector<16xf32>
        %add3A_591 = arith.addf %add3A_578, %mul3A_590 : vector<16xf32>
        %add3A_592 = arith.constant 1536 : i32
        %add3A_593 = arith.addi %add3A_592, %scan3A_499 : i32
        %get3A_594 = arith.index_cast %add3A_593 : i32 to index
        %get3A_595 = arith.constant 0 : index
        %get3A_596 = tpu.vector_load %arg13[%get3A_594, %get3A_595] {strides = array<i32>} : memref<2048x32xbf16, #tpu.memory_space<vmem>>, vector<32xbf16>,
        %unpack3A_597 = tpu.unpack_subelements %get3A_596, 0 {pack_format = #tpu.pack_format<interleaved>} : vector<32xbf16> -> vector<16xf32>
        %unpack3A_598 = tpu.unpack_subelements %get3A_596, 1 {pack_format = #tpu.pack_format<interleaved>} : vector<32xbf16> -> vector<16xf32>
        %mul3A_599 = vector.broadcast %squeeze3A_514 : f32 to vector<16xf32>
        %mul3A_600 = arith.mulf %mul3A_599, %unpack3A_597 : vector<16xf32>
        %add3A_601 = arith.addf %add3A_588, %mul3A_600 : vector<16xf32>
        %mul3A_602 = vector.broadcast %squeeze3A_514 : f32 to vector<16xf32>
        %mul3A_603 = arith.mulf %mul3A_602, %unpack3A_598 : vector<16xf32>
        %add3A_604 = arith.addf %add3A_591, %mul3A_603 : vector<16xf32>
        %add3A_605 = arith.constant 1792 : i32
        %add3A_606 = arith.addi %add3A_605, %scan3A_499 : i32
        %get3A_607 = arith.index_cast %add3A_606 : i32 to index
        %get3A_608 = arith.constant 0 : index
        %get3A_609 = tpu.vector_load %arg13[%get3A_607, %get3A_608] {strides = array<i32>} : memref<2048x32xbf16, #tpu.memory_space<vmem>>, vector<32xbf16>,
        %unpack3A_610 = tpu.unpack_subelements %get3A_609, 0 {pack_format = #tpu.pack_format<interleaved>} : vector<32xbf16> -> vector<16xf32>
        %unpack3A_611 = tpu.unpack_subelements %get3A_609, 1 {pack_format = #tpu.pack_format<interleaved>} : vector<32xbf16> -> vector<16xf32>
        %mul3A_612 = vector.broadcast %squeeze3A_516 : f32 to vector<16xf32>
        %mul3A_613 = arith.mulf %mul3A_612, %unpack3A_610 : vector<16xf32>
        %add3A_614 = arith.addf %add3A_601, %mul3A_613 : vector<16xf32>
        %mul3A_615 = vector.broadcast %squeeze3A_516 : f32 to vector<16xf32>
        %mul3A_616 = arith.mulf %mul3A_615, %unpack3A_611 : vector<16xf32>
        %add3A_617 = arith.addf %add3A_604, %mul3A_616 : vector<16xf32>
        %add3A_618 = arith.addi %mul3A_415, %scan3A_499 : i32
        %broadcast_in_dim3A = vector.broadcast %add3A_618 : i32 to vector<16xi32>
        tpu.vector_store_idx %arg15[%mul3A_26, %broadcast_in_dim3A], %add3A_614 : memref<32x1025xf32, #tpu.memory_space<vmem>>[vector<16xi32>, vector<16xi32>], vector<16xf32>,
        %add3A_619 = arith.constant 1 : i32
        %add3A_620 = vector.broadcast %add3A_619 : i32 to vector<16xi32>
        %add3A_621 = arith.addi %mul3A_26, %add3A_620 : vector<16xi32>
        tpu.vector_store_idx %arg15[%add3A_621, %broadcast_in_dim3A], %add3A_617 : memref<32x1025xf32, #tpu.memory_space<vmem>>[vector<16xi32>, vector<16xi32>], vector<16xf32>,
        %scan3A_622 = arith.constant 1 : i32
        %scan3A_623 = arith.addi %scan3A_499, %scan3A_622 : i32
        %mul3A_624 = arith.constant 9 : i32
        %mul3A_625 = arith.muli %scan3A_623, %mul3A_624 : i32
        %get3A_626 = arith.index_cast %mul3A_625 : i32 to index
        %get3A_627 = tpu.vector_load %arg11[%get3A_626] {strides = array<i32>} : memref<2320xf32, #tpu.memory_space<vmem>>, vector<16xf32>,
        %slice3A_628 = vector.extract_strided_slice %get3A_627 {offsets = [0], sizes = [1], strides = [1]} : vector<16xf32> to vector<1xf32>
        %squeeze3A_629 = vector.extract %slice3A_628[0] : f32 from vector<1xf32>
        %slice3A_630 = vector.extract_strided_slice %get3A_627 {offsets = [1], sizes = [1], strides = [1]} : vector<16xf32> to vector<1xf32>
        %squeeze3A_631 = vector.extract %slice3A_630[0] : f32 from vector<1xf32>
        %slice3A_632 = vector.extract_strided_slice %get3A_627 {offsets = [2], sizes = [1], strides = [1]} : vector<16xf32> to vector<1xf32>
        %squeeze3A_633 = vector.extract %slice3A_632[0] : f32 from vector<1xf32>
        %slice3A_634 = vector.extract_strided_slice %get3A_627 {offsets = [3], sizes = [1], strides = [1]} : vector<16xf32> to vector<1xf32>
        %squeeze3A_635 = vector.extract %slice3A_634[0] : f32 from vector<1xf32>
        %slice3A_636 = vector.extract_strided_slice %get3A_627 {offsets = [4], sizes = [1], strides = [1]} : vector<16xf32> to vector<1xf32>
        %squeeze3A_637 = vector.extract %slice3A_636[0] : f32 from vector<1xf32>
        %slice3A_638 = vector.extract_strided_slice %get3A_627 {offsets = [5], sizes = [1], strides = [1]} : vector<16xf32> to vector<1xf32>
        %squeeze3A_639 = vector.extract %slice3A_638[0] : f32 from vector<1xf32>
        %slice3A_640 = vector.extract_strided_slice %get3A_627 {offsets = [6], sizes = [1], strides = [1]} : vector<16xf32> to vector<1xf32>
        %squeeze3A_641 = vector.extract %slice3A_640[0] : f32 from vector<1xf32>
        %slice3A_642 = vector.extract_strided_slice %get3A_627 {offsets = [7], sizes = [1], strides = [1]} : vector<16xf32> to vector<1xf32>
        %squeeze3A_643 = vector.extract %slice3A_642[0] : f32 from vector<1xf32>
        %add3A_644 = arith.constant 0 : i32
        %add3A_645 = arith.addi %add3A_644, %scan3A_623 : i32
        %get3A_646 = arith.index_cast %add3A_645 : i32 to index
        %get3A_647 = arith.constant 0 : index
        %get3A_648 = tpu.vector_load %arg13[%get3A_646, %get3A_647] {strides = array<i32>} : memref<2048x32xbf16, #tpu.memory_space<vmem>>, vector<32xbf16>,
        %unpack3A_649 = tpu.unpack_subelements %get3A_648, 0 {pack_format = #tpu.pack_format<interleaved>} : vector<32xbf16> -> vector<16xf32>
        %unpack3A_650 = tpu.unpack_subelements %get3A_648, 1 {pack_format = #tpu.pack_format<interleaved>} : vector<32xbf16> -> vector<16xf32>
        %mul3A_651 = vector.broadcast %squeeze3A_629 : f32 to vector<16xf32>
        %mul3A_652 = arith.mulf %mul3A_651, %unpack3A_649 : vector<16xf32>
        %mul3A_653 = vector.broadcast %squeeze3A_629 : f32 to vector<16xf32>
        %mul3A_654 = arith.mulf %mul3A_653, %unpack3A_650 : vector<16xf32>
        %add3A_655 = arith.constant 256 : i32
        %add3A_656 = arith.addi %add3A_655, %scan3A_623 : i32
        %get3A_657 = arith.index_cast %add3A_656 : i32 to index
        %get3A_658 = arith.constant 0 : index
        %get3A_659 = tpu.vector_load %arg13[%get3A_657, %get3A_658] {strides = array<i32>} : memref<2048x32xbf16, #tpu.memory_space<vmem>>, vector<32xbf16>,
        %unpack3A_660 = tpu.unpack_subelements %get3A_659, 0 {pack_format = #tpu.pack_format<interleaved>} : vector<32xbf16> -> vector<16xf32>
        %unpack3A_661 = tpu.unpack_subelements %get3A_659, 1 {pack_format = #tpu.pack_format<interleaved>} : vector<32xbf16> -> vector<16xf32>
        %mul3A_662 = vector.broadcast %squeeze3A_631 : f32 to vector<16xf32>
        %mul3A_663 = arith.mulf %mul3A_662, %unpack3A_660 : vector<16xf32>
        %add3A_664 = arith.addf %mul3A_652, %mul3A_663 : vector<16xf32>
        %mul3A_665 = vector.broadcast %squeeze3A_631 : f32 to vector<16xf32>
        %mul3A_666 = arith.mulf %mul3A_665, %unpack3A_661 : vector<16xf32>
        %add3A_667 = arith.addf %mul3A_654, %mul3A_666 : vector<16xf32>
        %add3A_668 = arith.constant 512 : i32
        %add3A_669 = arith.addi %add3A_668, %scan3A_623 : i32
        %get3A_670 = arith.index_cast %add3A_669 : i32 to index
        %get3A_671 = arith.constant 0 : index
        %get3A_672 = tpu.vector_load %arg13[%get3A_670, %get3A_671] {strides = array<i32>} : memref<2048x32xbf16, #tpu.memory_space<vmem>>, vector<32xbf16>,
        %unpack3A_673 = tpu.unpack_subelements %get3A_672, 0 {pack_format = #tpu.pack_format<interleaved>} : vector<32xbf16> -> vector<16xf32>
        %unpack3A_674 = tpu.unpack_subelements %get3A_672, 1 {pack_format = #tpu.pack_format<interleaved>} : vector<32xbf16> -> vector<16xf32>
        %mul3A_675 = vector.broadcast %squeeze3A_633 : f32 to vector<16xf32>
        %mul3A_676 = arith.mulf %mul3A_675, %unpack3A_673 : vector<16xf32>
        %add3A_677 = arith.addf %add3A_664, %mul3A_676 : vector<16xf32>
        %mul3A_678 = vector.broadcast %squeeze3A_633 : f32 to vector<16xf32>
        %mul3A_679 = arith.mulf %mul3A_678, %unpack3A_674 : vector<16xf32>
        %add3A_680 = arith.addf %add3A_667, %mul3A_679 : vector<16xf32>
        %add3A_681 = arith.constant 768 : i32
        %add3A_682 = arith.addi %add3A_681, %scan3A_623 : i32
        %get3A_683 = arith.index_cast %add3A_682 : i32 to index
        %get3A_684 = arith.constant 0 : index
        %get3A_685 = tpu.vector_load %arg13[%get3A_683, %get3A_684] {strides = array<i32>} : memref<2048x32xbf16, #tpu.memory_space<vmem>>, vector<32xbf16>,
        %unpack3A_686 = tpu.unpack_subelements %get3A_685, 0 {pack_format = #tpu.pack_format<interleaved>} : vector<32xbf16> -> vector<16xf32>
        %unpack3A_687 = tpu.unpack_subelements %get3A_685, 1 {pack_format = #tpu.pack_format<interleaved>} : vector<32xbf16> -> vector<16xf32>
        %mul3A_688 = vector.broadcast %squeeze3A_635 : f32 to vector<16xf32>
        %mul3A_689 = arith.mulf %mul3A_688, %unpack3A_686 : vector<16xf32>
        %add3A_690 = arith.addf %add3A_677, %mul3A_689 : vector<16xf32>
        %mul3A_691 = vector.broadcast %squeeze3A_635 : f32 to vector<16xf32>
        %mul3A_692 = arith.mulf %mul3A_691, %unpack3A_687 : vector<16xf32>
        %add3A_693 = arith.addf %add3A_680, %mul3A_692 : vector<16xf32>
        %add3A_694 = arith.constant 1024 : i32
        %add3A_695 = arith.addi %add3A_694, %scan3A_623 : i32
        %get3A_696 = arith.index_cast %add3A_695 : i32 to index
        %get3A_697 = arith.constant 0 : index
        %get3A_698 = tpu.vector_load %arg13[%get3A_696, %get3A_697] {strides = array<i32>} : memref<2048x32xbf16, #tpu.memory_space<vmem>>, vector<32xbf16>,
        %unpack3A_699 = tpu.unpack_subelements %get3A_698, 0 {pack_format = #tpu.pack_format<interleaved>} : vector<32xbf16> -> vector<16xf32>
        %unpack3A_700 = tpu.unpack_subelements %get3A_698, 1 {pack_format = #tpu.pack_format<interleaved>} : vector<32xbf16> -> vector<16xf32>
        %mul3A_701 = vector.broadcast %squeeze3A_637 : f32 to vector<16xf32>
        %mul3A_702 = arith.mulf %mul3A_701, %unpack3A_699 : vector<16xf32>
        %add3A_703 = arith.addf %add3A_690, %mul3A_702 : vector<16xf32>
        %mul3A_704 = vector.broadcast %squeeze3A_637 : f32 to vector<16xf32>
        %mul3A_705 = arith.mulf %mul3A_704, %unpack3A_700 : vector<16xf32>
        %add3A_706 = arith.addf %add3A_693, %mul3A_705 : vector<16xf32>
        %add3A_707 = arith.constant 1280 : i32
        %add3A_708 = arith.addi %add3A_707, %scan3A_623 : i32
        %get3A_709 = arith.index_cast %add3A_708 : i32 to index
        %get3A_710 = arith.constant 0 : index
        %get3A_711 = tpu.vector_load %arg13[%get3A_709, %get3A_710] {strides = array<i32>} : memref<2048x32xbf16, #tpu.memory_space<vmem>>, vector<32xbf16>,
        %unpack3A_712 = tpu.unpack_subelements %get3A_711, 0 {pack_format = #tpu.pack_format<interleaved>} : vector<32xbf16> -> vector<16xf32>
        %unpack3A_713 = tpu.unpack_subelements %get3A_711, 1 {pack_format = #tpu.pack_format<interleaved>} : vector<32xbf16> -> vector<16xf32>
        %mul3A_714 = vector.broadcast %squeeze3A_639 : f32 to vector<16xf32>
        %mul3A_715 = arith.mulf %mul3A_714, %unpack3A_712 : vector<16xf32>
        %add3A_716 = arith.addf %add3A_703, %mul3A_715 : vector<16xf32>
        %mul3A_717 = vector.broadcast %squeeze3A_639 : f32 to vector<16xf32>
        %mul3A_718 = arith.mulf %mul3A_717, %unpack3A_713 : vector<16xf32>
        %add3A_719 = arith.addf %add3A_706, %mul3A_718 : vector<16xf32>
        %add3A_720 = arith.constant 1536 : i32
        %add3A_721 = arith.addi %add3A_720, %scan3A_623 : i32
        %get3A_722 = arith.index_cast %add3A_721 : i32 to index
        %get3A_723 = arith.constant 0 : index
        %get3A_724 = tpu.vector_load %arg13[%get3A_722, %get3A_723] {strides = array<i32>} : memref<2048x32xbf16, #tpu.memory_space<vmem>>, vector<32xbf16>,
        %unpack3A_725 = tpu.unpack_subelements %get3A_724, 0 {pack_format = #tpu.pack_format<interleaved>} : vector<32xbf16> -> vector<16xf32>
        %unpack3A_726 = tpu.unpack_subelements %get3A_724, 1 {pack_format = #tpu.pack_format<interleaved>} : vector<32xbf16> -> vector<16xf32>
        %mul3A_727 = vector.broadcast %squeeze3A_641 : f32 to vector<16xf32>
        %mul3A_728 = arith.mulf %mul3A_727, %unpack3A_725 : vector<16xf32>
        %add3A_729 = arith.addf %add3A_716, %mul3A_728 : vector<16xf32>
        %mul3A_730 = vector.broadcast %squeeze3A_641 : f32 to vector<16xf32>
        %mul3A_731 = arith.mulf %mul3A_730, %unpack3A_726 : vector<16xf32>
        %add3A_732 = arith.addf %add3A_719, %mul3A_731 : vector<16xf32>
        %add3A_733 = arith.constant 1792 : i32
        %add3A_734 = arith.addi %add3A_733, %scan3A_623 : i32
        %get3A_735 = arith.index_cast %add3A_734 : i32 to index
        %get3A_736 = arith.constant 0 : index
        %get3A_737 = tpu.vector_load %arg13[%get3A_735, %get3A_736] {strides = array<i32>} : memref<2048x32xbf16, #tpu.memory_space<vmem>>, vector<32xbf16>,
        %unpack3A_738 = tpu.unpack_subelements %get3A_737, 0 {pack_format = #tpu.pack_format<interleaved>} : vector<32xbf16> -> vector<16xf32>
        %unpack3A_739 = tpu.unpack_subelements %get3A_737, 1 {pack_format = #tpu.pack_format<interleaved>} : vector<32xbf16> -> vector<16xf32>
        %mul3A_740 = vector.broadcast %squeeze3A_643 : f32 to vector<16xf32>
        %mul3A_741 = arith.mulf %mul3A_740, %unpack3A_738 : vector<16xf32>
        %add3A_742 = arith.addf %add3A_729, %mul3A_741 : vector<16xf32>
        %mul3A_743 = vector.broadcast %squeeze3A_643 : f32 to vector<16xf32>
        %mul3A_744 = arith.mulf %mul3A_743, %unpack3A_739 : vector<16xf32>
        %add3A_745 = arith.addf %add3A_732, %mul3A_744 : vector<16xf32>
        %add3A_746 = arith.addi %mul3A_415, %scan3A_623 : i32
        %broadcast_in_dim3A_747 = vector.broadcast %add3A_746 : i32 to vector<16xi32>
        tpu.vector_store_idx %arg15[%mul3A_26, %broadcast_in_dim3A_747], %add3A_742 : memref<32x1025xf32, #tpu.memory_space<vmem>>[vector<16xi32>, vector<16xi32>], vector<16xf32>,
        %add3A_748 = arith.constant 1 : i32
        %add3A_749 = vector.broadcast %add3A_748 : i32 to vector<16xi32>
        %add3A_750 = arith.addi %mul3A_26, %add3A_749 : vector<16xi32>
        tpu.vector_store_idx %arg15[%add3A_750, %broadcast_in_dim3A_747], %add3A_745 : memref<32x1025xf32, #tpu.memory_space<vmem>>[vector<16xi32>, vector<16xi32>], vector<16xf32>,
        %scan3A_751 = arith.constant 2 : i32
        %scan3A_752 = arith.addi %scan3A_499, %scan3A_751 : i32
        %mul3A_753 = arith.constant 9 : i32
        %mul3A_754 = arith.muli %scan3A_752, %mul3A_753 : i32
        %get3A_755 = arith.index_cast %mul3A_754 : i32 to index
        %get3A_756 = tpu.vector_load %arg11[%get3A_755] {strides = array<i32>} : memref<2320xf32, #tpu.memory_space<vmem>>, vector<16xf32>,
        %slice3A_757 = vector.extract_strided_slice %get3A_756 {offsets = [0], sizes = [1], strides = [1]} : vector<16xf32> to vector<1xf32>
        %squeeze3A_758 = vector.extract %slice3A_757[0] : f32 from vector<1xf32>
        %slice3A_759 = vector.extract_strided_slice %get3A_756 {offsets = [1], sizes = [1], strides = [1]} : vector<16xf32> to vector<1xf32>
        %squeeze3A_760 = vector.extract %slice3A_759[0] : f32 from vector<1xf32>
        %slice3A_761 = vector.extract_strided_slice %get3A_756 {offsets = [2], sizes = [1], strides = [1]} : vector<16xf32> to vector<1xf32>
        %squeeze3A_762 = vector.extract %slice3A_761[0] : f32 from vector<1xf32>
        %slice3A_763 = vector.extract_strided_slice %get3A_756 {offsets = [3], sizes = [1], strides = [1]} : vector<16xf32> to vector<1xf32>
        %squeeze3A_764 = vector.extract %slice3A_763[0] : f32 from vector<1xf32>
        %slice3A_765 = vector.extract_strided_slice %get3A_756 {offsets = [4], sizes = [1], strides = [1]} : vector<16xf32> to vector<1xf32>
        %squeeze3A_766 = vector.extract %slice3A_765[0] : f32 from vector<1xf32>
        %slice3A_767 = vector.extract_strided_slice %get3A_756 {offsets = [5], sizes = [1], strides = [1]} : vector<16xf32> to vector<1xf32>
        %squeeze3A_768 = vector.extract %slice3A_767[0] : f32 from vector<1xf32>
        %slice3A_769 = vector.extract_strided_slice %get3A_756 {offsets = [6], sizes = [1], strides = [1]} : vector<16xf32> to vector<1xf32>
        %squeeze3A_770 = vector.extract %slice3A_769[0] : f32 from vector<1xf32>
        %slice3A_771 = vector.extract_strided_slice %get3A_756 {offsets = [7], sizes = [1], strides = [1]} : vector<16xf32> to vector<1xf32>
        %squeeze3A_772 = vector.extract %slice3A_771[0] : f32 from vector<1xf32>
        %add3A_773 = arith.constant 0 : i32
        %add3A_774 = arith.addi %add3A_773, %scan3A_752 : i32
        %get3A_775 = arith.index_cast %add3A_774 : i32 to index
        %get3A_776 = arith.constant 0 : index
        %get3A_777 = tpu.vector_load %arg13[%get3A_775, %get3A_776] {strides = array<i32>} : memref<2048x32xbf16, #tpu.memory_space<vmem>>, vector<32xbf16>,
        %unpack3A_778 = tpu.unpack_subelements %get3A_777, 0 {pack_format = #tpu.pack_format<interleaved>} : vector<32xbf16> -> vector<16xf32>
        %unpack3A_779 = tpu.unpack_subelements %get3A_777, 1 {pack_format = #tpu.pack_format<interleaved>} : vector<32xbf16> -> vector<16xf32>
        %mul3A_780 = vector.broadcast %squeeze3A_758 : f32 to vector<16xf32>
        %mul3A_781 = arith.mulf %mul3A_780, %unpack3A_778 : vector<16xf32>
        %mul3A_782 = vector.broadcast %squeeze3A_758 : f32 to vector<16xf32>
        %mul3A_783 = arith.mulf %mul3A_782, %unpack3A_779 : vector<16xf32>
        %add3A_784 = arith.constant 256 : i32
        %add3A_785 = arith.addi %add3A_784, %scan3A_752 : i32
        %get3A_786 = arith.index_cast %add3A_785 : i32 to index
        %get3A_787 = arith.constant 0 : index
        %get3A_788 = tpu.vector_load %arg13[%get3A_786, %get3A_787] {strides = array<i32>} : memref<2048x32xbf16, #tpu.memory_space<vmem>>, vector<32xbf16>,
        %unpack3A_789 = tpu.unpack_subelements %get3A_788, 0 {pack_format = #tpu.pack_format<interleaved>} : vector<32xbf16> -> vector<16xf32>
        %unpack3A_790 = tpu.unpack_subelements %get3A_788, 1 {pack_format = #tpu.pack_format<interleaved>} : vector<32xbf16> -> vector<16xf32>
        %mul3A_791 = vector.broadcast %squeeze3A_760 : f32 to vector<16xf32>
        %mul3A_792 = arith.mulf %mul3A_791, %unpack3A_789 : vector<16xf32>
        %add3A_793 = arith.addf %mul3A_781, %mul3A_792 : vector<16xf32>
        %mul3A_794 = vector.broadcast %squeeze3A_760 : f32 to vector<16xf32>
        %mul3A_795 = arith.mulf %mul3A_794, %unpack3A_790 : vector<16xf32>
        %add3A_796 = arith.addf %mul3A_783, %mul3A_795 : vector<16xf32>
        %add3A_797 = arith.constant 512 : i32
        %add3A_798 = arith.addi %add3A_797, %scan3A_752 : i32
        %get3A_799 = arith.index_cast %add3A_798 : i32 to index
        %get3A_800 = arith.constant 0 : index
        %get3A_801 = tpu.vector_load %arg13[%get3A_799, %get3A_800] {strides = array<i32>} : memref<2048x32xbf16, #tpu.memory_space<vmem>>, vector<32xbf16>,
        %unpack3A_802 = tpu.unpack_subelements %get3A_801, 0 {pack_format = #tpu.pack_format<interleaved>} : vector<32xbf16> -> vector<16xf32>
        %unpack3A_803 = tpu.unpack_subelements %get3A_801, 1 {pack_format = #tpu.pack_format<interleaved>} : vector<32xbf16> -> vector<16xf32>
        %mul3A_804 = vector.broadcast %squeeze3A_762 : f32 to vector<16xf32>
        %mul3A_805 = arith.mulf %mul3A_804, %unpack3A_802 : vector<16xf32>
        %add3A_806 = arith.addf %add3A_793, %mul3A_805 : vector<16xf32>
        %mul3A_807 = vector.broadcast %squeeze3A_762 : f32 to vector<16xf32>
        %mul3A_808 = arith.mulf %mul3A_807, %unpack3A_803 : vector<16xf32>
        %add3A_809 = arith.addf %add3A_796, %mul3A_808 : vector<16xf32>
        %add3A_810 = arith.constant 768 : i32
        %add3A_811 = arith.addi %add3A_810, %scan3A_752 : i32
        %get3A_812 = arith.index_cast %add3A_811 : i32 to index
        %get3A_813 = arith.constant 0 : index
        %get3A_814 = tpu.vector_load %arg13[%get3A_812, %get3A_813] {strides = array<i32>} : memref<2048x32xbf16, #tpu.memory_space<vmem>>, vector<32xbf16>,
        %unpack3A_815 = tpu.unpack_subelements %get3A_814, 0 {pack_format = #tpu.pack_format<interleaved>} : vector<32xbf16> -> vector<16xf32>
        %unpack3A_816 = tpu.unpack_subelements %get3A_814, 1 {pack_format = #tpu.pack_format<interleaved>} : vector<32xbf16> -> vector<16xf32>
        %mul3A_817 = vector.broadcast %squeeze3A_764 : f32 to vector<16xf32>
        %mul3A_818 = arith.mulf %mul3A_817, %unpack3A_815 : vector<16xf32>
        %add3A_819 = arith.addf %add3A_806, %mul3A_818 : vector<16xf32>
        %mul3A_820 = vector.broadcast %squeeze3A_764 : f32 to vector<16xf32>
        %mul3A_821 = arith.mulf %mul3A_820, %unpack3A_816 : vector<16xf32>
        %add3A_822 = arith.addf %add3A_809, %mul3A_821 : vector<16xf32>
        %add3A_823 = arith.constant 1024 : i32
        %add3A_824 = arith.addi %add3A_823, %scan3A_752 : i32
        %get3A_825 = arith.index_cast %add3A_824 : i32 to index
        %get3A_826 = arith.constant 0 : index
        %get3A_827 = tpu.vector_load %arg13[%get3A_825, %get3A_826] {strides = array<i32>} : memref<2048x32xbf16, #tpu.memory_space<vmem>>, vector<32xbf16>,
        %unpack3A_828 = tpu.unpack_subelements %get3A_827, 0 {pack_format = #tpu.pack_format<interleaved>} : vector<32xbf16> -> vector<16xf32>
        %unpack3A_829 = tpu.unpack_subelements %get3A_827, 1 {pack_format = #tpu.pack_format<interleaved>} : vector<32xbf16> -> vector<16xf32>
        %mul3A_830 = vector.broadcast %squeeze3A_766 : f32 to vector<16xf32>
        %mul3A_831 = arith.mulf %mul3A_830, %unpack3A_828 : vector<16xf32>
        %add3A_832 = arith.addf %add3A_819, %mul3A_831 : vector<16xf32>
        %mul3A_833 = vector.broadcast %squeeze3A_766 : f32 to vector<16xf32>
        %mul3A_834 = arith.mulf %mul3A_833, %unpack3A_829 : vector<16xf32>
        %add3A_835 = arith.addf %add3A_822, %mul3A_834 : vector<16xf32>
        %add3A_836 = arith.constant 1280 : i32
        %add3A_837 = arith.addi %add3A_836, %scan3A_752 : i32
        %get3A_838 = arith.index_cast %add3A_837 : i32 to index
        %get3A_839 = arith.constant 0 : index
        %get3A_840 = tpu.vector_load %arg13[%get3A_838, %get3A_839] {strides = array<i32>} : memref<2048x32xbf16, #tpu.memory_space<vmem>>, vector<32xbf16>,
        %unpack3A_841 = tpu.unpack_subelements %get3A_840, 0 {pack_format = #tpu.pack_format<interleaved>} : vector<32xbf16> -> vector<16xf32>
        %unpack3A_842 = tpu.unpack_subelements %get3A_840, 1 {pack_format = #tpu.pack_format<interleaved>} : vector<32xbf16> -> vector<16xf32>
        %mul3A_843 = vector.broadcast %squeeze3A_768 : f32 to vector<16xf32>
        %mul3A_844 = arith.mulf %mul3A_843, %unpack3A_841 : vector<16xf32>
        %add3A_845 = arith.addf %add3A_832, %mul3A_844 : vector<16xf32>
        %mul3A_846 = vector.broadcast %squeeze3A_768 : f32 to vector<16xf32>
        %mul3A_847 = arith.mulf %mul3A_846, %unpack3A_842 : vector<16xf32>
        %add3A_848 = arith.addf %add3A_835, %mul3A_847 : vector<16xf32>
        %add3A_849 = arith.constant 1536 : i32
        %add3A_850 = arith.addi %add3A_849, %scan3A_752 : i32
        %get3A_851 = arith.index_cast %add3A_850 : i32 to index
        %get3A_852 = arith.constant 0 : index
        %get3A_853 = tpu.vector_load %arg13[%get3A_851, %get3A_852] {strides = array<i32>} : memref<2048x32xbf16, #tpu.memory_space<vmem>>, vector<32xbf16>,
        %unpack3A_854 = tpu.unpack_subelements %get3A_853, 0 {pack_format = #tpu.pack_format<interleaved>} : vector<32xbf16> -> vector<16xf32>
        %unpack3A_855 = tpu.unpack_subelements %get3A_853, 1 {pack_format = #tpu.pack_format<interleaved>} : vector<32xbf16> -> vector<16xf32>
        %mul3A_856 = vector.broadcast %squeeze3A_770 : f32 to vector<16xf32>
        %mul3A_857 = arith.mulf %mul3A_856, %unpack3A_854 : vector<16xf32>
        %add3A_858 = arith.addf %add3A_845, %mul3A_857 : vector<16xf32>
        %mul3A_859 = vector.broadcast %squeeze3A_770 : f32 to vector<16xf32>
        %mul3A_860 = arith.mulf %mul3A_859, %unpack3A_855 : vector<16xf32>
        %add3A_861 = arith.addf %add3A_848, %mul3A_860 : vector<16xf32>
        %add3A_862 = arith.constant 1792 : i32
        %add3A_863 = arith.addi %add3A_862, %scan3A_752 : i32
        %get3A_864 = arith.index_cast %add3A_863 : i32 to index
        %get3A_865 = arith.constant 0 : index
        %get3A_866 = tpu.vector_load %arg13[%get3A_864, %get3A_865] {strides = array<i32>} : memref<2048x32xbf16, #tpu.memory_space<vmem>>, vector<32xbf16>,
        %unpack3A_867 = tpu.unpack_subelements %get3A_866, 0 {pack_format = #tpu.pack_format<interleaved>} : vector<32xbf16> -> vector<16xf32>
        %unpack3A_868 = tpu.unpack_subelements %get3A_866, 1 {pack_format = #tpu.pack_format<interleaved>} : vector<32xbf16> -> vector<16xf32>
        %mul3A_869 = vector.broadcast %squeeze3A_772 : f32 to vector<16xf32>
        %mul3A_870 = arith.mulf %mul3A_869, %unpack3A_867 : vector<16xf32>
        %add3A_871 = arith.addf %add3A_858, %mul3A_870 : vector<16xf32>
        %mul3A_872 = vector.broadcast %squeeze3A_772 : f32 to vector<16xf32>
        %mul3A_873 = arith.mulf %mul3A_872, %unpack3A_868 : vector<16xf32>
        %add3A_874 = arith.addf %add3A_861, %mul3A_873 : vector<16xf32>
        %add3A_875 = arith.addi %mul3A_415, %scan3A_752 : i32
        %broadcast_in_dim3A_876 = vector.broadcast %add3A_875 : i32 to vector<16xi32>
        tpu.vector_store_idx %arg15[%mul3A_26, %broadcast_in_dim3A_876], %add3A_871 : memref<32x1025xf32, #tpu.memory_space<vmem>>[vector<16xi32>, vector<16xi32>], vector<16xf32>,
        %add3A_877 = arith.constant 1 : i32
        %add3A_878 = vector.broadcast %add3A_877 : i32 to vector<16xi32>
        %add3A_879 = arith.addi %mul3A_26, %add3A_878 : vector<16xi32>
        tpu.vector_store_idx %arg15[%add3A_879, %broadcast_in_dim3A_876], %add3A_874 : memref<32x1025xf32, #tpu.memory_space<vmem>>[vector<16xi32>, vector<16xi32>], vector<16xf32>,
        %scan3A_880 = arith.constant 3 : i32
        %scan3A_881 = arith.addi %scan3A_499, %scan3A_880 : i32
        %mul3A_882 = arith.constant 9 : i32
        %mul3A_883 = arith.muli %scan3A_881, %mul3A_882 : i32
        %get3A_884 = arith.index_cast %mul3A_883 : i32 to index
        %get3A_885 = tpu.vector_load %arg11[%get3A_884] {strides = array<i32>} : memref<2320xf32, #tpu.memory_space<vmem>>, vector<16xf32>,
        %slice3A_886 = vector.extract_strided_slice %get3A_885 {offsets = [0], sizes = [1], strides = [1]} : vector<16xf32> to vector<1xf32>
        %squeeze3A_887 = vector.extract %slice3A_886[0] : f32 from vector<1xf32>
        %slice3A_888 = vector.extract_strided_slice %get3A_885 {offsets = [1], sizes = [1], strides = [1]} : vector<16xf32> to vector<1xf32>
        %squeeze3A_889 = vector.extract %slice3A_888[0] : f32 from vector<1xf32>
        %slice3A_890 = vector.extract_strided_slice %get3A_885 {offsets = [2], sizes = [1], strides = [1]} : vector<16xf32> to vector<1xf32>
        %squeeze3A_891 = vector.extract %slice3A_890[0] : f32 from vector<1xf32>
        %slice3A_892 = vector.extract_strided_slice %get3A_885 {offsets = [3], sizes = [1], strides = [1]} : vector<16xf32> to vector<1xf32>
        %squeeze3A_893 = vector.extract %slice3A_892[0] : f32 from vector<1xf32>
        %slice3A_894 = vector.extract_strided_slice %get3A_885 {offsets = [4], sizes = [1], strides = [1]} : vector<16xf32> to vector<1xf32>
        %squeeze3A_895 = vector.extract %slice3A_894[0] : f32 from vector<1xf32>
        %slice3A_896 = vector.extract_strided_slice %get3A_885 {offsets = [5], sizes = [1], strides = [1]} : vector<16xf32> to vector<1xf32>
        %squeeze3A_897 = vector.extract %slice3A_896[0] : f32 from vector<1xf32>
        %slice3A_898 = vector.extract_strided_slice %get3A_885 {offsets = [6], sizes = [1], strides = [1]} : vector<16xf32> to vector<1xf32>
        %squeeze3A_899 = vector.extract %slice3A_898[0] : f32 from vector<1xf32>
        %slice3A_900 = vector.extract_strided_slice %get3A_885 {offsets = [7], sizes = [1], strides = [1]} : vector<16xf32> to vector<1xf32>
        %squeeze3A_901 = vector.extract %slice3A_900[0] : f32 from vector<1xf32>
        %add3A_902 = arith.constant 0 : i32
        %add3A_903 = arith.addi %add3A_902, %scan3A_881 : i32
        %get3A_904 = arith.index_cast %add3A_903 : i32 to index
        %get3A_905 = arith.constant 0 : index
        %get3A_906 = tpu.vector_load %arg13[%get3A_904, %get3A_905] {strides = array<i32>} : memref<2048x32xbf16, #tpu.memory_space<vmem>>, vector<32xbf16>,
        %unpack3A_907 = tpu.unpack_subelements %get3A_906, 0 {pack_format = #tpu.pack_format<interleaved>} : vector<32xbf16> -> vector<16xf32>
        %unpack3A_908 = tpu.unpack_subelements %get3A_906, 1 {pack_format = #tpu.pack_format<interleaved>} : vector<32xbf16> -> vector<16xf32>
        %mul3A_909 = vector.broadcast %squeeze3A_887 : f32 to vector<16xf32>
        %mul3A_910 = arith.mulf %mul3A_909, %unpack3A_907 : vector<16xf32>
        %mul3A_911 = vector.broadcast %squeeze3A_887 : f32 to vector<16xf32>
        %mul3A_912 = arith.mulf %mul3A_911, %unpack3A_908 : vector<16xf32>
        %add3A_913 = arith.constant 256 : i32
        %add3A_914 = arith.addi %add3A_913, %scan3A_881 : i32
        %get3A_915 = arith.index_cast %add3A_914 : i32 to index
        %get3A_916 = arith.constant 0 : index
        %get3A_917 = tpu.vector_load %arg13[%get3A_915, %get3A_916] {strides = array<i32>} : memref<2048x32xbf16, #tpu.memory_space<vmem>>, vector<32xbf16>,
        %unpack3A_918 = tpu.unpack_subelements %get3A_917, 0 {pack_format = #tpu.pack_format<interleaved>} : vector<32xbf16> -> vector<16xf32>
        %unpack3A_919 = tpu.unpack_subelements %get3A_917, 1 {pack_format = #tpu.pack_format<interleaved>} : vector<32xbf16> -> vector<16xf32>
        %mul3A_920 = vector.broadcast %squeeze3A_889 : f32 to vector<16xf32>
        %mul3A_921 = arith.mulf %mul3A_920, %unpack3A_918 : vector<16xf32>
        %add3A_922 = arith.addf %mul3A_910, %mul3A_921 : vector<16xf32>
        %mul3A_923 = vector.broadcast %squeeze3A_889 : f32 to vector<16xf32>
        %mul3A_924 = arith.mulf %mul3A_923, %unpack3A_919 : vector<16xf32>
        %add3A_925 = arith.addf %mul3A_912, %mul3A_924 : vector<16xf32>
        %add3A_926 = arith.constant 512 : i32
        %add3A_927 = arith.addi %add3A_926, %scan3A_881 : i32
        %get3A_928 = arith.index_cast %add3A_927 : i32 to index
        %get3A_929 = arith.constant 0 : index
        %get3A_930 = tpu.vector_load %arg13[%get3A_928, %get3A_929] {strides = array<i32>} : memref<2048x32xbf16, #tpu.memory_space<vmem>>, vector<32xbf16>,
        %unpack3A_931 = tpu.unpack_subelements %get3A_930, 0 {pack_format = #tpu.pack_format<interleaved>} : vector<32xbf16> -> vector<16xf32>
        %unpack3A_932 = tpu.unpack_subelements %get3A_930, 1 {pack_format = #tpu.pack_format<interleaved>} : vector<32xbf16> -> vector<16xf32>
        %mul3A_933 = vector.broadcast %squeeze3A_891 : f32 to vector<16xf32>
        %mul3A_934 = arith.mulf %mul3A_933, %unpack3A_931 : vector<16xf32>
        %add3A_935 = arith.addf %add3A_922, %mul3A_934 : vector<16xf32>
        %mul3A_936 = vector.broadcast %squeeze3A_891 : f32 to vector<16xf32>
        %mul3A_937 = arith.mulf %mul3A_936, %unpack3A_932 : vector<16xf32>
        %add3A_938 = arith.addf %add3A_925, %mul3A_937 : vector<16xf32>
        %add3A_939 = arith.constant 768 : i32
        %add3A_940 = arith.addi %add3A_939, %scan3A_881 : i32
        %get3A_941 = arith.index_cast %add3A_940 : i32 to index
        %get3A_942 = arith.constant 0 : index
        %get3A_943 = tpu.vector_load %arg13[%get3A_941, %get3A_942] {strides = array<i32>} : memref<2048x32xbf16, #tpu.memory_space<vmem>>, vector<32xbf16>,
        %unpack3A_944 = tpu.unpack_subelements %get3A_943, 0 {pack_format = #tpu.pack_format<interleaved>} : vector<32xbf16> -> vector<16xf32>
        %unpack3A_945 = tpu.unpack_subelements %get3A_943, 1 {pack_format = #tpu.pack_format<interleaved>} : vector<32xbf16> -> vector<16xf32>
        %mul3A_946 = vector.broadcast %squeeze3A_893 : f32 to vector<16xf32>
        %mul3A_947 = arith.mulf %mul3A_946, %unpack3A_944 : vector<16xf32>
        %add3A_948 = arith.addf %add3A_935, %mul3A_947 : vector<16xf32>
        %mul3A_949 = vector.broadcast %squeeze3A_893 : f32 to vector<16xf32>
        %mul3A_950 = arith.mulf %mul3A_949, %unpack3A_945 : vector<16xf32>
        %add3A_951 = arith.addf %add3A_938, %mul3A_950 : vector<16xf32>
        %add3A_952 = arith.constant 1024 : i32
        %add3A_953 = arith.addi %add3A_952, %scan3A_881 : i32
        %get3A_954 = arith.index_cast %add3A_953 : i32 to index
        %get3A_955 = arith.constant 0 : index
        %get3A_956 = tpu.vector_load %arg13[%get3A_954, %get3A_955] {strides = array<i32>} : memref<2048x32xbf16, #tpu.memory_space<vmem>>, vector<32xbf16>,
        %unpack3A_957 = tpu.unpack_subelements %get3A_956, 0 {pack_format = #tpu.pack_format<interleaved>} : vector<32xbf16> -> vector<16xf32>
        %unpack3A_958 = tpu.unpack_subelements %get3A_956, 1 {pack_format = #tpu.pack_format<interleaved>} : vector<32xbf16> -> vector<16xf32>
        %mul3A_959 = vector.broadcast %squeeze3A_895 : f32 to vector<16xf32>
        %mul3A_960 = arith.mulf %mul3A_959, %unpack3A_957 : vector<16xf32>
        %add3A_961 = arith.addf %add3A_948, %mul3A_960 : vector<16xf32>
        %mul3A_962 = vector.broadcast %squeeze3A_895 : f32 to vector<16xf32>
        %mul3A_963 = arith.mulf %mul3A_962, %unpack3A_958 : vector<16xf32>
        %add3A_964 = arith.addf %add3A_951, %mul3A_963 : vector<16xf32>
        %add3A_965 = arith.constant 1280 : i32
        %add3A_966 = arith.addi %add3A_965, %scan3A_881 : i32
        %get3A_967 = arith.index_cast %add3A_966 : i32 to index
        %get3A_968 = arith.constant 0 : index
        %get3A_969 = tpu.vector_load %arg13[%get3A_967, %get3A_968] {strides = array<i32>} : memref<2048x32xbf16, #tpu.memory_space<vmem>>, vector<32xbf16>,
        %unpack3A_970 = tpu.unpack_subelements %get3A_969, 0 {pack_format = #tpu.pack_format<interleaved>} : vector<32xbf16> -> vector<16xf32>
        %unpack3A_971 = tpu.unpack_subelements %get3A_969, 1 {pack_format = #tpu.pack_format<interleaved>} : vector<32xbf16> -> vector<16xf32>
        %mul3A_972 = vector.broadcast %squeeze3A_897 : f32 to vector<16xf32>
        %mul3A_973 = arith.mulf %mul3A_972, %unpack3A_970 : vector<16xf32>
        %add3A_974 = arith.addf %add3A_961, %mul3A_973 : vector<16xf32>
        %mul3A_975 = vector.broadcast %squeeze3A_897 : f32 to vector<16xf32>
        %mul3A_976 = arith.mulf %mul3A_975, %unpack3A_971 : vector<16xf32>
        %add3A_977 = arith.addf %add3A_964, %mul3A_976 : vector<16xf32>
        %add3A_978 = arith.constant 1536 : i32
        %add3A_979 = arith.addi %add3A_978, %scan3A_881 : i32
        %get3A_980 = arith.index_cast %add3A_979 : i32 to index
        %get3A_981 = arith.constant 0 : index
        %get3A_982 = tpu.vector_load %arg13[%get3A_980, %get3A_981] {strides = array<i32>} : memref<2048x32xbf16, #tpu.memory_space<vmem>>, vector<32xbf16>,
        %unpack3A_983 = tpu.unpack_subelements %get3A_982, 0 {pack_format = #tpu.pack_format<interleaved>} : vector<32xbf16> -> vector<16xf32>
        %unpack3A_984 = tpu.unpack_subelements %get3A_982, 1 {pack_format = #tpu.pack_format<interleaved>} : vector<32xbf16> -> vector<16xf32>
        %mul3A_985 = vector.broadcast %squeeze3A_899 : f32 to vector<16xf32>
        %mul3A_986 = arith.mulf %mul3A_985, %unpack3A_983 : vector<16xf32>
        %add3A_987 = arith.addf %add3A_974, %mul3A_986 : vector<16xf32>
        %mul3A_988 = vector.broadcast %squeeze3A_899 : f32 to vector<16xf32>
        %mul3A_989 = arith.mulf %mul3A_988, %unpack3A_984 : vector<16xf32>
        %add3A_990 = arith.addf %add3A_977, %mul3A_989 : vector<16xf32>
        %add3A_991 = arith.constant 1792 : i32
        %add3A_992 = arith.addi %add3A_991, %scan3A_881 : i32
        %get3A_993 = arith.index_cast %add3A_992 : i32 to index
        %get3A_994 = arith.constant 0 : index
        %get3A_995 = tpu.vector_load %arg13[%get3A_993, %get3A_994] {strides = array<i32>} : memref<2048x32xbf16, #tpu.memory_space<vmem>>, vector<32xbf16>,
        %unpack3A_996 = tpu.unpack_subelements %get3A_995, 0 {pack_format = #tpu.pack_format<interleaved>} : vector<32xbf16> -> vector<16xf32>
        %unpack3A_997 = tpu.unpack_subelements %get3A_995, 1 {pack_format = #tpu.pack_format<interleaved>} : vector<32xbf16> -> vector<16xf32>
        %mul3A_998 = vector.broadcast %squeeze3A_901 : f32 to vector<16xf32>
        %mul3A_999 = arith.mulf %mul3A_998, %unpack3A_996 : vector<16xf32>
        %add3A_1000 = arith.addf %add3A_987, %mul3A_999 : vector<16xf32>
        %mul3A_1001 = vector.broadcast %squeeze3A_901 : f32 to vector<16xf32>
        %mul3A_1002 = arith.mulf %mul3A_1001, %unpack3A_997 : vector<16xf32>
        %add3A_1003 = arith.addf %add3A_990, %mul3A_1002 : vector<16xf32>
        %add3A_1004 = arith.addi %mul3A_415, %scan3A_881 : i32
        %broadcast_in_dim3A_1005 = vector.broadcast %add3A_1004 : i32 to vector<16xi32>
        tpu.vector_store_idx %arg15[%mul3A_26, %broadcast_in_dim3A_1005], %add3A_1000 : memref<32x1025xf32, #tpu.memory_space<vmem>>[vector<16xi32>, vector<16xi32>], vector<16xf32>,
        %add3A_1006 = arith.constant 1 : i32
        %add3A_1007 = vector.broadcast %add3A_1006 : i32 to vector<16xi32>
        %add3A_1008 = arith.addi %mul3A_26, %add3A_1007 : vector<16xi32>
        tpu.vector_store_idx %arg15[%add3A_1008, %broadcast_in_dim3A_1005], %add3A_1003 : memref<32x1025xf32, #tpu.memory_space<vmem>>[vector<16xi32>, vector<16xi32>], vector<16xf32>,
      }
      %scan3A_421 = arith.constant 256 : i32
      %jit3A_422 = arith.constant 4 : i32
      %eq3A_423 = arith.constant 0 : i32
      %eq3A_424 = arith.cmpi eq, %jit3A_422, %eq3A_423 : i32
      %jit3A_425 = arith.constant 1 : i32
      %select_n3A_426 = arith.select %eq3A_424, %jit3A_425, %jit3A_422 : i32
      %rem3A_427 = arith.remsi %mul3A_230, %select_n3A_426 : i32
      %ne3A_428 = arith.constant 0 : i32
      %ne3A_429 = arith.cmpi ne, %rem3A_427, %ne3A_428 : i32
      %lt3A_430 = arith.constant 0 : i32
      %lt3A_431 = arith.cmpi slt, %rem3A_427, %lt3A_430 : i32
      %lt3A_432 = arith.constant 0 : i32
      %lt3A_433 = arith.cmpi slt, %select_n3A_426, %lt3A_432 : i32
      %ne3A_434 = arith.xori %lt3A_431, %lt3A_433 : i1
      %and3A_435 = arith.andi %ne3A_434, %ne3A_429 : i1
      %add3A_436 = arith.addi %rem3A_427, %select_n3A_426 : i32
      %select_n3A_437 = arith.select %and3A_435, %add3A_436, %rem3A_427 : i32
      %eq3A_438 = arith.constant 3 : i32
      %eq3A_439 = arith.cmpi eq, %select_n3A_437, %eq3A_438 : i32
      %convert_element_type3A_440 = arith.extui %eq3A_439 : i1 to i32
      %cond3A_441 = arith.constant 0 : i32
      %cond3A_442 = arith.cmpi ne, %convert_element_type3A_440, %cond3A_441 : i32
      scf.if %cond3A_442 {
        %sub3A_499 = arith.constant 3 : i32
        %sub3A_500 = arith.subi %mul3A_230, %sub3A_499 : i32
        %mul3A_501 = arith.constant 256 : i32
        %mul3A_502 = arith.muli %sub3A_500, %mul3A_501 : i32
        %add3A_503 = arith.addi %mul3A_18, %mul3A_502 : i32
        %mul3A_504 = arith.constant 32 : i32
        %mul3A_505 = arith.muli %select_n3A, %mul3A_504 : i32
        %mul3A_506 = arith.constant 262144 : i32
        %mul3A_507 = arith.muli %select_n3A, %mul3A_506 : i32
        %sub3A_508 = arith.subi %add3A_503, %mul3A_507 : i32
        "tpu.region"() ({
          %run_scoped3A = tpu.sem_alloc : memref<!tpu.dma_semaphore, #tpu.memory_space<semaphore_mem>>
          %dma_start3A_509 = arith.constant 0 : i32
          %dma_start3A_510 = arith.constant 0 : i32
          %dma_start3A_511 = tpu.memref_slice %arg15[%dma_start3A_509, %dma_start3A_510] : memref<32x1025xf32, #tpu.memory_space<vmem>> -> memref<32x1024xf32, #tpu.memory_space<vmem>>
          %dma_start3A_512 = tpu.memref_slice %arg6[%mul3A_505, %sub3A_508] : memref<128x262144xf32, #tpu.memory_space<hbm>> -> memref<32x1024xf32, #tpu.memory_space<hbm>>
          %dma_start3A_513 = tpu.memref_slice %arg6[%mul3A_505, %sub3A_508] : memref<128x262144xf32, #tpu.memory_space<hbm>> -> memref<32x1024xf32, #tpu.memory_space<hbm>>
          %dma_start3A_514 = arith.constant 0 : i32
          %dma_start3A_515 = arith.constant 0 : i32
          %dma_start3A_516 = tpu.memref_slice %arg15[%dma_start3A_514, %dma_start3A_515] : memref<32x1025xf32, #tpu.memory_space<vmem>> -> memref<32x1024xf32, #tpu.memory_space<vmem>>
          tpu.enqueue_dma source(%dma_start3A_516 : memref<32x1024xf32, #tpu.memory_space<vmem>>) target(%dma_start3A_513 : memref<32x1024xf32, #tpu.memory_space<hbm>>) target_semaphore(%run_scoped3A : memref<!tpu.dma_semaphore, #tpu.memory_space<semaphore_mem>>)
          %dma_wait3A_517 = arith.constant 0 : i32
          %dma_wait3A_518 = arith.constant 0 : i32
          %dma_wait3A_519 = tpu.memref_slice %arg15[%dma_wait3A_517, %dma_wait3A_518] : memref<32x1025xf32, #tpu.memory_space<vmem>> -> memref<32x1024xf32, #tpu.memory_space<vmem>>
          %dma_wait3A_520 = tpu.memref_slice %arg6[%mul3A_505, %sub3A_508] : memref<128x262144xf32, #tpu.memory_space<hbm>> -> memref<32x1024xf32, #tpu.memory_space<hbm>>
          %dma_wait3A_521 = tpu.memref_slice %arg6[%mul3A_505, %sub3A_508] : memref<128x262144xf32, #tpu.memory_space<hbm>> -> memref<32x1024xf32, #tpu.memory_space<hbm>>
          %dma_wait3A_522 = arith.constant 0 : i32
          %dma_wait3A_523 = arith.constant 0 : i32
          %dma_wait3A_524 = tpu.memref_slice %arg15[%dma_wait3A_522, %dma_wait3A_523] : memref<32x1025xf32, #tpu.memory_space<vmem>> -> memref<32x1024xf32, #tpu.memory_space<vmem>>
          tpu.wait_dma2 semaphore(%run_scoped3A : memref<!tpu.dma_semaphore, #tpu.memory_space<semaphore_mem>>) src(%dma_wait3A_524 : memref<32x1024xf32, #tpu.memory_space<vmem>>) dst(%dma_wait3A_521 : memref<32x1024xf32, #tpu.memory_space<hbm>>)
          tpu.yield
        }) : () -> ()
      } else {
      }
      %convert_element_type3A_443 = arith.extui %lt3A_231 : i1 to i32
      %cond3A_444 = arith.constant 0 : i32
      %cond3A_445 = arith.cmpi ne, %convert_element_type3A_443, %cond3A_444 : i32
      scf.if %cond3A_445 {
        %add3A_499 = arith.constant 2 : i32
        %add3A_500 = arith.addi %mul3A_230, %add3A_499 : i32
        %dma_wait3A_501 = arith.constant 0 : i32
        %dma_wait3A_502 = tpu.memref_slice %arg7[%dma_wait3A_501] : memref<768xf32, #tpu.memory_space<vmem>> -> memref<256xf32, #tpu.memory_space<vmem>>
        %dma_wait3A_503 = arith.constant 0 : i32
        %dma_wait3A_504 = tpu.memref_slice %arg3[%dma_wait3A_503] : memref<1048576xf32, #tpu.memory_space<hbm>> -> memref<256xf32, #tpu.memory_space<hbm>>
        %dma_wait3A_505 = arith.constant 0 : i32
        %dma_wait3A_506 = tpu.memref_slice %arg7[%dma_wait3A_505] : memref<768xf32, #tpu.memory_space<vmem>> -> memref<256xf32, #tpu.memory_space<vmem>>
        %dma_wait3A_507 = arith.constant 0 : i32
        %dma_wait3A_508 = tpu.memref_slice %arg3[%dma_wait3A_507] : memref<1048576xf32, #tpu.memory_space<hbm>> -> memref<256xf32, #tpu.memory_space<hbm>>
        tpu.wait_dma2 semaphore(%arg18 : memref<!tpu.dma_semaphore, #tpu.memory_space<semaphore_mem>>) src(%dma_wait3A_508 : memref<256xf32, #tpu.memory_space<hbm>>) dst(%dma_wait3A_506 : memref<256xf32, #tpu.memory_space<vmem>>)
        %dma_wait3A_509 = arith.constant 0 : i32
        %dma_wait3A_510 = tpu.memref_slice %arg7[%dma_wait3A_509] : memref<768xf32, #tpu.memory_space<vmem>> -> memref<256xf32, #tpu.memory_space<vmem>>
        %dma_wait3A_511 = arith.constant 0 : i32
        %dma_wait3A_512 = tpu.memref_slice %arg3[%dma_wait3A_511] : memref<1048576xf32, #tpu.memory_space<hbm>> -> memref<256xf32, #tpu.memory_space<hbm>>
        %dma_wait3A_513 = arith.constant 0 : i32
        %dma_wait3A_514 = tpu.memref_slice %arg7[%dma_wait3A_513] : memref<768xf32, #tpu.memory_space<vmem>> -> memref<256xf32, #tpu.memory_space<vmem>>
        %dma_wait3A_515 = arith.constant 0 : i32
        %dma_wait3A_516 = tpu.memref_slice %arg3[%dma_wait3A_515] : memref<1048576xf32, #tpu.memory_space<hbm>> -> memref<256xf32, #tpu.memory_space<hbm>>
        tpu.wait_dma2 semaphore(%arg18 : memref<!tpu.dma_semaphore, #tpu.memory_space<semaphore_mem>>) src(%dma_wait3A_516 : memref<256xf32, #tpu.memory_space<hbm>>) dst(%dma_wait3A_514 : memref<256xf32, #tpu.memory_space<vmem>>)
        %dma_wait3A_517 = arith.constant 0 : i32
        %dma_wait3A_518 = tpu.memref_slice %arg7[%dma_wait3A_517] : memref<768xf32, #tpu.memory_space<vmem>> -> memref<256xf32, #tpu.memory_space<vmem>>
        %dma_wait3A_519 = arith.constant 0 : i32
        %dma_wait3A_520 = tpu.memref_slice %arg3[%dma_wait3A_519] : memref<1048576xf32, #tpu.memory_space<hbm>> -> memref<256xf32, #tpu.memory_space<hbm>>
        %dma_wait3A_521 = arith.constant 0 : i32
        %dma_wait3A_522 = tpu.memref_slice %arg7[%dma_wait3A_521] : memref<768xf32, #tpu.memory_space<vmem>> -> memref<256xf32, #tpu.memory_space<vmem>>
        %dma_wait3A_523 = arith.constant 0 : i32
        %dma_wait3A_524 = tpu.memref_slice %arg3[%dma_wait3A_523] : memref<1048576xf32, #tpu.memory_space<hbm>> -> memref<256xf32, #tpu.memory_space<hbm>>
        tpu.wait_dma2 semaphore(%arg18 : memref<!tpu.dma_semaphore, #tpu.memory_space<semaphore_mem>>) src(%dma_wait3A_524 : memref<256xf32, #tpu.memory_space<hbm>>) dst(%dma_wait3A_522 : memref<256xf32, #tpu.memory_space<vmem>>)
        %scan3A_525 = arith.constant 0 : i32
        %scan3A_526 = arith.constant 0 : i32
        %scan3A_527 = arith.constant 16 : i32
        %scan3A_528 = arith.addi %scan3A_526, %scan3A_527 : i32
        %scan3A_529 = arith.constant 2 : i32
        scf.for %scan3A_682 = %scan3A_526 to %scan3A_528 step %scan3A_529  : i32 {
          %mul3A_683 = arith.constant 16 : i32
          %mul3A_684 = arith.muli %scan3A_682, %mul3A_683 : i32
          %get3A = arith.index_cast %mul3A_684 : i32 to index
          %get3A_685 = tpu.vector_load %arg7[%get3A] {strides = array<i32>} : memref<768xf32, #tpu.memory_space<vmem>>, vector<16xf32>,
          %mul3A_686 = arith.constant 3.200000e+01 : f32
          %mul3A_687 = vector.broadcast %mul3A_686 : f32 to vector<16xf32>
          %mul3A_688 = arith.mulf %get3A_685, %mul3A_687 : vector<16xf32>
          %add3A_689 = arith.constant 3.150000e+01 : f32
          %add3A_690 = vector.broadcast %add3A_689 : f32 to vector<16xf32>
          %add3A_691 = arith.addf %mul3A_688, %add3A_690 : vector<16xf32>
          %mul3A_692 = arith.constant 16 : i32
          %mul3A_693 = arith.muli %scan3A_682, %mul3A_692 : i32
          %add3A_694 = arith.constant 256 : i32
          %add3A_695 = arith.addi %add3A_694, %mul3A_693 : i32
          %get3A_696 = arith.index_cast %add3A_695 : i32 to index
          %get3A_697 = tpu.vector_load %arg7[%get3A_696] {strides = array<i32>} : memref<768xf32, #tpu.memory_space<vmem>>, vector<16xf32>,
          %mul3A_698 = arith.constant 3.200000e+01 : f32
          %mul3A_699 = vector.broadcast %mul3A_698 : f32 to vector<16xf32>
          %mul3A_700 = arith.mulf %get3A_697, %mul3A_699 : vector<16xf32>
          %add3A_701 = arith.constant 3.150000e+01 : f32
          %add3A_702 = vector.broadcast %add3A_701 : f32 to vector<16xf32>
          %add3A_703 = arith.addf %mul3A_700, %add3A_702 : vector<16xf32>
          %mul3A_704 = arith.constant 16 : i32
          %mul3A_705 = arith.muli %scan3A_682, %mul3A_704 : i32
          %add3A_706 = arith.constant 512 : i32
          %add3A_707 = arith.addi %add3A_706, %mul3A_705 : i32
          %get3A_708 = arith.index_cast %add3A_707 : i32 to index
          %get3A_709 = tpu.vector_load %arg7[%get3A_708] {strides = array<i32>} : memref<768xf32, #tpu.memory_space<vmem>>, vector<16xf32>,
          %mul3A_710 = arith.constant 3.200000e+01 : f32
          %mul3A_711 = vector.broadcast %mul3A_710 : f32 to vector<16xf32>
          %mul3A_712 = arith.mulf %get3A_709, %mul3A_711 : vector<16xf32>
          %add3A_713 = arith.constant 3.150000e+01 : f32
          %add3A_714 = vector.broadcast %add3A_713 : f32 to vector<16xf32>
          %add3A_715 = arith.addf %mul3A_712, %add3A_714 : vector<16xf32>
          %convert_element_type3A_716 = arith.fptosi %add3A_691 : vector<16xf32> to vector<16xi32>
          %convert_element_type3A_717 = arith.sitofp %convert_element_type3A_716 : vector<16xi32> to vector<16xf32>
          %lt3A_718 = arith.cmpf olt, %add3A_691, %convert_element_type3A_717 : vector<16xf32>
          %sub3A_719 = arith.constant 1 : i32
          %sub3A_720 = vector.broadcast %sub3A_719 : i32 to vector<16xi32>
          %sub3A_721 = arith.subi %convert_element_type3A_716, %sub3A_720 : vector<16xi32>
          %select_n3A_722 = arith.select %lt3A_718, %sub3A_721, %convert_element_type3A_716 : vector<16xi1>, vector<16xi32>
          %convert_element_type3A_723 = arith.sitofp %select_n3A_722 : vector<16xi32> to vector<16xf32>
          %sub3A_724 = arith.subf %add3A_691, %convert_element_type3A_723 : vector<16xf32>
          %sub3A_725 = arith.constant 1.000000e+00 : f32
          %sub3A_726 = vector.broadcast %sub3A_725 : f32 to vector<16xf32>
          %sub3A_727 = arith.subf %sub3A_726, %sub3A_724 : vector<16xf32>
          %ge3A = arith.constant 0 : i32
          %ge3A_728 = vector.broadcast %ge3A : i32 to vector<16xi32>
          %ge3A_729 = arith.cmpi sge, %select_n3A_722, %ge3A_728 : vector<16xi32>
          %lt3A_730 = arith.constant 64 : i32
          %lt3A_731 = vector.broadcast %lt3A_730 : i32 to vector<16xi32>
          %lt3A_732 = arith.cmpi slt, %select_n3A_722, %lt3A_731 : vector<16xi32>
          %and3A_733 = arith.andi %ge3A_729, %lt3A_732 : vector<16xi1>
          %ge3A_734 = arith.constant -1 : i32
          %ge3A_735 = vector.broadcast %ge3A_734 : i32 to vector<16xi32>
          %ge3A_736 = arith.cmpi sge, %select_n3A_722, %ge3A_735 : vector<16xi32>
          %lt3A_737 = arith.constant 63 : i32
          %lt3A_738 = vector.broadcast %lt3A_737 : i32 to vector<16xi32>
          %lt3A_739 = arith.cmpi slt, %select_n3A_722, %lt3A_738 : vector<16xi32>
          %and3A_740 = arith.andi %ge3A_736, %lt3A_739 : vector<16xi1>
          %jit3A_741 = arith.constant 0.000000e+00 : f32
          %broadcast_in_dim3A = vector.broadcast %jit3A_741 : f32 to vector<16xf32>
          %select_n3A_742 = arith.select %and3A_733, %sub3A_727, %broadcast_in_dim3A : vector<16xi1>, vector<16xf32>
          %jit3A_743 = arith.constant 0.000000e+00 : f32
          %broadcast_in_dim3A_744 = vector.broadcast %jit3A_743 : f32 to vector<16xf32>
          %select_n3A_745 = arith.select %and3A_740, %sub3A_724, %broadcast_in_dim3A_744 : vector<16xi1>, vector<16xf32>
          %max3A = arith.constant 0 : i32
          %max3A_746 = vector.broadcast %max3A : i32 to vector<16xi32>
          %max3A_747 = arith.maxsi %select_n3A_722, %max3A_746 : vector<16xi32>
          %min3A = arith.constant 63 : i32
          %min3A_748 = vector.broadcast %min3A : i32 to vector<16xi32>
          %min3A_749 = arith.minsi %max3A_747, %min3A_748 : vector<16xi32>
          %add3A_750 = arith.constant 1 : i32
          %add3A_751 = vector.broadcast %add3A_750 : i32 to vector<16xi32>
          %add3A_752 = arith.addi %select_n3A_722, %add3A_751 : vector<16xi32>
          %max3A_753 = arith.constant 0 : i32
          %max3A_754 = vector.broadcast %max3A_753 : i32 to vector<16xi32>
          %max3A_755 = arith.maxsi %add3A_752, %max3A_754 : vector<16xi32>
          %min3A_756 = arith.constant 63 : i32
          %min3A_757 = vector.broadcast %min3A_756 : i32 to vector<16xi32>
          %min3A_758 = arith.minsi %max3A_755, %min3A_757 : vector<16xi32>
          %convert_element_type3A_759 = arith.fptosi %add3A_703 : vector<16xf32> to vector<16xi32>
          %convert_element_type3A_760 = arith.sitofp %convert_element_type3A_759 : vector<16xi32> to vector<16xf32>
          %lt3A_761 = arith.cmpf olt, %add3A_703, %convert_element_type3A_760 : vector<16xf32>
          %sub3A_762 = arith.constant 1 : i32
          %sub3A_763 = vector.broadcast %sub3A_762 : i32 to vector<16xi32>
          %sub3A_764 = arith.subi %convert_element_type3A_759, %sub3A_763 : vector<16xi32>
          %select_n3A_765 = arith.select %lt3A_761, %sub3A_764, %convert_element_type3A_759 : vector<16xi1>, vector<16xi32>
          %convert_element_type3A_766 = arith.sitofp %select_n3A_765 : vector<16xi32> to vector<16xf32>
          %sub3A_767 = arith.subf %add3A_703, %convert_element_type3A_766 : vector<16xf32>
          %sub3A_768 = arith.constant 1.000000e+00 : f32
          %sub3A_769 = vector.broadcast %sub3A_768 : f32 to vector<16xf32>
          %sub3A_770 = arith.subf %sub3A_769, %sub3A_767 : vector<16xf32>
          %ge3A_771 = arith.constant 0 : i32
          %ge3A_772 = vector.broadcast %ge3A_771 : i32 to vector<16xi32>
          %ge3A_773 = arith.cmpi sge, %select_n3A_765, %ge3A_772 : vector<16xi32>
          %lt3A_774 = arith.constant 64 : i32
          %lt3A_775 = vector.broadcast %lt3A_774 : i32 to vector<16xi32>
          %lt3A_776 = arith.cmpi slt, %select_n3A_765, %lt3A_775 : vector<16xi32>
          %and3A_777 = arith.andi %ge3A_773, %lt3A_776 : vector<16xi1>
          %ge3A_778 = arith.constant -1 : i32
          %ge3A_779 = vector.broadcast %ge3A_778 : i32 to vector<16xi32>
          %ge3A_780 = arith.cmpi sge, %select_n3A_765, %ge3A_779 : vector<16xi32>
          %lt3A_781 = arith.constant 63 : i32
          %lt3A_782 = vector.broadcast %lt3A_781 : i32 to vector<16xi32>
          %lt3A_783 = arith.cmpi slt, %select_n3A_765, %lt3A_782 : vector<16xi32>
          %and3A_784 = arith.andi %ge3A_780, %lt3A_783 : vector<16xi1>
          %jit3A_785 = arith.constant 0.000000e+00 : f32
          %broadcast_in_dim3A_786 = vector.broadcast %jit3A_785 : f32 to vector<16xf32>
          %select_n3A_787 = arith.select %and3A_777, %sub3A_770, %broadcast_in_dim3A_786 : vector<16xi1>, vector<16xf32>
          %jit3A_788 = arith.constant 0.000000e+00 : f32
          %broadcast_in_dim3A_789 = vector.broadcast %jit3A_788 : f32 to vector<16xf32>
          %select_n3A_790 = arith.select %and3A_784, %sub3A_767, %broadcast_in_dim3A_789 : vector<16xi1>, vector<16xf32>
          %max3A_791 = arith.constant 0 : i32
          %max3A_792 = vector.broadcast %max3A_791 : i32 to vector<16xi32>
          %max3A_793 = arith.maxsi %select_n3A_765, %max3A_792 : vector<16xi32>
          %min3A_794 = arith.constant 63 : i32
          %min3A_795 = vector.broadcast %min3A_794 : i32 to vector<16xi32>
          %min3A_796 = arith.minsi %max3A_793, %min3A_795 : vector<16xi32>
          %add3A_797 = arith.constant 1 : i32
          %add3A_798 = vector.broadcast %add3A_797 : i32 to vector<16xi32>
          %add3A_799 = arith.addi %select_n3A_765, %add3A_798 : vector<16xi32>
          %max3A_800 = arith.constant 0 : i32
          %max3A_801 = vector.broadcast %max3A_800 : i32 to vector<16xi32>
          %max3A_802 = arith.maxsi %add3A_799, %max3A_801 : vector<16xi32>
          %min3A_803 = arith.constant 63 : i32
          %min3A_804 = vector.broadcast %min3A_803 : i32 to vector<16xi32>
          %min3A_805 = arith.minsi %max3A_802, %min3A_804 : vector<16xi32>
          %convert_element_type3A_806 = arith.fptosi %add3A_715 : vector<16xf32> to vector<16xi32>
          %convert_element_type3A_807 = arith.sitofp %convert_element_type3A_806 : vector<16xi32> to vector<16xf32>
          %lt3A_808 = arith.cmpf olt, %add3A_715, %convert_element_type3A_807 : vector<16xf32>
          %sub3A_809 = arith.constant 1 : i32
          %sub3A_810 = vector.broadcast %sub3A_809 : i32 to vector<16xi32>
          %sub3A_811 = arith.subi %convert_element_type3A_806, %sub3A_810 : vector<16xi32>
          %select_n3A_812 = arith.select %lt3A_808, %sub3A_811, %convert_element_type3A_806 : vector<16xi1>, vector<16xi32>
          %convert_element_type3A_813 = arith.sitofp %select_n3A_812 : vector<16xi32> to vector<16xf32>
          %sub3A_814 = arith.subf %add3A_715, %convert_element_type3A_813 : vector<16xf32>
          %sub3A_815 = arith.constant 1.000000e+00 : f32
          %sub3A_816 = vector.broadcast %sub3A_815 : f32 to vector<16xf32>
          %sub3A_817 = arith.subf %sub3A_816, %sub3A_814 : vector<16xf32>
          %ge3A_818 = arith.constant 0 : i32
          %ge3A_819 = vector.broadcast %ge3A_818 : i32 to vector<16xi32>
          %ge3A_820 = arith.cmpi sge, %select_n3A_812, %ge3A_819 : vector<16xi32>
          %lt3A_821 = arith.constant 64 : i32
          %lt3A_822 = vector.broadcast %lt3A_821 : i32 to vector<16xi32>
          %lt3A_823 = arith.cmpi slt, %select_n3A_812, %lt3A_822 : vector<16xi32>
          %and3A_824 = arith.andi %ge3A_820, %lt3A_823 : vector<16xi1>
          %ge3A_825 = arith.constant -1 : i32
          %ge3A_826 = vector.broadcast %ge3A_825 : i32 to vector<16xi32>
          %ge3A_827 = arith.cmpi sge, %select_n3A_812, %ge3A_826 : vector<16xi32>
          %lt3A_828 = arith.constant 63 : i32
          %lt3A_829 = vector.broadcast %lt3A_828 : i32 to vector<16xi32>
          %lt3A_830 = arith.cmpi slt, %select_n3A_812, %lt3A_829 : vector<16xi32>
          %and3A_831 = arith.andi %ge3A_827, %lt3A_830 : vector<16xi1>
          %jit3A_832 = arith.constant 0.000000e+00 : f32
          %broadcast_in_dim3A_833 = vector.broadcast %jit3A_832 : f32 to vector<16xf32>
          %select_n3A_834 = arith.select %and3A_824, %sub3A_817, %broadcast_in_dim3A_833 : vector<16xi1>, vector<16xf32>
          %jit3A_835 = arith.constant 0.000000e+00 : f32
          %broadcast_in_dim3A_836 = vector.broadcast %jit3A_835 : f32 to vector<16xf32>
          %select_n3A_837 = arith.select %and3A_831, %sub3A_814, %broadcast_in_dim3A_836 : vector<16xi1>, vector<16xf32>
          %max3A_838 = arith.constant 0 : i32
          %max3A_839 = vector.broadcast %max3A_838 : i32 to vector<16xi32>
          %max3A_840 = arith.maxsi %select_n3A_812, %max3A_839 : vector<16xi32>
          %min3A_841 = arith.constant 63 : i32
          %min3A_842 = vector.broadcast %min3A_841 : i32 to vector<16xi32>
          %min3A_843 = arith.minsi %max3A_840, %min3A_842 : vector<16xi32>
          %add3A_844 = arith.constant 1 : i32
          %add3A_845 = vector.broadcast %add3A_844 : i32 to vector<16xi32>
          %add3A_846 = arith.addi %select_n3A_812, %add3A_845 : vector<16xi32>
          %max3A_847 = arith.constant 0 : i32
          %max3A_848 = vector.broadcast %max3A_847 : i32 to vector<16xi32>
          %max3A_849 = arith.maxsi %add3A_846, %max3A_848 : vector<16xi32>
          %min3A_850 = arith.constant 63 : i32
          %min3A_851 = vector.broadcast %min3A_850 : i32 to vector<16xi32>
          %min3A_852 = arith.minsi %max3A_849, %min3A_851 : vector<16xi32>
          %mul3A_853 = arith.constant 64 : i32
          %mul3A_854 = vector.broadcast %mul3A_853 : i32 to vector<16xi32>
          %mul3A_855 = arith.muli %min3A_796, %mul3A_854 : vector<16xi32>
          %mul3A_856 = arith.constant 64 : i32
          %mul3A_857 = vector.broadcast %mul3A_856 : i32 to vector<16xi32>
          %mul3A_858 = arith.muli %min3A_805, %mul3A_857 : vector<16xi32>
          %mul3A_859 = arith.constant 4096 : i32
          %mul3A_860 = vector.broadcast %mul3A_859 : i32 to vector<16xi32>
          %mul3A_861 = arith.muli %min3A_843, %mul3A_860 : vector<16xi32>
          %mul3A_862 = arith.constant 4096 : i32
          %mul3A_863 = vector.broadcast %mul3A_862 : i32 to vector<16xi32>
          %mul3A_864 = arith.muli %min3A_852, %mul3A_863 : vector<16xi32>
          %mul3A_865 = arith.constant 144 : i32
          %mul3A_866 = arith.muli %scan3A_682, %mul3A_865 : i32
          %add3A_867 = vector.broadcast %mul3A_866 : i32 to vector<16xi32>
          %add3A_868 = arith.addi %mul3A_23, %add3A_867 : vector<16xi32>
          %add3A_869 = arith.addi %mul3A_861, %mul3A_855 : vector<16xi32>
          %add3A_870 = arith.addi %add3A_869, %min3A_749 : vector<16xi32>
          %add3A_871 = vector.broadcast %mul3A_20 : i32 to vector<16xi32>
          %add3A_872 = arith.addi %add3A_870, %add3A_871 : vector<16xi32>
          %mul3A_873 = arith.constant 16 : i32
          %mul3A_874 = arith.muli %scan3A_682, %mul3A_873 : i32
          %add3A_875 = arith.constant 0 : i32
          %add3A_876 = arith.addi %add3A_875, %mul3A_874 : i32
          %swap3A = arith.index_cast %add3A_876 : i32 to index
          %swap3A_877 = tpu.vector_load %arg9[%swap3A] {strides = array<i32>} : memref<2048xi32, #tpu.memory_space<vmem>>, vector<16xi32>,
          tpu.vector_store %arg9[%swap3A], %add3A_872 {strides = array<i32>} : memref<2048xi32, #tpu.memory_space<vmem>>, vector<16xi32>,
          %add3A_878 = arith.constant 0 : i32
          %add3A_879 = vector.broadcast %add3A_878 : i32 to vector<16xi32>
          %add3A_880 = arith.addi %add3A_868, %add3A_879 : vector<16xi32>
          %mul3A_881 = arith.mulf %select_n3A_834, %select_n3A_787 : vector<16xf32>
          %mul3A_882 = arith.mulf %mul3A_881, %select_n3A_742 : vector<16xf32>
          tpu.vector_store_idx %arg11[%add3A_880], %mul3A_882 : memref<2320xf32, #tpu.memory_space<vmem>>[vector<16xi32>], vector<16xf32>,
          %add3A_883 = arith.addi %mul3A_861, %mul3A_855 : vector<16xi32>
          %add3A_884 = arith.addi %add3A_883, %min3A_758 : vector<16xi32>
          %add3A_885 = vector.broadcast %mul3A_20 : i32 to vector<16xi32>
          %add3A_886 = arith.addi %add3A_884, %add3A_885 : vector<16xi32>
          %mul3A_887 = arith.constant 16 : i32
          %mul3A_888 = arith.muli %scan3A_682, %mul3A_887 : i32
          %add3A_889 = arith.constant 256 : i32
          %add3A_890 = arith.addi %add3A_889, %mul3A_888 : i32
          %swap3A_891 = arith.index_cast %add3A_890 : i32 to index
          %swap3A_892 = tpu.vector_load %arg9[%swap3A_891] {strides = array<i32>} : memref<2048xi32, #tpu.memory_space<vmem>>, vector<16xi32>,
          tpu.vector_store %arg9[%swap3A_891], %add3A_886 {strides = array<i32>} : memref<2048xi32, #tpu.memory_space<vmem>>, vector<16xi32>,
          %add3A_893 = arith.constant 1 : i32
          %add3A_894 = vector.broadcast %add3A_893 : i32 to vector<16xi32>
          %add3A_895 = arith.addi %add3A_868, %add3A_894 : vector<16xi32>
          %mul3A_896 = arith.mulf %select_n3A_834, %select_n3A_787 : vector<16xf32>
          %mul3A_897 = arith.mulf %mul3A_896, %select_n3A_745 : vector<16xf32>
          tpu.vector_store_idx %arg11[%add3A_895], %mul3A_897 : memref<2320xf32, #tpu.memory_space<vmem>>[vector<16xi32>], vector<16xf32>,
          %add3A_898 = arith.addi %mul3A_861, %mul3A_858 : vector<16xi32>
          %add3A_899 = arith.addi %add3A_898, %min3A_749 : vector<16xi32>
          %add3A_900 = vector.broadcast %mul3A_20 : i32 to vector<16xi32>
          %add3A_901 = arith.addi %add3A_899, %add3A_900 : vector<16xi32>
          %mul3A_902 = arith.constant 16 : i32
          %mul3A_903 = arith.muli %scan3A_682, %mul3A_902 : i32
          %add3A_904 = arith.constant 512 : i32
          %add3A_905 = arith.addi %add3A_904, %mul3A_903 : i32
          %swap3A_906 = arith.index_cast %add3A_905 : i32 to index
          %swap3A_907 = tpu.vector_load %arg9[%swap3A_906] {strides = array<i32>} : memref<2048xi32, #tpu.memory_space<vmem>>, vector<16xi32>,
          tpu.vector_store %arg9[%swap3A_906], %add3A_901 {strides = array<i32>} : memref<2048xi32, #tpu.memory_space<vmem>>, vector<16xi32>,
          %add3A_908 = arith.constant 2 : i32
          %add3A_909 = vector.broadcast %add3A_908 : i32 to vector<16xi32>
          %add3A_910 = arith.addi %add3A_868, %add3A_909 : vector<16xi32>
          %mul3A_911 = arith.mulf %select_n3A_834, %select_n3A_790 : vector<16xf32>
          %mul3A_912 = arith.mulf %mul3A_911, %select_n3A_742 : vector<16xf32>
          tpu.vector_store_idx %arg11[%add3A_910], %mul3A_912 : memref<2320xf32, #tpu.memory_space<vmem>>[vector<16xi32>], vector<16xf32>,
          %add3A_913 = arith.addi %mul3A_861, %mul3A_858 : vector<16xi32>
          %add3A_914 = arith.addi %add3A_913, %min3A_758 : vector<16xi32>
          %add3A_915 = vector.broadcast %mul3A_20 : i32 to vector<16xi32>
          %add3A_916 = arith.addi %add3A_914, %add3A_915 : vector<16xi32>
          %mul3A_917 = arith.constant 16 : i32
          %mul3A_918 = arith.muli %scan3A_682, %mul3A_917 : i32
          %add3A_919 = arith.constant 768 : i32
          %add3A_920 = arith.addi %add3A_919, %mul3A_918 : i32
          %swap3A_921 = arith.index_cast %add3A_920 : i32 to index
          %swap3A_922 = tpu.vector_load %arg9[%swap3A_921] {strides = array<i32>} : memref<2048xi32, #tpu.memory_space<vmem>>, vector<16xi32>,
          tpu.vector_store %arg9[%swap3A_921], %add3A_916 {strides = array<i32>} : memref<2048xi32, #tpu.memory_space<vmem>>, vector<16xi32>,
          %add3A_923 = arith.constant 3 : i32
          %add3A_924 = vector.broadcast %add3A_923 : i32 to vector<16xi32>
          %add3A_925 = arith.addi %add3A_868, %add3A_924 : vector<16xi32>
          %mul3A_926 = arith.mulf %select_n3A_834, %select_n3A_790 : vector<16xf32>
          %mul3A_927 = arith.mulf %mul3A_926, %select_n3A_745 : vector<16xf32>
          tpu.vector_store_idx %arg11[%add3A_925], %mul3A_927 : memref<2320xf32, #tpu.memory_space<vmem>>[vector<16xi32>], vector<16xf32>,
          %add3A_928 = arith.addi %mul3A_864, %mul3A_855 : vector<16xi32>
          %add3A_929 = arith.addi %add3A_928, %min3A_749 : vector<16xi32>
          %add3A_930 = vector.broadcast %mul3A_20 : i32 to vector<16xi32>
          %add3A_931 = arith.addi %add3A_929, %add3A_930 : vector<16xi32>
          %mul3A_932 = arith.constant 16 : i32
          %mul3A_933 = arith.muli %scan3A_682, %mul3A_932 : i32
          %add3A_934 = arith.constant 1024 : i32
          %add3A_935 = arith.addi %add3A_934, %mul3A_933 : i32
          %swap3A_936 = arith.index_cast %add3A_935 : i32 to index
          %swap3A_937 = tpu.vector_load %arg9[%swap3A_936] {strides = array<i32>} : memref<2048xi32, #tpu.memory_space<vmem>>, vector<16xi32>,
          tpu.vector_store %arg9[%swap3A_936], %add3A_931 {strides = array<i32>} : memref<2048xi32, #tpu.memory_space<vmem>>, vector<16xi32>,
          %add3A_938 = arith.constant 4 : i32
          %add3A_939 = vector.broadcast %add3A_938 : i32 to vector<16xi32>
          %add3A_940 = arith.addi %add3A_868, %add3A_939 : vector<16xi32>
          %mul3A_941 = arith.mulf %select_n3A_837, %select_n3A_787 : vector<16xf32>
          %mul3A_942 = arith.mulf %mul3A_941, %select_n3A_742 : vector<16xf32>
          tpu.vector_store_idx %arg11[%add3A_940], %mul3A_942 : memref<2320xf32, #tpu.memory_space<vmem>>[vector<16xi32>], vector<16xf32>,
          %add3A_943 = arith.addi %mul3A_864, %mul3A_855 : vector<16xi32>
          %add3A_944 = arith.addi %add3A_943, %min3A_758 : vector<16xi32>
          %add3A_945 = vector.broadcast %mul3A_20 : i32 to vector<16xi32>
          %add3A_946 = arith.addi %add3A_944, %add3A_945 : vector<16xi32>
          %mul3A_947 = arith.constant 16 : i32
          %mul3A_948 = arith.muli %scan3A_682, %mul3A_947 : i32
          %add3A_949 = arith.constant 1280 : i32
          %add3A_950 = arith.addi %add3A_949, %mul3A_948 : i32
          %swap3A_951 = arith.index_cast %add3A_950 : i32 to index
          %swap3A_952 = tpu.vector_load %arg9[%swap3A_951] {strides = array<i32>} : memref<2048xi32, #tpu.memory_space<vmem>>, vector<16xi32>,
          tpu.vector_store %arg9[%swap3A_951], %add3A_946 {strides = array<i32>} : memref<2048xi32, #tpu.memory_space<vmem>>, vector<16xi32>,
          %add3A_953 = arith.constant 5 : i32
          %add3A_954 = vector.broadcast %add3A_953 : i32 to vector<16xi32>
          %add3A_955 = arith.addi %add3A_868, %add3A_954 : vector<16xi32>
          %mul3A_956 = arith.mulf %select_n3A_837, %select_n3A_787 : vector<16xf32>
          %mul3A_957 = arith.mulf %mul3A_956, %select_n3A_745 : vector<16xf32>
          tpu.vector_store_idx %arg11[%add3A_955], %mul3A_957 : memref<2320xf32, #tpu.memory_space<vmem>>[vector<16xi32>], vector<16xf32>,
          %add3A_958 = arith.addi %mul3A_864, %mul3A_858 : vector<16xi32>
          %add3A_959 = arith.addi %add3A_958, %min3A_749 : vector<16xi32>
          %add3A_960 = vector.broadcast %mul3A_20 : i32 to vector<16xi32>
          %add3A_961 = arith.addi %add3A_959, %add3A_960 : vector<16xi32>
          %mul3A_962 = arith.constant 16 : i32
          %mul3A_963 = arith.muli %scan3A_682, %mul3A_962 : i32
          %add3A_964 = arith.constant 1536 : i32
          %add3A_965 = arith.addi %add3A_964, %mul3A_963 : i32
          %swap3A_966 = arith.index_cast %add3A_965 : i32 to index
          %swap3A_967 = tpu.vector_load %arg9[%swap3A_966] {strides = array<i32>} : memref<2048xi32, #tpu.memory_space<vmem>>, vector<16xi32>,
          tpu.vector_store %arg9[%swap3A_966], %add3A_961 {strides = array<i32>} : memref<2048xi32, #tpu.memory_space<vmem>>, vector<16xi32>,
          %add3A_968 = arith.constant 6 : i32
          %add3A_969 = vector.broadcast %add3A_968 : i32 to vector<16xi32>
          %add3A_970 = arith.addi %add3A_868, %add3A_969 : vector<16xi32>
          %mul3A_971 = arith.mulf %select_n3A_837, %select_n3A_790 : vector<16xf32>
          %mul3A_972 = arith.mulf %mul3A_971, %select_n3A_742 : vector<16xf32>
          tpu.vector_store_idx %arg11[%add3A_970], %mul3A_972 : memref<2320xf32, #tpu.memory_space<vmem>>[vector<16xi32>], vector<16xf32>,
          %add3A_973 = arith.addi %mul3A_864, %mul3A_858 : vector<16xi32>
          %add3A_974 = arith.addi %add3A_973, %min3A_758 : vector<16xi32>
          %add3A_975 = vector.broadcast %mul3A_20 : i32 to vector<16xi32>
          %add3A_976 = arith.addi %add3A_974, %add3A_975 : vector<16xi32>
          %mul3A_977 = arith.constant 16 : i32
          %mul3A_978 = arith.muli %scan3A_682, %mul3A_977 : i32
          %add3A_979 = arith.constant 1792 : i32
          %add3A_980 = arith.addi %add3A_979, %mul3A_978 : i32
          %swap3A_981 = arith.index_cast %add3A_980 : i32 to index
          %swap3A_982 = tpu.vector_load %arg9[%swap3A_981] {strides = array<i32>} : memref<2048xi32, #tpu.memory_space<vmem>>, vector<16xi32>,
          tpu.vector_store %arg9[%swap3A_981], %add3A_976 {strides = array<i32>} : memref<2048xi32, #tpu.memory_space<vmem>>, vector<16xi32>,
          %add3A_983 = arith.constant 7 : i32
          %add3A_984 = vector.broadcast %add3A_983 : i32 to vector<16xi32>
          %add3A_985 = arith.addi %add3A_868, %add3A_984 : vector<16xi32>
          %mul3A_986 = arith.mulf %select_n3A_837, %select_n3A_790 : vector<16xf32>
          %mul3A_987 = arith.mulf %mul3A_986, %select_n3A_745 : vector<16xf32>
          tpu.vector_store_idx %arg11[%add3A_985], %mul3A_987 : memref<2320xf32, #tpu.memory_space<vmem>>[vector<16xi32>], vector<16xf32>,
          %scan3A_988 = arith.constant 1 : i32
          %scan3A_989 = arith.addi %scan3A_682, %scan3A_988 : i32
          %mul3A_990 = arith.constant 16 : i32
          %mul3A_991 = arith.muli %scan3A_989, %mul3A_990 : i32
          %get3A_992 = arith.index_cast %mul3A_991 : i32 to index
          %get3A_993 = tpu.vector_load %arg7[%get3A_992] {strides = array<i32>} : memref<768xf32, #tpu.memory_space<vmem>>, vector<16xf32>,
          %mul3A_994 = arith.constant 3.200000e+01 : f32
          %mul3A_995 = vector.broadcast %mul3A_994 : f32 to vector<16xf32>
          %mul3A_996 = arith.mulf %get3A_993, %mul3A_995 : vector<16xf32>
          %add3A_997 = arith.constant 3.150000e+01 : f32
          %add3A_998 = vector.broadcast %add3A_997 : f32 to vector<16xf32>
          %add3A_999 = arith.addf %mul3A_996, %add3A_998 : vector<16xf32>
          %mul3A_1000 = arith.constant 16 : i32
          %mul3A_1001 = arith.muli %scan3A_989, %mul3A_1000 : i32
          %add3A_1002 = arith.constant 256 : i32
          %add3A_1003 = arith.addi %add3A_1002, %mul3A_1001 : i32
          %get3A_1004 = arith.index_cast %add3A_1003 : i32 to index
          %get3A_1005 = tpu.vector_load %arg7[%get3A_1004] {strides = array<i32>} : memref<768xf32, #tpu.memory_space<vmem>>, vector<16xf32>,
          %mul3A_1006 = arith.constant 3.200000e+01 : f32
          %mul3A_1007 = vector.broadcast %mul3A_1006 : f32 to vector<16xf32>
          %mul3A_1008 = arith.mulf %get3A_1005, %mul3A_1007 : vector<16xf32>
          %add3A_1009 = arith.constant 3.150000e+01 : f32
          %add3A_1010 = vector.broadcast %add3A_1009 : f32 to vector<16xf32>
          %add3A_1011 = arith.addf %mul3A_1008, %add3A_1010 : vector<16xf32>
          %mul3A_1012 = arith.constant 16 : i32
          %mul3A_1013 = arith.muli %scan3A_989, %mul3A_1012 : i32
          %add3A_1014 = arith.constant 512 : i32
          %add3A_1015 = arith.addi %add3A_1014, %mul3A_1013 : i32
          %get3A_1016 = arith.index_cast %add3A_1015 : i32 to index
          %get3A_1017 = tpu.vector_load %arg7[%get3A_1016] {strides = array<i32>} : memref<768xf32, #tpu.memory_space<vmem>>, vector<16xf32>,
          %mul3A_1018 = arith.constant 3.200000e+01 : f32
          %mul3A_1019 = vector.broadcast %mul3A_1018 : f32 to vector<16xf32>
          %mul3A_1020 = arith.mulf %get3A_1017, %mul3A_1019 : vector<16xf32>
          %add3A_1021 = arith.constant 3.150000e+01 : f32
          %add3A_1022 = vector.broadcast %add3A_1021 : f32 to vector<16xf32>
          %add3A_1023 = arith.addf %mul3A_1020, %add3A_1022 : vector<16xf32>
          %convert_element_type3A_1024 = arith.fptosi %add3A_999 : vector<16xf32> to vector<16xi32>
          %convert_element_type3A_1025 = arith.sitofp %convert_element_type3A_1024 : vector<16xi32> to vector<16xf32>
          %lt3A_1026 = arith.cmpf olt, %add3A_999, %convert_element_type3A_1025 : vector<16xf32>
          %sub3A_1027 = arith.constant 1 : i32
          %sub3A_1028 = vector.broadcast %sub3A_1027 : i32 to vector<16xi32>
          %sub3A_1029 = arith.subi %convert_element_type3A_1024, %sub3A_1028 : vector<16xi32>
          %select_n3A_1030 = arith.select %lt3A_1026, %sub3A_1029, %convert_element_type3A_1024 : vector<16xi1>, vector<16xi32>
          %convert_element_type3A_1031 = arith.sitofp %select_n3A_1030 : vector<16xi32> to vector<16xf32>
          %sub3A_1032 = arith.subf %add3A_999, %convert_element_type3A_1031 : vector<16xf32>
          %sub3A_1033 = arith.constant 1.000000e+00 : f32
          %sub3A_1034 = vector.broadcast %sub3A_1033 : f32 to vector<16xf32>
          %sub3A_1035 = arith.subf %sub3A_1034, %sub3A_1032 : vector<16xf32>
          %ge3A_1036 = arith.constant 0 : i32
          %ge3A_1037 = vector.broadcast %ge3A_1036 : i32 to vector<16xi32>
          %ge3A_1038 = arith.cmpi sge, %select_n3A_1030, %ge3A_1037 : vector<16xi32>
          %lt3A_1039 = arith.constant 64 : i32
          %lt3A_1040 = vector.broadcast %lt3A_1039 : i32 to vector<16xi32>
          %lt3A_1041 = arith.cmpi slt, %select_n3A_1030, %lt3A_1040 : vector<16xi32>
          %and3A_1042 = arith.andi %ge3A_1038, %lt3A_1041 : vector<16xi1>
          %ge3A_1043 = arith.constant -1 : i32
          %ge3A_1044 = vector.broadcast %ge3A_1043 : i32 to vector<16xi32>
          %ge3A_1045 = arith.cmpi sge, %select_n3A_1030, %ge3A_1044 : vector<16xi32>
          %lt3A_1046 = arith.constant 63 : i32
          %lt3A_1047 = vector.broadcast %lt3A_1046 : i32 to vector<16xi32>
          %lt3A_1048 = arith.cmpi slt, %select_n3A_1030, %lt3A_1047 : vector<16xi32>
          %and3A_1049 = arith.andi %ge3A_1045, %lt3A_1048 : vector<16xi1>
          %jit3A_1050 = arith.constant 0.000000e+00 : f32
          %broadcast_in_dim3A_1051 = vector.broadcast %jit3A_1050 : f32 to vector<16xf32>
          %select_n3A_1052 = arith.select %and3A_1042, %sub3A_1035, %broadcast_in_dim3A_1051 : vector<16xi1>, vector<16xf32>
          %jit3A_1053 = arith.constant 0.000000e+00 : f32
          %broadcast_in_dim3A_1054 = vector.broadcast %jit3A_1053 : f32 to vector<16xf32>
          %select_n3A_1055 = arith.select %and3A_1049, %sub3A_1032, %broadcast_in_dim3A_1054 : vector<16xi1>, vector<16xf32>
          %max3A_1056 = arith.constant 0 : i32
          %max3A_1057 = vector.broadcast %max3A_1056 : i32 to vector<16xi32>
          %max3A_1058 = arith.maxsi %select_n3A_1030, %max3A_1057 : vector<16xi32>
          %min3A_1059 = arith.constant 63 : i32
          %min3A_1060 = vector.broadcast %min3A_1059 : i32 to vector<16xi32>
          %min3A_1061 = arith.minsi %max3A_1058, %min3A_1060 : vector<16xi32>
          %add3A_1062 = arith.constant 1 : i32
          %add3A_1063 = vector.broadcast %add3A_1062 : i32 to vector<16xi32>
          %add3A_1064 = arith.addi %select_n3A_1030, %add3A_1063 : vector<16xi32>
          %max3A_1065 = arith.constant 0 : i32
          %max3A_1066 = vector.broadcast %max3A_1065 : i32 to vector<16xi32>
          %max3A_1067 = arith.maxsi %add3A_1064, %max3A_1066 : vector<16xi32>
          %min3A_1068 = arith.constant 63 : i32
          %min3A_1069 = vector.broadcast %min3A_1068 : i32 to vector<16xi32>
          %min3A_1070 = arith.minsi %max3A_1067, %min3A_1069 : vector<16xi32>
          %convert_element_type3A_1071 = arith.fptosi %add3A_1011 : vector<16xf32> to vector<16xi32>
          %convert_element_type3A_1072 = arith.sitofp %convert_element_type3A_1071 : vector<16xi32> to vector<16xf32>
          %lt3A_1073 = arith.cmpf olt, %add3A_1011, %convert_element_type3A_1072 : vector<16xf32>
          %sub3A_1074 = arith.constant 1 : i32
          %sub3A_1075 = vector.broadcast %sub3A_1074 : i32 to vector<16xi32>
          %sub3A_1076 = arith.subi %convert_element_type3A_1071, %sub3A_1075 : vector<16xi32>
          %select_n3A_1077 = arith.select %lt3A_1073, %sub3A_1076, %convert_element_type3A_1071 : vector<16xi1>, vector<16xi32>
          %convert_element_type3A_1078 = arith.sitofp %select_n3A_1077 : vector<16xi32> to vector<16xf32>
          %sub3A_1079 = arith.subf %add3A_1011, %convert_element_type3A_1078 : vector<16xf32>
          %sub3A_1080 = arith.constant 1.000000e+00 : f32
          %sub3A_1081 = vector.broadcast %sub3A_1080 : f32 to vector<16xf32>
          %sub3A_1082 = arith.subf %sub3A_1081, %sub3A_1079 : vector<16xf32>
          %ge3A_1083 = arith.constant 0 : i32
          %ge3A_1084 = vector.broadcast %ge3A_1083 : i32 to vector<16xi32>
          %ge3A_1085 = arith.cmpi sge, %select_n3A_1077, %ge3A_1084 : vector<16xi32>
          %lt3A_1086 = arith.constant 64 : i32
          %lt3A_1087 = vector.broadcast %lt3A_1086 : i32 to vector<16xi32>
          %lt3A_1088 = arith.cmpi slt, %select_n3A_1077, %lt3A_1087 : vector<16xi32>
          %and3A_1089 = arith.andi %ge3A_1085, %lt3A_1088 : vector<16xi1>
          %ge3A_1090 = arith.constant -1 : i32
          %ge3A_1091 = vector.broadcast %ge3A_1090 : i32 to vector<16xi32>
          %ge3A_1092 = arith.cmpi sge, %select_n3A_1077, %ge3A_1091 : vector<16xi32>
          %lt3A_1093 = arith.constant 63 : i32
          %lt3A_1094 = vector.broadcast %lt3A_1093 : i32 to vector<16xi32>
          %lt3A_1095 = arith.cmpi slt, %select_n3A_1077, %lt3A_1094 : vector<16xi32>
          %and3A_1096 = arith.andi %ge3A_1092, %lt3A_1095 : vector<16xi1>
          %jit3A_1097 = arith.constant 0.000000e+00 : f32
          %broadcast_in_dim3A_1098 = vector.broadcast %jit3A_1097 : f32 to vector<16xf32>
          %select_n3A_1099 = arith.select %and3A_1089, %sub3A_1082, %broadcast_in_dim3A_1098 : vector<16xi1>, vector<16xf32>
          %jit3A_1100 = arith.constant 0.000000e+00 : f32
          %broadcast_in_dim3A_1101 = vector.broadcast %jit3A_1100 : f32 to vector<16xf32>
          %select_n3A_1102 = arith.select %and3A_1096, %sub3A_1079, %broadcast_in_dim3A_1101 : vector<16xi1>, vector<16xf32>
          %max3A_1103 = arith.constant 0 : i32
          %max3A_1104 = vector.broadcast %max3A_1103 : i32 to vector<16xi32>
          %max3A_1105 = arith.maxsi %select_n3A_1077, %max3A_1104 : vector<16xi32>
          %min3A_1106 = arith.constant 63 : i32
          %min3A_1107 = vector.broadcast %min3A_1106 : i32 to vector<16xi32>
          %min3A_1108 = arith.minsi %max3A_1105, %min3A_1107 : vector<16xi32>
          %add3A_1109 = arith.constant 1 : i32
          %add3A_1110 = vector.broadcast %add3A_1109 : i32 to vector<16xi32>
          %add3A_1111 = arith.addi %select_n3A_1077, %add3A_1110 : vector<16xi32>
          %max3A_1112 = arith.constant 0 : i32
          %max3A_1113 = vector.broadcast %max3A_1112 : i32 to vector<16xi32>
          %max3A_1114 = arith.maxsi %add3A_1111, %max3A_1113 : vector<16xi32>
          %min3A_1115 = arith.constant 63 : i32
          %min3A_1116 = vector.broadcast %min3A_1115 : i32 to vector<16xi32>
          %min3A_1117 = arith.minsi %max3A_1114, %min3A_1116 : vector<16xi32>
          %convert_element_type3A_1118 = arith.fptosi %add3A_1023 : vector<16xf32> to vector<16xi32>
          %convert_element_type3A_1119 = arith.sitofp %convert_element_type3A_1118 : vector<16xi32> to vector<16xf32>
          %lt3A_1120 = arith.cmpf olt, %add3A_1023, %convert_element_type3A_1119 : vector<16xf32>
          %sub3A_1121 = arith.constant 1 : i32
          %sub3A_1122 = vector.broadcast %sub3A_1121 : i32 to vector<16xi32>
          %sub3A_1123 = arith.subi %convert_element_type3A_1118, %sub3A_1122 : vector<16xi32>
          %select_n3A_1124 = arith.select %lt3A_1120, %sub3A_1123, %convert_element_type3A_1118 : vector<16xi1>, vector<16xi32>
          %convert_element_type3A_1125 = arith.sitofp %select_n3A_1124 : vector<16xi32> to vector<16xf32>
          %sub3A_1126 = arith.subf %add3A_1023, %convert_element_type3A_1125 : vector<16xf32>
          %sub3A_1127 = arith.constant 1.000000e+00 : f32
          %sub3A_1128 = vector.broadcast %sub3A_1127 : f32 to vector<16xf32>
          %sub3A_1129 = arith.subf %sub3A_1128, %sub3A_1126 : vector<16xf32>
          %ge3A_1130 = arith.constant 0 : i32
          %ge3A_1131 = vector.broadcast %ge3A_1130 : i32 to vector<16xi32>
          %ge3A_1132 = arith.cmpi sge, %select_n3A_1124, %ge3A_1131 : vector<16xi32>
          %lt3A_1133 = arith.constant 64 : i32
          %lt3A_1134 = vector.broadcast %lt3A_1133 : i32 to vector<16xi32>
          %lt3A_1135 = arith.cmpi slt, %select_n3A_1124, %lt3A_1134 : vector<16xi32>
          %and3A_1136 = arith.andi %ge3A_1132, %lt3A_1135 : vector<16xi1>
          %ge3A_1137 = arith.constant -1 : i32
          %ge3A_1138 = vector.broadcast %ge3A_1137 : i32 to vector<16xi32>
          %ge3A_1139 = arith.cmpi sge, %select_n3A_1124, %ge3A_1138 : vector<16xi32>
          %lt3A_1140 = arith.constant 63 : i32
          %lt3A_1141 = vector.broadcast %lt3A_1140 : i32 to vector<16xi32>
          %lt3A_1142 = arith.cmpi slt, %select_n3A_1124, %lt3A_1141 : vector<16xi32>
          %and3A_1143 = arith.andi %ge3A_1139, %lt3A_1142 : vector<16xi1>
          %jit3A_1144 = arith.constant 0.000000e+00 : f32
          %broadcast_in_dim3A_1145 = vector.broadcast %jit3A_1144 : f32 to vector<16xf32>
          %select_n3A_1146 = arith.select %and3A_1136, %sub3A_1129, %broadcast_in_dim3A_1145 : vector<16xi1>, vector<16xf32>
          %jit3A_1147 = arith.constant 0.000000e+00 : f32
          %broadcast_in_dim3A_1148 = vector.broadcast %jit3A_1147 : f32 to vector<16xf32>
          %select_n3A_1149 = arith.select %and3A_1143, %sub3A_1126, %broadcast_in_dim3A_1148 : vector<16xi1>, vector<16xf32>
          %max3A_1150 = arith.constant 0 : i32
          %max3A_1151 = vector.broadcast %max3A_1150 : i32 to vector<16xi32>
          %max3A_1152 = arith.maxsi %select_n3A_1124, %max3A_1151 : vector<16xi32>
          %min3A_1153 = arith.constant 63 : i32
          %min3A_1154 = vector.broadcast %min3A_1153 : i32 to vector<16xi32>
          %min3A_1155 = arith.minsi %max3A_1152, %min3A_1154 : vector<16xi32>
          %add3A_1156 = arith.constant 1 : i32
          %add3A_1157 = vector.broadcast %add3A_1156 : i32 to vector<16xi32>
          %add3A_1158 = arith.addi %select_n3A_1124, %add3A_1157 : vector<16xi32>
          %max3A_1159 = arith.constant 0 : i32
          %max3A_1160 = vector.broadcast %max3A_1159 : i32 to vector<16xi32>
          %max3A_1161 = arith.maxsi %add3A_1158, %max3A_1160 : vector<16xi32>
          %min3A_1162 = arith.constant 63 : i32
          %min3A_1163 = vector.broadcast %min3A_1162 : i32 to vector<16xi32>
          %min3A_1164 = arith.minsi %max3A_1161, %min3A_1163 : vector<16xi32>
          %mul3A_1165 = arith.constant 64 : i32
          %mul3A_1166 = vector.broadcast %mul3A_1165 : i32 to vector<16xi32>
          %mul3A_1167 = arith.muli %min3A_1108, %mul3A_1166 : vector<16xi32>
          %mul3A_1168 = arith.constant 64 : i32
          %mul3A_1169 = vector.broadcast %mul3A_1168 : i32 to vector<16xi32>
          %mul3A_1170 = arith.muli %min3A_1117, %mul3A_1169 : vector<16xi32>
          %mul3A_1171 = arith.constant 4096 : i32
          %mul3A_1172 = vector.broadcast %mul3A_1171 : i32 to vector<16xi32>
          %mul3A_1173 = arith.muli %min3A_1155, %mul3A_1172 : vector<16xi32>
          %mul3A_1174 = arith.constant 4096 : i32
          %mul3A_1175 = vector.broadcast %mul3A_1174 : i32 to vector<16xi32>
          %mul3A_1176 = arith.muli %min3A_1164, %mul3A_1175 : vector<16xi32>
          %mul3A_1177 = arith.constant 144 : i32
          %mul3A_1178 = arith.muli %scan3A_989, %mul3A_1177 : i32
          %add3A_1179 = vector.broadcast %mul3A_1178 : i32 to vector<16xi32>
          %add3A_1180 = arith.addi %mul3A_23, %add3A_1179 : vector<16xi32>
          %add3A_1181 = arith.addi %mul3A_1173, %mul3A_1167 : vector<16xi32>
          %add3A_1182 = arith.addi %add3A_1181, %min3A_1061 : vector<16xi32>
          %add3A_1183 = vector.broadcast %mul3A_20 : i32 to vector<16xi32>
          %add3A_1184 = arith.addi %add3A_1182, %add3A_1183 : vector<16xi32>
          %mul3A_1185 = arith.constant 16 : i32
          %mul3A_1186 = arith.muli %scan3A_989, %mul3A_1185 : i32
          %add3A_1187 = arith.constant 0 : i32
          %add3A_1188 = arith.addi %add3A_1187, %mul3A_1186 : i32
          %swap3A_1189 = arith.index_cast %add3A_1188 : i32 to index
          %swap3A_1190 = tpu.vector_load %arg9[%swap3A_1189] {strides = array<i32>} : memref<2048xi32, #tpu.memory_space<vmem>>, vector<16xi32>,
          tpu.vector_store %arg9[%swap3A_1189], %add3A_1184 {strides = array<i32>} : memref<2048xi32, #tpu.memory_space<vmem>>, vector<16xi32>,
          %add3A_1191 = arith.constant 0 : i32
          %add3A_1192 = vector.broadcast %add3A_1191 : i32 to vector<16xi32>
          %add3A_1193 = arith.addi %add3A_1180, %add3A_1192 : vector<16xi32>
          %mul3A_1194 = arith.mulf %select_n3A_1146, %select_n3A_1099 : vector<16xf32>
          %mul3A_1195 = arith.mulf %mul3A_1194, %select_n3A_1052 : vector<16xf32>
          tpu.vector_store_idx %arg11[%add3A_1193], %mul3A_1195 : memref<2320xf32, #tpu.memory_space<vmem>>[vector<16xi32>], vector<16xf32>,
          %add3A_1196 = arith.addi %mul3A_1173, %mul3A_1167 : vector<16xi32>
          %add3A_1197 = arith.addi %add3A_1196, %min3A_1070 : vector<16xi32>
          %add3A_1198 = vector.broadcast %mul3A_20 : i32 to vector<16xi32>
          %add3A_1199 = arith.addi %add3A_1197, %add3A_1198 : vector<16xi32>
          %mul3A_1200 = arith.constant 16 : i32
          %mul3A_1201 = arith.muli %scan3A_989, %mul3A_1200 : i32
          %add3A_1202 = arith.constant 256 : i32
          %add3A_1203 = arith.addi %add3A_1202, %mul3A_1201 : i32
          %swap3A_1204 = arith.index_cast %add3A_1203 : i32 to index
          %swap3A_1205 = tpu.vector_load %arg9[%swap3A_1204] {strides = array<i32>} : memref<2048xi32, #tpu.memory_space<vmem>>, vector<16xi32>,
          tpu.vector_store %arg9[%swap3A_1204], %add3A_1199 {strides = array<i32>} : memref<2048xi32, #tpu.memory_space<vmem>>, vector<16xi32>,
          %add3A_1206 = arith.constant 1 : i32
          %add3A_1207 = vector.broadcast %add3A_1206 : i32 to vector<16xi32>
          %add3A_1208 = arith.addi %add3A_1180, %add3A_1207 : vector<16xi32>
          %mul3A_1209 = arith.mulf %select_n3A_1146, %select_n3A_1099 : vector<16xf32>
          %mul3A_1210 = arith.mulf %mul3A_1209, %select_n3A_1055 : vector<16xf32>
          tpu.vector_store_idx %arg11[%add3A_1208], %mul3A_1210 : memref<2320xf32, #tpu.memory_space<vmem>>[vector<16xi32>], vector<16xf32>,
          %add3A_1211 = arith.addi %mul3A_1173, %mul3A_1170 : vector<16xi32>
          %add3A_1212 = arith.addi %add3A_1211, %min3A_1061 : vector<16xi32>
          %add3A_1213 = vector.broadcast %mul3A_20 : i32 to vector<16xi32>
          %add3A_1214 = arith.addi %add3A_1212, %add3A_1213 : vector<16xi32>
          %mul3A_1215 = arith.constant 16 : i32
          %mul3A_1216 = arith.muli %scan3A_989, %mul3A_1215 : i32
          %add3A_1217 = arith.constant 512 : i32
          %add3A_1218 = arith.addi %add3A_1217, %mul3A_1216 : i32
          %swap3A_1219 = arith.index_cast %add3A_1218 : i32 to index
          %swap3A_1220 = tpu.vector_load %arg9[%swap3A_1219] {strides = array<i32>} : memref<2048xi32, #tpu.memory_space<vmem>>, vector<16xi32>,
          tpu.vector_store %arg9[%swap3A_1219], %add3A_1214 {strides = array<i32>} : memref<2048xi32, #tpu.memory_space<vmem>>, vector<16xi32>,
          %add3A_1221 = arith.constant 2 : i32
          %add3A_1222 = vector.broadcast %add3A_1221 : i32 to vector<16xi32>
          %add3A_1223 = arith.addi %add3A_1180, %add3A_1222 : vector<16xi32>
          %mul3A_1224 = arith.mulf %select_n3A_1146, %select_n3A_1102 : vector<16xf32>
          %mul3A_1225 = arith.mulf %mul3A_1224, %select_n3A_1052 : vector<16xf32>
          tpu.vector_store_idx %arg11[%add3A_1223], %mul3A_1225 : memref<2320xf32, #tpu.memory_space<vmem>>[vector<16xi32>], vector<16xf32>,
          %add3A_1226 = arith.addi %mul3A_1173, %mul3A_1170 : vector<16xi32>
          %add3A_1227 = arith.addi %add3A_1226, %min3A_1070 : vector<16xi32>
          %add3A_1228 = vector.broadcast %mul3A_20 : i32 to vector<16xi32>
          %add3A_1229 = arith.addi %add3A_1227, %add3A_1228 : vector<16xi32>
          %mul3A_1230 = arith.constant 16 : i32
          %mul3A_1231 = arith.muli %scan3A_989, %mul3A_1230 : i32
          %add3A_1232 = arith.constant 768 : i32
          %add3A_1233 = arith.addi %add3A_1232, %mul3A_1231 : i32
          %swap3A_1234 = arith.index_cast %add3A_1233 : i32 to index
          %swap3A_1235 = tpu.vector_load %arg9[%swap3A_1234] {strides = array<i32>} : memref<2048xi32, #tpu.memory_space<vmem>>, vector<16xi32>,
          tpu.vector_store %arg9[%swap3A_1234], %add3A_1229 {strides = array<i32>} : memref<2048xi32, #tpu.memory_space<vmem>>, vector<16xi32>,
          %add3A_1236 = arith.constant 3 : i32
          %add3A_1237 = vector.broadcast %add3A_1236 : i32 to vector<16xi32>
          %add3A_1238 = arith.addi %add3A_1180, %add3A_1237 : vector<16xi32>
          %mul3A_1239 = arith.mulf %select_n3A_1146, %select_n3A_1102 : vector<16xf32>
          %mul3A_1240 = arith.mulf %mul3A_1239, %select_n3A_1055 : vector<16xf32>
          tpu.vector_store_idx %arg11[%add3A_1238], %mul3A_1240 : memref<2320xf32, #tpu.memory_space<vmem>>[vector<16xi32>], vector<16xf32>,
          %add3A_1241 = arith.addi %mul3A_1176, %mul3A_1167 : vector<16xi32>
          %add3A_1242 = arith.addi %add3A_1241, %min3A_1061 : vector<16xi32>
          %add3A_1243 = vector.broadcast %mul3A_20 : i32 to vector<16xi32>
          %add3A_1244 = arith.addi %add3A_1242, %add3A_1243 : vector<16xi32>
          %mul3A_1245 = arith.constant 16 : i32
          %mul3A_1246 = arith.muli %scan3A_989, %mul3A_1245 : i32
          %add3A_1247 = arith.constant 1024 : i32
          %add3A_1248 = arith.addi %add3A_1247, %mul3A_1246 : i32
          %swap3A_1249 = arith.index_cast %add3A_1248 : i32 to index
          %swap3A_1250 = tpu.vector_load %arg9[%swap3A_1249] {strides = array<i32>} : memref<2048xi32, #tpu.memory_space<vmem>>, vector<16xi32>,
          tpu.vector_store %arg9[%swap3A_1249], %add3A_1244 {strides = array<i32>} : memref<2048xi32, #tpu.memory_space<vmem>>, vector<16xi32>,
          %add3A_1251 = arith.constant 4 : i32
          %add3A_1252 = vector.broadcast %add3A_1251 : i32 to vector<16xi32>
          %add3A_1253 = arith.addi %add3A_1180, %add3A_1252 : vector<16xi32>
          %mul3A_1254 = arith.mulf %select_n3A_1149, %select_n3A_1099 : vector<16xf32>
          %mul3A_1255 = arith.mulf %mul3A_1254, %select_n3A_1052 : vector<16xf32>
          tpu.vector_store_idx %arg11[%add3A_1253], %mul3A_1255 : memref<2320xf32, #tpu.memory_space<vmem>>[vector<16xi32>], vector<16xf32>,
          %add3A_1256 = arith.addi %mul3A_1176, %mul3A_1167 : vector<16xi32>
          %add3A_1257 = arith.addi %add3A_1256, %min3A_1070 : vector<16xi32>
          %add3A_1258 = vector.broadcast %mul3A_20 : i32 to vector<16xi32>
          %add3A_1259 = arith.addi %add3A_1257, %add3A_1258 : vector<16xi32>
          %mul3A_1260 = arith.constant 16 : i32
          %mul3A_1261 = arith.muli %scan3A_989, %mul3A_1260 : i32
          %add3A_1262 = arith.constant 1280 : i32
          %add3A_1263 = arith.addi %add3A_1262, %mul3A_1261 : i32
          %swap3A_1264 = arith.index_cast %add3A_1263 : i32 to index
          %swap3A_1265 = tpu.vector_load %arg9[%swap3A_1264] {strides = array<i32>} : memref<2048xi32, #tpu.memory_space<vmem>>, vector<16xi32>,
          tpu.vector_store %arg9[%swap3A_1264], %add3A_1259 {strides = array<i32>} : memref<2048xi32, #tpu.memory_space<vmem>>, vector<16xi32>,
          %add3A_1266 = arith.constant 5 : i32
          %add3A_1267 = vector.broadcast %add3A_1266 : i32 to vector<16xi32>
          %add3A_1268 = arith.addi %add3A_1180, %add3A_1267 : vector<16xi32>
          %mul3A_1269 = arith.mulf %select_n3A_1149, %select_n3A_1099 : vector<16xf32>
          %mul3A_1270 = arith.mulf %mul3A_1269, %select_n3A_1055 : vector<16xf32>
          tpu.vector_store_idx %arg11[%add3A_1268], %mul3A_1270 : memref<2320xf32, #tpu.memory_space<vmem>>[vector<16xi32>], vector<16xf32>,
          %add3A_1271 = arith.addi %mul3A_1176, %mul3A_1170 : vector<16xi32>
          %add3A_1272 = arith.addi %add3A_1271, %min3A_1061 : vector<16xi32>
          %add3A_1273 = vector.broadcast %mul3A_20 : i32 to vector<16xi32>
          %add3A_1274 = arith.addi %add3A_1272, %add3A_1273 : vector<16xi32>
          %mul3A_1275 = arith.constant 16 : i32
          %mul3A_1276 = arith.muli %scan3A_989, %mul3A_1275 : i32
          %add3A_1277 = arith.constant 1536 : i32
          %add3A_1278 = arith.addi %add3A_1277, %mul3A_1276 : i32
          %swap3A_1279 = arith.index_cast %add3A_1278 : i32 to index
          %swap3A_1280 = tpu.vector_load %arg9[%swap3A_1279] {strides = array<i32>} : memref<2048xi32, #tpu.memory_space<vmem>>, vector<16xi32>,
          tpu.vector_store %arg9[%swap3A_1279], %add3A_1274 {strides = array<i32>} : memref<2048xi32, #tpu.memory_space<vmem>>, vector<16xi32>,
          %add3A_1281 = arith.constant 6 : i32
          %add3A_1282 = vector.broadcast %add3A_1281 : i32 to vector<16xi32>
          %add3A_1283 = arith.addi %add3A_1180, %add3A_1282 : vector<16xi32>
          %mul3A_1284 = arith.mulf %select_n3A_1149, %select_n3A_1102 : vector<16xf32>
          %mul3A_1285 = arith.mulf %mul3A_1284, %select_n3A_1052 : vector<16xf32>
          tpu.vector_store_idx %arg11[%add3A_1283], %mul3A_1285 : memref<2320xf32, #tpu.memory_space<vmem>>[vector<16xi32>], vector<16xf32>,
          %add3A_1286 = arith.addi %mul3A_1176, %mul3A_1170 : vector<16xi32>
          %add3A_1287 = arith.addi %add3A_1286, %min3A_1070 : vector<16xi32>
          %add3A_1288 = vector.broadcast %mul3A_20 : i32 to vector<16xi32>
          %add3A_1289 = arith.addi %add3A_1287, %add3A_1288 : vector<16xi32>
          %mul3A_1290 = arith.constant 16 : i32
          %mul3A_1291 = arith.muli %scan3A_989, %mul3A_1290 : i32
          %add3A_1292 = arith.constant 1792 : i32
          %add3A_1293 = arith.addi %add3A_1292, %mul3A_1291 : i32
          %swap3A_1294 = arith.index_cast %add3A_1293 : i32 to index
          %swap3A_1295 = tpu.vector_load %arg9[%swap3A_1294] {strides = array<i32>} : memref<2048xi32, #tpu.memory_space<vmem>>, vector<16xi32>,
          tpu.vector_store %arg9[%swap3A_1294], %add3A_1289 {strides = array<i32>} : memref<2048xi32, #tpu.memory_space<vmem>>, vector<16xi32>,
          %add3A_1296 = arith.constant 7 : i32
          %add3A_1297 = vector.broadcast %add3A_1296 : i32 to vector<16xi32>
          %add3A_1298 = arith.addi %add3A_1180, %add3A_1297 : vector<16xi32>
          %mul3A_1299 = arith.mulf %select_n3A_1149, %select_n3A_1102 : vector<16xf32>
          %mul3A_1300 = arith.mulf %mul3A_1299, %select_n3A_1055 : vector<16xf32>
          tpu.vector_store_idx %arg11[%add3A_1298], %mul3A_1300 : memref<2320xf32, #tpu.memory_space<vmem>>[vector<16xi32>], vector<16xf32>,
        }
        %scan3A_530 = arith.constant 16 : i32
        %dma_start3A_531 = arith.constant 0 : i32
        %dma_start3A_532 = arith.constant 0 : i32
        %dma_start3A_533 = tpu.memref_slice %arg13[%dma_start3A_531, %dma_start3A_532] : memref<2048x32xbf16, #tpu.memory_space<vmem>> -> memref<128x32xbf16, #tpu.memory_space<vmem>>
        %dma_start3A_534 = arith.constant 0 : i32
        %dma_start3A_535 = tpu.memref_slice %arg9[%dma_start3A_534] : memref<2048xi32, #tpu.memory_space<vmem>> -> memref<128xi32, #tpu.memory_space<vmem>>
        %dma_start3A_536 = arith.constant 0 : i32
        %dma_start3A_537 = arith.constant 0 : i32
        %dma_start3A_538 = tpu.memref_slice %arg2[%dma_start3A_536, %dma_start3A_537] : memref<1048576x32xbf16, #tpu.memory_space<hbm>> -> memref<1048576x32xbf16, #tpu.memory_space<hbm>>
        tpu.enqueue_indirect_dma source(%dma_start3A_538 : memref<1048576x32xbf16, #tpu.memory_space<hbm>>) target(%dma_start3A_533 : memref<128x32xbf16, #tpu.memory_space<vmem>>) offsets(%dma_start3A_535 : memref<128xi32, #tpu.memory_space<vmem>>) semaphore(%arg16 : memref<!tpu.dma_semaphore, #tpu.memory_space<semaphore_mem>>)
        %dma_start3A_539 = arith.constant 128 : i32
        %dma_start3A_540 = arith.constant 0 : i32
        %dma_start3A_541 = tpu.memref_slice %arg13[%dma_start3A_539, %dma_start3A_540] : memref<2048x32xbf16, #tpu.memory_space<vmem>> -> memref<128x32xbf16, #tpu.memory_space<vmem>>
        %dma_start3A_542 = arith.constant 128 : i32
        %dma_start3A_543 = tpu.memref_slice %arg9[%dma_start3A_542] : memref<2048xi32, #tpu.memory_space<vmem>> -> memref<128xi32, #tpu.memory_space<vmem>>
        %dma_start3A_544 = arith.constant 0 : i32
        %dma_start3A_545 = arith.constant 0 : i32
        %dma_start3A_546 = tpu.memref_slice %arg2[%dma_start3A_544, %dma_start3A_545] : memref<1048576x32xbf16, #tpu.memory_space<hbm>> -> memref<1048576x32xbf16, #tpu.memory_space<hbm>>
        tpu.enqueue_indirect_dma source(%dma_start3A_546 : memref<1048576x32xbf16, #tpu.memory_space<hbm>>) target(%dma_start3A_541 : memref<128x32xbf16, #tpu.memory_space<vmem>>) offsets(%dma_start3A_543 : memref<128xi32, #tpu.memory_space<vmem>>) semaphore(%arg16 : memref<!tpu.dma_semaphore, #tpu.memory_space<semaphore_mem>>)
        %dma_start3A_547 = arith.constant 256 : i32
        %dma_start3A_548 = arith.constant 0 : i32
        %dma_start3A_549 = tpu.memref_slice %arg13[%dma_start3A_547, %dma_start3A_548] : memref<2048x32xbf16, #tpu.memory_space<vmem>> -> memref<128x32xbf16, #tpu.memory_space<vmem>>
        %dma_start3A_550 = arith.constant 256 : i32
        %dma_start3A_551 = tpu.memref_slice %arg9[%dma_start3A_550] : memref<2048xi32, #tpu.memory_space<vmem>> -> memref<128xi32, #tpu.memory_space<vmem>>
        %dma_start3A_552 = arith.constant 0 : i32
        %dma_start3A_553 = arith.constant 0 : i32
        %dma_start3A_554 = tpu.memref_slice %arg2[%dma_start3A_552, %dma_start3A_553] : memref<1048576x32xbf16, #tpu.memory_space<hbm>> -> memref<1048576x32xbf16, #tpu.memory_space<hbm>>
        tpu.enqueue_indirect_dma source(%dma_start3A_554 : memref<1048576x32xbf16, #tpu.memory_space<hbm>>) target(%dma_start3A_549 : memref<128x32xbf16, #tpu.memory_space<vmem>>) offsets(%dma_start3A_551 : memref<128xi32, #tpu.memory_space<vmem>>) semaphore(%arg16 : memref<!tpu.dma_semaphore, #tpu.memory_space<semaphore_mem>>)
        %dma_start3A_555 = arith.constant 384 : i32
        %dma_start3A_556 = arith.constant 0 : i32
        %dma_start3A_557 = tpu.memref_slice %arg13[%dma_start3A_555, %dma_start3A_556] : memref<2048x32xbf16, #tpu.memory_space<vmem>> -> memref<128x32xbf16, #tpu.memory_space<vmem>>
        %dma_start3A_558 = arith.constant 384 : i32
        %dma_start3A_559 = tpu.memref_slice %arg9[%dma_start3A_558] : memref<2048xi32, #tpu.memory_space<vmem>> -> memref<128xi32, #tpu.memory_space<vmem>>
        %dma_start3A_560 = arith.constant 0 : i32
        %dma_start3A_561 = arith.constant 0 : i32
        %dma_start3A_562 = tpu.memref_slice %arg2[%dma_start3A_560, %dma_start3A_561] : memref<1048576x32xbf16, #tpu.memory_space<hbm>> -> memref<1048576x32xbf16, #tpu.memory_space<hbm>>
        tpu.enqueue_indirect_dma source(%dma_start3A_562 : memref<1048576x32xbf16, #tpu.memory_space<hbm>>) target(%dma_start3A_557 : memref<128x32xbf16, #tpu.memory_space<vmem>>) offsets(%dma_start3A_559 : memref<128xi32, #tpu.memory_space<vmem>>) semaphore(%arg16 : memref<!tpu.dma_semaphore, #tpu.memory_space<semaphore_mem>>)
        %dma_start3A_563 = arith.constant 512 : i32
        %dma_start3A_564 = arith.constant 0 : i32
        %dma_start3A_565 = tpu.memref_slice %arg13[%dma_start3A_563, %dma_start3A_564] : memref<2048x32xbf16, #tpu.memory_space<vmem>> -> memref<128x32xbf16, #tpu.memory_space<vmem>>
        %dma_start3A_566 = arith.constant 512 : i32
        %dma_start3A_567 = tpu.memref_slice %arg9[%dma_start3A_566] : memref<2048xi32, #tpu.memory_space<vmem>> -> memref<128xi32, #tpu.memory_space<vmem>>
        %dma_start3A_568 = arith.constant 0 : i32
        %dma_start3A_569 = arith.constant 0 : i32
        %dma_start3A_570 = tpu.memref_slice %arg2[%dma_start3A_568, %dma_start3A_569] : memref<1048576x32xbf16, #tpu.memory_space<hbm>> -> memref<1048576x32xbf16, #tpu.memory_space<hbm>>
        tpu.enqueue_indirect_dma source(%dma_start3A_570 : memref<1048576x32xbf16, #tpu.memory_space<hbm>>) target(%dma_start3A_565 : memref<128x32xbf16, #tpu.memory_space<vmem>>) offsets(%dma_start3A_567 : memref<128xi32, #tpu.memory_space<vmem>>) semaphore(%arg16 : memref<!tpu.dma_semaphore, #tpu.memory_space<semaphore_mem>>)
        %dma_start3A_571 = arith.constant 640 : i32
        %dma_start3A_572 = arith.constant 0 : i32
        %dma_start3A_573 = tpu.memref_slice %arg13[%dma_start3A_571, %dma_start3A_572] : memref<2048x32xbf16, #tpu.memory_space<vmem>> -> memref<128x32xbf16, #tpu.memory_space<vmem>>
        %dma_start3A_574 = arith.constant 640 : i32
        %dma_start3A_575 = tpu.memref_slice %arg9[%dma_start3A_574] : memref<2048xi32, #tpu.memory_space<vmem>> -> memref<128xi32, #tpu.memory_space<vmem>>
        %dma_start3A_576 = arith.constant 0 : i32
        %dma_start3A_577 = arith.constant 0 : i32
        %dma_start3A_578 = tpu.memref_slice %arg2[%dma_start3A_576, %dma_start3A_577] : memref<1048576x32xbf16, #tpu.memory_space<hbm>> -> memref<1048576x32xbf16, #tpu.memory_space<hbm>>
        tpu.enqueue_indirect_dma source(%dma_start3A_578 : memref<1048576x32xbf16, #tpu.memory_space<hbm>>) target(%dma_start3A_573 : memref<128x32xbf16, #tpu.memory_space<vmem>>) offsets(%dma_start3A_575 : memref<128xi32, #tpu.memory_space<vmem>>) semaphore(%arg16 : memref<!tpu.dma_semaphore, #tpu.memory_space<semaphore_mem>>)
        %dma_start3A_579 = arith.constant 768 : i32
        %dma_start3A_580 = arith.constant 0 : i32
        %dma_start3A_581 = tpu.memref_slice %arg13[%dma_start3A_579, %dma_start3A_580] : memref<2048x32xbf16, #tpu.memory_space<vmem>> -> memref<128x32xbf16, #tpu.memory_space<vmem>>
        %dma_start3A_582 = arith.constant 768 : i32
        %dma_start3A_583 = tpu.memref_slice %arg9[%dma_start3A_582] : memref<2048xi32, #tpu.memory_space<vmem>> -> memref<128xi32, #tpu.memory_space<vmem>>
        %dma_start3A_584 = arith.constant 0 : i32
        %dma_start3A_585 = arith.constant 0 : i32
        %dma_start3A_586 = tpu.memref_slice %arg2[%dma_start3A_584, %dma_start3A_585] : memref<1048576x32xbf16, #tpu.memory_space<hbm>> -> memref<1048576x32xbf16, #tpu.memory_space<hbm>>
        tpu.enqueue_indirect_dma source(%dma_start3A_586 : memref<1048576x32xbf16, #tpu.memory_space<hbm>>) target(%dma_start3A_581 : memref<128x32xbf16, #tpu.memory_space<vmem>>) offsets(%dma_start3A_583 : memref<128xi32, #tpu.memory_space<vmem>>) semaphore(%arg16 : memref<!tpu.dma_semaphore, #tpu.memory_space<semaphore_mem>>)
        %dma_start3A_587 = arith.constant 896 : i32
        %dma_start3A_588 = arith.constant 0 : i32
        %dma_start3A_589 = tpu.memref_slice %arg13[%dma_start3A_587, %dma_start3A_588] : memref<2048x32xbf16, #tpu.memory_space<vmem>> -> memref<128x32xbf16, #tpu.memory_space<vmem>>
        %dma_start3A_590 = arith.constant 896 : i32
        %dma_start3A_591 = tpu.memref_slice %arg9[%dma_start3A_590] : memref<2048xi32, #tpu.memory_space<vmem>> -> memref<128xi32, #tpu.memory_space<vmem>>
        %dma_start3A_592 = arith.constant 0 : i32
        %dma_start3A_593 = arith.constant 0 : i32
        %dma_start3A_594 = tpu.memref_slice %arg2[%dma_start3A_592, %dma_start3A_593] : memref<1048576x32xbf16, #tpu.memory_space<hbm>> -> memref<1048576x32xbf16, #tpu.memory_space<hbm>>
        tpu.enqueue_indirect_dma source(%dma_start3A_594 : memref<1048576x32xbf16, #tpu.memory_space<hbm>>) target(%dma_start3A_589 : memref<128x32xbf16, #tpu.memory_space<vmem>>) offsets(%dma_start3A_591 : memref<128xi32, #tpu.memory_space<vmem>>) semaphore(%arg16 : memref<!tpu.dma_semaphore, #tpu.memory_space<semaphore_mem>>)
        %dma_start3A_595 = arith.constant 1024 : i32
        %dma_start3A_596 = arith.constant 0 : i32
        %dma_start3A_597 = tpu.memref_slice %arg13[%dma_start3A_595, %dma_start3A_596] : memref<2048x32xbf16, #tpu.memory_space<vmem>> -> memref<128x32xbf16, #tpu.memory_space<vmem>>
        %dma_start3A_598 = arith.constant 1024 : i32
        %dma_start3A_599 = tpu.memref_slice %arg9[%dma_start3A_598] : memref<2048xi32, #tpu.memory_space<vmem>> -> memref<128xi32, #tpu.memory_space<vmem>>
        %dma_start3A_600 = arith.constant 0 : i32
        %dma_start3A_601 = arith.constant 0 : i32
        %dma_start3A_602 = tpu.memref_slice %arg2[%dma_start3A_600, %dma_start3A_601] : memref<1048576x32xbf16, #tpu.memory_space<hbm>> -> memref<1048576x32xbf16, #tpu.memory_space<hbm>>
        tpu.enqueue_indirect_dma source(%dma_start3A_602 : memref<1048576x32xbf16, #tpu.memory_space<hbm>>) target(%dma_start3A_597 : memref<128x32xbf16, #tpu.memory_space<vmem>>) offsets(%dma_start3A_599 : memref<128xi32, #tpu.memory_space<vmem>>) semaphore(%arg16 : memref<!tpu.dma_semaphore, #tpu.memory_space<semaphore_mem>>)
        %dma_start3A_603 = arith.constant 1152 : i32
        %dma_start3A_604 = arith.constant 0 : i32
        %dma_start3A_605 = tpu.memref_slice %arg13[%dma_start3A_603, %dma_start3A_604] : memref<2048x32xbf16, #tpu.memory_space<vmem>> -> memref<128x32xbf16, #tpu.memory_space<vmem>>
        %dma_start3A_606 = arith.constant 1152 : i32
        %dma_start3A_607 = tpu.memref_slice %arg9[%dma_start3A_606] : memref<2048xi32, #tpu.memory_space<vmem>> -> memref<128xi32, #tpu.memory_space<vmem>>
        %dma_start3A_608 = arith.constant 0 : i32
        %dma_start3A_609 = arith.constant 0 : i32
        %dma_start3A_610 = tpu.memref_slice %arg2[%dma_start3A_608, %dma_start3A_609] : memref<1048576x32xbf16, #tpu.memory_space<hbm>> -> memref<1048576x32xbf16, #tpu.memory_space<hbm>>
        tpu.enqueue_indirect_dma source(%dma_start3A_610 : memref<1048576x32xbf16, #tpu.memory_space<hbm>>) target(%dma_start3A_605 : memref<128x32xbf16, #tpu.memory_space<vmem>>) offsets(%dma_start3A_607 : memref<128xi32, #tpu.memory_space<vmem>>) semaphore(%arg16 : memref<!tpu.dma_semaphore, #tpu.memory_space<semaphore_mem>>)
        %dma_start3A_611 = arith.constant 1280 : i32
        %dma_start3A_612 = arith.constant 0 : i32
        %dma_start3A_613 = tpu.memref_slice %arg13[%dma_start3A_611, %dma_start3A_612] : memref<2048x32xbf16, #tpu.memory_space<vmem>> -> memref<128x32xbf16, #tpu.memory_space<vmem>>
        %dma_start3A_614 = arith.constant 1280 : i32
        %dma_start3A_615 = tpu.memref_slice %arg9[%dma_start3A_614] : memref<2048xi32, #tpu.memory_space<vmem>> -> memref<128xi32, #tpu.memory_space<vmem>>
        %dma_start3A_616 = arith.constant 0 : i32
        %dma_start3A_617 = arith.constant 0 : i32
        %dma_start3A_618 = tpu.memref_slice %arg2[%dma_start3A_616, %dma_start3A_617] : memref<1048576x32xbf16, #tpu.memory_space<hbm>> -> memref<1048576x32xbf16, #tpu.memory_space<hbm>>
        tpu.enqueue_indirect_dma source(%dma_start3A_618 : memref<1048576x32xbf16, #tpu.memory_space<hbm>>) target(%dma_start3A_613 : memref<128x32xbf16, #tpu.memory_space<vmem>>) offsets(%dma_start3A_615 : memref<128xi32, #tpu.memory_space<vmem>>) semaphore(%arg16 : memref<!tpu.dma_semaphore, #tpu.memory_space<semaphore_mem>>)
        %dma_start3A_619 = arith.constant 1408 : i32
        %dma_start3A_620 = arith.constant 0 : i32
        %dma_start3A_621 = tpu.memref_slice %arg13[%dma_start3A_619, %dma_start3A_620] : memref<2048x32xbf16, #tpu.memory_space<vmem>> -> memref<128x32xbf16, #tpu.memory_space<vmem>>
        %dma_start3A_622 = arith.constant 1408 : i32
        %dma_start3A_623 = tpu.memref_slice %arg9[%dma_start3A_622] : memref<2048xi32, #tpu.memory_space<vmem>> -> memref<128xi32, #tpu.memory_space<vmem>>
        %dma_start3A_624 = arith.constant 0 : i32
        %dma_start3A_625 = arith.constant 0 : i32
        %dma_start3A_626 = tpu.memref_slice %arg2[%dma_start3A_624, %dma_start3A_625] : memref<1048576x32xbf16, #tpu.memory_space<hbm>> -> memref<1048576x32xbf16, #tpu.memory_space<hbm>>
        tpu.enqueue_indirect_dma source(%dma_start3A_626 : memref<1048576x32xbf16, #tpu.memory_space<hbm>>) target(%dma_start3A_621 : memref<128x32xbf16, #tpu.memory_space<vmem>>) offsets(%dma_start3A_623 : memref<128xi32, #tpu.memory_space<vmem>>) semaphore(%arg16 : memref<!tpu.dma_semaphore, #tpu.memory_space<semaphore_mem>>)
        %dma_start3A_627 = arith.constant 1536 : i32
        %dma_start3A_628 = arith.constant 0 : i32
        %dma_start3A_629 = tpu.memref_slice %arg13[%dma_start3A_627, %dma_start3A_628] : memref<2048x32xbf16, #tpu.memory_space<vmem>> -> memref<128x32xbf16, #tpu.memory_space<vmem>>
        %dma_start3A_630 = arith.constant 1536 : i32
        %dma_start3A_631 = tpu.memref_slice %arg9[%dma_start3A_630] : memref<2048xi32, #tpu.memory_space<vmem>> -> memref<128xi32, #tpu.memory_space<vmem>>
        %dma_start3A_632 = arith.constant 0 : i32
        %dma_start3A_633 = arith.constant 0 : i32
        %dma_start3A_634 = tpu.memref_slice %arg2[%dma_start3A_632, %dma_start3A_633] : memref<1048576x32xbf16, #tpu.memory_space<hbm>> -> memref<1048576x32xbf16, #tpu.memory_space<hbm>>
        tpu.enqueue_indirect_dma source(%dma_start3A_634 : memref<1048576x32xbf16, #tpu.memory_space<hbm>>) target(%dma_start3A_629 : memref<128x32xbf16, #tpu.memory_space<vmem>>) offsets(%dma_start3A_631 : memref<128xi32, #tpu.memory_space<vmem>>) semaphore(%arg16 : memref<!tpu.dma_semaphore, #tpu.memory_space<semaphore_mem>>)
        %dma_start3A_635 = arith.constant 1664 : i32
        %dma_start3A_636 = arith.constant 0 : i32
        %dma_start3A_637 = tpu.memref_slice %arg13[%dma_start3A_635, %dma_start3A_636] : memref<2048x32xbf16, #tpu.memory_space<vmem>> -> memref<128x32xbf16, #tpu.memory_space<vmem>>
        %dma_start3A_638 = arith.constant 1664 : i32
        %dma_start3A_639 = tpu.memref_slice %arg9[%dma_start3A_638] : memref<2048xi32, #tpu.memory_space<vmem>> -> memref<128xi32, #tpu.memory_space<vmem>>
        %dma_start3A_640 = arith.constant 0 : i32
        %dma_start3A_641 = arith.constant 0 : i32
        %dma_start3A_642 = tpu.memref_slice %arg2[%dma_start3A_640, %dma_start3A_641] : memref<1048576x32xbf16, #tpu.memory_space<hbm>> -> memref<1048576x32xbf16, #tpu.memory_space<hbm>>
        tpu.enqueue_indirect_dma source(%dma_start3A_642 : memref<1048576x32xbf16, #tpu.memory_space<hbm>>) target(%dma_start3A_637 : memref<128x32xbf16, #tpu.memory_space<vmem>>) offsets(%dma_start3A_639 : memref<128xi32, #tpu.memory_space<vmem>>) semaphore(%arg16 : memref<!tpu.dma_semaphore, #tpu.memory_space<semaphore_mem>>)
        %dma_start3A_643 = arith.constant 1792 : i32
        %dma_start3A_644 = arith.constant 0 : i32
        %dma_start3A_645 = tpu.memref_slice %arg13[%dma_start3A_643, %dma_start3A_644] : memref<2048x32xbf16, #tpu.memory_space<vmem>> -> memref<128x32xbf16, #tpu.memory_space<vmem>>
        %dma_start3A_646 = arith.constant 1792 : i32
        %dma_start3A_647 = tpu.memref_slice %arg9[%dma_start3A_646] : memref<2048xi32, #tpu.memory_space<vmem>> -> memref<128xi32, #tpu.memory_space<vmem>>
        %dma_start3A_648 = arith.constant 0 : i32
        %dma_start3A_649 = arith.constant 0 : i32
        %dma_start3A_650 = tpu.memref_slice %arg2[%dma_start3A_648, %dma_start3A_649] : memref<1048576x32xbf16, #tpu.memory_space<hbm>> -> memref<1048576x32xbf16, #tpu.memory_space<hbm>>
        tpu.enqueue_indirect_dma source(%dma_start3A_650 : memref<1048576x32xbf16, #tpu.memory_space<hbm>>) target(%dma_start3A_645 : memref<128x32xbf16, #tpu.memory_space<vmem>>) offsets(%dma_start3A_647 : memref<128xi32, #tpu.memory_space<vmem>>) semaphore(%arg16 : memref<!tpu.dma_semaphore, #tpu.memory_space<semaphore_mem>>)
        %dma_start3A_651 = arith.constant 1920 : i32
        %dma_start3A_652 = arith.constant 0 : i32
        %dma_start3A_653 = tpu.memref_slice %arg13[%dma_start3A_651, %dma_start3A_652] : memref<2048x32xbf16, #tpu.memory_space<vmem>> -> memref<128x32xbf16, #tpu.memory_space<vmem>>
        %dma_start3A_654 = arith.constant 1920 : i32
        %dma_start3A_655 = tpu.memref_slice %arg9[%dma_start3A_654] : memref<2048xi32, #tpu.memory_space<vmem>> -> memref<128xi32, #tpu.memory_space<vmem>>
        %dma_start3A_656 = arith.constant 0 : i32
        %dma_start3A_657 = arith.constant 0 : i32
        %dma_start3A_658 = tpu.memref_slice %arg2[%dma_start3A_656, %dma_start3A_657] : memref<1048576x32xbf16, #tpu.memory_space<hbm>> -> memref<1048576x32xbf16, #tpu.memory_space<hbm>>
        tpu.enqueue_indirect_dma source(%dma_start3A_658 : memref<1048576x32xbf16, #tpu.memory_space<hbm>>) target(%dma_start3A_653 : memref<128x32xbf16, #tpu.memory_space<vmem>>) offsets(%dma_start3A_655 : memref<128xi32, #tpu.memory_space<vmem>>) semaphore(%arg16 : memref<!tpu.dma_semaphore, #tpu.memory_space<semaphore_mem>>)
        %add3A_659 = arith.constant 3 : i32
        %add3A_660 = arith.addi %mul3A_230, %add3A_659 : i32
        %mul3A_661 = arith.constant 256 : i32
        %mul3A_662 = arith.muli %add3A_660, %mul3A_661 : i32
        %add3A_663 = arith.addi %mul3A_18, %mul3A_662 : i32
        %dma_start3A_664 = arith.constant 0 : i32
        %dma_start3A_665 = tpu.memref_slice %arg8[%dma_start3A_664] : memref<768xf32, #tpu.memory_space<vmem>> -> memref<256xf32, #tpu.memory_space<vmem>>
        %dma_start3A_666 = tpu.memref_slice %arg3[%add3A_663] : memref<1048576xf32, #tpu.memory_space<hbm>> -> memref<256xf32, #tpu.memory_space<hbm>>
        %dma_start3A_667 = arith.constant 0 : i32
        %dma_start3A_668 = tpu.memref_slice %arg8[%dma_start3A_667] : memref<768xf32, #tpu.memory_space<vmem>> -> memref<256xf32, #tpu.memory_space<vmem>>
        %dma_start3A_669 = tpu.memref_slice %arg3[%add3A_663] : memref<1048576xf32, #tpu.memory_space<hbm>> -> memref<256xf32, #tpu.memory_space<hbm>>
        tpu.enqueue_dma source(%dma_start3A_669 : memref<256xf32, #tpu.memory_space<hbm>>) target(%dma_start3A_668 : memref<256xf32, #tpu.memory_space<vmem>>) target_semaphore(%arg19 : memref<!tpu.dma_semaphore, #tpu.memory_space<semaphore_mem>>)
        %dma_start3A_670 = arith.constant 256 : i32
        %dma_start3A_671 = tpu.memref_slice %arg8[%dma_start3A_670] : memref<768xf32, #tpu.memory_space<vmem>> -> memref<256xf32, #tpu.memory_space<vmem>>
        %dma_start3A_672 = tpu.memref_slice %arg4[%add3A_663] : memref<1048576xf32, #tpu.memory_space<hbm>> -> memref<256xf32, #tpu.memory_space<hbm>>
        %dma_start3A_673 = arith.constant 256 : i32
        %dma_start3A_674 = tpu.memref_slice %arg8[%dma_start3A_673] : memref<768xf32, #tpu.memory_space<vmem>> -> memref<256xf32, #tpu.memory_space<vmem>>
        %dma_start3A_675 = tpu.memref_slice %arg4[%add3A_663] : memref<1048576xf32, #tpu.memory_space<hbm>> -> memref<256xf32, #tpu.memory_space<hbm>>
        tpu.enqueue_dma source(%dma_start3A_675 : memref<256xf32, #tpu.memory_space<hbm>>) target(%dma_start3A_674 : memref<256xf32, #tpu.memory_space<vmem>>) target_semaphore(%arg19 : memref<!tpu.dma_semaphore, #tpu.memory_space<semaphore_mem>>)
        %dma_start3A_676 = arith.constant 512 : i32
        %dma_start3A_677 = tpu.memref_slice %arg8[%dma_start3A_676] : memref<768xf32, #tpu.memory_space<vmem>> -> memref<256xf32, #tpu.memory_space<vmem>>
        %dma_start3A_678 = tpu.memref_slice %arg5[%add3A_663] : memref<1048576xf32, #tpu.memory_space<hbm>> -> memref<256xf32, #tpu.memory_space<hbm>>
        %dma_start3A_679 = arith.constant 512 : i32
        %dma_start3A_680 = tpu.memref_slice %arg8[%dma_start3A_679] : memref<768xf32, #tpu.memory_space<vmem>> -> memref<256xf32, #tpu.memory_space<vmem>>
        %dma_start3A_681 = tpu.memref_slice %arg5[%add3A_663] : memref<1048576xf32, #tpu.memory_space<hbm>> -> memref<256xf32, #tpu.memory_space<hbm>>
        tpu.enqueue_dma source(%dma_start3A_681 : memref<256xf32, #tpu.memory_space<hbm>>) target(%dma_start3A_680 : memref<256xf32, #tpu.memory_space<vmem>>) target_semaphore(%arg19 : memref<!tpu.dma_semaphore, #tpu.memory_space<semaphore_mem>>)
      } else {
      }
      %add3A_446 = arith.constant 1 : i32
      %add3A_447 = arith.addi %mul3A_230, %add3A_446 : i32
      %dma_wait3A_448 = arith.constant 0 : i32
      %dma_wait3A_449 = arith.constant 0 : i32
      %dma_wait3A_450 = tpu.memref_slice %arg2[%dma_wait3A_448, %dma_wait3A_449] : memref<1048576x32xbf16, #tpu.memory_space<hbm>> -> memref<2048x32xbf16, #tpu.memory_space<hbm>>
      %dma_wait3A_451 = arith.constant 0 : i32
      %dma_wait3A_452 = arith.constant 0 : i32
      %dma_wait3A_453 = tpu.memref_slice %arg2[%dma_wait3A_451, %dma_wait3A_452] : memref<1048576x32xbf16, #tpu.memory_space<hbm>> -> memref<2048x32xbf16, #tpu.memory_space<hbm>>
      tpu.wait_dma2 semaphore(%arg17 : memref<!tpu.dma_semaphore, #tpu.memory_space<semaphore_mem>>) src(%dma_wait3A_453 : memref<2048x32xbf16, #tpu.memory_space<hbm>>) dst(%arg14 : memref<2048x32xbf16, #tpu.memory_space<vmem>>)
      %jit3A_454 = arith.constant 4 : i32
      %eq3A_455 = arith.constant 0 : i32
      %eq3A_456 = arith.cmpi eq, %jit3A_454, %eq3A_455 : i32
      %jit3A_457 = arith.constant 1 : i32
      %select_n3A_458 = arith.select %eq3A_456, %jit3A_457, %jit3A_454 : i32
      %rem3A_459 = arith.remsi %add3A_447, %select_n3A_458 : i32
      %ne3A_460 = arith.constant 0 : i32
      %ne3A_461 = arith.cmpi ne, %rem3A_459, %ne3A_460 : i32
      %lt3A_462 = arith.constant 0 : i32
      %lt3A_463 = arith.cmpi slt, %rem3A_459, %lt3A_462 : i32
      %lt3A_464 = arith.constant 0 : i32
      %lt3A_465 = arith.cmpi slt, %select_n3A_458, %lt3A_464 : i32
      %ne3A_466 = arith.xori %lt3A_463, %lt3A_465 : i1
      %and3A_467 = arith.andi %ne3A_466, %ne3A_461 : i1
      %add3A_468 = arith.addi %rem3A_459, %select_n3A_458 : i32
      %select_n3A_469 = arith.select %and3A_467, %add3A_468, %rem3A_459 : i32
      %mul3A_470 = arith.constant 256 : i32
      %mul3A_471 = arith.muli %select_n3A_469, %mul3A_470 : i32
      %scan3A_472 = arith.constant 0 : i32
      %scan3A_473 = arith.constant 0 : i32
      %scan3A_474 = arith.constant 256 : i32
      %scan3A_475 = arith.addi %scan3A_473, %scan3A_474 : i32
      %scan3A_476 = arith.constant 4 : i32
      scf.for %scan3A_499 = %scan3A_473 to %scan3A_475 step %scan3A_476  : i32 {
        %mul3A_500 = arith.constant 9 : i32
        %mul3A_501 = arith.muli %scan3A_499, %mul3A_500 : i32
        %get3A = arith.index_cast %mul3A_501 : i32 to index
        %get3A_502 = tpu.vector_load %arg12[%get3A] {strides = array<i32>} : memref<2320xf32, #tpu.memory_space<vmem>>, vector<16xf32>,
        %slice3A = vector.extract_strided_slice %get3A_502 {offsets = [0], sizes = [1], strides = [1]} : vector<16xf32> to vector<1xf32>
        %squeeze3A = vector.extract %slice3A[0] : f32 from vector<1xf32>
        %slice3A_503 = vector.extract_strided_slice %get3A_502 {offsets = [1], sizes = [1], strides = [1]} : vector<16xf32> to vector<1xf32>
        %squeeze3A_504 = vector.extract %slice3A_503[0] : f32 from vector<1xf32>
        %slice3A_505 = vector.extract_strided_slice %get3A_502 {offsets = [2], sizes = [1], strides = [1]} : vector<16xf32> to vector<1xf32>
        %squeeze3A_506 = vector.extract %slice3A_505[0] : f32 from vector<1xf32>
        %slice3A_507 = vector.extract_strided_slice %get3A_502 {offsets = [3], sizes = [1], strides = [1]} : vector<16xf32> to vector<1xf32>
        %squeeze3A_508 = vector.extract %slice3A_507[0] : f32 from vector<1xf32>
        %slice3A_509 = vector.extract_strided_slice %get3A_502 {offsets = [4], sizes = [1], strides = [1]} : vector<16xf32> to vector<1xf32>
        %squeeze3A_510 = vector.extract %slice3A_509[0] : f32 from vector<1xf32>
        %slice3A_511 = vector.extract_strided_slice %get3A_502 {offsets = [5], sizes = [1], strides = [1]} : vector<16xf32> to vector<1xf32>
        %squeeze3A_512 = vector.extract %slice3A_511[0] : f32 from vector<1xf32>
        %slice3A_513 = vector.extract_strided_slice %get3A_502 {offsets = [6], sizes = [1], strides = [1]} : vector<16xf32> to vector<1xf32>
        %squeeze3A_514 = vector.extract %slice3A_513[0] : f32 from vector<1xf32>
        %slice3A_515 = vector.extract_strided_slice %get3A_502 {offsets = [7], sizes = [1], strides = [1]} : vector<16xf32> to vector<1xf32>
        %squeeze3A_516 = vector.extract %slice3A_515[0] : f32 from vector<1xf32>
        %add3A_517 = arith.constant 0 : i32
        %add3A_518 = arith.addi %add3A_517, %scan3A_499 : i32
        %get3A_519 = arith.index_cast %add3A_518 : i32 to index
        %get3A_520 = arith.constant 0 : index
        %get3A_521 = tpu.vector_load %arg14[%get3A_519, %get3A_520] {strides = array<i32>} : memref<2048x32xbf16, #tpu.memory_space<vmem>>, vector<32xbf16>,
        %unpack3A = tpu.unpack_subelements %get3A_521, 0 {pack_format = #tpu.pack_format<interleaved>} : vector<32xbf16> -> vector<16xf32>
        %unpack3A_522 = tpu.unpack_subelements %get3A_521, 1 {pack_format = #tpu.pack_format<interleaved>} : vector<32xbf16> -> vector<16xf32>
        %mul3A_523 = vector.broadcast %squeeze3A : f32 to vector<16xf32>
        %mul3A_524 = arith.mulf %mul3A_523, %unpack3A : vector<16xf32>
        %mul3A_525 = vector.broadcast %squeeze3A : f32 to vector<16xf32>
        %mul3A_526 = arith.mulf %mul3A_525, %unpack3A_522 : vector<16xf32>
        %add3A_527 = arith.constant 256 : i32
        %add3A_528 = arith.addi %add3A_527, %scan3A_499 : i32
        %get3A_529 = arith.index_cast %add3A_528 : i32 to index
        %get3A_530 = arith.constant 0 : index
        %get3A_531 = tpu.vector_load %arg14[%get3A_529, %get3A_530] {strides = array<i32>} : memref<2048x32xbf16, #tpu.memory_space<vmem>>, vector<32xbf16>,
        %unpack3A_532 = tpu.unpack_subelements %get3A_531, 0 {pack_format = #tpu.pack_format<interleaved>} : vector<32xbf16> -> vector<16xf32>
        %unpack3A_533 = tpu.unpack_subelements %get3A_531, 1 {pack_format = #tpu.pack_format<interleaved>} : vector<32xbf16> -> vector<16xf32>
        %mul3A_534 = vector.broadcast %squeeze3A_504 : f32 to vector<16xf32>
        %mul3A_535 = arith.mulf %mul3A_534, %unpack3A_532 : vector<16xf32>
        %add3A_536 = arith.addf %mul3A_524, %mul3A_535 : vector<16xf32>
        %mul3A_537 = vector.broadcast %squeeze3A_504 : f32 to vector<16xf32>
        %mul3A_538 = arith.mulf %mul3A_537, %unpack3A_533 : vector<16xf32>
        %add3A_539 = arith.addf %mul3A_526, %mul3A_538 : vector<16xf32>
        %add3A_540 = arith.constant 512 : i32
        %add3A_541 = arith.addi %add3A_540, %scan3A_499 : i32
        %get3A_542 = arith.index_cast %add3A_541 : i32 to index
        %get3A_543 = arith.constant 0 : index
        %get3A_544 = tpu.vector_load %arg14[%get3A_542, %get3A_543] {strides = array<i32>} : memref<2048x32xbf16, #tpu.memory_space<vmem>>, vector<32xbf16>,
        %unpack3A_545 = tpu.unpack_subelements %get3A_544, 0 {pack_format = #tpu.pack_format<interleaved>} : vector<32xbf16> -> vector<16xf32>
        %unpack3A_546 = tpu.unpack_subelements %get3A_544, 1 {pack_format = #tpu.pack_format<interleaved>} : vector<32xbf16> -> vector<16xf32>
        %mul3A_547 = vector.broadcast %squeeze3A_506 : f32 to vector<16xf32>
        %mul3A_548 = arith.mulf %mul3A_547, %unpack3A_545 : vector<16xf32>
        %add3A_549 = arith.addf %add3A_536, %mul3A_548 : vector<16xf32>
        %mul3A_550 = vector.broadcast %squeeze3A_506 : f32 to vector<16xf32>
        %mul3A_551 = arith.mulf %mul3A_550, %unpack3A_546 : vector<16xf32>
        %add3A_552 = arith.addf %add3A_539, %mul3A_551 : vector<16xf32>
        %add3A_553 = arith.constant 768 : i32
        %add3A_554 = arith.addi %add3A_553, %scan3A_499 : i32
        %get3A_555 = arith.index_cast %add3A_554 : i32 to index
        %get3A_556 = arith.constant 0 : index
        %get3A_557 = tpu.vector_load %arg14[%get3A_555, %get3A_556] {strides = array<i32>} : memref<2048x32xbf16, #tpu.memory_space<vmem>>, vector<32xbf16>,
        %unpack3A_558 = tpu.unpack_subelements %get3A_557, 0 {pack_format = #tpu.pack_format<interleaved>} : vector<32xbf16> -> vector<16xf32>
        %unpack3A_559 = tpu.unpack_subelements %get3A_557, 1 {pack_format = #tpu.pack_format<interleaved>} : vector<32xbf16> -> vector<16xf32>
        %mul3A_560 = vector.broadcast %squeeze3A_508 : f32 to vector<16xf32>
        %mul3A_561 = arith.mulf %mul3A_560, %unpack3A_558 : vector<16xf32>
        %add3A_562 = arith.addf %add3A_549, %mul3A_561 : vector<16xf32>
        %mul3A_563 = vector.broadcast %squeeze3A_508 : f32 to vector<16xf32>
        %mul3A_564 = arith.mulf %mul3A_563, %unpack3A_559 : vector<16xf32>
        %add3A_565 = arith.addf %add3A_552, %mul3A_564 : vector<16xf32>
        %add3A_566 = arith.constant 1024 : i32
        %add3A_567 = arith.addi %add3A_566, %scan3A_499 : i32
        %get3A_568 = arith.index_cast %add3A_567 : i32 to index
        %get3A_569 = arith.constant 0 : index
        %get3A_570 = tpu.vector_load %arg14[%get3A_568, %get3A_569] {strides = array<i32>} : memref<2048x32xbf16, #tpu.memory_space<vmem>>, vector<32xbf16>,
        %unpack3A_571 = tpu.unpack_subelements %get3A_570, 0 {pack_format = #tpu.pack_format<interleaved>} : vector<32xbf16> -> vector<16xf32>
        %unpack3A_572 = tpu.unpack_subelements %get3A_570, 1 {pack_format = #tpu.pack_format<interleaved>} : vector<32xbf16> -> vector<16xf32>
        %mul3A_573 = vector.broadcast %squeeze3A_510 : f32 to vector<16xf32>
        %mul3A_574 = arith.mulf %mul3A_573, %unpack3A_571 : vector<16xf32>
        %add3A_575 = arith.addf %add3A_562, %mul3A_574 : vector<16xf32>
        %mul3A_576 = vector.broadcast %squeeze3A_510 : f32 to vector<16xf32>
        %mul3A_577 = arith.mulf %mul3A_576, %unpack3A_572 : vector<16xf32>
        %add3A_578 = arith.addf %add3A_565, %mul3A_577 : vector<16xf32>
        %add3A_579 = arith.constant 1280 : i32
        %add3A_580 = arith.addi %add3A_579, %scan3A_499 : i32
        %get3A_581 = arith.index_cast %add3A_580 : i32 to index
        %get3A_582 = arith.constant 0 : index
        %get3A_583 = tpu.vector_load %arg14[%get3A_581, %get3A_582] {strides = array<i32>} : memref<2048x32xbf16, #tpu.memory_space<vmem>>, vector<32xbf16>,
        %unpack3A_584 = tpu.unpack_subelements %get3A_583, 0 {pack_format = #tpu.pack_format<interleaved>} : vector<32xbf16> -> vector<16xf32>
        %unpack3A_585 = tpu.unpack_subelements %get3A_583, 1 {pack_format = #tpu.pack_format<interleaved>} : vector<32xbf16> -> vector<16xf32>
        %mul3A_586 = vector.broadcast %squeeze3A_512 : f32 to vector<16xf32>
        %mul3A_587 = arith.mulf %mul3A_586, %unpack3A_584 : vector<16xf32>
        %add3A_588 = arith.addf %add3A_575, %mul3A_587 : vector<16xf32>
        %mul3A_589 = vector.broadcast %squeeze3A_512 : f32 to vector<16xf32>
        %mul3A_590 = arith.mulf %mul3A_589, %unpack3A_585 : vector<16xf32>
        %add3A_591 = arith.addf %add3A_578, %mul3A_590 : vector<16xf32>
        %add3A_592 = arith.constant 1536 : i32
        %add3A_593 = arith.addi %add3A_592, %scan3A_499 : i32
        %get3A_594 = arith.index_cast %add3A_593 : i32 to index
        %get3A_595 = arith.constant 0 : index
        %get3A_596 = tpu.vector_load %arg14[%get3A_594, %get3A_595] {strides = array<i32>} : memref<2048x32xbf16, #tpu.memory_space<vmem>>, vector<32xbf16>,
        %unpack3A_597 = tpu.unpack_subelements %get3A_596, 0 {pack_format = #tpu.pack_format<interleaved>} : vector<32xbf16> -> vector<16xf32>
        %unpack3A_598 = tpu.unpack_subelements %get3A_596, 1 {pack_format = #tpu.pack_format<interleaved>} : vector<32xbf16> -> vector<16xf32>
        %mul3A_599 = vector.broadcast %squeeze3A_514 : f32 to vector<16xf32>
        %mul3A_600 = arith.mulf %mul3A_599, %unpack3A_597 : vector<16xf32>
        %add3A_601 = arith.addf %add3A_588, %mul3A_600 : vector<16xf32>
        %mul3A_602 = vector.broadcast %squeeze3A_514 : f32 to vector<16xf32>
        %mul3A_603 = arith.mulf %mul3A_602, %unpack3A_598 : vector<16xf32>
        %add3A_604 = arith.addf %add3A_591, %mul3A_603 : vector<16xf32>
        %add3A_605 = arith.constant 1792 : i32
        %add3A_606 = arith.addi %add3A_605, %scan3A_499 : i32
        %get3A_607 = arith.index_cast %add3A_606 : i32 to index
        %get3A_608 = arith.constant 0 : index
        %get3A_609 = tpu.vector_load %arg14[%get3A_607, %get3A_608] {strides = array<i32>} : memref<2048x32xbf16, #tpu.memory_space<vmem>>, vector<32xbf16>,
        %unpack3A_610 = tpu.unpack_subelements %get3A_609, 0 {pack_format = #tpu.pack_format<interleaved>} : vector<32xbf16> -> vector<16xf32>
        %unpack3A_611 = tpu.unpack_subelements %get3A_609, 1 {pack_format = #tpu.pack_format<interleaved>} : vector<32xbf16> -> vector<16xf32>
        %mul3A_612 = vector.broadcast %squeeze3A_516 : f32 to vector<16xf32>
        %mul3A_613 = arith.mulf %mul3A_612, %unpack3A_610 : vector<16xf32>
        %add3A_614 = arith.addf %add3A_601, %mul3A_613 : vector<16xf32>
        %mul3A_615 = vector.broadcast %squeeze3A_516 : f32 to vector<16xf32>
        %mul3A_616 = arith.mulf %mul3A_615, %unpack3A_611 : vector<16xf32>
        %add3A_617 = arith.addf %add3A_604, %mul3A_616 : vector<16xf32>
        %add3A_618 = arith.addi %mul3A_471, %scan3A_499 : i32
        %broadcast_in_dim3A = vector.broadcast %add3A_618 : i32 to vector<16xi32>
        tpu.vector_store_idx %arg15[%mul3A_26, %broadcast_in_dim3A], %add3A_614 : memref<32x1025xf32, #tpu.memory_space<vmem>>[vector<16xi32>, vector<16xi32>], vector<16xf32>,
        %add3A_619 = arith.constant 1 : i32
        %add3A_620 = vector.broadcast %add3A_619 : i32 to vector<16xi32>
        %add3A_621 = arith.addi %mul3A_26, %add3A_620 : vector<16xi32>
        tpu.vector_store_idx %arg15[%add3A_621, %broadcast_in_dim3A], %add3A_617 : memref<32x1025xf32, #tpu.memory_space<vmem>>[vector<16xi32>, vector<16xi32>], vector<16xf32>,
        %scan3A_622 = arith.constant 1 : i32
        %scan3A_623 = arith.addi %scan3A_499, %scan3A_622 : i32
        %mul3A_624 = arith.constant 9 : i32
        %mul3A_625 = arith.muli %scan3A_623, %mul3A_624 : i32
        %get3A_626 = arith.index_cast %mul3A_625 : i32 to index
        %get3A_627 = tpu.vector_load %arg12[%get3A_626] {strides = array<i32>} : memref<2320xf32, #tpu.memory_space<vmem>>, vector<16xf32>,
        %slice3A_628 = vector.extract_strided_slice %get3A_627 {offsets = [0], sizes = [1], strides = [1]} : vector<16xf32> to vector<1xf32>
        %squeeze3A_629 = vector.extract %slice3A_628[0] : f32 from vector<1xf32>
        %slice3A_630 = vector.extract_strided_slice %get3A_627 {offsets = [1], sizes = [1], strides = [1]} : vector<16xf32> to vector<1xf32>
        %squeeze3A_631 = vector.extract %slice3A_630[0] : f32 from vector<1xf32>
        %slice3A_632 = vector.extract_strided_slice %get3A_627 {offsets = [2], sizes = [1], strides = [1]} : vector<16xf32> to vector<1xf32>
        %squeeze3A_633 = vector.extract %slice3A_632[0] : f32 from vector<1xf32>
        %slice3A_634 = vector.extract_strided_slice %get3A_627 {offsets = [3], sizes = [1], strides = [1]} : vector<16xf32> to vector<1xf32>
        %squeeze3A_635 = vector.extract %slice3A_634[0] : f32 from vector<1xf32>
        %slice3A_636 = vector.extract_strided_slice %get3A_627 {offsets = [4], sizes = [1], strides = [1]} : vector<16xf32> to vector<1xf32>
        %squeeze3A_637 = vector.extract %slice3A_636[0] : f32 from vector<1xf32>
        %slice3A_638 = vector.extract_strided_slice %get3A_627 {offsets = [5], sizes = [1], strides = [1]} : vector<16xf32> to vector<1xf32>
        %squeeze3A_639 = vector.extract %slice3A_638[0] : f32 from vector<1xf32>
        %slice3A_640 = vector.extract_strided_slice %get3A_627 {offsets = [6], sizes = [1], strides = [1]} : vector<16xf32> to vector<1xf32>
        %squeeze3A_641 = vector.extract %slice3A_640[0] : f32 from vector<1xf32>
        %slice3A_642 = vector.extract_strided_slice %get3A_627 {offsets = [7], sizes = [1], strides = [1]} : vector<16xf32> to vector<1xf32>
        %squeeze3A_643 = vector.extract %slice3A_642[0] : f32 from vector<1xf32>
        %add3A_644 = arith.constant 0 : i32
        %add3A_645 = arith.addi %add3A_644, %scan3A_623 : i32
        %get3A_646 = arith.index_cast %add3A_645 : i32 to index
        %get3A_647 = arith.constant 0 : index
        %get3A_648 = tpu.vector_load %arg14[%get3A_646, %get3A_647] {strides = array<i32>} : memref<2048x32xbf16, #tpu.memory_space<vmem>>, vector<32xbf16>,
        %unpack3A_649 = tpu.unpack_subelements %get3A_648, 0 {pack_format = #tpu.pack_format<interleaved>} : vector<32xbf16> -> vector<16xf32>
        %unpack3A_650 = tpu.unpack_subelements %get3A_648, 1 {pack_format = #tpu.pack_format<interleaved>} : vector<32xbf16> -> vector<16xf32>
        %mul3A_651 = vector.broadcast %squeeze3A_629 : f32 to vector<16xf32>
        %mul3A_652 = arith.mulf %mul3A_651, %unpack3A_649 : vector<16xf32>
        %mul3A_653 = vector.broadcast %squeeze3A_629 : f32 to vector<16xf32>
        %mul3A_654 = arith.mulf %mul3A_653, %unpack3A_650 : vector<16xf32>
        %add3A_655 = arith.constant 256 : i32
        %add3A_656 = arith.addi %add3A_655, %scan3A_623 : i32
        %get3A_657 = arith.index_cast %add3A_656 : i32 to index
        %get3A_658 = arith.constant 0 : index
        %get3A_659 = tpu.vector_load %arg14[%get3A_657, %get3A_658] {strides = array<i32>} : memref<2048x32xbf16, #tpu.memory_space<vmem>>, vector<32xbf16>,
        %unpack3A_660 = tpu.unpack_subelements %get3A_659, 0 {pack_format = #tpu.pack_format<interleaved>} : vector<32xbf16> -> vector<16xf32>
        %unpack3A_661 = tpu.unpack_subelements %get3A_659, 1 {pack_format = #tpu.pack_format<interleaved>} : vector<32xbf16> -> vector<16xf32>
        %mul3A_662 = vector.broadcast %squeeze3A_631 : f32 to vector<16xf32>
        %mul3A_663 = arith.mulf %mul3A_662, %unpack3A_660 : vector<16xf32>
        %add3A_664 = arith.addf %mul3A_652, %mul3A_663 : vector<16xf32>
        %mul3A_665 = vector.broadcast %squeeze3A_631 : f32 to vector<16xf32>
        %mul3A_666 = arith.mulf %mul3A_665, %unpack3A_661 : vector<16xf32>
        %add3A_667 = arith.addf %mul3A_654, %mul3A_666 : vector<16xf32>
        %add3A_668 = arith.constant 512 : i32
        %add3A_669 = arith.addi %add3A_668, %scan3A_623 : i32
        %get3A_670 = arith.index_cast %add3A_669 : i32 to index
        %get3A_671 = arith.constant 0 : index
        %get3A_672 = tpu.vector_load %arg14[%get3A_670, %get3A_671] {strides = array<i32>} : memref<2048x32xbf16, #tpu.memory_space<vmem>>, vector<32xbf16>,
        %unpack3A_673 = tpu.unpack_subelements %get3A_672, 0 {pack_format = #tpu.pack_format<interleaved>} : vector<32xbf16> -> vector<16xf32>
        %unpack3A_674 = tpu.unpack_subelements %get3A_672, 1 {pack_format = #tpu.pack_format<interleaved>} : vector<32xbf16> -> vector<16xf32>
        %mul3A_675 = vector.broadcast %squeeze3A_633 : f32 to vector<16xf32>
        %mul3A_676 = arith.mulf %mul3A_675, %unpack3A_673 : vector<16xf32>
        %add3A_677 = arith.addf %add3A_664, %mul3A_676 : vector<16xf32>
        %mul3A_678 = vector.broadcast %squeeze3A_633 : f32 to vector<16xf32>
        %mul3A_679 = arith.mulf %mul3A_678, %unpack3A_674 : vector<16xf32>
        %add3A_680 = arith.addf %add3A_667, %mul3A_679 : vector<16xf32>
        %add3A_681 = arith.constant 768 : i32
        %add3A_682 = arith.addi %add3A_681, %scan3A_623 : i32
        %get3A_683 = arith.index_cast %add3A_682 : i32 to index
        %get3A_684 = arith.constant 0 : index
        %get3A_685 = tpu.vector_load %arg14[%get3A_683, %get3A_684] {strides = array<i32>} : memref<2048x32xbf16, #tpu.memory_space<vmem>>, vector<32xbf16>,
        %unpack3A_686 = tpu.unpack_subelements %get3A_685, 0 {pack_format = #tpu.pack_format<interleaved>} : vector<32xbf16> -> vector<16xf32>
        %unpack3A_687 = tpu.unpack_subelements %get3A_685, 1 {pack_format = #tpu.pack_format<interleaved>} : vector<32xbf16> -> vector<16xf32>
        %mul3A_688 = vector.broadcast %squeeze3A_635 : f32 to vector<16xf32>
        %mul3A_689 = arith.mulf %mul3A_688, %unpack3A_686 : vector<16xf32>
        %add3A_690 = arith.addf %add3A_677, %mul3A_689 : vector<16xf32>
        %mul3A_691 = vector.broadcast %squeeze3A_635 : f32 to vector<16xf32>
        %mul3A_692 = arith.mulf %mul3A_691, %unpack3A_687 : vector<16xf32>
        %add3A_693 = arith.addf %add3A_680, %mul3A_692 : vector<16xf32>
        %add3A_694 = arith.constant 1024 : i32
        %add3A_695 = arith.addi %add3A_694, %scan3A_623 : i32
        %get3A_696 = arith.index_cast %add3A_695 : i32 to index
        %get3A_697 = arith.constant 0 : index
        %get3A_698 = tpu.vector_load %arg14[%get3A_696, %get3A_697] {strides = array<i32>} : memref<2048x32xbf16, #tpu.memory_space<vmem>>, vector<32xbf16>,
        %unpack3A_699 = tpu.unpack_subelements %get3A_698, 0 {pack_format = #tpu.pack_format<interleaved>} : vector<32xbf16> -> vector<16xf32>
        %unpack3A_700 = tpu.unpack_subelements %get3A_698, 1 {pack_format = #tpu.pack_format<interleaved>} : vector<32xbf16> -> vector<16xf32>
        %mul3A_701 = vector.broadcast %squeeze3A_637 : f32 to vector<16xf32>
        %mul3A_702 = arith.mulf %mul3A_701, %unpack3A_699 : vector<16xf32>
        %add3A_703 = arith.addf %add3A_690, %mul3A_702 : vector<16xf32>
        %mul3A_704 = vector.broadcast %squeeze3A_637 : f32 to vector<16xf32>
        %mul3A_705 = arith.mulf %mul3A_704, %unpack3A_700 : vector<16xf32>
        %add3A_706 = arith.addf %add3A_693, %mul3A_705 : vector<16xf32>
        %add3A_707 = arith.constant 1280 : i32
        %add3A_708 = arith.addi %add3A_707, %scan3A_623 : i32
        %get3A_709 = arith.index_cast %add3A_708 : i32 to index
        %get3A_710 = arith.constant 0 : index
        %get3A_711 = tpu.vector_load %arg14[%get3A_709, %get3A_710] {strides = array<i32>} : memref<2048x32xbf16, #tpu.memory_space<vmem>>, vector<32xbf16>,
        %unpack3A_712 = tpu.unpack_subelements %get3A_711, 0 {pack_format = #tpu.pack_format<interleaved>} : vector<32xbf16> -> vector<16xf32>
        %unpack3A_713 = tpu.unpack_subelements %get3A_711, 1 {pack_format = #tpu.pack_format<interleaved>} : vector<32xbf16> -> vector<16xf32>
        %mul3A_714 = vector.broadcast %squeeze3A_639 : f32 to vector<16xf32>
        %mul3A_715 = arith.mulf %mul3A_714, %unpack3A_712 : vector<16xf32>
        %add3A_716 = arith.addf %add3A_703, %mul3A_715 : vector<16xf32>
        %mul3A_717 = vector.broadcast %squeeze3A_639 : f32 to vector<16xf32>
        %mul3A_718 = arith.mulf %mul3A_717, %unpack3A_713 : vector<16xf32>
        %add3A_719 = arith.addf %add3A_706, %mul3A_718 : vector<16xf32>
        %add3A_720 = arith.constant 1536 : i32
        %add3A_721 = arith.addi %add3A_720, %scan3A_623 : i32
        %get3A_722 = arith.index_cast %add3A_721 : i32 to index
        %get3A_723 = arith.constant 0 : index
        %get3A_724 = tpu.vector_load %arg14[%get3A_722, %get3A_723] {strides = array<i32>} : memref<2048x32xbf16, #tpu.memory_space<vmem>>, vector<32xbf16>,
        %unpack3A_725 = tpu.unpack_subelements %get3A_724, 0 {pack_format = #tpu.pack_format<interleaved>} : vector<32xbf16> -> vector<16xf32>
        %unpack3A_726 = tpu.unpack_subelements %get3A_724, 1 {pack_format = #tpu.pack_format<interleaved>} : vector<32xbf16> -> vector<16xf32>
        %mul3A_727 = vector.broadcast %squeeze3A_641 : f32 to vector<16xf32>
        %mul3A_728 = arith.mulf %mul3A_727, %unpack3A_725 : vector<16xf32>
        %add3A_729 = arith.addf %add3A_716, %mul3A_728 : vector<16xf32>
        %mul3A_730 = vector.broadcast %squeeze3A_641 : f32 to vector<16xf32>
        %mul3A_731 = arith.mulf %mul3A_730, %unpack3A_726 : vector<16xf32>
        %add3A_732 = arith.addf %add3A_719, %mul3A_731 : vector<16xf32>
        %add3A_733 = arith.constant 1792 : i32
        %add3A_734 = arith.addi %add3A_733, %scan3A_623 : i32
        %get3A_735 = arith.index_cast %add3A_734 : i32 to index
        %get3A_736 = arith.constant 0 : index
        %get3A_737 = tpu.vector_load %arg14[%get3A_735, %get3A_736] {strides = array<i32>} : memref<2048x32xbf16, #tpu.memory_space<vmem>>, vector<32xbf16>,
        %unpack3A_738 = tpu.unpack_subelements %get3A_737, 0 {pack_format = #tpu.pack_format<interleaved>} : vector<32xbf16> -> vector<16xf32>
        %unpack3A_739 = tpu.unpack_subelements %get3A_737, 1 {pack_format = #tpu.pack_format<interleaved>} : vector<32xbf16> -> vector<16xf32>
        %mul3A_740 = vector.broadcast %squeeze3A_643 : f32 to vector<16xf32>
        %mul3A_741 = arith.mulf %mul3A_740, %unpack3A_738 : vector<16xf32>
        %add3A_742 = arith.addf %add3A_729, %mul3A_741 : vector<16xf32>
        %mul3A_743 = vector.broadcast %squeeze3A_643 : f32 to vector<16xf32>
        %mul3A_744 = arith.mulf %mul3A_743, %unpack3A_739 : vector<16xf32>
        %add3A_745 = arith.addf %add3A_732, %mul3A_744 : vector<16xf32>
        %add3A_746 = arith.addi %mul3A_471, %scan3A_623 : i32
        %broadcast_in_dim3A_747 = vector.broadcast %add3A_746 : i32 to vector<16xi32>
        tpu.vector_store_idx %arg15[%mul3A_26, %broadcast_in_dim3A_747], %add3A_742 : memref<32x1025xf32, #tpu.memory_space<vmem>>[vector<16xi32>, vector<16xi32>], vector<16xf32>,
        %add3A_748 = arith.constant 1 : i32
        %add3A_749 = vector.broadcast %add3A_748 : i32 to vector<16xi32>
        %add3A_750 = arith.addi %mul3A_26, %add3A_749 : vector<16xi32>
        tpu.vector_store_idx %arg15[%add3A_750, %broadcast_in_dim3A_747], %add3A_745 : memref<32x1025xf32, #tpu.memory_space<vmem>>[vector<16xi32>, vector<16xi32>], vector<16xf32>,
        %scan3A_751 = arith.constant 2 : i32
        %scan3A_752 = arith.addi %scan3A_499, %scan3A_751 : i32
        %mul3A_753 = arith.constant 9 : i32
        %mul3A_754 = arith.muli %scan3A_752, %mul3A_753 : i32
        %get3A_755 = arith.index_cast %mul3A_754 : i32 to index
        %get3A_756 = tpu.vector_load %arg12[%get3A_755] {strides = array<i32>} : memref<2320xf32, #tpu.memory_space<vmem>>, vector<16xf32>,
        %slice3A_757 = vector.extract_strided_slice %get3A_756 {offsets = [0], sizes = [1], strides = [1]} : vector<16xf32> to vector<1xf32>
        %squeeze3A_758 = vector.extract %slice3A_757[0] : f32 from vector<1xf32>
        %slice3A_759 = vector.extract_strided_slice %get3A_756 {offsets = [1], sizes = [1], strides = [1]} : vector<16xf32> to vector<1xf32>
        %squeeze3A_760 = vector.extract %slice3A_759[0] : f32 from vector<1xf32>
        %slice3A_761 = vector.extract_strided_slice %get3A_756 {offsets = [2], sizes = [1], strides = [1]} : vector<16xf32> to vector<1xf32>
        %squeeze3A_762 = vector.extract %slice3A_761[0] : f32 from vector<1xf32>
        %slice3A_763 = vector.extract_strided_slice %get3A_756 {offsets = [3], sizes = [1], strides = [1]} : vector<16xf32> to vector<1xf32>
        %squeeze3A_764 = vector.extract %slice3A_763[0] : f32 from vector<1xf32>
        %slice3A_765 = vector.extract_strided_slice %get3A_756 {offsets = [4], sizes = [1], strides = [1]} : vector<16xf32> to vector<1xf32>
        %squeeze3A_766 = vector.extract %slice3A_765[0] : f32 from vector<1xf32>
        %slice3A_767 = vector.extract_strided_slice %get3A_756 {offsets = [5], sizes = [1], strides = [1]} : vector<16xf32> to vector<1xf32>
        %squeeze3A_768 = vector.extract %slice3A_767[0] : f32 from vector<1xf32>
        %slice3A_769 = vector.extract_strided_slice %get3A_756 {offsets = [6], sizes = [1], strides = [1]} : vector<16xf32> to vector<1xf32>
        %squeeze3A_770 = vector.extract %slice3A_769[0] : f32 from vector<1xf32>
        %slice3A_771 = vector.extract_strided_slice %get3A_756 {offsets = [7], sizes = [1], strides = [1]} : vector<16xf32> to vector<1xf32>
        %squeeze3A_772 = vector.extract %slice3A_771[0] : f32 from vector<1xf32>
        %add3A_773 = arith.constant 0 : i32
        %add3A_774 = arith.addi %add3A_773, %scan3A_752 : i32
        %get3A_775 = arith.index_cast %add3A_774 : i32 to index
        %get3A_776 = arith.constant 0 : index
        %get3A_777 = tpu.vector_load %arg14[%get3A_775, %get3A_776] {strides = array<i32>} : memref<2048x32xbf16, #tpu.memory_space<vmem>>, vector<32xbf16>,
        %unpack3A_778 = tpu.unpack_subelements %get3A_777, 0 {pack_format = #tpu.pack_format<interleaved>} : vector<32xbf16> -> vector<16xf32>
        %unpack3A_779 = tpu.unpack_subelements %get3A_777, 1 {pack_format = #tpu.pack_format<interleaved>} : vector<32xbf16> -> vector<16xf32>
        %mul3A_780 = vector.broadcast %squeeze3A_758 : f32 to vector<16xf32>
        %mul3A_781 = arith.mulf %mul3A_780, %unpack3A_778 : vector<16xf32>
        %mul3A_782 = vector.broadcast %squeeze3A_758 : f32 to vector<16xf32>
        %mul3A_783 = arith.mulf %mul3A_782, %unpack3A_779 : vector<16xf32>
        %add3A_784 = arith.constant 256 : i32
        %add3A_785 = arith.addi %add3A_784, %scan3A_752 : i32
        %get3A_786 = arith.index_cast %add3A_785 : i32 to index
        %get3A_787 = arith.constant 0 : index
        %get3A_788 = tpu.vector_load %arg14[%get3A_786, %get3A_787] {strides = array<i32>} : memref<2048x32xbf16, #tpu.memory_space<vmem>>, vector<32xbf16>,
        %unpack3A_789 = tpu.unpack_subelements %get3A_788, 0 {pack_format = #tpu.pack_format<interleaved>} : vector<32xbf16> -> vector<16xf32>
        %unpack3A_790 = tpu.unpack_subelements %get3A_788, 1 {pack_format = #tpu.pack_format<interleaved>} : vector<32xbf16> -> vector<16xf32>
        %mul3A_791 = vector.broadcast %squeeze3A_760 : f32 to vector<16xf32>
        %mul3A_792 = arith.mulf %mul3A_791, %unpack3A_789 : vector<16xf32>
        %add3A_793 = arith.addf %mul3A_781, %mul3A_792 : vector<16xf32>
        %mul3A_794 = vector.broadcast %squeeze3A_760 : f32 to vector<16xf32>
        %mul3A_795 = arith.mulf %mul3A_794, %unpack3A_790 : vector<16xf32>
        %add3A_796 = arith.addf %mul3A_783, %mul3A_795 : vector<16xf32>
        %add3A_797 = arith.constant 512 : i32
        %add3A_798 = arith.addi %add3A_797, %scan3A_752 : i32
        %get3A_799 = arith.index_cast %add3A_798 : i32 to index
        %get3A_800 = arith.constant 0 : index
        %get3A_801 = tpu.vector_load %arg14[%get3A_799, %get3A_800] {strides = array<i32>} : memref<2048x32xbf16, #tpu.memory_space<vmem>>, vector<32xbf16>,
        %unpack3A_802 = tpu.unpack_subelements %get3A_801, 0 {pack_format = #tpu.pack_format<interleaved>} : vector<32xbf16> -> vector<16xf32>
        %unpack3A_803 = tpu.unpack_subelements %get3A_801, 1 {pack_format = #tpu.pack_format<interleaved>} : vector<32xbf16> -> vector<16xf32>
        %mul3A_804 = vector.broadcast %squeeze3A_762 : f32 to vector<16xf32>
        %mul3A_805 = arith.mulf %mul3A_804, %unpack3A_802 : vector<16xf32>
        %add3A_806 = arith.addf %add3A_793, %mul3A_805 : vector<16xf32>
        %mul3A_807 = vector.broadcast %squeeze3A_762 : f32 to vector<16xf32>
        %mul3A_808 = arith.mulf %mul3A_807, %unpack3A_803 : vector<16xf32>
        %add3A_809 = arith.addf %add3A_796, %mul3A_808 : vector<16xf32>
        %add3A_810 = arith.constant 768 : i32
        %add3A_811 = arith.addi %add3A_810, %scan3A_752 : i32
        %get3A_812 = arith.index_cast %add3A_811 : i32 to index
        %get3A_813 = arith.constant 0 : index
        %get3A_814 = tpu.vector_load %arg14[%get3A_812, %get3A_813] {strides = array<i32>} : memref<2048x32xbf16, #tpu.memory_space<vmem>>, vector<32xbf16>,
        %unpack3A_815 = tpu.unpack_subelements %get3A_814, 0 {pack_format = #tpu.pack_format<interleaved>} : vector<32xbf16> -> vector<16xf32>
        %unpack3A_816 = tpu.unpack_subelements %get3A_814, 1 {pack_format = #tpu.pack_format<interleaved>} : vector<32xbf16> -> vector<16xf32>
        %mul3A_817 = vector.broadcast %squeeze3A_764 : f32 to vector<16xf32>
        %mul3A_818 = arith.mulf %mul3A_817, %unpack3A_815 : vector<16xf32>
        %add3A_819 = arith.addf %add3A_806, %mul3A_818 : vector<16xf32>
        %mul3A_820 = vector.broadcast %squeeze3A_764 : f32 to vector<16xf32>
        %mul3A_821 = arith.mulf %mul3A_820, %unpack3A_816 : vector<16xf32>
        %add3A_822 = arith.addf %add3A_809, %mul3A_821 : vector<16xf32>
        %add3A_823 = arith.constant 1024 : i32
        %add3A_824 = arith.addi %add3A_823, %scan3A_752 : i32
        %get3A_825 = arith.index_cast %add3A_824 : i32 to index
        %get3A_826 = arith.constant 0 : index
        %get3A_827 = tpu.vector_load %arg14[%get3A_825, %get3A_826] {strides = array<i32>} : memref<2048x32xbf16, #tpu.memory_space<vmem>>, vector<32xbf16>,
        %unpack3A_828 = tpu.unpack_subelements %get3A_827, 0 {pack_format = #tpu.pack_format<interleaved>} : vector<32xbf16> -> vector<16xf32>
        %unpack3A_829 = tpu.unpack_subelements %get3A_827, 1 {pack_format = #tpu.pack_format<interleaved>} : vector<32xbf16> -> vector<16xf32>
        %mul3A_830 = vector.broadcast %squeeze3A_766 : f32 to vector<16xf32>
        %mul3A_831 = arith.mulf %mul3A_830, %unpack3A_828 : vector<16xf32>
        %add3A_832 = arith.addf %add3A_819, %mul3A_831 : vector<16xf32>
        %mul3A_833 = vector.broadcast %squeeze3A_766 : f32 to vector<16xf32>
        %mul3A_834 = arith.mulf %mul3A_833, %unpack3A_829 : vector<16xf32>
        %add3A_835 = arith.addf %add3A_822, %mul3A_834 : vector<16xf32>
        %add3A_836 = arith.constant 1280 : i32
        %add3A_837 = arith.addi %add3A_836, %scan3A_752 : i32
        %get3A_838 = arith.index_cast %add3A_837 : i32 to index
        %get3A_839 = arith.constant 0 : index
        %get3A_840 = tpu.vector_load %arg14[%get3A_838, %get3A_839] {strides = array<i32>} : memref<2048x32xbf16, #tpu.memory_space<vmem>>, vector<32xbf16>,
        %unpack3A_841 = tpu.unpack_subelements %get3A_840, 0 {pack_format = #tpu.pack_format<interleaved>} : vector<32xbf16> -> vector<16xf32>
        %unpack3A_842 = tpu.unpack_subelements %get3A_840, 1 {pack_format = #tpu.pack_format<interleaved>} : vector<32xbf16> -> vector<16xf32>
        %mul3A_843 = vector.broadcast %squeeze3A_768 : f32 to vector<16xf32>
        %mul3A_844 = arith.mulf %mul3A_843, %unpack3A_841 : vector<16xf32>
        %add3A_845 = arith.addf %add3A_832, %mul3A_844 : vector<16xf32>
        %mul3A_846 = vector.broadcast %squeeze3A_768 : f32 to vector<16xf32>
        %mul3A_847 = arith.mulf %mul3A_846, %unpack3A_842 : vector<16xf32>
        %add3A_848 = arith.addf %add3A_835, %mul3A_847 : vector<16xf32>
        %add3A_849 = arith.constant 1536 : i32
        %add3A_850 = arith.addi %add3A_849, %scan3A_752 : i32
        %get3A_851 = arith.index_cast %add3A_850 : i32 to index
        %get3A_852 = arith.constant 0 : index
        %get3A_853 = tpu.vector_load %arg14[%get3A_851, %get3A_852] {strides = array<i32>} : memref<2048x32xbf16, #tpu.memory_space<vmem>>, vector<32xbf16>,
        %unpack3A_854 = tpu.unpack_subelements %get3A_853, 0 {pack_format = #tpu.pack_format<interleaved>} : vector<32xbf16> -> vector<16xf32>
        %unpack3A_855 = tpu.unpack_subelements %get3A_853, 1 {pack_format = #tpu.pack_format<interleaved>} : vector<32xbf16> -> vector<16xf32>
        %mul3A_856 = vector.broadcast %squeeze3A_770 : f32 to vector<16xf32>
        %mul3A_857 = arith.mulf %mul3A_856, %unpack3A_854 : vector<16xf32>
        %add3A_858 = arith.addf %add3A_845, %mul3A_857 : vector<16xf32>
        %mul3A_859 = vector.broadcast %squeeze3A_770 : f32 to vector<16xf32>
        %mul3A_860 = arith.mulf %mul3A_859, %unpack3A_855 : vector<16xf32>
        %add3A_861 = arith.addf %add3A_848, %mul3A_860 : vector<16xf32>
        %add3A_862 = arith.constant 1792 : i32
        %add3A_863 = arith.addi %add3A_862, %scan3A_752 : i32
        %get3A_864 = arith.index_cast %add3A_863 : i32 to index
        %get3A_865 = arith.constant 0 : index
        %get3A_866 = tpu.vector_load %arg14[%get3A_864, %get3A_865] {strides = array<i32>} : memref<2048x32xbf16, #tpu.memory_space<vmem>>, vector<32xbf16>,
        %unpack3A_867 = tpu.unpack_subelements %get3A_866, 0 {pack_format = #tpu.pack_format<interleaved>} : vector<32xbf16> -> vector<16xf32>
        %unpack3A_868 = tpu.unpack_subelements %get3A_866, 1 {pack_format = #tpu.pack_format<interleaved>} : vector<32xbf16> -> vector<16xf32>
        %mul3A_869 = vector.broadcast %squeeze3A_772 : f32 to vector<16xf32>
        %mul3A_870 = arith.mulf %mul3A_869, %unpack3A_867 : vector<16xf32>
        %add3A_871 = arith.addf %add3A_858, %mul3A_870 : vector<16xf32>
        %mul3A_872 = vector.broadcast %squeeze3A_772 : f32 to vector<16xf32>
        %mul3A_873 = arith.mulf %mul3A_872, %unpack3A_868 : vector<16xf32>
        %add3A_874 = arith.addf %add3A_861, %mul3A_873 : vector<16xf32>
        %add3A_875 = arith.addi %mul3A_471, %scan3A_752 : i32
        %broadcast_in_dim3A_876 = vector.broadcast %add3A_875 : i32 to vector<16xi32>
        tpu.vector_store_idx %arg15[%mul3A_26, %broadcast_in_dim3A_876], %add3A_871 : memref<32x1025xf32, #tpu.memory_space<vmem>>[vector<16xi32>, vector<16xi32>], vector<16xf32>,
        %add3A_877 = arith.constant 1 : i32
        %add3A_878 = vector.broadcast %add3A_877 : i32 to vector<16xi32>
        %add3A_879 = arith.addi %mul3A_26, %add3A_878 : vector<16xi32>
        tpu.vector_store_idx %arg15[%add3A_879, %broadcast_in_dim3A_876], %add3A_874 : memref<32x1025xf32, #tpu.memory_space<vmem>>[vector<16xi32>, vector<16xi32>], vector<16xf32>,
        %scan3A_880 = arith.constant 3 : i32
        %scan3A_881 = arith.addi %scan3A_499, %scan3A_880 : i32
        %mul3A_882 = arith.constant 9 : i32
        %mul3A_883 = arith.muli %scan3A_881, %mul3A_882 : i32
        %get3A_884 = arith.index_cast %mul3A_883 : i32 to index
        %get3A_885 = tpu.vector_load %arg12[%get3A_884] {strides = array<i32>} : memref<2320xf32, #tpu.memory_space<vmem>>, vector<16xf32>,
        %slice3A_886 = vector.extract_strided_slice %get3A_885 {offsets = [0], sizes = [1], strides = [1]} : vector<16xf32> to vector<1xf32>
        %squeeze3A_887 = vector.extract %slice3A_886[0] : f32 from vector<1xf32>
        %slice3A_888 = vector.extract_strided_slice %get3A_885 {offsets = [1], sizes = [1], strides = [1]} : vector<16xf32> to vector<1xf32>
        %squeeze3A_889 = vector.extract %slice3A_888[0] : f32 from vector<1xf32>
        %slice3A_890 = vector.extract_strided_slice %get3A_885 {offsets = [2], sizes = [1], strides = [1]} : vector<16xf32> to vector<1xf32>
        %squeeze3A_891 = vector.extract %slice3A_890[0] : f32 from vector<1xf32>
        %slice3A_892 = vector.extract_strided_slice %get3A_885 {offsets = [3], sizes = [1], strides = [1]} : vector<16xf32> to vector<1xf32>
        %squeeze3A_893 = vector.extract %slice3A_892[0] : f32 from vector<1xf32>
        %slice3A_894 = vector.extract_strided_slice %get3A_885 {offsets = [4], sizes = [1], strides = [1]} : vector<16xf32> to vector<1xf32>
        %squeeze3A_895 = vector.extract %slice3A_894[0] : f32 from vector<1xf32>
        %slice3A_896 = vector.extract_strided_slice %get3A_885 {offsets = [5], sizes = [1], strides = [1]} : vector<16xf32> to vector<1xf32>
        %squeeze3A_897 = vector.extract %slice3A_896[0] : f32 from vector<1xf32>
        %slice3A_898 = vector.extract_strided_slice %get3A_885 {offsets = [6], sizes = [1], strides = [1]} : vector<16xf32> to vector<1xf32>
        %squeeze3A_899 = vector.extract %slice3A_898[0] : f32 from vector<1xf32>
        %slice3A_900 = vector.extract_strided_slice %get3A_885 {offsets = [7], sizes = [1], strides = [1]} : vector<16xf32> to vector<1xf32>
        %squeeze3A_901 = vector.extract %slice3A_900[0] : f32 from vector<1xf32>
        %add3A_902 = arith.constant 0 : i32
        %add3A_903 = arith.addi %add3A_902, %scan3A_881 : i32
        %get3A_904 = arith.index_cast %add3A_903 : i32 to index
        %get3A_905 = arith.constant 0 : index
        %get3A_906 = tpu.vector_load %arg14[%get3A_904, %get3A_905] {strides = array<i32>} : memref<2048x32xbf16, #tpu.memory_space<vmem>>, vector<32xbf16>,
        %unpack3A_907 = tpu.unpack_subelements %get3A_906, 0 {pack_format = #tpu.pack_format<interleaved>} : vector<32xbf16> -> vector<16xf32>
        %unpack3A_908 = tpu.unpack_subelements %get3A_906, 1 {pack_format = #tpu.pack_format<interleaved>} : vector<32xbf16> -> vector<16xf32>
        %mul3A_909 = vector.broadcast %squeeze3A_887 : f32 to vector<16xf32>
        %mul3A_910 = arith.mulf %mul3A_909, %unpack3A_907 : vector<16xf32>
        %mul3A_911 = vector.broadcast %squeeze3A_887 : f32 to vector<16xf32>
        %mul3A_912 = arith.mulf %mul3A_911, %unpack3A_908 : vector<16xf32>
        %add3A_913 = arith.constant 256 : i32
        %add3A_914 = arith.addi %add3A_913, %scan3A_881 : i32
        %get3A_915 = arith.index_cast %add3A_914 : i32 to index
        %get3A_916 = arith.constant 0 : index
        %get3A_917 = tpu.vector_load %arg14[%get3A_915, %get3A_916] {strides = array<i32>} : memref<2048x32xbf16, #tpu.memory_space<vmem>>, vector<32xbf16>,
        %unpack3A_918 = tpu.unpack_subelements %get3A_917, 0 {pack_format = #tpu.pack_format<interleaved>} : vector<32xbf16> -> vector<16xf32>
        %unpack3A_919 = tpu.unpack_subelements %get3A_917, 1 {pack_format = #tpu.pack_format<interleaved>} : vector<32xbf16> -> vector<16xf32>
        %mul3A_920 = vector.broadcast %squeeze3A_889 : f32 to vector<16xf32>
        %mul3A_921 = arith.mulf %mul3A_920, %unpack3A_918 : vector<16xf32>
        %add3A_922 = arith.addf %mul3A_910, %mul3A_921 : vector<16xf32>
        %mul3A_923 = vector.broadcast %squeeze3A_889 : f32 to vector<16xf32>
        %mul3A_924 = arith.mulf %mul3A_923, %unpack3A_919 : vector<16xf32>
        %add3A_925 = arith.addf %mul3A_912, %mul3A_924 : vector<16xf32>
        %add3A_926 = arith.constant 512 : i32
        %add3A_927 = arith.addi %add3A_926, %scan3A_881 : i32
        %get3A_928 = arith.index_cast %add3A_927 : i32 to index
        %get3A_929 = arith.constant 0 : index
        %get3A_930 = tpu.vector_load %arg14[%get3A_928, %get3A_929] {strides = array<i32>} : memref<2048x32xbf16, #tpu.memory_space<vmem>>, vector<32xbf16>,
        %unpack3A_931 = tpu.unpack_subelements %get3A_930, 0 {pack_format = #tpu.pack_format<interleaved>} : vector<32xbf16> -> vector<16xf32>
        %unpack3A_932 = tpu.unpack_subelements %get3A_930, 1 {pack_format = #tpu.pack_format<interleaved>} : vector<32xbf16> -> vector<16xf32>
        %mul3A_933 = vector.broadcast %squeeze3A_891 : f32 to vector<16xf32>
        %mul3A_934 = arith.mulf %mul3A_933, %unpack3A_931 : vector<16xf32>
        %add3A_935 = arith.addf %add3A_922, %mul3A_934 : vector<16xf32>
        %mul3A_936 = vector.broadcast %squeeze3A_891 : f32 to vector<16xf32>
        %mul3A_937 = arith.mulf %mul3A_936, %unpack3A_932 : vector<16xf32>
        %add3A_938 = arith.addf %add3A_925, %mul3A_937 : vector<16xf32>
        %add3A_939 = arith.constant 768 : i32
        %add3A_940 = arith.addi %add3A_939, %scan3A_881 : i32
        %get3A_941 = arith.index_cast %add3A_940 : i32 to index
        %get3A_942 = arith.constant 0 : index
        %get3A_943 = tpu.vector_load %arg14[%get3A_941, %get3A_942] {strides = array<i32>} : memref<2048x32xbf16, #tpu.memory_space<vmem>>, vector<32xbf16>,
        %unpack3A_944 = tpu.unpack_subelements %get3A_943, 0 {pack_format = #tpu.pack_format<interleaved>} : vector<32xbf16> -> vector<16xf32>
        %unpack3A_945 = tpu.unpack_subelements %get3A_943, 1 {pack_format = #tpu.pack_format<interleaved>} : vector<32xbf16> -> vector<16xf32>
        %mul3A_946 = vector.broadcast %squeeze3A_893 : f32 to vector<16xf32>
        %mul3A_947 = arith.mulf %mul3A_946, %unpack3A_944 : vector<16xf32>
        %add3A_948 = arith.addf %add3A_935, %mul3A_947 : vector<16xf32>
        %mul3A_949 = vector.broadcast %squeeze3A_893 : f32 to vector<16xf32>
        %mul3A_950 = arith.mulf %mul3A_949, %unpack3A_945 : vector<16xf32>
        %add3A_951 = arith.addf %add3A_938, %mul3A_950 : vector<16xf32>
        %add3A_952 = arith.constant 1024 : i32
        %add3A_953 = arith.addi %add3A_952, %scan3A_881 : i32
        %get3A_954 = arith.index_cast %add3A_953 : i32 to index
        %get3A_955 = arith.constant 0 : index
        %get3A_956 = tpu.vector_load %arg14[%get3A_954, %get3A_955] {strides = array<i32>} : memref<2048x32xbf16, #tpu.memory_space<vmem>>, vector<32xbf16>,
        %unpack3A_957 = tpu.unpack_subelements %get3A_956, 0 {pack_format = #tpu.pack_format<interleaved>} : vector<32xbf16> -> vector<16xf32>
        %unpack3A_958 = tpu.unpack_subelements %get3A_956, 1 {pack_format = #tpu.pack_format<interleaved>} : vector<32xbf16> -> vector<16xf32>
        %mul3A_959 = vector.broadcast %squeeze3A_895 : f32 to vector<16xf32>
        %mul3A_960 = arith.mulf %mul3A_959, %unpack3A_957 : vector<16xf32>
        %add3A_961 = arith.addf %add3A_948, %mul3A_960 : vector<16xf32>
        %mul3A_962 = vector.broadcast %squeeze3A_895 : f32 to vector<16xf32>
        %mul3A_963 = arith.mulf %mul3A_962, %unpack3A_958 : vector<16xf32>
        %add3A_964 = arith.addf %add3A_951, %mul3A_963 : vector<16xf32>
        %add3A_965 = arith.constant 1280 : i32
        %add3A_966 = arith.addi %add3A_965, %scan3A_881 : i32
        %get3A_967 = arith.index_cast %add3A_966 : i32 to index
        %get3A_968 = arith.constant 0 : index
        %get3A_969 = tpu.vector_load %arg14[%get3A_967, %get3A_968] {strides = array<i32>} : memref<2048x32xbf16, #tpu.memory_space<vmem>>, vector<32xbf16>,
        %unpack3A_970 = tpu.unpack_subelements %get3A_969, 0 {pack_format = #tpu.pack_format<interleaved>} : vector<32xbf16> -> vector<16xf32>
        %unpack3A_971 = tpu.unpack_subelements %get3A_969, 1 {pack_format = #tpu.pack_format<interleaved>} : vector<32xbf16> -> vector<16xf32>
        %mul3A_972 = vector.broadcast %squeeze3A_897 : f32 to vector<16xf32>
        %mul3A_973 = arith.mulf %mul3A_972, %unpack3A_970 : vector<16xf32>
        %add3A_974 = arith.addf %add3A_961, %mul3A_973 : vector<16xf32>
        %mul3A_975 = vector.broadcast %squeeze3A_897 : f32 to vector<16xf32>
        %mul3A_976 = arith.mulf %mul3A_975, %unpack3A_971 : vector<16xf32>
        %add3A_977 = arith.addf %add3A_964, %mul3A_976 : vector<16xf32>
        %add3A_978 = arith.constant 1536 : i32
        %add3A_979 = arith.addi %add3A_978, %scan3A_881 : i32
        %get3A_980 = arith.index_cast %add3A_979 : i32 to index
        %get3A_981 = arith.constant 0 : index
        %get3A_982 = tpu.vector_load %arg14[%get3A_980, %get3A_981] {strides = array<i32>} : memref<2048x32xbf16, #tpu.memory_space<vmem>>, vector<32xbf16>,
        %unpack3A_983 = tpu.unpack_subelements %get3A_982, 0 {pack_format = #tpu.pack_format<interleaved>} : vector<32xbf16> -> vector<16xf32>
        %unpack3A_984 = tpu.unpack_subelements %get3A_982, 1 {pack_format = #tpu.pack_format<interleaved>} : vector<32xbf16> -> vector<16xf32>
        %mul3A_985 = vector.broadcast %squeeze3A_899 : f32 to vector<16xf32>
        %mul3A_986 = arith.mulf %mul3A_985, %unpack3A_983 : vector<16xf32>
        %add3A_987 = arith.addf %add3A_974, %mul3A_986 : vector<16xf32>
        %mul3A_988 = vector.broadcast %squeeze3A_899 : f32 to vector<16xf32>
        %mul3A_989 = arith.mulf %mul3A_988, %unpack3A_984 : vector<16xf32>
        %add3A_990 = arith.addf %add3A_977, %mul3A_989 : vector<16xf32>
        %add3A_991 = arith.constant 1792 : i32
        %add3A_992 = arith.addi %add3A_991, %scan3A_881 : i32
        %get3A_993 = arith.index_cast %add3A_992 : i32 to index
        %get3A_994 = arith.constant 0 : index
        %get3A_995 = tpu.vector_load %arg14[%get3A_993, %get3A_994] {strides = array<i32>} : memref<2048x32xbf16, #tpu.memory_space<vmem>>, vector<32xbf16>,
        %unpack3A_996 = tpu.unpack_subelements %get3A_995, 0 {pack_format = #tpu.pack_format<interleaved>} : vector<32xbf16> -> vector<16xf32>
        %unpack3A_997 = tpu.unpack_subelements %get3A_995, 1 {pack_format = #tpu.pack_format<interleaved>} : vector<32xbf16> -> vector<16xf32>
        %mul3A_998 = vector.broadcast %squeeze3A_901 : f32 to vector<16xf32>
        %mul3A_999 = arith.mulf %mul3A_998, %unpack3A_996 : vector<16xf32>
        %add3A_1000 = arith.addf %add3A_987, %mul3A_999 : vector<16xf32>
        %mul3A_1001 = vector.broadcast %squeeze3A_901 : f32 to vector<16xf32>
        %mul3A_1002 = arith.mulf %mul3A_1001, %unpack3A_997 : vector<16xf32>
        %add3A_1003 = arith.addf %add3A_990, %mul3A_1002 : vector<16xf32>
        %add3A_1004 = arith.addi %mul3A_471, %scan3A_881 : i32
        %broadcast_in_dim3A_1005 = vector.broadcast %add3A_1004 : i32 to vector<16xi32>
        tpu.vector_store_idx %arg15[%mul3A_26, %broadcast_in_dim3A_1005], %add3A_1000 : memref<32x1025xf32, #tpu.memory_space<vmem>>[vector<16xi32>, vector<16xi32>], vector<16xf32>,
        %add3A_1006 = arith.constant 1 : i32
        %add3A_1007 = vector.broadcast %add3A_1006 : i32 to vector<16xi32>
        %add3A_1008 = arith.addi %mul3A_26, %add3A_1007 : vector<16xi32>
        tpu.vector_store_idx %arg15[%add3A_1008, %broadcast_in_dim3A_1005], %add3A_1003 : memref<32x1025xf32, #tpu.memory_space<vmem>>[vector<16xi32>, vector<16xi32>], vector<16xf32>,
      }
      %scan3A_477 = arith.constant 256 : i32
      %jit3A_478 = arith.constant 4 : i32
      %eq3A_479 = arith.constant 0 : i32
      %eq3A_480 = arith.cmpi eq, %jit3A_478, %eq3A_479 : i32
      %jit3A_481 = arith.constant 1 : i32
      %select_n3A_482 = arith.select %eq3A_480, %jit3A_481, %jit3A_478 : i32
      %rem3A_483 = arith.remsi %add3A_447, %select_n3A_482 : i32
      %ne3A_484 = arith.constant 0 : i32
      %ne3A_485 = arith.cmpi ne, %rem3A_483, %ne3A_484 : i32
      %lt3A_486 = arith.constant 0 : i32
      %lt3A_487 = arith.cmpi slt, %rem3A_483, %lt3A_486 : i32
      %lt3A_488 = arith.constant 0 : i32
      %lt3A_489 = arith.cmpi slt, %select_n3A_482, %lt3A_488 : i32
      %ne3A_490 = arith.xori %lt3A_487, %lt3A_489 : i1
      %and3A_491 = arith.andi %ne3A_490, %ne3A_485 : i1
      %add3A_492 = arith.addi %rem3A_483, %select_n3A_482 : i32
      %select_n3A_493 = arith.select %and3A_491, %add3A_492, %rem3A_483 : i32
      %eq3A_494 = arith.constant 3 : i32
      %eq3A_495 = arith.cmpi eq, %select_n3A_493, %eq3A_494 : i32
      %convert_element_type3A_496 = arith.extui %eq3A_495 : i1 to i32
      %cond3A_497 = arith.constant 0 : i32
      %cond3A_498 = arith.cmpi ne, %convert_element_type3A_496, %cond3A_497 : i32
      scf.if %cond3A_498 {
        %sub3A_499 = arith.constant 3 : i32
        %sub3A_500 = arith.subi %add3A_447, %sub3A_499 : i32
        %mul3A_501 = arith.constant 256 : i32
        %mul3A_502 = arith.muli %sub3A_500, %mul3A_501 : i32
        %add3A_503 = arith.addi %mul3A_18, %mul3A_502 : i32
        %mul3A_504 = arith.constant 32 : i32
        %mul3A_505 = arith.muli %select_n3A, %mul3A_504 : i32
        %mul3A_506 = arith.constant 262144 : i32
        %mul3A_507 = arith.muli %select_n3A, %mul3A_506 : i32
        %sub3A_508 = arith.subi %add3A_503, %mul3A_507 : i32
        "tpu.region"() ({
          %run_scoped3A = tpu.sem_alloc : memref<!tpu.dma_semaphore, #tpu.memory_space<semaphore_mem>>
          %dma_start3A_509 = arith.constant 0 : i32
          %dma_start3A_510 = arith.constant 0 : i32
          %dma_start3A_511 = tpu.memref_slice %arg15[%dma_start3A_509, %dma_start3A_510] : memref<32x1025xf32, #tpu.memory_space<vmem>> -> memref<32x1024xf32, #tpu.memory_space<vmem>>
          %dma_start3A_512 = tpu.memref_slice %arg6[%mul3A_505, %sub3A_508] : memref<128x262144xf32, #tpu.memory_space<hbm>> -> memref<32x1024xf32, #tpu.memory_space<hbm>>
          %dma_start3A_513 = tpu.memref_slice %arg6[%mul3A_505, %sub3A_508] : memref<128x262144xf32, #tpu.memory_space<hbm>> -> memref<32x1024xf32, #tpu.memory_space<hbm>>
          %dma_start3A_514 = arith.constant 0 : i32
          %dma_start3A_515 = arith.constant 0 : i32
          %dma_start3A_516 = tpu.memref_slice %arg15[%dma_start3A_514, %dma_start3A_515] : memref<32x1025xf32, #tpu.memory_space<vmem>> -> memref<32x1024xf32, #tpu.memory_space<vmem>>
          tpu.enqueue_dma source(%dma_start3A_516 : memref<32x1024xf32, #tpu.memory_space<vmem>>) target(%dma_start3A_513 : memref<32x1024xf32, #tpu.memory_space<hbm>>) target_semaphore(%run_scoped3A : memref<!tpu.dma_semaphore, #tpu.memory_space<semaphore_mem>>)
          %dma_wait3A_517 = arith.constant 0 : i32
          %dma_wait3A_518 = arith.constant 0 : i32
          %dma_wait3A_519 = tpu.memref_slice %arg15[%dma_wait3A_517, %dma_wait3A_518] : memref<32x1025xf32, #tpu.memory_space<vmem>> -> memref<32x1024xf32, #tpu.memory_space<vmem>>
          %dma_wait3A_520 = tpu.memref_slice %arg6[%mul3A_505, %sub3A_508] : memref<128x262144xf32, #tpu.memory_space<hbm>> -> memref<32x1024xf32, #tpu.memory_space<hbm>>
          %dma_wait3A_521 = tpu.memref_slice %arg6[%mul3A_505, %sub3A_508] : memref<128x262144xf32, #tpu.memory_space<hbm>> -> memref<32x1024xf32, #tpu.memory_space<hbm>>
          %dma_wait3A_522 = arith.constant 0 : i32
          %dma_wait3A_523 = arith.constant 0 : i32
          %dma_wait3A_524 = tpu.memref_slice %arg15[%dma_wait3A_522, %dma_wait3A_523] : memref<32x1025xf32, #tpu.memory_space<vmem>> -> memref<32x1024xf32, #tpu.memory_space<vmem>>
          tpu.wait_dma2 semaphore(%run_scoped3A : memref<!tpu.dma_semaphore, #tpu.memory_space<semaphore_mem>>) src(%dma_wait3A_524 : memref<32x1024xf32, #tpu.memory_space<vmem>>) dst(%dma_wait3A_521 : memref<32x1024xf32, #tpu.memory_space<hbm>>)
          tpu.yield
        }) : () -> ()
      } else {
      }
    }
    %scan3A_227 = arith.constant 64 : i32
    return
  }
}

</mosaic_0001>

<sc_bundles>
// kernel: kernel.3.cloned.1.call-start
scs
__scs_entry_jumppad:
0x0: {  	(pc) =	sbr.rel $0x88, $3  }
0x1: {  	(tag) =	ssettag $0x0;
	lr =	simm.s32 $0x1  }
0x2: {  	[smem:$0x3F9F] =	sst lr;
	_ =	strace $0xD0000000  }
0x3: {  	_ = 	snop  }
0x4: {  	_ = 	snop  }
0x5: {  	_ = 	snop  }
0x6: {  	_ = 	snop  }
0x7: {  	_ = 	snop  }
__scs_overlays_trampoline_lowered:
0x8: {  	[smem:$0x3FAE] =	sst s0  }
0x9: {  	[smem:$0x3FAF] =	sst s1  }
0xa: {  	[smem:$0x3FB0] =	sst s2  }
0xb: {  	[smem:$0x3FB1] =	sst s3  }
0xc: {  	[smem:$0x3FB2] =	sst s4  }
0xd: {  	[smem:$0x3FB3] =	sst s5  }
0xe: {  	[smem:$0x3FB4] =	sst s6  }
0xf: {  	[smem:$0x3FB5] =	sst s7  }
0x10: {  	[smem:$0x3FB6] =	sst s8  }
0x11: {  	[smem:$0x3FB7] =	sst s9;
	s0 =	simm.s32 @!p0 $0x0  }
0x12: {  	s1 =	sld [smem:$0x3F9D];
	s0 =	simm.s32 @p0 $0x1  }
0x13: {  	[smem:$0x3FB8] =	sst s0;
	s0 =	simm.s32 @!p1 $0x0  }
0x14: {  	s2 =	sld [smem:$0x3F9C];
	s0 =	simm.s32 @p1 $0x1  }
0x15: {  	[smem:$0x3FB9] =	sst s0;
	s0 =	simm.s32 @!p2 $0x0  }
0x16: {  	s3 =	sld [smem:$0x3FDB];
	s0 =	simm.s32 @p2 $0x1  }
0x17: {  	s4 =	simm.s32 $0x1BF5;
	[smem:$0x3FBB] =	sst s0  }
0x18: {  	s0 =	sld [smem:$0x3F9E];
	_ =	swait.ge [sflag:s4], $0x0  }
0x19: {  	s7 =	sld [smem:$0x3F9F]  }
0x1a: {  	s8 =	sadd.s32 $0xFFFFE003, lr  }
0x1b: {  	s9 =	sadd.s32 $0xFFFFFEF7, lr;
	s5 =	simm.s32 $0xFFFFFFFF;
	p2 =	slt.u32 s8, $0xFFFFF086  }
0x1c: {  	p1 =	slt.u32 s9, $0xF7A;
	s5 =	simm.s32 @!p2 $0x0  }
0x1d: {  	s5 =	simm.s32 @p1 $0x1;
	p0 =	seq.s32 s7, s2  }
0x1e: {  	s7 =	smul.u32 @!p0 $0xF7A, s2;
	p2 =	seq.s32 @!p0 s5, $0x0  }
0x1f: {  	s9 =	smul.u32 $0xF7A, s1;
	s8 =	simm.s32 @!p0 $0x1BF5;
	p2 =	por !p2, p0  }
0x20: {  	[sflag:s8] =	ssyncset.s32 @!p0 $0xFFFFF086;
	s6 =	sadd.s32 @!p0 s3, s7;
	s7 =	simm.s32 @!p0 $0x108  }
0x21: {  	s3 =	sadd.s32 s3, s9;
	s6 =	sadd.s32 @!p0 $0x88, s6;
	s7 =	simm.s32 @p2 $0x1082  }
0x22: {  	[simem:s7], [sflag:s8] =	dma.local @!p0 [hbm:s6], $0xF7A  }
0x23: {  	s9 =	sor.u32 $0xD0000000, s2;
	s6 =	simm.s32 $0x108;
	_ =	swait.ge @!p0 [sflag:s8], $0x0  }
0x24: {  	s3 =	sadd.s32 $0x88, s3;
	s6 =	simm.s32 @!p1 $0x1082;
	[sflag:s4] =	ssyncset.s32 $0xFFFFF086  }
0x25: {  	[simem:s6], [sflag:s4] =	dma.local [hbm:s3], $0xF7A  }
0x26: {  	[smem:$0x3F9F] =	sst s1;
	(tag) =	ssettag s2;
	_ =	strace s9  }
0x27: {  	s1 =	sld [smem:$0x3FAF]  }
0x28: {  	s2 =	sld [smem:$0x3FB0]  }
0x29: {  	s4 =	sld [smem:$0x3FB2]  }
0x2a: {  	p0 =	seq.s32 s5, $0x0;
	s5 =	sld [smem:$0x3FB3]  }
0x2b: {  	s6 =	sld [smem:$0x3FB4]  }
0x2c: {  	s7 =	sld [smem:$0x3FB5]  }
0x2d: {  	s3 =	simm.s32 $0x108;
	s8 =	sld [smem:$0x3FB6]  }
0x2e: {  	s3 =	simm.s32 @!p0 $0x1082;
	s9 =	sld [smem:$0x3FB7]  }
0x2f: {  	lr =	sadd.s32 s0, s3;
	s0 =	sld [smem:$0x3FAE]  }
0x30: {  	s3 =	sld [smem:$0x3FB1]  }
0x31: {  	[smem:$0x3FBA] =	sst s10  }
0x32: {  	s10 =	sld [smem:$0x3FB8];
	_ =	sdelay $0x3  }
0x33: {  	p0 =	seq.s32 s10, $0x1;
	s10 =	sld [smem:$0x3FBA];
	_ =	sdelay $0x3  }
0x34: {  	[smem:$0x3FBA] =	sst s10  }
0x35: {  	s10 =	sld [smem:$0x3FB9];
	_ =	sdelay $0x3  }
0x36: {  	p1 =	seq.s32 s10, $0x1;
	s10 =	sld [smem:$0x3FBA];
	_ =	sdelay $0x3  }
0x37: {  	[smem:$0x3FBA] =	sst s10  }
0x38: {  	s10 =	sld [smem:$0x3FBB]  }
0x39: {  	_ = 	snop;
	(pc) =	sbr.ind lr, $3  }
0x3a: {  	_ = 	snop  }
0x3b: {  	_ = 	snop  }
0x3c: {  	p2 =	seq.s32 s10, $0x1;
	s10 =	sld [smem:$0x3FBA]  }
0x3d: {  	_ =	shalt  }
0x3e: {  	_ =	shalt  }
0x3f: {  	_ =	shalt  }
0x40: {  	_ =	shalt  }
0x41: {  	_ =	shalt  }
0x42: {  	_ =	shalt  }
0x43: {  	_ =	shalt  }
0x44: {  	_ =	shalt  }
0x45: {  	_ =	shalt  }
0x46: {  	_ =	shalt  }
0x47: {  	_ =	shalt  }
0x48: {  	_ =	shalt  }
0x49: {  	_ =	shalt  }
0x4a: {  	_ =	shalt  }
0x4b: {  	_ =	shalt  }
0x4c: {  	_ =	shalt  }
0x4d: {  	_ =	shalt  }
0x4e: {  	_ =	shalt  }
0x4f: {  	_ =	shalt  }
0x50: {  	_ =	shalt  }
0x51: {  	_ =	shalt  }
0x52: {  	_ =	shalt  }
0x53: {  	_ =	shalt  }
0x54: {  	_ =	shalt  }
0x55: {  	_ =	shalt  }
0x56: {  	_ =	shalt  }
0x57: {  	_ =	shalt  }
0x58: {  	_ =	shalt  }
0x59: {  	_ =	shalt  }
0x5a: {  	_ =	shalt  }
0x5b: {  	_ =	shalt  }
0x5c: {  	_ =	shalt  }
0x5d: {  	_ =	shalt  }
0x5e: {  	_ =	shalt  }
0x5f: {  	_ =	shalt  }
0x60: {  	_ =	shalt  }
0x61: {  	_ =	shalt  }
0x62: {  	_ =	shalt  }
0x63: {  	_ =	shalt  }
0x64: {  	_ =	shalt  }
0x65: {  	_ =	shalt  }
0x66: {  	_ =	shalt  }
0x67: {  	_ =	shalt  }
0x68: {  	_ =	shalt  }
0x69: {  	_ =	shalt  }
0x6a: {  	_ =	shalt  }
0x6b: {  	_ =	shalt  }
0x6c: {  	_ =	shalt  }
0x6d: {  	_ =	shalt  }
0x6e: {  	_ =	shalt  }
0x6f: {  	_ =	shalt  }
0x70: {  	_ =	shalt  }
0x71: {  	_ =	shalt  }
0x72: {  	_ =	shalt  }
0x73: {  	_ =	shalt  }
0x74: {  	_ =	shalt  }
0x75: {  	_ =	shalt  }
0x76: {  	_ =	shalt  }
0x77: {  	_ =	shalt  }
0x78: {  	_ =	shalt  }
0x79: {  	_ =	shalt  }
0x7a: {  	_ =	shalt  }
0x7b: {  	_ =	shalt  }
0x7c: {  	_ =	shalt  }
0x7d: {  	_ =	shalt  }
0x7e: {  	_ =	shalt  }
0x7f: {  	_ =	shalt  }
0x80: {  	_ =	shalt  }
0x81: {  	_ =	shalt  }
0x82: {  	_ =	shalt  }
0x83: {  	_ =	shalt  }
0x84: {  	_ =	shalt  }
0x85: {  	_ =	shalt  }
0x86: {  	_ =	shalt  }
0x87: {  	_ =	shalt  }
.Lfunc_end0:
.L_simem_size_0:
called_computation.2_lowered:
.L_overlay_start_0:
0x88: {  	s2 =	sld [smem:$0x3FD9]  }
0x89: {  	s3 =	sld [smem:$0x3FFE];
	_ =	sdelay $0x1  }
0x8a: {  	s1 =	srdreg.scid  }
0x8b: {  	s0 =	sand.u32 $0x1, s1  }
0x8c: {  	s16 =	sshll.u32 s0, $0xA;
	s2 =	sadd.s32 s3, s2  }
0x8d: {  	s2 =	sadd.s32 s2, s16  }
0x8e: {  	[smem:$0x3FC6] =	sst s2  }
0x8f: {  	_ = 	snop  }
0x90: {  	(tm) =	ssettm $0x1  }
0x91: {  	s17 =	sld [smem:$0x3FFB];
	_ =	sdelay $0x3  }
0x92: {  	_ =	strace s17  }
0x93: {  	s2 =	sld [smem:$0x3FFC];
	_ =	sdelay $0x3  }
0x94: {  	_ =	strace s2  }
0x95: {  	s2 =	sld [smem:$0x3FFD];
	_ =	sdelay $0x3  }
0x96: {  	_ =	strace s2  }
0x97: {  	_ =	strace $0x8FFFFFFF  }
0x98: {  	s18 =	sld [smem:$0x3FDB];
	_ =	sdelay $0x1  }
0x99: {  	s19 =	simm.s32 $_scs_section_size  }
0x9a: {  	s4 =	simm.s32 $_size__tile_overlayer_lowered;
	s5 =	simm.s32 $_tile_overlayer_lowered  }
0x9b: {  	s22 =	simm.s32 $0x1BFF;
	s21 =	sshll.u32 s5, $0x1;
	s2 =	sadd.s32 s19, s18  }
0x9c: {  	s6 =	simm.s32 $0x0;
	s20 =	sshll.u32 s4, $0x1;
	s4 =	sadd.s32 s21, s2  }
0x9d: {  	[timem:s6], [sflag:s22] =	dma.local [hbm:s4], s20  }
0x9e: {  	_ =	swait.ge [sflag:s22], s20  }
0x9f: {  	s3 =	ssub.s32 $0x0, s20;
	[sflag:s22] =	ssyncset.done $0x0  }
0xa0: {  	[sflag:s22] =	ssyncadd.s32 s3;
	_ =	sdelay $0x1  }
0xa1: {  	s23 =	simm.s32 $0x1B8B  }
0xa2: {  	_ =	swait.ge [sflag:s23], $0x1  }
0xa3: {  	[sflag:s23] =	ssyncset.done $0x0  }
0xa4: {  	s25 =	simm.s32 $0x1B8E;
	s24 =	sld [smem:$0x3FFE];
	[sflag:s23] =	ssyncadd.s32 $0xFFFFFFFF  }
0xa5: {  	s26 =	simm.s32 $execute0_lowered;
	[smem:$0x3FD2] =	sst s25  }
0xa6: {  	s4 =	sshll.u32 s26, $0x1;
	_ =	strace $0x8000004C;
	[dreg:$0x1] =	wrdreg $0xFFFFFFFF  }
0xa7: {  	s28 =	simm.s32 $_size_execute0_lowered;
	s2 =	sadd.s32 s2, s4;
	[dreg:$0x0] =	wrdreg $0x0  }
0xa8: {  	s4 =	sshll.u32 s28, $0x1;
	[dreg:$0x2] =	wrdreg s2  }
0xa9: {  	[dreg:$0x3] =	wrdreg s4  }
0xaa: {  	[dreg:$0x4] =	wrdreg $0xC0  }
0xab: {  	_ =	task [dreg:s6], $0x5FFFF  }
0xac: {  	[dreg:$0x1] =	wrdreg $0xFFFFFFFF  }
0xad: {  	[dreg:$0x0] =	wrdreg $0x60  }
0xae: {  	[dreg:$0x2] =	wrdreg s24  }
0xaf: {  	[dreg:$0x3] =	wrdreg $0x9  }
0xb0: {  	_ =	task.clear_ibuf [dreg:s6], $0x4FFFF;
	_ =	strace $0x9000004C  }
0xb1: {  	s29 =	simm.s32 $0x9;
	_ =	strace $0x8000004E  }
0xb2: {  	_ =	swait.ge [sflag:s29], $0x1  }
0xb3: {  	[sflag:s29] =	ssyncadd.s32 $0xFFFFFFFF  }
0xb4: {  	_ =	strace $0x9000004E  }
0xb5: {  	_ =	sfence  }
0xb6: {  	s30 =	sld [smem:$0x0];
	_ =	sdelay $0x2  }
0xb7: {  	s31 =	sshll.u32 s1, $0xD;
	s1 =	sshrl.u32 s1, $0x2  }
0xb8: {  	s3 =	sand.u32 $0x4000, s31;
	s1 =	sadd.s32 s1, s30  }
0xb9: {  	s0 =	sor.u32 s3, s0;
	s1 =	sshll.u32 s1, $0x11  }
0xba: {  	s0 =	sor.u32 s1, s0  }
0xbb: {  	s0 =	sadd.s32 $0x8F2B, s0  }
0xbc: {  	[sflag:s0] =	ssyncadd.remote.s32 $0x1  }
0xbd: {  	_ =	sfence.sel $0xFFFF  }
0xbe: {  	[dreg:$0x0] =	wrdreg $0xFFFFFFFF;
	(pc) =	sbr.abs _section_cstart, $3  }
0xbf: {  	[dreg:$0x1] =	wrdreg $0xFFFFFFFF  }
0xc0: {  	_ =	task.clear_ibuf [dreg:s6], $0x2FFFF;
	_ =	strace $0x9FFFFFFF  }
0xc1: {  	(tm) =	ssettm $0x7FFFFFFF  }
tec
execute0_lowered:
.L_overlay_start_1:
0x0: {  	(tag) =	ssettag $0x1  }
0x1: {  	s0 =	rddreg [dreg:$0x0]  }
0x2: {  	s1 =	simm.s32 $0x0;
	s2 =	srdreg.scid;
	s8 =	stileid.u32  }
0x3: {  	s21 =	simm.s32 $0x3;
	s22 =	simm.s32 $0x1600;
	s23 =	simm.s32 $0x80  }
0x4: {  	s18 =	simm.s32 $0x4;
	s19 =	simm.s32 $0x11020;
	s20 =	simm.s32 $0x1500  }
0x5: {  	s13 =	simm.s32 $0x2;
	s14 =	simm.s32 $0x5;
	[smem:$0x7FF] =	sst s1  }
0x6: {  	s3 =	sadd.s32 $0x1000, s0;
	s4 =	sadd.s32 $0x241000, s0;
	s2 =	sand.u32 $0x1, s2  }
0x7: {  	s5 =	sadd.s32 $0x221000, s0;
	s6 =	sadd.s32 $0x201000, s0;
	s0 =	sadd.s32 $0x261000, s0  }
0x8: {  	_ =	strace $0x8000004D;
	s7 =	sshll.u32 s2, $0x4;
	s2 =	ssub.s32 $0x2, s2  }
0x9: {  	[dreg:$0x2] =	wrdreg s0;
	s0 =	simm.s32 $0x1;
	s7 =	sor.u32 s8, s7  }
0xa: {  	s8 =	sand.u32 $0x7, s8;
	s24 =	sshrl.u32 s2, $0x1;
	p0 =	seq.s32 s7, $0x0  }
0xb: {  	p1 =	sne.s32 s8, $0x0;
	s2 =	ssub.s32 s2, s24;
	s9 =	sshrl.u32 s7, $0x3  }
0xc: {  	s8 =	simm.s32 $0x1;
	s10 =	sshll.u32 s7, $0xF;
	s7 =	sshll.u32 s7, $0xC  }
0xd: {  	s24 =	simm.s32 $0x1F10;
	p0 =	por !p1, !p0;
	s11 =	sadd.s32 s4, s7  }
0xe: {  	v0 =	vlaneseq.u32;
	v4 =	vimm.s32 $0x7654321;
	v7 =	vimm.s32 $0x10765432;
	s25 =	sor.u32 $0x20, s7;
	s12 =	sadd.s32 s5, s7;
	s7 =	sadd.s32 s6, s7  }
0xf: {  	v3 =	vimm.s32 $0x0;
	v9 =	vimm.s32 $0x21076543;
	v11 =	vimm.s32 $0x32107654;
	s15 =	sor.u32 $0x200, s10;
	s31 =	sor.u32 $0x300, s10;
	[dreg:$0x3] =	wrdreg s11  }
0x10: {  	v12 =	vimm.s32 $0x43210765;
	v14 =	vimm.s32 $0x54321076;
	v16 =	vimm.s32 $0x65432107;
	s2 =	smax.u32 s2, $0x1;
	p0 =	por !p0, !p0;
	[dreg:$0x4] =	wrdreg s12  }
0x11: {  	v1 =	vmul.u32 $0x9, v0;
	v6 =	vunpack.c.l.s4.s8 v4;
	v4 =	vand.u32 $0x7, v0;
	[dreg:$0x5] =	wrdreg s7;
	s26 =	sadd.s32 s4, s25;
	s28 =	sadd.s32 s5, s25  }
0x12: {  	v8 =	vunpack.c.l.s4.s8 v7;
	v10 =	vunpack.c.l.s4.s8 v9;
	v13 =	vunpack.c.l.s4.s8 v11;
	s11 =	sadd.s32 s6, s25;
	[dreg:$0x9] =	wrdreg s31;
	s0 =	simm.s32 @!p0 $0x0  }
0x13: {  	v15 =	vunpack.c.l.s4.s8 v12;
	v17 =	vunpack.c.l.s4.s8 v14;
	v18 =	vunpack.c.l.s4.s8 v16;
	[dreg:$0xb] =	wrdreg s2;
	s2 =	simm.s32 $0x1480;
	s9 =	ssub.s32 s9, s0  }
.Ltmp0:
0x14: {  	v5 =	vadd.s32 $0x1, v1;
	v6 =	vunpack.c.0.s8.s32 v6;
	v7 =	vadd.s32 $0x2, v1;
	[dreg:$0x6] =	wrdreg s26;
	s0 =	sshll.u32 s9, $0x12;
	(pc) =	sbr.rel .LBB2_1-.Ltmp0, $4  }
0x15: {  	v8 =	vunpack.c.0.s8.s32 v8;
	v9 =	vadd.s32 $0x3, v1;
	v10 =	vunpack.c.0.s8.s32 v10;
	[dreg:$0x7] =	wrdreg s28;
	s29 =	sshll.u32 s9, $0x17;
	s30 =	ssub.s32 s10, s0  }
0x16: {  	v11 =	vadd.s32 $0x4, v1;
	v12 =	vunpack.c.0.s8.s32 v13;
	v13 =	vadd.s32 $0x5, v1;
	s12 =	simm.s32 $0x12820;
	[dreg:$0x8] =	wrdreg s11;
	s7 =	sadd.s32 s29, s30  }
0x17: {  	v14 =	vunpack.c.0.s8.s32 v15;
	v15 =	vadd.s32 $0x6, v1;
	v16 =	vunpack.c.0.s8.s32 v17;
	s11 =	simm.s32 $0x12020;
	s9 =	simm.s32 $0x11820;
	s7 =	sadd.s32 $0xFFFFFE00, s7  }
0x18: {  	v17 =	vadd.s32 $0x7, v1;
	v18 =	vunpack.c.0.s8.s32 v18;
	v2 =	vmov s0;
	s10 =	simm.s32 $0x1580;
	[dreg:$0xa] =	wrdreg s7;
	s7 =	simm.s32 $0x0  }
.LBB2_19:
0x19: {  	s7 =	rddreg [dreg:$0xc]  }
0x1a: {  	s0 =	rddreg [dreg:$0xb];
	s7 =	sadd.s32 $0x1, s7  }
0x1b: {  	p0 =	sne.s32 s7, s0  }
.Ltmp1:
0x1c: {  	_ = 	snop;
	(pc) =	sbr.rel @!p0 .LBB2_20-.Ltmp1, $1  }
0x1d: {  	_ =	sdelay $0x3  }
.LBB2_1:
0x1e: {  	[dreg:$0xc] =	wrdreg s7  }
0x1f: {  	s0 =	rddreg [dreg:$0x3]  }
0x20: {  	[tilespmem:s1], [sflag:$0x3] =	stream.linear.gather [hbm4b:s0+s1], $0x100, $0x38;
	[tilespmem:$0x1A920] =	vst v63  }
0x21: {  	s28 =	rddreg [dreg:$0x4];
	s29 =	simm.s32 $0x100  }
0x22: {  	[tilespmem:s29], [sflag:$0x3] =	stream.linear.gather [hbm4b:s28+s1], $0x100, $0x38;
	[tilespmem:$0x1A920] =	vst v63  }
0x23: {  	s30 =	rddreg [dreg:$0x5];
	s31 =	simm.s32 $0x200  }
0x24: {  	[tilespmem:s31], [sflag:$0x3] =	stream.linear.gather [hbm4b:s30+s1], $0x100, $0x38;
	[tilespmem:$0x1A920] =	vst v63  }
0x25: {  	_ =	swait.ge [sflag:s21], $0x100  }
0x26: {  	[sflag:s21] =	ssyncset.done $0x0  }
0x27: {  	[sflag:s21] =	ssyncadd.s32 $0xFFFFFF00  }
0x28: {  	_ =	swait.ge [sflag:s21], $0x100  }
0x29: {  	[sflag:s21] =	ssyncset.done $0x0  }
0x2a: {  	[sflag:s21] =	ssyncadd.s32 $0xFFFFFF00  }
0x2b: {  	_ =	swait.ge [sflag:s21], $0x100  }
0x2c: {  	s7 =	simm.s32 $0xFFFFFFFE;
	s16 =	simm.s32 $0x110;
	[sflag:s21] =	ssyncset.done $0x0  }
0x2d: {  	s17 =	simm.s32 $0xA00;
	s25 =	simm.s32 $0x0;
	[sflag:s21] =	ssyncadd.s32 $0xFFFFFF00  }
.LBB2_2:
0x2e: {  	v19 =	vld [tilespmem:s16+$0xFFFFFEF0]  }
0x2f: {  	v20 =	vld [tilespmem:s16+$0xFFFFFFF0]  }
0x30: {  	v22 =	vld [tilespmem:s16+$0xF0];
	_ =	sdelay $0x1  }
0x31: {  	v31 =	vadd.s32 s25, v1;
	v33 =	vadd.s32 s25, v5;
	v36 =	vadd.s32 s25, v7  }
0x32: {  	v59 =	vadd.s32 s25, v9;
	v63 =	vadd.s32 s25, v11;
	v39 =	vadd.s32 s25, v13  }
0x33: {  	v31 =	vand.u32 $0xFF8, v31;
	v19 =	vmul.f32 $3.200000000e+01, v19;
	v20 =	vmul.f32 $3.200000000e+01, v20  }
0x34: {  	v33 =	vand.u32 $0xFF8, v33;
	v36 =	vand.u32 $0xFF8, v36;
	v22 =	vmul.f32 $3.200000000e+01, v22  }
0x35: {  	v61 =	vand.u32 $0xFF8, v59;
	v19 =	vadd.f32 $3.150000000e+01, v19;
	v20 =	vadd.f32 $3.150000000e+01, v20  }
0x36: {  	v40 =	vand.u32 $0xFF8, v39;
	v31 =	vor.u32 v4, v31;
	v22 =	vadd.f32 $3.150000000e+01, v22  }
0x37: {  	v33 =	vor.u32 v6, v33;
	v21 =	vtrunc.f32 v19;
	v24 =	vtrunc.f32 v20  }
0x38: {  	v58 =	vor.u32 v8, v36;
	v27 =	vtrunc.f32 v22;
	v23 =	vcvt.f32.s32 v21  }
0x39: {  	vm0 =	vlt.f32 v19, v21;
	v26 =	vcvt.f32.s32 v24;
	vm12 =	vlt.f32 v20, v24  }
0x3a: {  	v28 =	vcvt.f32.s32 v27;
	vm15 =	vlt.f32 v22, v27;
	v21 =	vsel vm0, $0xFFFFFFFF, v3  }
0x3b: {  	v24 =	vsel vm12, $0xFFFFFFFF, v3;
	v55 =	vsel vm15, $0xFFFFFFFF, v3;
	v21 =	vadd.s32 v23, v21  }
0x3c: {  	v24 =	vadd.s32 v26, v24;
	v23 =	vcvt.s32.f32 v21;
	v25 =	vadd.s32 $0x1, v21  }
0x3d: {  	vm1 =	vlt.u32 v21, $0x40;
	vm14 =	vgt.s32 v21, $0x0;
	v26 =	vcvt.s32.f32 v24  }
0x3e: {  	v57 =	vadd.s32 $0x1, v24;
	vm5 =	vlt.u32 v24, $0x40;
	vm7 =	vgt.s32 v24, $0x0  }
0x3f: {  	vm13 =	vlt.u32 v25, $0x40;
	v21 =	vnsel vm14, $0x0, v21;
	vm4 =	vgt.s32 v25, $0x0  }
0x40: {  	vm6 =	vlt.u32 v57, $0x40;
	v24 =	vnsel vm7, $0x0, v24;
	vm8 =	vgt.s32 v57, $0x0  }
0x41: {  	v19 =	vsub.f32 v19, v23;
	v20 =	vsub.f32 v20, v26;
	v26 =	vadd.s32 v28, v55  }
0x42: {  	v21 =	vmin.u32 v21, $0x3F;
	v25 =	vnsel vm4, $0x0, v25;
	v29 =	vcvt.s32.f32 v26  }
0x43: {  	v24 =	vmin.u32 v24, $0x3F;
	v28 =	vnsel vm8, $0x0, v57;
	v25 =	vmin.u32 v25, $0x3F  }
0x44: {  	v28 =	vmin.u32 v28, $0x3F;
	vm9 =	vlt.u32 v26, $0x40;
	v22 =	vsub.f32 v22, v29  }
0x45: {  	v30 =	vadd.s32 $0x1, v26;
	vm10 =	vgt.s32 v26, $0x0;
	v24 =	vshll.u32 v24, $0x6  }
0x46: {  	v21 =	vor.u32 v2, v21;
	v56 =	vsub.f32 $1.000000000e+00, v20;
	v29 =	vsub.f32 $1.000000000e+00, v22  }
0x47: {  	v23 =	vsub.f32 $1.000000000e+00, v19;
	v19 =	vnsel vm13, $0x0, v19;
	v26 =	vnsel vm10, $0x0, v26  }
0x48: {  	v26 =	vmin.u32 v26, $0x3F;
	v27 =	vnsel vm5, $0x0, v56;
	v29 =	vnsel vm9, $0x0, v29  }
0x49: {  	v20 =	vnsel vm6, $0x0, v20;
	v26 =	vshll.u32 v26, $0xC;
	v34 =	vmul.f32 v29, v27  }
0x4a: {  	vm11 =	vgt.s32 v30, $0x0;
	v23 =	vnsel vm1, $0x0, v23;
	v32 =	vor.u32 v24, v26  }
0x4b: {  	v25 =	vor.u32 v2, v25;
	v35 =	vor.u32 v32, v21;
	v37 =	vmul.f32 v34, v23  }
0x4c: {  	vm12 =	vlt.u32 v30, $0x40;
	v28 =	vshll.u32 v28, $0x6;
	v32 =	vor.u32 v32, v25;
	[tilespmem:s17+$0xFFFFFC00] =	vst v35  }
0x4d: {  	v30 =	vnsel vm11, $0x0, v30;
	v29 =	vmul.f32 v29, v20;
	v60 =	vmul.f32 v34, v19;
	[tilespmem:v31+s22+$0x0] =	vst.idx.msk $0xffff, v37  }
0x4e: {  	v62 =	vor.u32 v10, v61;
	v30 =	vmin.u32 v30, $0x3F;
	v26 =	vor.u32 v28, v26;
	[tilespmem:s17+$0xFFFFFD00] =	vst v32  }
0x4f: {  	v36 =	vor.u32 v26, v21;
	v34 =	vand.u32 $0xFF8, v63;
	v37 =	vmul.f32 v29, v23;
	[tilespmem:v33+s22+$0x0] =	vst.idx.msk $0xffff, v60  }
0x50: {  	v22 =	vnsel vm12, $0x0, v22;
	v26 =	vor.u32 v26, v25;
	v38 =	vor.u32 v12, v34;
	[tilespmem:s17+$0xFFFFFE00] =	vst v36  }
0x51: {  	v30 =	vshll.u32 v30, $0xC;
	v27 =	vmul.f32 v27, v22;
	v29 =	vmul.f32 v29, v19;
	[tilespmem:v58+s22+$0x0] =	vst.idx.msk $0xffff, v37  }
0x52: {  	v42 =	vadd.s32 s25, v15;
	v41 =	vor.u32 v14, v40;
	v24 =	vor.u32 v24, v30;
	[tilespmem:s17+$0xFFFFFF00] =	vst v26  }
0x53: {  	v43 =	vor.u32 v24, v21;
	v44 =	vmul.f32 v27, v23;
	v33 =	vand.u32 $0xFF8, v42;
	[tilespmem:v62+s22+$0x0] =	vst.idx.msk $0xffff, v29  }
0x54: {  	v46 =	vadd.s32 s25, v17;
	v24 =	vor.u32 v24, v25;
	v45 =	vor.u32 v16, v33;
	[tilespmem:s17+$0x0] =	vst v43  }
0x55: {  	v47 =	vand.u32 $0xFF8, v46;
	v20 =	vmul.f32 v22, v20;
	v27 =	vmul.f32 v27, v19;
	[tilespmem:v38+s22+$0x0] =	vst.idx.msk $0xffff, v44  }
0x56: {  	v48 =	vor.u32 v28, v30;
	v22 =	vor.u32 v18, v47;
	[tilespmem:s17+$0x100] =	vst v24  }
0x57: {  	v21 =	vor.u32 v48, v21;
	v23 =	vmul.f32 v20, v23;
	[tilespmem:v41+s22+$0x0] =	vst.idx.msk $0xffff, v27  }
0x58: {  	[tilespmem:s17+$0x200] =	vst v21  }
0x59: {  	v49 =	vor.u32 v48, v25;
	v19 =	vmul.f32 v20, v19;
	[tilespmem:v45+s22+$0x0] =	vst.idx.msk $0xffff, v23  }
0x5a: {  	[tilespmem:s17+$0x300] =	vst v49  }
0x5b: {  	[tilespmem:v22+s22+$0x0] =	vst.idx.msk $0xffff, v19  }
0x5c: {  	v19 =	vld [tilespmem:s16+$0xFFFFFF00]  }
0x5d: {  	v20 =	vld [tilespmem:s16+$0x0]  }
0x5e: {  	s26 =	sadd.s32 $0x90, s25;
	v22 =	vld [tilespmem:s16+$0x100]  }
0x5f: {  	v39 =	vadd.s32 s26, v5  }
0x60: {  	v42 =	vadd.s32 s26, v7;
	v33 =	vand.u32 $0x1FF8, v39  }
0x61: {  	v36 =	vand.u32 $0x1FF8, v42;
	v33 =	vor.u32 v6, v33;
	v62 =	vadd.s32 s26, v1  }
0x62: {  	v31 =	vand.u32 $0x1FF8, v62;
	v19 =	vmul.f32 $3.200000000e+01, v19;
	v20 =	vmul.f32 $3.200000000e+01, v20  }
0x63: {  	v31 =	vor.u32 v4, v31;
	v44 =	vor.u32 v8, v36;
	v22 =	vmul.f32 $3.200000000e+01, v22  }
0x64: {  	v45 =	vadd.s32 s26, v9;
	v19 =	vadd.f32 $3.150000000e+01, v19;
	v20 =	vadd.f32 $3.150000000e+01, v20  }
0x65: {  	v47 =	vand.u32 $0x1FF8, v45;
	v49 =	vadd.s32 s26, v11;
	v22 =	vadd.f32 $3.150000000e+01, v22  }
0x66: {  	v48 =	vor.u32 v10, v47;
	v50 =	vtrunc.f32 v19;
	v52 =	vtrunc.f32 v20  }
0x67: {  	v34 =	vand.u32 $0x1FF8, v49;
	v55 =	vtrunc.f32 v22;
	v51 =	vcvt.f32.s32 v50  }
0x68: {  	vm13 =	vlt.f32 v19, v50;
	v54 =	vcvt.f32.s32 v52;
	vm14 =	vlt.f32 v20, v52  }
0x69: {  	v56 =	vcvt.f32.s32 v55;
	vm6 =	vlt.f32 v22, v55;
	v21 =	vsel vm13, $0xFFFFFFFF, v3  }
0x6a: {  	v52 =	vor.u32 v12, v34;
	v24 =	vsel vm14, $0xFFFFFFFF, v3;
	v21 =	vadd.s32 v51, v21  }
0x6b: {  	v57 =	vsel vm6, $0xFFFFFFFF, v3;
	v24 =	vadd.s32 v54, v24;
	v23 =	vcvt.s32.f32 v21  }
0x6c: {  	v53 =	vadd.s32 $0x1, v21;
	vm15 =	vlt.u32 v21, $0x40;
	vm5 =	vgt.s32 v21, $0x0  }
0x6d: {  	v26 =	vcvt.s32.f32 v24;
	v59 =	vadd.s32 $0x1, v24;
	vm8 =	vlt.u32 v24, $0x40  }
0x6e: {  	vm10 =	vgt.s32 v24, $0x0;
	vm4 =	vlt.u32 v53, $0x40;
	v21 =	vnsel vm5, $0x0, v21  }
0x6f: {  	vm7 =	vgt.s32 v53, $0x0;
	vm9 =	vlt.u32 v59, $0x40;
	v24 =	vnsel vm10, $0x0, v24  }
0x70: {  	vm11 =	vgt.s32 v59, $0x0;
	v20 =	vsub.f32 v20, v26;
	v26 =	vadd.s32 v56, v57  }
0x71: {  	v19 =	vsub.f32 v19, v23;
	v21 =	vmin.u32 v21, $0x3F;
	v60 =	vcvt.s32.f32 v26  }
0x72: {  	v25 =	vnsel vm7, $0x0, v53;
	v24 =	vmin.u32 v24, $0x3F;
	v28 =	vnsel vm11, $0x0, v59  }
0x73: {  	v53 =	vadd.s32 s26, v13;
	v25 =	vmin.u32 v25, $0x3F;
	v22 =	vsub.f32 v22, v60  }
0x74: {  	v28 =	vmin.u32 v28, $0x3F;
	vm12 =	vlt.u32 v26, $0x40;
	v61 =	vadd.s32 $0x1, v26  }
0x75: {  	vm13 =	vgt.s32 v26, $0x0;
	v58 =	vsub.f32 $1.000000000e+00, v20;
	v29 =	vsub.f32 $1.000000000e+00, v22  }
0x76: {  	v24 =	vshll.u32 v24, $0x6;
	v23 =	vsub.f32 $1.000000000e+00, v19;
	v26 =	vnsel vm13, $0x0, v26  }
0x77: {  	v26 =	vmin.u32 v26, $0x3F;
	v27 =	vnsel vm8, $0x0, v58;
	v29 =	vnsel vm12, $0x0, v29  }
0x78: {  	v21 =	vor.u32 v2, v21;
	v26 =	vshll.u32 v26, $0xC;
	v40 =	vmul.f32 v29, v27  }
0x79: {  	v19 =	vnsel vm4, $0x0, v19;
	v23 =	vnsel vm15, $0x0, v23;
	v63 =	vor.u32 v24, v26  }
0x7a: {  	v25 =	vor.u32 v2, v25;
	v41 =	vor.u32 v63, v21;
	v43 =	vmul.f32 v40, v23  }
0x7b: {  	v20 =	vnsel vm9, $0x0, v20;
	vm14 =	vgt.s32 v61, $0x0;
	v32 =	vor.u32 v63, v25;
	[tilespmem:s17+$0xFFFFFC10] =	vst v41  }
0x7c: {  	v28 =	vshll.u32 v28, $0x6;
	v29 =	vmul.f32 v29, v20;
	v46 =	vmul.f32 v40, v19;
	[tilespmem:v31+s22+$0x0] =	vst.idx.msk $0xffff, v43  }
0x7d: {  	v54 =	vand.u32 $0x1FF8, v53;
	v30 =	vnsel vm14, $0x0, v61;
	v26 =	vor.u32 v28, v26;
	[tilespmem:s17+$0xFFFFFD10] =	vst v32  }
0x7e: {  	vm15 =	vlt.u32 v61, $0x40;
	v50 =	vor.u32 v26, v21;
	v51 =	vmul.f32 v29, v23;
	[tilespmem:v33+s22+$0x0] =	vst.idx.msk $0xffff, v46  }
0x7f: {  	v30 =	vmin.u32 v30, $0x3F;
	v22 =	vnsel vm15, $0x0, v22;
	v26 =	vor.u32 v26, v25;
	[tilespmem:s17+$0xFFFFFE10] =	vst v50  }
0x80: {  	v30 =	vshll.u32 v30, $0xC;
	v27 =	vmul.f32 v27, v22;
	v29 =	vmul.f32 v29, v19;
	[tilespmem:v44+s22+$0x0] =	vst.idx.msk $0xffff, v51  }
0x81: {  	v56 =	vadd.s32 s26, v15;
	v55 =	vor.u32 v14, v54;
	v24 =	vor.u32 v24, v30;
	[tilespmem:s17+$0xFFFFFF10] =	vst v26  }
0x82: {  	v57 =	vor.u32 v24, v21;
	v58 =	vmul.f32 v27, v23;
	v33 =	vand.u32 $0x1FF8, v56;
	[tilespmem:v48+s22+$0x0] =	vst.idx.msk $0xffff, v29  }
0x83: {  	v60 =	vadd.s32 s26, v17;
	v24 =	vor.u32 v24, v25;
	v59 =	vor.u32 v16, v33;
	[tilespmem:s17+$0x10] =	vst v57  }
0x84: {  	s7 =	sadd.s32 $0x2, s7;
	v61 =	vand.u32 $0x1FF8, v60;
	v20 =	vmul.f32 v22, v20;
	v27 =	vmul.f32 v27, v19;
	[tilespmem:v52+s22+$0x0] =	vst.idx.msk $0xffff, v58  }
0x85: {  	p0 =	slt.u32 s7, $0xE;
	v62 =	vor.u32 v28, v30;
	v22 =	vor.u32 v18, v61;
	[tilespmem:s17+$0x110] =	vst v24  }
.Ltmp2:
0x86: {  	v21 =	vor.u32 v62, v21;
	v23 =	vmul.f32 v20, v23;
	[tilespmem:v55+s22+$0x0] =	vst.idx.msk $0xffff, v27;
	(pc) =	sbr.rel @p0 .LBB2_2-.Ltmp2, $4  }
0x87: {  	[tilespmem:s17+$0x210] =	vst v21  }
0x88: {  	v63 =	vor.u32 v62, v25;
	v19 =	vmul.f32 v20, v19;
	[tilespmem:v59+s22+$0x0] =	vst.idx.msk $0xffff, v23  }
0x89: {  	[tilespmem:s17+$0x310] =	vst v63  }
0x8a: {  	s25 =	sadd.s32 $0x120, s25;
	s16 =	sadd.s32 $0x20, s16;
	s17 =	sadd.s32 $0x20, s17;
	[tilespmem:v22+s22+$0x0] =	vst.idx.msk $0xffff, v19  }
0x8b: {  	s0 =	simm.s32 $0x600;
	s7 =	simm.s32 $0x2820  }
0x8c: {  	[tilespmem:s7], [sflag:$0x1] =	stream.indirect.gather [hbm4b:s3+s23], $0x10, s0, s23, $0xb8;
	[tilespmem:$0x1A920] =	vst v63  }
0x8d: {  	s30 =	simm.s32 $0x680;
	s31 =	simm.s32 $0x3020  }
0x8e: {  	[tilespmem:s31], [sflag:$0x1] =	stream.indirect.gather [hbm4b:s3+s23], $0x10, s30, s23, $0xb8;
	[tilespmem:$0x1A920] =	vst v63  }
0x8f: {  	s16 =	simm.s32 $0x700;
	s17 =	simm.s32 $0x3820  }
0x90: {  	[tilespmem:s17], [sflag:$0x1] =	stream.indirect.gather [hbm4b:s3+s23], $0x10, s16, s23, $0xb8;
	[tilespmem:$0x1A920] =	vst v63  }
0x91: {  	s25 =	simm.s32 $0x780;
	s26 =	simm.s32 $0x4020  }
0x92: {  	[tilespmem:s26], [sflag:$0x1] =	stream.indirect.gather [hbm4b:s3+s23], $0x10, s25, s23, $0xb8;
	[tilespmem:$0x1A920] =	vst v63  }
0x93: {  	s28 =	simm.s32 $0x800;
	s29 =	simm.s32 $0x4820  }
0x94: {  	[tilespmem:s29], [sflag:$0x1] =	stream.indirect.gather [hbm4b:s3+s23], $0x10, s28, s23, $0xb8;
	[tilespmem:$0x1A920] =	vst v63  }
0x95: {  	s30 =	simm.s32 $0x880;
	s31 =	simm.s32 $0x5020  }
0x96: {  	[tilespmem:s31], [sflag:$0x1] =	stream.indirect.gather [hbm4b:s3+s23], $0x10, s30, s23, $0xb8;
	[tilespmem:$0x1A920] =	vst v63  }
0x97: {  	s16 =	simm.s32 $0x900;
	s17 =	simm.s32 $0x5820  }
0x98: {  	[tilespmem:s17], [sflag:$0x1] =	stream.indirect.gather [hbm4b:s3+s23], $0x10, s16, s23, $0xb8;
	[tilespmem:$0x1A920] =	vst v63  }
0x99: {  	s25 =	simm.s32 $0x980;
	s26 =	simm.s32 $0x6020  }
0x9a: {  	[tilespmem:s26], [sflag:$0x1] =	stream.indirect.gather [hbm4b:s3+s23], $0x10, s25, s23, $0xb8;
	[tilespmem:$0x1A920] =	vst v63  }
0x9b: {  	s28 =	simm.s32 $0xA00;
	s29 =	simm.s32 $0x6820  }
0x9c: {  	[tilespmem:s29], [sflag:$0x1] =	stream.indirect.gather [hbm4b:s3+s23], $0x10, s28, s23, $0xb8;
	[tilespmem:$0x1A920] =	vst v63  }
0x9d: {  	s30 =	simm.s32 $0xA80;
	s31 =	simm.s32 $0x7020  }
0x9e: {  	[tilespmem:s31], [sflag:$0x1] =	stream.indirect.gather [hbm4b:s3+s23], $0x10, s30, s23, $0xb8;
	[tilespmem:$0x1A920] =	vst v63  }
0x9f: {  	s16 =	simm.s32 $0xB00;
	s17 =	simm.s32 $0x7820  }
0xa0: {  	[tilespmem:s17], [sflag:$0x1] =	stream.indirect.gather [hbm4b:s3+s23], $0x10, s16, s23, $0xb8;
	[tilespmem:$0x1A920] =	vst v63  }
0xa1: {  	s25 =	simm.s32 $0xB80;
	s26 =	simm.s32 $0x8020  }
0xa2: {  	[tilespmem:s26], [sflag:$0x1] =	stream.indirect.gather [hbm4b:s3+s23], $0x10, s25, s23, $0xb8;
	[tilespmem:$0x1A920] =	vst v63  }
0xa3: {  	s28 =	simm.s32 $0xC00;
	s29 =	simm.s32 $0x8820  }
0xa4: {  	[tilespmem:s29], [sflag:$0x1] =	stream.indirect.gather [hbm4b:s3+s23], $0x10, s28, s23, $0xb8;
	[tilespmem:$0x1A920] =	vst v63  }
0xa5: {  	s30 =	simm.s32 $0xC80;
	s31 =	simm.s32 $0x9020  }
0xa6: {  	[tilespmem:s31], [sflag:$0x1] =	stream.indirect.gather [hbm4b:s3+s23], $0x10, s30, s23, $0xb8;
	[tilespmem:$0x1A920] =	vst v63  }
0xa7: {  	s7 =	simm.s32 $0xD00;
	s16 =	simm.s32 $0x9820  }
0xa8: {  	[tilespmem:s16], [sflag:$0x1] =	stream.indirect.gather [hbm4b:s3+s23], $0x10, s7, s23, $0xb8;
	[tilespmem:$0x1A920] =	vst v63  }
0xa9: {  	s17 =	simm.s32 $0xD80;
	s25 =	simm.s32 $0xA020  }
0xaa: {  	[tilespmem:s25], [sflag:$0x1] =	stream.indirect.gather [hbm4b:s3+s23], $0x10, s17, s23, $0xb8;
	[tilespmem:$0x1A920] =	vst v63  }
0xab: {  	s26 =	rddreg [dreg:$0x6];
	s7 =	simm.s32 $0x0;
	s16 =	simm.s32 $0x300  }
0xac: {  	[tilespmem:s16], [sflag:$0x4] =	stream.linear.gather [hbm4b:s26+s7], $0x100, $0x38;
	[tilespmem:$0x1A920] =	vst v63  }
.Ltmp3:
0xad: {  	_ = 	snop;
	(pc) =	sbr.rel .LBB2_4-.Ltmp3, $4  }
0xae: {  	s28 =	rddreg [dreg:$0x7];
	s29 =	simm.s32 $0x400  }
0xaf: {  	[tilespmem:s29], [sflag:$0x4] =	stream.linear.gather [hbm4b:s28+s7], $0x100, $0x38;
	[tilespmem:$0x1A920] =	vst v63  }
0xb0: {  	p0 =	por $0x0, $0x0;
	s30 =	rddreg [dreg:$0x8];
	s31 =	simm.s32 $0x500  }
0xb1: {  	[tilespmem:s31], [sflag:$0x4] =	stream.linear.gather [hbm4b:s30+s7], $0x100, $0x38;
	[tilespmem:$0x1A920] =	vst v63  }
.LBB2_18:
0xb2: {  	s7 =	sadd.s32 $0x1, s7  }
0xb3: {  	p1 =	sne.s32 s7, $0x40  }
.Ltmp4:
0xb4: {  	_ = 	snop;
	(pc) =	sbr.rel @!p1 .LBB2_19-.Ltmp4, $2  }
0xb5: {  	_ =	sdelay $0x2  }
0xb6: {  	p0 =	por !p0, !p0  }
.LBB2_4:
0xb7: {  	_ =	swait.ge [sflag:s18], $0x100  }
0xb8: {  	[sflag:s18] =	ssyncset.done $0x0  }
0xb9: {  	[sflag:s18] =	ssyncadd.s32 $0xFFFFFF00  }
0xba: {  	_ =	swait.ge [sflag:s18], $0x100  }
0xbb: {  	[sflag:s18] =	ssyncset.done $0x0  }
0xbc: {  	s16 =	simm.s32 $0x1;
	[sflag:s18] =	ssyncadd.s32 $0xFFFFFF00  }
0xbd: {  	s17 =	simm.s32 $0xFFFFFFFE;
	s25 =	simm.s32 $0x1200;
	_ =	swait.ge [sflag:s18], $0x100  }
0xbe: {  	s26 =	simm.s32 $0x410;
	s16 =	simm.s32 @!p0 $0x0;
	[sflag:s18] =	ssyncset.done $0x0  }
0xbf: {  	s28 =	simm.s32 $0x0;
	s16 =	sshll.u32 s16, $0x9;
	[sflag:s18] =	ssyncadd.s32 $0xFFFFFF00  }
.LBB2_5:
0xc0: {  	v19 =	vld [tilespmem:s26+$0xFFFFFEF0]  }
0xc1: {  	v20 =	vld [tilespmem:s26+$0xFFFFFFF0]  }
0xc2: {  	v22 =	vld [tilespmem:s26+$0xF0];
	_ =	sdelay $0x1  }
0xc3: {  	v31 =	vadd.s32 s28, v1;
	v33 =	vadd.s32 s28, v5;
	v36 =	vadd.s32 s28, v7  }
0xc4: {  	v59 =	vadd.s32 s28, v9;
	v63 =	vadd.s32 s28, v11;
	v39 =	vadd.s32 s28, v13  }
0xc5: {  	v31 =	vand.u32 $0xFF8, v31;
	v19 =	vmul.f32 $3.200000000e+01, v19;
	v20 =	vmul.f32 $3.200000000e+01, v20  }
0xc6: {  	v33 =	vand.u32 $0xFF8, v33;
	v36 =	vand.u32 $0xFF8, v36;
	v22 =	vmul.f32 $3.200000000e+01, v22  }
0xc7: {  	v61 =	vand.u32 $0xFF8, v59;
	v19 =	vadd.f32 $3.150000000e+01, v19;
	v20 =	vadd.f32 $3.150000000e+01, v20  }
0xc8: {  	v40 =	vand.u32 $0xFF8, v39;
	v31 =	vor.u32 v4, v31;
	v22 =	vadd.f32 $3.150000000e+01, v22  }
0xc9: {  	v33 =	vor.u32 v6, v33;
	v21 =	vtrunc.f32 v19;
	v24 =	vtrunc.f32 v20  }
0xca: {  	v58 =	vor.u32 v8, v36;
	v27 =	vtrunc.f32 v22;
	v23 =	vcvt.f32.s32 v21  }
0xcb: {  	vm0 =	vlt.f32 v19, v21;
	v26 =	vcvt.f32.s32 v24;
	vm12 =	vlt.f32 v20, v24  }
0xcc: {  	v28 =	vcvt.f32.s32 v27;
	vm15 =	vlt.f32 v22, v27;
	v21 =	vsel vm0, $0xFFFFFFFF, v3  }
0xcd: {  	v24 =	vsel vm12, $0xFFFFFFFF, v3;
	v55 =	vsel vm15, $0xFFFFFFFF, v3;
	v21 =	vadd.s32 v23, v21  }
0xce: {  	v24 =	vadd.s32 v26, v24;
	v23 =	vcvt.s32.f32 v21;
	v25 =	vadd.s32 $0x1, v21  }
0xcf: {  	vm1 =	vlt.u32 v21, $0x40;
	vm14 =	vgt.s32 v21, $0x0;
	v26 =	vcvt.s32.f32 v24  }
0xd0: {  	v57 =	vadd.s32 $0x1, v24;
	vm5 =	vlt.u32 v24, $0x40;
	vm7 =	vgt.s32 v24, $0x0  }
0xd1: {  	vm13 =	vlt.u32 v25, $0x40;
	v21 =	vnsel vm14, $0x0, v21;
	vm4 =	vgt.s32 v25, $0x0  }
0xd2: {  	vm6 =	vlt.u32 v57, $0x40;
	v24 =	vnsel vm7, $0x0, v24;
	vm8 =	vgt.s32 v57, $0x0  }
0xd3: {  	v19 =	vsub.f32 v19, v23;
	v20 =	vsub.f32 v20, v26;
	v26 =	vadd.s32 v28, v55  }
0xd4: {  	v21 =	vmin.u32 v21, $0x3F;
	v25 =	vnsel vm4, $0x0, v25;
	v29 =	vcvt.s32.f32 v26  }
0xd5: {  	v24 =	vmin.u32 v24, $0x3F;
	v28 =	vnsel vm8, $0x0, v57;
	v25 =	vmin.u32 v25, $0x3F  }
0xd6: {  	v28 =	vmin.u32 v28, $0x3F;
	vm9 =	vlt.u32 v26, $0x40;
	v22 =	vsub.f32 v22, v29  }
0xd7: {  	v30 =	vadd.s32 $0x1, v26;
	vm10 =	vgt.s32 v26, $0x0;
	v24 =	vshll.u32 v24, $0x6  }
0xd8: {  	v21 =	vor.u32 v2, v21;
	v56 =	vsub.f32 $1.000000000e+00, v20;
	v29 =	vsub.f32 $1.000000000e+00, v22  }
0xd9: {  	v23 =	vsub.f32 $1.000000000e+00, v19;
	v19 =	vnsel vm13, $0x0, v19;
	v26 =	vnsel vm10, $0x0, v26  }
0xda: {  	v26 =	vmin.u32 v26, $0x3F;
	v27 =	vnsel vm5, $0x0, v56;
	v29 =	vnsel vm9, $0x0, v29  }
0xdb: {  	v20 =	vnsel vm6, $0x0, v20;
	v26 =	vshll.u32 v26, $0xC;
	v34 =	vmul.f32 v29, v27  }
0xdc: {  	vm11 =	vgt.s32 v30, $0x0;
	v23 =	vnsel vm1, $0x0, v23;
	v32 =	vor.u32 v24, v26  }
0xdd: {  	v25 =	vor.u32 v2, v25;
	v35 =	vor.u32 v32, v21;
	v37 =	vmul.f32 v34, v23  }
0xde: {  	vm12 =	vlt.u32 v30, $0x40;
	v28 =	vshll.u32 v28, $0x6;
	v32 =	vor.u32 v32, v25;
	[tilespmem:s25+$0xFFFFFC00] =	vst v35  }
0xdf: {  	v30 =	vnsel vm11, $0x0, v30;
	v29 =	vmul.f32 v29, v20;
	v60 =	vmul.f32 v34, v19;
	[tilespmem:v31+s24+$0x0] =	vst.idx.msk $0xffff, v37  }
0xe0: {  	v62 =	vor.u32 v10, v61;
	v30 =	vmin.u32 v30, $0x3F;
	v26 =	vor.u32 v28, v26;
	[tilespmem:s25+$0xFFFFFD00] =	vst v32  }
0xe1: {  	v36 =	vor.u32 v26, v21;
	v34 =	vand.u32 $0xFF8, v63;
	v37 =	vmul.f32 v29, v23;
	[tilespmem:v33+s24+$0x0] =	vst.idx.msk $0xffff, v60  }
0xe2: {  	v22 =	vnsel vm12, $0x0, v22;
	v26 =	vor.u32 v26, v25;
	v38 =	vor.u32 v12, v34;
	[tilespmem:s25+$0xFFFFFE00] =	vst v36  }
0xe3: {  	v30 =	vshll.u32 v30, $0xC;
	v27 =	vmul.f32 v27, v22;
	v29 =	vmul.f32 v29, v19;
	[tilespmem:v58+s24+$0x0] =	vst.idx.msk $0xffff, v37  }
0xe4: {  	v42 =	vadd.s32 s28, v15;
	v41 =	vor.u32 v14, v40;
	v24 =	vor.u32 v24, v30;
	[tilespmem:s25+$0xFFFFFF00] =	vst v26  }
0xe5: {  	v43 =	vor.u32 v24, v21;
	v44 =	vmul.f32 v27, v23;
	v33 =	vand.u32 $0xFF8, v42;
	[tilespmem:v62+s24+$0x0] =	vst.idx.msk $0xffff, v29  }
0xe6: {  	v46 =	vadd.s32 s28, v17;
	v24 =	vor.u32 v24, v25;
	v45 =	vor.u32 v16, v33;
	[tilespmem:s25+$0x0] =	vst v43  }
0xe7: {  	v47 =	vand.u32 $0xFF8, v46;
	v20 =	vmul.f32 v22, v20;
	v27 =	vmul.f32 v27, v19;
	[tilespmem:v38+s24+$0x0] =	vst.idx.msk $0xffff, v44  }
0xe8: {  	v48 =	vor.u32 v28, v30;
	v22 =	vor.u32 v18, v47;
	[tilespmem:s25+$0x100] =	vst v24  }
0xe9: {  	v21 =	vor.u32 v48, v21;
	v23 =	vmul.f32 v20, v23;
	[tilespmem:v41+s24+$0x0] =	vst.idx.msk $0xffff, v27  }
0xea: {  	[tilespmem:s25+$0x200] =	vst v21  }
0xeb: {  	v49 =	vor.u32 v48, v25;
	v19 =	vmul.f32 v20, v19;
	[tilespmem:v45+s24+$0x0] =	vst.idx.msk $0xffff, v23  }
0xec: {  	[tilespmem:s25+$0x300] =	vst v49  }
0xed: {  	[tilespmem:v22+s24+$0x0] =	vst.idx.msk $0xffff, v19  }
0xee: {  	v19 =	vld [tilespmem:s26+$0xFFFFFF00]  }
0xef: {  	v20 =	vld [tilespmem:s26+$0x0]  }
0xf0: {  	s29 =	sadd.s32 $0x90, s28;
	v22 =	vld [tilespmem:s26+$0x100]  }
0xf1: {  	v39 =	vadd.s32 s29, v5  }
0xf2: {  	v42 =	vadd.s32 s29, v7;
	v33 =	vand.u32 $0x1FF8, v39  }
0xf3: {  	v36 =	vand.u32 $0x1FF8, v42;
	v33 =	vor.u32 v6, v33;
	v62 =	vadd.s32 s29, v1  }
0xf4: {  	v31 =	vand.u32 $0x1FF8, v62;
	v19 =	vmul.f32 $3.200000000e+01, v19;
	v20 =	vmul.f32 $3.200000000e+01, v20  }
0xf5: {  	v31 =	vor.u32 v4, v31;
	v44 =	vor.u32 v8, v36;
	v22 =	vmul.f32 $3.200000000e+01, v22  }
0xf6: {  	v45 =	vadd.s32 s29, v9;
	v19 =	vadd.f32 $3.150000000e+01, v19;
	v20 =	vadd.f32 $3.150000000e+01, v20  }
0xf7: {  	v47 =	vand.u32 $0x1FF8, v45;
	v49 =	vadd.s32 s29, v11;
	v22 =	vadd.f32 $3.150000000e+01, v22  }
0xf8: {  	v48 =	vor.u32 v10, v47;
	v50 =	vtrunc.f32 v19;
	v52 =	vtrunc.f32 v20  }
0xf9: {  	v34 =	vand.u32 $0x1FF8, v49;
	v55 =	vtrunc.f32 v22;
	v51 =	vcvt.f32.s32 v50  }
0xfa: {  	vm13 =	vlt.f32 v19, v50;
	v54 =	vcvt.f32.s32 v52;
	vm14 =	vlt.f32 v20, v52  }
0xfb: {  	v56 =	vcvt.f32.s32 v55;
	vm6 =	vlt.f32 v22, v55;
	v21 =	vsel vm13, $0xFFFFFFFF, v3  }
0xfc: {  	v52 =	vor.u32 v12, v34;
	v24 =	vsel vm14, $0xFFFFFFFF, v3;
	v21 =	vadd.s32 v51, v21  }
0xfd: {  	v57 =	vsel vm6, $0xFFFFFFFF, v3;
	v24 =	vadd.s32 v54, v24;
	v23 =	vcvt.s32.f32 v21  }
0xfe: {  	v53 =	vadd.s32 $0x1, v21;
	vm15 =	vlt.u32 v21, $0x40;
	vm5 =	vgt.s32 v21, $0x0  }
0xff: {  	v26 =	vcvt.s32.f32 v24;
	v59 =	vadd.s32 $0x1, v24;
	vm8 =	vlt.u32 v24, $0x40  }
0x100: {  	vm10 =	vgt.s32 v24, $0x0;
	vm4 =	vlt.u32 v53, $0x40;
	v21 =	vnsel vm5, $0x0, v21  }
0x101: {  	vm7 =	vgt.s32 v53, $0x0;
	vm9 =	vlt.u32 v59, $0x40;
	v24 =	vnsel vm10, $0x0, v24  }
0x102: {  	vm11 =	vgt.s32 v59, $0x0;
	v20 =	vsub.f32 v20, v26;
	v26 =	vadd.s32 v56, v57  }
0x103: {  	v19 =	vsub.f32 v19, v23;
	v21 =	vmin.u32 v21, $0x3F;
	v60 =	vcvt.s32.f32 v26  }
0x104: {  	v25 =	vnsel vm7, $0x0, v53;
	v24 =	vmin.u32 v24, $0x3F;
	v28 =	vnsel vm11, $0x0, v59  }
0x105: {  	v53 =	vadd.s32 s29, v13;
	v25 =	vmin.u32 v25, $0x3F;
	v22 =	vsub.f32 v22, v60  }
0x106: {  	v28 =	vmin.u32 v28, $0x3F;
	vm12 =	vlt.u32 v26, $0x40;
	v61 =	vadd.s32 $0x1, v26  }
0x107: {  	vm13 =	vgt.s32 v26, $0x0;
	v58 =	vsub.f32 $1.000000000e+00, v20;
	v29 =	vsub.f32 $1.000000000e+00, v22  }
0x108: {  	v24 =	vshll.u32 v24, $0x6;
	v23 =	vsub.f32 $1.000000000e+00, v19;
	v26 =	vnsel vm13, $0x0, v26  }
0x109: {  	v26 =	vmin.u32 v26, $0x3F;
	v27 =	vnsel vm8, $0x0, v58;
	v29 =	vnsel vm12, $0x0, v29  }
0x10a: {  	v21 =	vor.u32 v2, v21;
	v26 =	vshll.u32 v26, $0xC;
	v40 =	vmul.f32 v29, v27  }
0x10b: {  	v19 =	vnsel vm4, $0x0, v19;
	v23 =	vnsel vm15, $0x0, v23;
	v63 =	vor.u32 v24, v26  }
0x10c: {  	v25 =	vor.u32 v2, v25;
	v41 =	vor.u32 v63, v21;
	v43 =	vmul.f32 v40, v23  }
0x10d: {  	v20 =	vnsel vm9, $0x0, v20;
	vm14 =	vgt.s32 v61, $0x0;
	v32 =	vor.u32 v63, v25;
	[tilespmem:s25+$0xFFFFFC10] =	vst v41  }
0x10e: {  	v28 =	vshll.u32 v28, $0x6;
	v29 =	vmul.f32 v29, v20;
	v46 =	vmul.f32 v40, v19;
	[tilespmem:v31+s24+$0x0] =	vst.idx.msk $0xffff, v43  }
0x10f: {  	v54 =	vand.u32 $0x1FF8, v53;
	v30 =	vnsel vm14, $0x0, v61;
	v26 =	vor.u32 v28, v26;
	[tilespmem:s25+$0xFFFFFD10] =	vst v32  }
0x110: {  	vm15 =	vlt.u32 v61, $0x40;
	v50 =	vor.u32 v26, v21;
	v51 =	vmul.f32 v29, v23;
	[tilespmem:v33+s24+$0x0] =	vst.idx.msk $0xffff, v46  }
0x111: {  	v30 =	vmin.u32 v30, $0x3F;
	v22 =	vnsel vm15, $0x0, v22;
	v26 =	vor.u32 v26, v25;
	[tilespmem:s25+$0xFFFFFE10] =	vst v50  }
0x112: {  	v30 =	vshll.u32 v30, $0xC;
	v27 =	vmul.f32 v27, v22;
	v29 =	vmul.f32 v29, v19;
	[tilespmem:v44+s24+$0x0] =	vst.idx.msk $0xffff, v51  }
0x113: {  	v56 =	vadd.s32 s29, v15;
	v55 =	vor.u32 v14, v54;
	v24 =	vor.u32 v24, v30;
	[tilespmem:s25+$0xFFFFFF10] =	vst v26  }
0x114: {  	v57 =	vor.u32 v24, v21;
	v58 =	vmul.f32 v27, v23;
	v33 =	vand.u32 $0x1FF8, v56;
	[tilespmem:v48+s24+$0x0] =	vst.idx.msk $0xffff, v29  }
0x115: {  	v60 =	vadd.s32 s29, v17;
	v24 =	vor.u32 v24, v25;
	v59 =	vor.u32 v16, v33;
	[tilespmem:s25+$0x10] =	vst v57  }
0x116: {  	s17 =	sadd.s32 $0x2, s17;
	v61 =	vand.u32 $0x1FF8, v60;
	v20 =	vmul.f32 v22, v20;
	v27 =	vmul.f32 v27, v19;
	[tilespmem:v52+s24+$0x0] =	vst.idx.msk $0xffff, v58  }
0x117: {  	p1 =	slt.u32 s17, $0xE;
	v62 =	vor.u32 v28, v30;
	v22 =	vor.u32 v18, v61;
	[tilespmem:s25+$0x110] =	vst v24  }
.Ltmp5:
0x118: {  	v21 =	vor.u32 v62, v21;
	v23 =	vmul.f32 v20, v23;
	[tilespmem:v55+s24+$0x0] =	vst.idx.msk $0xffff, v27;
	(pc) =	sbr.rel @p1 .LBB2_5-.Ltmp5, $4  }
0x119: {  	[tilespmem:s25+$0x210] =	vst v21  }
0x11a: {  	v63 =	vor.u32 v62, v25;
	v19 =	vmul.f32 v20, v19;
	[tilespmem:v59+s24+$0x0] =	vst.idx.msk $0xffff, v23  }
0x11b: {  	[tilespmem:s25+$0x310] =	vst v63  }
0x11c: {  	s28 =	sadd.s32 $0x120, s28;
	s26 =	sadd.s32 $0x20, s26;
	s25 =	sadd.s32 $0x20, s25;
	[tilespmem:v22+s24+$0x0] =	vst.idx.msk $0xffff, v19  }
0x11d: {  	s0 =	simm.s32 $0xE00;
	s17 =	simm.s32 $0xA820  }
0x11e: {  	[tilespmem:s17], [sflag:$0x2] =	stream.indirect.gather [hbm4b:s3+s23], $0x10, s0, s23, $0xb8;
	[tilespmem:$0x1A920] =	vst v63  }
0x11f: {  	s25 =	simm.s32 $0xB020;
	s17 =	simm.s32 $0xE80  }
0x120: {  	[tilespmem:s25], [sflag:$0x2] =	stream.indirect.gather [hbm4b:s3+s23], $0x10, s17, s23, $0xb8;
	[tilespmem:$0x1A920] =	vst v63  }
0x121: {  	s26 =	simm.s32 $0xF00;
	s31 =	simm.s32 $0xB820  }
0x122: {  	[tilespmem:s31], [sflag:$0x2] =	stream.indirect.gather [hbm4b:s3+s23], $0x10, s26, s23, $0xb8;
	[tilespmem:$0x1A920] =	vst v63  }
0x123: {  	s17 =	simm.s32 $0xF80;
	s25 =	simm.s32 $0xC020  }
0x124: {  	[tilespmem:s25], [sflag:$0x2] =	stream.indirect.gather [hbm4b:s3+s23], $0x10, s17, s23, $0xb8;
	[tilespmem:$0x1A920] =	vst v63  }
0x125: {  	s26 =	simm.s32 $0x1000;
	s31 =	simm.s32 $0xC820  }
0x126: {  	[tilespmem:s31], [sflag:$0x2] =	stream.indirect.gather [hbm4b:s3+s23], $0x10, s26, s23, $0xb8;
	[tilespmem:$0x1A920] =	vst v63  }
0x127: {  	s17 =	simm.s32 $0x1080;
	s25 =	simm.s32 $0xD020  }
0x128: {  	[tilespmem:s25], [sflag:$0x2] =	stream.indirect.gather [hbm4b:s3+s23], $0x10, s17, s23, $0xb8;
	[tilespmem:$0x1A920] =	vst v63  }
0x129: {  	s26 =	simm.s32 $0x1100;
	s31 =	simm.s32 $0xD820  }
0x12a: {  	[tilespmem:s31], [sflag:$0x2] =	stream.indirect.gather [hbm4b:s3+s23], $0x10, s26, s23, $0xb8;
	[tilespmem:$0x1A920] =	vst v63  }
0x12b: {  	s17 =	simm.s32 $0x1180;
	s25 =	simm.s32 $0xE020  }
0x12c: {  	[tilespmem:s25], [sflag:$0x2] =	stream.indirect.gather [hbm4b:s3+s23], $0x10, s17, s23, $0xb8;
	[tilespmem:$0x1A920] =	vst v63  }
0x12d: {  	s26 =	simm.s32 $0x1200;
	s31 =	simm.s32 $0xE820  }
0x12e: {  	[tilespmem:s31], [sflag:$0x2] =	stream.indirect.gather [hbm4b:s3+s23], $0x10, s26, s23, $0xb8;
	[tilespmem:$0x1A920] =	vst v63  }
0x12f: {  	s17 =	simm.s32 $0x1280;
	s25 =	simm.s32 $0xF020  }
0x130: {  	[tilespmem:s25], [sflag:$0x2] =	stream.indirect.gather [hbm4b:s3+s23], $0x10, s17, s23, $0xb8;
	[tilespmem:$0x1A920] =	vst v63  }
0x131: {  	s26 =	simm.s32 $0x1300;
	s31 =	simm.s32 $0xF820  }
0x132: {  	[tilespmem:s31], [sflag:$0x2] =	stream.indirect.gather [hbm4b:s3+s23], $0x10, s26, s23, $0xb8;
	[tilespmem:$0x1A920] =	vst v63  }
0x133: {  	s17 =	simm.s32 $0x1380;
	s25 =	simm.s32 $0x10020  }
0x134: {  	[tilespmem:s25], [sflag:$0x2] =	stream.indirect.gather [hbm4b:s3+s23], $0x10, s17, s23, $0xb8;
	[tilespmem:$0x1A920] =	vst v63  }
0x135: {  	p1 =	seq.s32 s7, $0x3F;
	s26 =	simm.s32 $0x1400;
	s31 =	simm.s32 $0x10820  }
0x136: {  	[tilespmem:s31], [sflag:$0x2] =	stream.indirect.gather [hbm4b:s3+s23], $0x10, s26, s23, $0xb8;
	[tilespmem:$0x1A920] =	vst v63  }
0x137: {  	s17 =	sshll.u32 @!p1 s7, $0x9  }
0x138: {  	[tilespmem:s19], [sflag:$0x2] =	stream.indirect.gather [hbm4b:s3+s23], $0x10, s2, s23, $0xb8;
	[tilespmem:$0x1A920] =	vst v63  }
0x139: {  	s25 =	sadd.s32 @!p1 s17, s15  }
0x13a: {  	[tilespmem:s9], [sflag:$0x2] =	stream.indirect.gather [hbm4b:s3+s23], $0x10, s20, s23, $0xb8;
	[tilespmem:$0x1A920] =	vst v63  }
0x13b: {  	s25 =	sshrl.u32 @!p1 s25, $0x3  }
0x13c: {  	[tilespmem:s11], [sflag:$0x2] =	stream.indirect.gather [hbm4b:s3+s23], $0x10, s10, s23, $0xb8;
	[tilespmem:$0x1A920] =	vst v63  }
0x13d: {  	s28 =	simm.s32 @!p1 $0x0;
	s26 =	sadd.s32 @!p1 s4, s25  }
0x13e: {  	[tilespmem:s28], [sflag:$0x3] =	stream.linear.gather @!p1 [hbm4b:s26+s28], $0x100, $0x38;
	[tilespmem:$0x1A920] =	vst v63  }
0x13f: {  	s29 =	simm.s32 @!p1 $0x100;
	s26 =	sadd.s32 @!p1 s5, s25  }
0x140: {  	[tilespmem:s29], [sflag:$0x3] =	stream.linear.gather @!p1 [hbm4b:s26+s28], $0x100, $0x38;
	[tilespmem:$0x1A920] =	vst v63  }
0x141: {  	s25 =	sadd.s32 @!p1 s6, s25;
	s26 =	simm.s32 @!p1 $0x200  }
0x142: {  	[tilespmem:s26], [sflag:$0x3] =	stream.linear.gather @!p1 [hbm4b:s25+s28], $0x100, $0x38;
	[tilespmem:$0x1A920] =	vst v63  }
0x143: {  	s30 =	simm.s32 $0x1612;
	s17 =	simm.s32 @p1 $0x7E00;
	_ =	swait.ge [sflag:s8], $0x8000  }
0x144: {  	s29 =	simm.s32 $0x9850;
	s25 =	sshll.u32 s7, $0x1;
	[sflag:s8] =	ssyncset.done $0x0  }
0x145: {  	s26 =	sand.u32 $0x200, s17;
	s28 =	simm.s32 $0xFFFFFFFC;
	[sflag:s8] =	ssyncadd.s32 $0xFFFF8000  }
.LBB2_7:
0x146: {  	v20 =	vld [tilespmem:s30+$0xFFFFFFEE]  }
0x147: {  	v19 =	vld [tilespmem:s29+$0xFFFF8FD0]  }
0x148: {  	v21 =	vld [tilespmem:s29+$0xFFFF9FD0];
	_ =	sdelay $0x1  }
0x149: {  	v22 =	vld [tilespmem:s29+$0xFFFFAFD0];
	_ =	sdelay $0x1  }
0x14a: {  	v23 =	vbroadcast v20, $0x0;
	v24 =	vunpack.i.l.bf16.f32 v19;
	v25 =	vbroadcast v20, $0x1  }
0x14b: {  	v27 =	vld [tilespmem:s29+$0xFFFFBFD0];
	v19 =	vunpack.i.u.bf16.f32 v19;
	v26 =	vunpack.i.l.bf16.f32 v21;
	v28 =	vbroadcast v20, $0x2  }
0x14c: {  	v21 =	vunpack.i.u.bf16.f32 v21;
	v24 =	vmul.f32 v24, v23;
	v26 =	vmul.f32 v26, v25  }
0x14d: {  	v35 =	vld [tilespmem:s29+$0xFFFFCFD0];
	v19 =	vmul.f32 v19, v23;
	v21 =	vmul.f32 v21, v25;
	v23 =	vunpack.i.l.bf16.f32 v22  }
0x14e: {  	v23 =	vmul.f32 v23, v28;
	v24 =	vadd.f32 v26, v24  }
0x14f: {  	v19 =	vadd.f32 v21, v19;
	v21 =	vunpack.i.u.bf16.f32 v22;
	v22 =	vbroadcast v20, $0x3  }
0x150: {  	v37 =	vld [tilespmem:s29+$0xFFFFDFD0];
	v36 =	vunpack.i.l.bf16.f32 v27;
	v27 =	vunpack.i.u.bf16.f32 v27;
	v21 =	vmul.f32 v21, v28  }
0x151: {  	v38 =	vbroadcast v20, $0x4;
	v23 =	vadd.f32 v23, v24;
	v24 =	vmul.f32 v36, v22  }
0x152: {  	v39 =	vld [tilespmem:s29+$0xFFFFEFD0];
	v19 =	vadd.f32 v21, v19;
	v21 =	vmul.f32 v27, v22;
	v22 =	vunpack.i.l.bf16.f32 v35  }
0x153: {  	v23 =	vadd.f32 v24, v23;
	v22 =	vmul.f32 v22, v38  }
0x154: {  	v40 =	vbroadcast v20, $0x5;
	v19 =	vadd.f32 v21, v19;
	v21 =	vunpack.i.u.bf16.f32 v35  }
0x155: {  	v22 =	vadd.f32 v22, v23;
	v21 =	vmul.f32 v21, v38;
	v23 =	vunpack.i.l.bf16.f32 v37  }
0x156: {  	v44 =	vld [tilespmem:s29+$0xFFFFFFD0];
	v41 =	vunpack.i.u.bf16.f32 v37;
	v42 =	vbroadcast v20, $0x6;
	v23 =	vmul.f32 v23, v40  }
0x157: {  	v43 =	vunpack.i.l.bf16.f32 v39;
	v19 =	vadd.f32 v21, v19;
	v21 =	vmul.f32 v41, v40  }
0x158: {  	s31 =	sadd.s32 s28, s26;
	v22 =	vadd.f32 v23, v22;
	v23 =	vmul.f32 v43, v42  }
0x159: {  	s0 =	sadd.s32 $0x4, s31;
	v45 =	vunpack.i.u.bf16.f32 v39;
	v21 =	vadd.f32 v21, v19  }
0x15a: {  	v19 =	vmul.u32 $0x810, v0;
	v22 =	vadd.f32 v23, v22;
	v23 =	vmov s0  }
0x15b: {  	v46 =	vbroadcast v20, $0x7;
	v47 =	vunpack.i.l.bf16.f32 v44;
	v23 =	vand.u32 $0x2FC, v23  }
0x15c: {  	v24 =	vmul.f32 v45, v42;
	v20 =	vadd.s32 $0x408, v19;
	v48 =	vadd.s32 v19, v23  }
0x15d: {  	v25 =	vunpack.i.u.bf16.f32 v44;
	v27 =	vmul.f32 v47, v46;
	v23 =	vadd.s32 v20, v23  }
0x15e: {  	v49 =	vmul.f32 v25, v46;
	v21 =	vadd.f32 v24, v21  }
0x15f: {  	v22 =	vadd.f32 v27, v22  }
0x160: {  	v21 =	vadd.f32 v49, v21  }
0x161: {  	[tilespmem:v48+s12+$0x0] =	vst.idx.msk $0xffff, v22  }
0x162: {  	[tilespmem:v23+s12+$0x0] =	vst.idx.msk $0xffff, v21  }
0x163: {  	v21 =	vld [tilespmem:s30+$0xFFFFFFF7]  }
0x164: {  	v22 =	vld [tilespmem:s29+$0xFFFF8FE0]  }
0x165: {  	v23 =	vld [tilespmem:s29+$0xFFFF9FE0];
	_ =	sdelay $0x1  }
0x166: {  	v50 =	vld [tilespmem:s29+$0xFFFFAFE0];
	_ =	sdelay $0x1  }
0x167: {  	v51 =	vbroadcast v21, $0x0;
	v52 =	vunpack.i.l.bf16.f32 v22;
	v53 =	vbroadcast v21, $0x1  }
0x168: {  	v29 =	vld [tilespmem:s29+$0xFFFFBFE0];
	v22 =	vunpack.i.u.bf16.f32 v22;
	v54 =	vunpack.i.l.bf16.f32 v23;
	v30 =	vbroadcast v21, $0x2  }
0x169: {  	v56 =	vld [tilespmem:s29+$0xFFFFCFE0];
	v23 =	vunpack.i.u.bf16.f32 v23;
	v26 =	vmul.f32 v52, v51;
	v28 =	vmul.f32 v54, v53  }
0x16a: {  	s0 =	sadd.s32 $0x5, s31;
	v55 =	vunpack.i.l.bf16.f32 v50;
	v22 =	vmul.f32 v22, v51;
	v23 =	vmul.f32 v23, v53  }
0x16b: {  	v38 =	vmov s0;
	v57 =	vbroadcast v21, $0x3;
	v25 =	vmul.f32 v55, v30  }
0x16c: {  	v26 =	vadd.f32 v28, v26;
	v22 =	vadd.f32 v23, v22;
	v23 =	vunpack.i.u.bf16.f32 v50  }
0x16d: {  	v59 =	vld [tilespmem:s29+$0xFFFFDFE0];
	v58 =	vunpack.i.l.bf16.f32 v29;
	v29 =	vunpack.i.u.bf16.f32 v29;
	v23 =	vmul.f32 v23, v30  }
0x16e: {  	v62 =	vld [tilespmem:s29+$0xFFFFEFE0];
	v60 =	vbroadcast v21, $0x4;
	v61 =	vunpack.i.l.bf16.f32 v56;
	v25 =	vadd.f32 v25, v26  }
0x16f: {  	v26 =	vmul.f32 v58, v57;
	v22 =	vadd.f32 v23, v22;
	v23 =	vmul.f32 v29, v57  }
0x170: {  	v39 =	vand.u32 $0x2FD, v38;
	v63 =	vbroadcast v21, $0x5;
	v24 =	vmul.f32 v61, v60  }
0x171: {  	v25 =	vadd.f32 v26, v25;
	v22 =	vadd.f32 v23, v22;
	v23 =	vunpack.i.u.bf16.f32 v56  }
0x172: {  	v35 =	vld [tilespmem:s29+$0xFFFFFFE0];
	v32 =	vunpack.i.l.bf16.f32 v59;
	v33 =	vunpack.i.u.bf16.f32 v59;
	v23 =	vmul.f32 v23, v60  }
0x173: {  	v34 =	vbroadcast v21, $0x6;
	v36 =	vunpack.i.l.bf16.f32 v62;
	v24 =	vadd.f32 v24, v25  }
0x174: {  	v25 =	vmul.f32 v32, v63;
	v22 =	vadd.f32 v23, v22;
	v23 =	vmul.f32 v33, v63  }
0x175: {  	v41 =	vadd.s32 v19, v39;
	v21 =	vbroadcast v21, $0x7;
	v37 =	vmul.f32 v36, v34  }
0x176: {  	v24 =	vadd.f32 v25, v24;
	v22 =	vadd.f32 v23, v22;
	v23 =	vunpack.i.u.bf16.f32 v62  }
0x177: {  	v40 =	vunpack.i.l.bf16.f32 v35;
	v42 =	vunpack.i.u.bf16.f32 v35;
	v23 =	vmul.f32 v23, v34  }
0x178: {  	v26 =	vmul.f32 v40, v21;
	v25 =	vadd.s32 v20, v39;
	v24 =	vadd.f32 v37, v24  }
0x179: {  	v21 =	vmul.f32 v42, v21;
	v22 =	vadd.f32 v23, v22  }
0x17a: {  	v23 =	vadd.f32 v26, v24  }
0x17b: {  	v21 =	vadd.f32 v21, v22  }
0x17c: {  	[tilespmem:v41+s12+$0x0] =	vst.idx.msk $0xffff, v23  }
0x17d: {  	[tilespmem:v25+s12+$0x0] =	vst.idx.msk $0xffff, v21  }
0x17e: {  	v21 =	vld [tilespmem:s30+$0x0]  }
0x17f: {  	v22 =	vld [tilespmem:s29+$0xFFFF8FF0]  }
0x180: {  	v23 =	vld [tilespmem:s29+$0xFFFF9FF0];
	_ =	sdelay $0x1  }
0x181: {  	v43 =	vld [tilespmem:s29+$0xFFFFAFF0];
	_ =	sdelay $0x1  }
0x182: {  	v44 =	vbroadcast v21, $0x0;
	v45 =	vunpack.i.l.bf16.f32 v22;
	v46 =	vbroadcast v21, $0x1  }
0x183: {  	v48 =	vld [tilespmem:s29+$0xFFFFBFF0];
	v22 =	vunpack.i.u.bf16.f32 v22;
	v47 =	vunpack.i.l.bf16.f32 v23;
	v49 =	vbroadcast v21, $0x2  }
0x184: {  	v51 =	vld [tilespmem:s29+$0xFFFFCFF0];
	v23 =	vunpack.i.u.bf16.f32 v23;
	v26 =	vmul.f32 v45, v44;
	v28 =	vmul.f32 v47, v46  }
0x185: {  	s0 =	sadd.s32 $0x6, s31;
	v50 =	vunpack.i.l.bf16.f32 v43;
	v22 =	vmul.f32 v22, v44;
	v23 =	vmul.f32 v23, v46  }
0x186: {  	v32 =	vmov s0;
	v52 =	vbroadcast v21, $0x3;
	v25 =	vmul.f32 v50, v49  }
0x187: {  	v26 =	vadd.f32 v28, v26;
	v22 =	vadd.f32 v23, v22;
	v23 =	vunpack.i.u.bf16.f32 v43  }
0x188: {  	v54 =	vld [tilespmem:s29+$0xFFFFDFF0];
	v53 =	vunpack.i.l.bf16.f32 v48;
	v29 =	vunpack.i.u.bf16.f32 v48;
	v23 =	vmul.f32 v23, v49  }
0x189: {  	v57 =	vld [tilespmem:s29+$0xFFFFEFF0];
	v55 =	vbroadcast v21, $0x4;
	v56 =	vunpack.i.l.bf16.f32 v51;
	v25 =	vadd.f32 v25, v26  }
0x18a: {  	v26 =	vmul.f32 v53, v52;
	v22 =	vadd.f32 v23, v22;
	v23 =	vmul.f32 v29, v52  }
0x18b: {  	v33 =	vand.u32 $0x2FE, v32;
	v58 =	vbroadcast v21, $0x5;
	v24 =	vmul.f32 v56, v55  }
0x18c: {  	v25 =	vadd.f32 v26, v25;
	v22 =	vadd.f32 v23, v22;
	v23 =	vunpack.i.u.bf16.f32 v51  }
0x18d: {  	v62 =	vld [tilespmem:s29+$0xFFFFFFF0];
	v59 =	vunpack.i.l.bf16.f32 v54;
	v60 =	vunpack.i.u.bf16.f32 v54;
	v23 =	vmul.f32 v23, v55  }
0x18e: {  	v61 =	vbroadcast v21, $0x6;
	v63 =	vunpack.i.l.bf16.f32 v57;
	v24 =	vadd.f32 v24, v25  }
0x18f: {  	v25 =	vmul.f32 v59, v58;
	v22 =	vadd.f32 v23, v22;
	v23 =	vmul.f32 v60, v58  }
0x190: {  	v35 =	vadd.s32 v19, v33;
	v21 =	vbroadcast v21, $0x7;
	v31 =	vmul.f32 v63, v61  }
0x191: {  	v24 =	vadd.f32 v25, v24;
	v22 =	vadd.f32 v23, v22;
	v23 =	vunpack.i.u.bf16.f32 v57  }
0x192: {  	v34 =	vunpack.i.l.bf16.f32 v62;
	v36 =	vunpack.i.u.bf16.f32 v62;
	v23 =	vmul.f32 v23, v61  }
0x193: {  	v26 =	vmul.f32 v34, v21;
	v25 =	vadd.s32 v20, v33;
	v24 =	vadd.f32 v31, v24  }
0x194: {  	v21 =	vmul.f32 v36, v21;
	v22 =	vadd.f32 v23, v22  }
0x195: {  	v23 =	vadd.f32 v26, v24  }
0x196: {  	v21 =	vadd.f32 v21, v22  }
0x197: {  	[tilespmem:v35+s12+$0x0] =	vst.idx.msk $0xffff, v23  }
0x198: {  	[tilespmem:v25+s12+$0x0] =	vst.idx.msk $0xffff, v21  }
0x199: {  	v21 =	vld [tilespmem:s30+$0x9]  }
0x19a: {  	v22 =	vld [tilespmem:s29+$0xFFFF9000]  }
0x19b: {  	v23 =	vld [tilespmem:s29+$0xFFFFA000];
	_ =	sdelay $0x1  }
0x19c: {  	v37 =	vld [tilespmem:s29+$0xFFFFB000];
	_ =	sdelay $0x1  }
0x19d: {  	v38 =	vbroadcast v21, $0x0;
	v39 =	vunpack.i.l.bf16.f32 v22;
	v40 =	vbroadcast v21, $0x1  }
0x19e: {  	v42 =	vld [tilespmem:s29+$0xFFFFC000];
	v22 =	vunpack.i.u.bf16.f32 v22;
	v41 =	vunpack.i.l.bf16.f32 v23;
	v43 =	vbroadcast v21, $0x2  }
0x19f: {  	v45 =	vld [tilespmem:s29+$0xFFFFD000];
	v23 =	vunpack.i.u.bf16.f32 v23;
	v26 =	vmul.f32 v39, v38;
	v28 =	vmul.f32 v41, v40  }
0x1a0: {  	s31 =	sadd.s32 $0x7, s31;
	v44 =	vunpack.i.l.bf16.f32 v37;
	v22 =	vmul.f32 v22, v38;
	v23 =	vmul.f32 v23, v40  }
0x1a1: {  	v59 =	vmov s31;
	v46 =	vbroadcast v21, $0x3;
	v25 =	vmul.f32 v44, v43  }
0x1a2: {  	v26 =	vadd.f32 v28, v26;
	v22 =	vadd.f32 v23, v22;
	v23 =	vunpack.i.u.bf16.f32 v37  }
0x1a3: {  	v48 =	vld [tilespmem:s29+$0xFFFFE000];
	v47 =	vunpack.i.l.bf16.f32 v42;
	v29 =	vunpack.i.u.bf16.f32 v42;
	v23 =	vmul.f32 v23, v43  }
0x1a4: {  	v51 =	vld [tilespmem:s29+$0xFFFFF000];
	v49 =	vbroadcast v21, $0x4;
	v50 =	vunpack.i.l.bf16.f32 v45;
	v25 =	vadd.f32 v25, v26  }
0x1a5: {  	v26 =	vmul.f32 v47, v46;
	v22 =	vadd.f32 v23, v22;
	v23 =	vmul.f32 v29, v46  }
0x1a6: {  	v60 =	vand.u32 $0x2FF, v59;
	v52 =	vbroadcast v21, $0x5;
	v24 =	vmul.f32 v50, v49  }
0x1a7: {  	v25 =	vadd.f32 v26, v25;
	v22 =	vadd.f32 v23, v22;
	v23 =	vunpack.i.u.bf16.f32 v45  }
0x1a8: {  	v56 =	vld [tilespmem:s29+$0x0];
	v53 =	vunpack.i.l.bf16.f32 v48;
	v54 =	vunpack.i.u.bf16.f32 v48;
	v23 =	vmul.f32 v23, v49  }
0x1a9: {  	v55 =	vbroadcast v21, $0x6;
	v57 =	vunpack.i.l.bf16.f32 v51;
	v24 =	vadd.f32 v24, v25  }
0x1aa: {  	v25 =	vmul.f32 v53, v52;
	v22 =	vadd.f32 v23, v22;
	v23 =	vmul.f32 v54, v52  }
0x1ab: {  	v62 =	vadd.s32 v19, v60;
	v21 =	vbroadcast v21, $0x7;
	v58 =	vmul.f32 v57, v55  }
0x1ac: {  	v24 =	vadd.f32 v25, v24;
	v22 =	vadd.f32 v23, v22;
	v23 =	vunpack.i.u.bf16.f32 v51  }
0x1ad: {  	s28 =	sadd.s32 $0x4, s28;
	v61 =	vunpack.i.l.bf16.f32 v56;
	v63 =	vunpack.i.u.bf16.f32 v56;
	v23 =	vmul.f32 v23, v55  }
0x1ae: {  	p2 =	slt.u32 s28, $0xFC;
	v26 =	vmul.f32 v61, v21;
	v25 =	vadd.s32 v20, v60;
	v24 =	vadd.f32 v58, v24  }
.Ltmp6:
0x1af: {  	v21 =	vmul.f32 v63, v21;
	v22 =	vadd.f32 v23, v22;
	(pc) =	sbr.rel @p2 .LBB2_7-.Ltmp6, $4  }
0x1b0: {  	v23 =	vadd.f32 v26, v24  }
0x1b1: {  	v21 =	vadd.f32 v21, v22  }
0x1b2: {  	[tilespmem:v62+s12+$0x0] =	vst.idx.msk $0xffff, v23  }
0x1b3: {  	s29 =	sadd.s32 $0x40, s29;
	s30 =	sadd.s32 $0x24, s30;
	[tilespmem:v25+s12+$0x0] =	vst.idx.msk $0xffff, v21  }
.Ltmp7:
0x1b4: {  	(pc) =	sbr.rel @p1 .LBB2_12-.Ltmp7, $1  }
0x1b5: {  	_ =	sdelay $0x3  }
0x1b6: {  	_ =	swait.ge [sflag:s21], $0x100  }
0x1b7: {  	[sflag:s21] =	ssyncset.done $0x0  }
0x1b8: {  	[sflag:s21] =	ssyncadd.s32 $0xFFFFFF00  }
0x1b9: {  	_ =	swait.ge [sflag:s21], $0x100  }
0x1ba: {  	[sflag:s21] =	ssyncset.done $0x0  }
0x1bb: {  	[sflag:s21] =	ssyncadd.s32 $0xFFFFFF00  }
0x1bc: {  	_ =	swait.ge [sflag:s21], $0x100  }
0x1bd: {  	s26 =	simm.s32 $0xFFFFFFFE;
	s28 =	simm.s32 $0x0;
	[sflag:s21] =	ssyncset.done $0x0  }
0x1be: {  	s29 =	simm.s32 $0xA00;
	s30 =	simm.s32 $0x110;
	[sflag:s21] =	ssyncadd.s32 $0xFFFFFF00  }
.LBB2_10:
0x1bf: {  	v21 =	vld [tilespmem:s30+$0xFFFFFEF0]  }
0x1c0: {  	v22 =	vld [tilespmem:s30+$0xFFFFFFF0]  }
0x1c1: {  	v24 =	vld [tilespmem:s30+$0xF0];
	_ =	sdelay $0x1  }
0x1c2: {  	v33 =	vadd.s32 s28, v1;
	v35 =	vadd.s32 s28, v5;
	v38 =	vadd.s32 s28, v7  }
0x1c3: {  	v55 =	vadd.s32 s28, v9;
	v59 =	vadd.s32 s28, v11;
	v63 =	vadd.s32 s28, v13  }
0x1c4: {  	v33 =	vand.u32 $0xFF8, v33;
	v21 =	vmul.f32 $3.200000000e+01, v21;
	v22 =	vmul.f32 $3.200000000e+01, v22  }
0x1c5: {  	v35 =	vand.u32 $0xFF8, v35;
	v38 =	vand.u32 $0xFF8, v38;
	v24 =	vmul.f32 $3.200000000e+01, v24  }
0x1c6: {  	v57 =	vand.u32 $0xFF8, v55;
	v21 =	vadd.f32 $3.150000000e+01, v21;
	v22 =	vadd.f32 $3.150000000e+01, v22  }
0x1c7: {  	v40 =	vand.u32 $0xFF8, v63;
	v33 =	vor.u32 v4, v33;
	v24 =	vadd.f32 $3.150000000e+01, v24  }
0x1c8: {  	v35 =	vor.u32 v6, v35;
	v23 =	vtrunc.f32 v21;
	v26 =	vtrunc.f32 v22  }
0x1c9: {  	v54 =	vor.u32 v8, v38;
	v29 =	vtrunc.f32 v24;
	v25 =	vcvt.f32.s32 v23  }
0x1ca: {  	vm0 =	vlt.f32 v21, v23;
	v28 =	vcvt.f32.s32 v26;
	vm12 =	vlt.f32 v22, v26  }
0x1cb: {  	v30 =	vcvt.f32.s32 v29;
	vm15 =	vlt.f32 v24, v29;
	v23 =	vsel vm0, $0xFFFFFFFF, v3  }
0x1cc: {  	v26 =	vsel vm12, $0xFFFFFFFF, v3;
	v51 =	vsel vm15, $0xFFFFFFFF, v3;
	v23 =	vadd.s32 v25, v23  }
0x1cd: {  	v26 =	vadd.s32 v28, v26;
	v25 =	vcvt.s32.f32 v23;
	v27 =	vadd.s32 $0x1, v23  }
0x1ce: {  	vm1 =	vlt.u32 v23, $0x40;
	vm14 =	vgt.s32 v23, $0x0;
	v28 =	vcvt.s32.f32 v26  }
0x1cf: {  	v53 =	vadd.s32 $0x1, v26;
	vm5 =	vlt.u32 v26, $0x40;
	vm7 =	vgt.s32 v26, $0x0  }
0x1d0: {  	vm13 =	vlt.u32 v27, $0x40;
	v23 =	vnsel vm14, $0x0, v23;
	vm4 =	vgt.s32 v27, $0x0  }
0x1d1: {  	vm6 =	vlt.u32 v53, $0x40;
	v26 =	vnsel vm7, $0x0, v26;
	vm8 =	vgt.s32 v53, $0x0  }
0x1d2: {  	v21 =	vsub.f32 v21, v25;
	v22 =	vsub.f32 v22, v28;
	v28 =	vadd.s32 v30, v51  }
0x1d3: {  	v23 =	vmin.u32 v23, $0x3F;
	v27 =	vnsel vm4, $0x0, v27;
	v31 =	vcvt.s32.f32 v28  }
0x1d4: {  	v26 =	vmin.u32 v26, $0x3F;
	v30 =	vnsel vm8, $0x0, v53;
	v27 =	vmin.u32 v27, $0x3F  }
0x1d5: {  	v30 =	vmin.u32 v30, $0x3F;
	vm9 =	vlt.u32 v28, $0x40;
	v24 =	vsub.f32 v24, v31  }
0x1d6: {  	v32 =	vadd.s32 $0x1, v28;
	vm10 =	vgt.s32 v28, $0x0;
	v26 =	vshll.u32 v26, $0x6  }
0x1d7: {  	v23 =	vor.u32 v2, v23;
	v52 =	vsub.f32 $1.000000000e+00, v22;
	v31 =	vsub.f32 $1.000000000e+00, v24  }
0x1d8: {  	v25 =	vsub.f32 $1.000000000e+00, v21;
	v21 =	vnsel vm13, $0x0, v21;
	v28 =	vnsel vm10, $0x0, v28  }
0x1d9: {  	v28 =	vmin.u32 v28, $0x3F;
	v29 =	vnsel vm5, $0x0, v52;
	v31 =	vnsel vm9, $0x0, v31  }
0x1da: {  	v22 =	vnsel vm6, $0x0, v22;
	v28 =	vshll.u32 v28, $0xC;
	v36 =	vmul.f32 v31, v29  }
0x1db: {  	vm11 =	vgt.s32 v32, $0x0;
	v25 =	vnsel vm1, $0x0, v25;
	v34 =	vor.u32 v26, v28  }
0x1dc: {  	v27 =	vor.u32 v2, v27;
	v37 =	vor.u32 v34, v23;
	v39 =	vmul.f32 v36, v25  }
0x1dd: {  	vm12 =	vlt.u32 v32, $0x40;
	v30 =	vshll.u32 v30, $0x6;
	v34 =	vor.u32 v34, v27;
	[tilespmem:s29+$0xFFFFFC00] =	vst v37  }
0x1de: {  	v32 =	vnsel vm11, $0x0, v32;
	v31 =	vmul.f32 v31, v22;
	v56 =	vmul.f32 v36, v21;
	[tilespmem:v33+s22+$0x0] =	vst.idx.msk $0xffff, v39  }
0x1df: {  	v58 =	vor.u32 v10, v57;
	v32 =	vmin.u32 v32, $0x3F;
	v28 =	vor.u32 v30, v28;
	[tilespmem:s29+$0xFFFFFD00] =	vst v34  }
0x1e0: {  	v60 =	vor.u32 v28, v23;
	v61 =	vmul.f32 v31, v25;
	v36 =	vand.u32 $0xFF8, v59;
	[tilespmem:v35+s22+$0x0] =	vst.idx.msk $0xffff, v56  }
0x1e1: {  	v24 =	vnsel vm12, $0x0, v24;
	v28 =	vor.u32 v28, v27;
	v62 =	vor.u32 v12, v36;
	[tilespmem:s29+$0xFFFFFE00] =	vst v60  }
0x1e2: {  	v32 =	vshll.u32 v32, $0xC;
	v29 =	vmul.f32 v29, v24;
	v31 =	vmul.f32 v31, v21;
	[tilespmem:v54+s22+$0x0] =	vst.idx.msk $0xffff, v61  }
0x1e3: {  	v42 =	vadd.s32 s28, v15;
	v41 =	vor.u32 v14, v40;
	v26 =	vor.u32 v26, v32;
	[tilespmem:s29+$0xFFFFFF00] =	vst v28  }
0x1e4: {  	v43 =	vor.u32 v26, v23;
	v44 =	vmul.f32 v29, v25;
	v35 =	vand.u32 $0xFF8, v42;
	[tilespmem:v58+s22+$0x0] =	vst.idx.msk $0xffff, v31  }
0x1e5: {  	v46 =	vadd.s32 s28, v17;
	v26 =	vor.u32 v26, v27;
	v45 =	vor.u32 v16, v35;
	[tilespmem:s29+$0x0] =	vst v43  }
0x1e6: {  	v47 =	vand.u32 $0xFF8, v46;
	v22 =	vmul.f32 v24, v22;
	v29 =	vmul.f32 v29, v21;
	[tilespmem:v62+s22+$0x0] =	vst.idx.msk $0xffff, v44  }
0x1e7: {  	v48 =	vor.u32 v30, v32;
	v24 =	vor.u32 v18, v47;
	[tilespmem:s29+$0x100] =	vst v26  }
0x1e8: {  	v23 =	vor.u32 v48, v23;
	v25 =	vmul.f32 v22, v25;
	[tilespmem:v41+s22+$0x0] =	vst.idx.msk $0xffff, v29  }
0x1e9: {  	[tilespmem:s29+$0x200] =	vst v23  }
0x1ea: {  	v21 =	vmul.f32 v22, v21;
	v23 =	vor.u32 v48, v27;
	[tilespmem:v45+s22+$0x0] =	vst.idx.msk $0xffff, v25  }
0x1eb: {  	[tilespmem:s29+$0x300] =	vst v23  }
0x1ec: {  	[tilespmem:v24+s22+$0x0] =	vst.idx.msk $0xffff, v21  }
0x1ed: {  	v21 =	vld [tilespmem:s30+$0xFFFFFF00]  }
0x1ee: {  	v22 =	vld [tilespmem:s30+$0x0]  }
0x1ef: {  	v24 =	vld [tilespmem:s30+$0x100]  }
0x1f0: {  	s0 =	sadd.s32 $0x90, s28  }
0x1f1: {  	v60 =	vadd.s32 s0, v1  }
0x1f2: {  	v46 =	vadd.s32 s0, v9;
	v33 =	vand.u32 $0x1FF8, v60  }
0x1f3: {  	v33 =	vor.u32 v4, v33;
	v21 =	vmul.f32 $3.200000000e+01, v21;
	v22 =	vmul.f32 $3.200000000e+01, v22  }
0x1f4: {  	v43 =	vadd.s32 s0, v7;
	v62 =	vadd.s32 s0, v5;
	v24 =	vmul.f32 $3.200000000e+01, v24  }
0x1f5: {  	v35 =	vand.u32 $0x1FF8, v62;
	v21 =	vadd.f32 $3.150000000e+01, v21;
	v22 =	vadd.f32 $3.150000000e+01, v22  }
0x1f6: {  	v38 =	vand.u32 $0x1FF8, v43;
	v35 =	vor.u32 v6, v35;
	v24 =	vadd.f32 $3.150000000e+01, v24  }
0x1f7: {  	v48 =	vand.u32 $0x1FF8, v46;
	v23 =	vtrunc.f32 v21;
	v50 =	vtrunc.f32 v22  }
0x1f8: {  	v45 =	vor.u32 v8, v38;
	v53 =	vtrunc.f32 v24;
	v49 =	vcvt.f32.s32 v23  }
0x1f9: {  	vm13 =	vlt.f32 v21, v23;
	v52 =	vcvt.f32.s32 v50;
	vm14 =	vlt.f32 v22, v50  }
0x1fa: {  	v54 =	vcvt.f32.s32 v53;
	vm6 =	vlt.f32 v24, v53;
	v50 =	vadd.s32 s0, v11  }
0x1fb: {  	v23 =	vsel vm13, $0xFFFFFFFF, v3;
	v26 =	vsel vm14, $0xFFFFFFFF, v3;
	v55 =	vsel vm6, $0xFFFFFFFF, v3  }
0x1fc: {  	v36 =	vand.u32 $0x1FF8, v50;
	v23 =	vadd.s32 v49, v23;
	v26 =	vadd.s32 v52, v26  }
0x1fd: {  	v49 =	vor.u32 v10, v48;
	v53 =	vor.u32 v12, v36;
	v25 =	vcvt.s32.f32 v23  }
0x1fe: {  	v51 =	vadd.s32 $0x1, v23;
	vm15 =	vlt.u32 v23, $0x40;
	vm5 =	vgt.s32 v23, $0x0  }
0x1ff: {  	v28 =	vcvt.s32.f32 v26;
	v57 =	vadd.s32 $0x1, v26;
	vm8 =	vlt.u32 v26, $0x40  }
0x200: {  	vm10 =	vgt.s32 v26, $0x0;
	vm4 =	vlt.u32 v51, $0x40;
	v23 =	vnsel vm5, $0x0, v23  }
0x201: {  	vm7 =	vgt.s32 v51, $0x0;
	vm9 =	vlt.u32 v57, $0x40;
	v26 =	vnsel vm10, $0x0, v26  }
0x202: {  	vm11 =	vgt.s32 v57, $0x0;
	v22 =	vsub.f32 v22, v28;
	v28 =	vadd.s32 v54, v55  }
0x203: {  	v21 =	vsub.f32 v21, v25;
	v23 =	vmin.u32 v23, $0x3F;
	v58 =	vcvt.s32.f32 v28  }
0x204: {  	v27 =	vnsel vm7, $0x0, v51;
	v26 =	vmin.u32 v26, $0x3F;
	v30 =	vnsel vm11, $0x0, v57  }
0x205: {  	v54 =	vadd.s32 s0, v13;
	v27 =	vmin.u32 v27, $0x3F;
	v24 =	vsub.f32 v24, v58  }
0x206: {  	v30 =	vmin.u32 v30, $0x3F;
	vm12 =	vlt.u32 v28, $0x40;
	v59 =	vadd.s32 $0x1, v28  }
0x207: {  	vm13 =	vgt.s32 v28, $0x0;
	v56 =	vsub.f32 $1.000000000e+00, v22;
	v31 =	vsub.f32 $1.000000000e+00, v24  }
0x208: {  	v26 =	vshll.u32 v26, $0x6;
	v25 =	vsub.f32 $1.000000000e+00, v21;
	v28 =	vnsel vm13, $0x0, v28  }
0x209: {  	v28 =	vmin.u32 v28, $0x3F;
	v29 =	vnsel vm8, $0x0, v56;
	v31 =	vnsel vm12, $0x0, v31  }
0x20a: {  	v23 =	vor.u32 v2, v23;
	v28 =	vshll.u32 v28, $0xC;
	v63 =	vmul.f32 v31, v29  }
0x20b: {  	v21 =	vnsel vm4, $0x0, v21;
	v25 =	vnsel vm15, $0x0, v25;
	v61 =	vor.u32 v26, v28  }
0x20c: {  	v27 =	vor.u32 v2, v27;
	v42 =	vor.u32 v61, v23;
	v44 =	vmul.f32 v63, v25  }
0x20d: {  	v22 =	vnsel vm9, $0x0, v22;
	vm14 =	vgt.s32 v59, $0x0;
	v34 =	vor.u32 v61, v27;
	[tilespmem:s29+$0xFFFFFC10] =	vst v42  }
0x20e: {  	v30 =	vshll.u32 v30, $0x6;
	v31 =	vmul.f32 v31, v22;
	v47 =	vmul.f32 v63, v21;
	[tilespmem:v33+s22+$0x0] =	vst.idx.msk $0xffff, v44  }
0x20f: {  	v55 =	vand.u32 $0x1FF8, v54;
	v32 =	vnsel vm14, $0x0, v59;
	v28 =	vor.u32 v30, v28;
	[tilespmem:s29+$0xFFFFFD10] =	vst v34  }
0x210: {  	vm15 =	vlt.u32 v59, $0x40;
	v51 =	vor.u32 v28, v23;
	v52 =	vmul.f32 v31, v25;
	[tilespmem:v35+s22+$0x0] =	vst.idx.msk $0xffff, v47  }
0x211: {  	v32 =	vmin.u32 v32, $0x3F;
	v24 =	vnsel vm15, $0x0, v24;
	v28 =	vor.u32 v28, v27;
	[tilespmem:s29+$0xFFFFFE10] =	vst v51  }
0x212: {  	v32 =	vshll.u32 v32, $0xC;
	v29 =	vmul.f32 v29, v24;
	v31 =	vmul.f32 v31, v21;
	[tilespmem:v45+s22+$0x0] =	vst.idx.msk $0xffff, v52  }
0x213: {  	v57 =	vadd.s32 s0, v15;
	v56 =	vor.u32 v14, v55;
	v26 =	vor.u32 v26, v32;
	[tilespmem:s29+$0xFFFFFF10] =	vst v28  }
0x214: {  	v58 =	vor.u32 v26, v23;
	v59 =	vmul.f32 v29, v25;
	v35 =	vand.u32 $0x1FF8, v57;
	[tilespmem:v49+s22+$0x0] =	vst.idx.msk $0xffff, v31  }
0x215: {  	v61 =	vadd.s32 s0, v17;
	v26 =	vor.u32 v26, v27;
	v60 =	vor.u32 v16, v35;
	[tilespmem:s29+$0x10] =	vst v58  }
0x216: {  	s26 =	sadd.s32 $0x2, s26;
	v62 =	vand.u32 $0x1FF8, v61;
	v22 =	vmul.f32 v24, v22;
	v29 =	vmul.f32 v29, v21;
	[tilespmem:v53+s22+$0x0] =	vst.idx.msk $0xffff, v59  }
0x217: {  	p1 =	slt.u32 s26, $0xE;
	v24 =	vor.u32 v18, v62;
	v63 =	vor.u32 v30, v32;
	[tilespmem:s29+$0x110] =	vst v26  }
.Ltmp8:
0x218: {  	v25 =	vmul.f32 v22, v25;
	v23 =	vor.u32 v63, v23;
	[tilespmem:v56+s22+$0x0] =	vst.idx.msk $0xffff, v29;
	(pc) =	sbr.rel @p1 .LBB2_10-.Ltmp8, $4  }
0x219: {  	[tilespmem:s29+$0x210] =	vst v23  }
0x21a: {  	v21 =	vmul.f32 v22, v21;
	v23 =	vor.u32 v63, v27;
	[tilespmem:v60+s22+$0x0] =	vst.idx.msk $0xffff, v25  }
0x21b: {  	[tilespmem:s29+$0x310] =	vst v23  }
0x21c: {  	s28 =	sadd.s32 $0x120, s28;
	s30 =	sadd.s32 $0x20, s30;
	s29 =	sadd.s32 $0x20, s29;
	[tilespmem:v24+s22+$0x0] =	vst.idx.msk $0xffff, v21  }
0x21d: {  	s0 =	simm.s32 $0x600;
	s26 =	simm.s32 $0x2820  }
0x21e: {  	[tilespmem:s26], [sflag:$0x1] =	stream.indirect.gather [hbm4b:s3+s23], $0x10, s0, s23, $0xb8;
	[tilespmem:$0x1A920] =	vst v63  }
0x21f: {  	s28 =	simm.s32 $0x680;
	s29 =	simm.s32 $0x3020  }
0x220: {  	[tilespmem:s29], [sflag:$0x1] =	stream.indirect.gather [hbm4b:s3+s23], $0x10, s28, s23, $0xb8;
	[tilespmem:$0x1A920] =	vst v63  }
0x221: {  	s30 =	simm.s32 $0x700;
	s31 =	simm.s32 $0x3820  }
0x222: {  	[tilespmem:s31], [sflag:$0x1] =	stream.indirect.gather [hbm4b:s3+s23], $0x10, s30, s23, $0xb8;
	[tilespmem:$0x1A920] =	vst v63  }
0x223: {  	s28 =	simm.s32 $0x780;
	s29 =	simm.s32 $0x4020  }
0x224: {  	[tilespmem:s29], [sflag:$0x1] =	stream.indirect.gather [hbm4b:s3+s23], $0x10, s28, s23, $0xb8;
	[tilespmem:$0x1A920] =	vst v63  }
0x225: {  	s30 =	simm.s32 $0x800;
	s31 =	simm.s32 $0x4820  }
0x226: {  	[tilespmem:s31], [sflag:$0x1] =	stream.indirect.gather [hbm4b:s3+s23], $0x10, s30, s23, $0xb8;
	[tilespmem:$0x1A920] =	vst v63  }
0x227: {  	s28 =	simm.s32 $0x880;
	s29 =	simm.s32 $0x5020  }
0x228: {  	[tilespmem:s29], [sflag:$0x1] =	stream.indirect.gather [hbm4b:s3+s23], $0x10, s28, s23, $0xb8;
	[tilespmem:$0x1A920] =	vst v63  }
0x229: {  	s30 =	simm.s32 $0x900;
	s31 =	simm.s32 $0x5820  }
0x22a: {  	[tilespmem:s31], [sflag:$0x1] =	stream.indirect.gather [hbm4b:s3+s23], $0x10, s30, s23, $0xb8;
	[tilespmem:$0x1A920] =	vst v63  }
0x22b: {  	s28 =	simm.s32 $0x980;
	s29 =	simm.s32 $0x6020  }
0x22c: {  	[tilespmem:s29], [sflag:$0x1] =	stream.indirect.gather [hbm4b:s3+s23], $0x10, s28, s23, $0xb8;
	[tilespmem:$0x1A920] =	vst v63  }
0x22d: {  	s30 =	simm.s32 $0xA00;
	s31 =	simm.s32 $0x6820  }
0x22e: {  	[tilespmem:s31], [sflag:$0x1] =	stream.indirect.gather [hbm4b:s3+s23], $0x10, s30, s23, $0xb8;
	[tilespmem:$0x1A920] =	vst v63  }
0x22f: {  	s28 =	simm.s32 $0xA80;
	s29 =	simm.s32 $0x7020  }
0x230: {  	[tilespmem:s29], [sflag:$0x1] =	stream.indirect.gather [hbm4b:s3+s23], $0x10, s28, s23, $0xb8;
	[tilespmem:$0x1A920] =	vst v63  }
0x231: {  	s30 =	simm.s32 $0xB00;
	s31 =	simm.s32 $0x7820  }
0x232: {  	[tilespmem:s31], [sflag:$0x1] =	stream.indirect.gather [hbm4b:s3+s23], $0x10, s30, s23, $0xb8;
	[tilespmem:$0x1A920] =	vst v63  }
0x233: {  	s28 =	simm.s32 $0xB80;
	s29 =	simm.s32 $0x8020  }
0x234: {  	[tilespmem:s29], [sflag:$0x1] =	stream.indirect.gather [hbm4b:s3+s23], $0x10, s28, s23, $0xb8;
	[tilespmem:$0x1A920] =	vst v63  }
0x235: {  	s30 =	simm.s32 $0xC00;
	s31 =	simm.s32 $0x8820  }
0x236: {  	[tilespmem:s31], [sflag:$0x1] =	stream.indirect.gather [hbm4b:s3+s23], $0x10, s30, s23, $0xb8;
	[tilespmem:$0x1A920] =	vst v63  }
0x237: {  	s28 =	simm.s32 $0xC80;
	s29 =	simm.s32 $0x9020  }
0x238: {  	[tilespmem:s29], [sflag:$0x1] =	stream.indirect.gather [hbm4b:s3+s23], $0x10, s28, s23, $0xb8;
	[tilespmem:$0x1A920] =	vst v63  }
0x239: {  	s30 =	simm.s32 $0xD00;
	s31 =	simm.s32 $0x9820  }
0x23a: {  	[tilespmem:s31], [sflag:$0x1] =	stream.indirect.gather [hbm4b:s3+s23], $0x10, s30, s23, $0xb8;
	[tilespmem:$0x1A920] =	vst v63  }
0x23b: {  	s30 =	rddreg [dreg:$0x9]  }
0x23c: {  	s28 =	simm.s32 $0xD80;
	s29 =	simm.s32 $0xA020;
	s0 =	sadd.s32 s17, s30  }
0x23d: {  	[tilespmem:s29], [sflag:$0x1] =	stream.indirect.gather [hbm4b:s3+s23], $0x10, s28, s23, $0xb8;
	[tilespmem:$0x1A920] =	vst v63  }
0x23e: {  	s0 =	sshrl.u32 s0, $0x3  }
0x23f: {  	s28 =	simm.s32 $0x300;
	s31 =	sadd.s32 s4, s0  }
0x240: {  	[tilespmem:s28], [sflag:$0x4] =	stream.linear.gather [hbm4b:s31+s1], $0x100, $0x38;
	[tilespmem:$0x1A920] =	vst v63  }
0x241: {  	s30 =	simm.s32 $0x400;
	s29 =	sadd.s32 s5, s0  }
0x242: {  	[tilespmem:s30], [sflag:$0x4] =	stream.linear.gather [hbm4b:s29+s1], $0x100, $0x38;
	[tilespmem:$0x1A920] =	vst v63  }
0x243: {  	s0 =	sadd.s32 s6, s0;
	s31 =	simm.s32 $0x500  }
0x244: {  	[tilespmem:s31], [sflag:$0x4] =	stream.linear.gather [hbm4b:s0+s1], $0x100, $0x38;
	[tilespmem:$0x1A920] =	vst v63  }
.LBB2_12:
0x245: {  	_ =	swait.ge [sflag:s13], $0x8000  }
0x246: {  	s25 =	sand.u32 $0x2, s25;
	s26 =	simm.s32 $0xFFFFFFFC;
	[sflag:s13] =	ssyncset.done $0x0  }
0x247: {  	s28 =	simm.s32 $0x11850;
	s29 =	simm.s32 $0x1F22;
	[sflag:s13] =	ssyncadd.s32 $0xFFFF8000  }
.LBB2_13:
0x248: {  	v21 =	vld [tilespmem:s29+$0xFFFFFFEE]  }
0x249: {  	v22 =	vld [tilespmem:s28+$0xFFFF8FD0]  }
0x24a: {  	v23 =	vld [tilespmem:s28+$0xFFFF9FD0];
	_ =	sdelay $0x1  }
0x24b: {  	v24 =	vld [tilespmem:s28+$0xFFFFAFD0];
	_ =	sdelay $0x1  }
0x24c: {  	v25 =	vbroadcast v21, $0x0;
	v26 =	vunpack.i.l.bf16.f32 v22;
	v27 =	vbroadcast v21, $0x1  }
0x24d: {  	v29 =	vld [tilespmem:s28+$0xFFFFBFD0];
	v22 =	vunpack.i.u.bf16.f32 v22;
	v28 =	vunpack.i.l.bf16.f32 v23;
	v30 =	vbroadcast v21, $0x2  }
0x24e: {  	v60 =	vld [tilespmem:s28+$0xFFFFCFD0];
	s30 =	sadd.s32 s26, s16;
	v23 =	vunpack.i.u.bf16.f32 v23;
	v26 =	vmul.f32 v26, v25;
	v28 =	vmul.f32 v28, v27  }
0x24f: {  	s0 =	sadd.s32 $0x104, s30;
	v59 =	vunpack.i.l.bf16.f32 v24;
	v22 =	vmul.f32 v22, v25;
	v23 =	vmul.f32 v23, v27  }
0x250: {  	v43 =	vmov s0;
	v61 =	vbroadcast v21, $0x3;
	v25 =	vmul.f32 v59, v30  }
0x251: {  	v26 =	vadd.f32 v28, v26;
	v22 =	vadd.f32 v23, v22;
	v23 =	vunpack.i.u.bf16.f32 v24  }
0x252: {  	v63 =	vld [tilespmem:s28+$0xFFFFDFD0];
	v62 =	vunpack.i.l.bf16.f32 v29;
	v29 =	vunpack.i.u.bf16.f32 v29;
	v23 =	vmul.f32 v23, v30  }
0x253: {  	v35 =	vld [tilespmem:s28+$0xFFFFEFD0];
	v33 =	vbroadcast v21, $0x4;
	v34 =	vunpack.i.l.bf16.f32 v60;
	v25 =	vadd.f32 v25, v26  }
0x254: {  	v26 =	vmul.f32 v62, v61;
	v22 =	vadd.f32 v23, v22;
	v23 =	vmul.f32 v29, v61  }
0x255: {  	v44 =	vand.u32 $0x3FC, v43;
	v36 =	vbroadcast v21, $0x5;
	v24 =	vmul.f32 v34, v33  }
0x256: {  	v25 =	vadd.f32 v26, v25;
	v22 =	vadd.f32 v23, v22;
	v23 =	vunpack.i.u.bf16.f32 v60  }
0x257: {  	v40 =	vld [tilespmem:s28+$0xFFFFFFD0];
	v37 =	vunpack.i.l.bf16.f32 v63;
	v38 =	vunpack.i.u.bf16.f32 v63;
	v23 =	vmul.f32 v23, v33  }
0x258: {  	v39 =	vbroadcast v21, $0x6;
	v41 =	vunpack.i.l.bf16.f32 v35;
	v24 =	vadd.f32 v24, v25  }
0x259: {  	v25 =	vmul.f32 v37, v36;
	v22 =	vadd.f32 v23, v22;
	v23 =	vmul.f32 v38, v36  }
0x25a: {  	v46 =	vadd.s32 v19, v44;
	v21 =	vbroadcast v21, $0x7;
	v42 =	vmul.f32 v41, v39  }
0x25b: {  	v24 =	vadd.f32 v25, v24;
	v22 =	vadd.f32 v23, v22;
	v23 =	vunpack.i.u.bf16.f32 v35  }
0x25c: {  	v45 =	vunpack.i.l.bf16.f32 v40;
	v47 =	vunpack.i.u.bf16.f32 v40;
	v23 =	vmul.f32 v23, v39  }
0x25d: {  	v26 =	vmul.f32 v45, v21;
	v25 =	vadd.s32 v20, v44;
	v24 =	vadd.f32 v42, v24  }
0x25e: {  	v21 =	vmul.f32 v47, v21;
	v22 =	vadd.f32 v23, v22  }
0x25f: {  	v23 =	vadd.f32 v26, v24  }
0x260: {  	v21 =	vadd.f32 v21, v22  }
0x261: {  	[tilespmem:v46+s12+$0x0] =	vst.idx.msk $0xffff, v23  }
0x262: {  	[tilespmem:v25+s12+$0x0] =	vst.idx.msk $0xffff, v21  }
0x263: {  	v21 =	vld [tilespmem:s29+$0xFFFFFFF7]  }
0x264: {  	v22 =	vld [tilespmem:s28+$0xFFFF8FE0]  }
0x265: {  	v23 =	vld [tilespmem:s28+$0xFFFF9FE0];
	_ =	sdelay $0x1  }
0x266: {  	v48 =	vld [tilespmem:s28+$0xFFFFAFE0];
	_ =	sdelay $0x1  }
0x267: {  	v49 =	vbroadcast v21, $0x0;
	v50 =	vunpack.i.l.bf16.f32 v22;
	v51 =	vbroadcast v21, $0x1  }
0x268: {  	v53 =	vld [tilespmem:s28+$0xFFFFBFE0];
	v22 =	vunpack.i.u.bf16.f32 v22;
	v52 =	vunpack.i.l.bf16.f32 v23;
	v54 =	vbroadcast v21, $0x2  }
0x269: {  	v56 =	vld [tilespmem:s28+$0xFFFFCFE0];
	v23 =	vunpack.i.u.bf16.f32 v23;
	v26 =	vmul.f32 v50, v49;
	v28 =	vmul.f32 v52, v51  }
0x26a: {  	s31 =	sadd.s32 $0x105, s30;
	v55 =	vunpack.i.l.bf16.f32 v48;
	v22 =	vmul.f32 v22, v49;
	v23 =	vmul.f32 v23, v51  }
0x26b: {  	v38 =	vmov s31;
	v57 =	vbroadcast v21, $0x3;
	v25 =	vmul.f32 v55, v54  }
0x26c: {  	v26 =	vadd.f32 v28, v26;
	v22 =	vadd.f32 v23, v22;
	v23 =	vunpack.i.u.bf16.f32 v48  }
0x26d: {  	v59 =	vld [tilespmem:s28+$0xFFFFDFE0];
	v58 =	vunpack.i.l.bf16.f32 v53;
	v29 =	vunpack.i.u.bf16.f32 v53;
	v23 =	vmul.f32 v23, v54  }
0x26e: {  	v62 =	vld [tilespmem:s28+$0xFFFFEFE0];
	v60 =	vbroadcast v21, $0x4;
	v61 =	vunpack.i.l.bf16.f32 v56;
	v25 =	vadd.f32 v25, v26  }
0x26f: {  	v26 =	vmul.f32 v58, v57;
	v22 =	vadd.f32 v23, v22;
	v23 =	vmul.f32 v29, v57  }
0x270: {  	v39 =	vand.u32 $0x3FD, v38;
	v63 =	vbroadcast v21, $0x5;
	v24 =	vmul.f32 v61, v60  }
0x271: {  	v25 =	vadd.f32 v26, v25;
	v22 =	vadd.f32 v23, v22;
	v23 =	vunpack.i.u.bf16.f32 v56  }
0x272: {  	v35 =	vld [tilespmem:s28+$0xFFFFFFE0];
	v32 =	vunpack.i.l.bf16.f32 v59;
	v33 =	vunpack.i.u.bf16.f32 v59;
	v23 =	vmul.f32 v23, v60  }
0x273: {  	v34 =	vbroadcast v21, $0x6;
	v36 =	vunpack.i.l.bf16.f32 v62;
	v24 =	vadd.f32 v24, v25  }
0x274: {  	v25 =	vmul.f32 v32, v63;
	v22 =	vadd.f32 v23, v22;
	v23 =	vmul.f32 v33, v63  }
0x275: {  	v41 =	vadd.s32 v19, v39;
	v21 =	vbroadcast v21, $0x7;
	v37 =	vmul.f32 v36, v34  }
0x276: {  	v24 =	vadd.f32 v25, v24;
	v22 =	vadd.f32 v23, v22;
	v23 =	vunpack.i.u.bf16.f32 v62  }
0x277: {  	v40 =	vunpack.i.l.bf16.f32 v35;
	v42 =	vunpack.i.u.bf16.f32 v35;
	v23 =	vmul.f32 v23, v34  }
0x278: {  	v26 =	vmul.f32 v40, v21;
	v25 =	vadd.s32 v20, v39;
	v24 =	vadd.f32 v37, v24  }
0x279: {  	v21 =	vmul.f32 v42, v21;
	v22 =	vadd.f32 v23, v22  }
0x27a: {  	v23 =	vadd.f32 v26, v24  }
0x27b: {  	v21 =	vadd.f32 v21, v22  }
0x27c: {  	[tilespmem:v41+s12+$0x0] =	vst.idx.msk $0xffff, v23  }
0x27d: {  	[tilespmem:v25+s12+$0x0] =	vst.idx.msk $0xffff, v21  }
0x27e: {  	v21 =	vld [tilespmem:s29+$0x0]  }
0x27f: {  	v22 =	vld [tilespmem:s28+$0xFFFF8FF0]  }
0x280: {  	v23 =	vld [tilespmem:s28+$0xFFFF9FF0];
	_ =	sdelay $0x1  }
0x281: {  	v43 =	vld [tilespmem:s28+$0xFFFFAFF0];
	_ =	sdelay $0x1  }
0x282: {  	v44 =	vbroadcast v21, $0x0;
	v45 =	vunpack.i.l.bf16.f32 v22;
	v46 =	vbroadcast v21, $0x1  }
0x283: {  	v48 =	vld [tilespmem:s28+$0xFFFFBFF0];
	v22 =	vunpack.i.u.bf16.f32 v22;
	v47 =	vunpack.i.l.bf16.f32 v23;
	v49 =	vbroadcast v21, $0x2  }
0x284: {  	v51 =	vld [tilespmem:s28+$0xFFFFCFF0];
	v23 =	vunpack.i.u.bf16.f32 v23;
	v26 =	vmul.f32 v45, v44;
	v28 =	vmul.f32 v47, v46  }
0x285: {  	s31 =	sadd.s32 $0x106, s30;
	v50 =	vunpack.i.l.bf16.f32 v43;
	v22 =	vmul.f32 v22, v44;
	v23 =	vmul.f32 v23, v46  }
0x286: {  	v32 =	vmov s31;
	v52 =	vbroadcast v21, $0x3;
	v25 =	vmul.f32 v50, v49  }
0x287: {  	v26 =	vadd.f32 v28, v26;
	v22 =	vadd.f32 v23, v22;
	v23 =	vunpack.i.u.bf16.f32 v43  }
0x288: {  	v54 =	vld [tilespmem:s28+$0xFFFFDFF0];
	v53 =	vunpack.i.l.bf16.f32 v48;
	v29 =	vunpack.i.u.bf16.f32 v48;
	v23 =	vmul.f32 v23, v49  }
0x289: {  	v57 =	vld [tilespmem:s28+$0xFFFFEFF0];
	v55 =	vbroadcast v21, $0x4;
	v56 =	vunpack.i.l.bf16.f32 v51;
	v25 =	vadd.f32 v25, v26  }
0x28a: {  	v26 =	vmul.f32 v53, v52;
	v22 =	vadd.f32 v23, v22;
	v23 =	vmul.f32 v29, v52  }
0x28b: {  	v33 =	vand.u32 $0x3FE, v32;
	v58 =	vbroadcast v21, $0x5;
	v24 =	vmul.f32 v56, v55  }
0x28c: {  	v25 =	vadd.f32 v26, v25;
	v22 =	vadd.f32 v23, v22;
	v23 =	vunpack.i.u.bf16.f32 v51  }
0x28d: {  	v62 =	vld [tilespmem:s28+$0xFFFFFFF0];
	v59 =	vunpack.i.l.bf16.f32 v54;
	v60 =	vunpack.i.u.bf16.f32 v54;
	v23 =	vmul.f32 v23, v55  }
0x28e: {  	v61 =	vbroadcast v21, $0x6;
	v63 =	vunpack.i.l.bf16.f32 v57;
	v24 =	vadd.f32 v24, v25  }
0x28f: {  	v25 =	vmul.f32 v59, v58;
	v22 =	vadd.f32 v23, v22;
	v23 =	vmul.f32 v60, v58  }
0x290: {  	v35 =	vadd.s32 v19, v33;
	v21 =	vbroadcast v21, $0x7;
	v31 =	vmul.f32 v63, v61  }
0x291: {  	v24 =	vadd.f32 v25, v24;
	v22 =	vadd.f32 v23, v22;
	v23 =	vunpack.i.u.bf16.f32 v57  }
0x292: {  	v34 =	vunpack.i.l.bf16.f32 v62;
	v36 =	vunpack.i.u.bf16.f32 v62;
	v23 =	vmul.f32 v23, v61  }
0x293: {  	v26 =	vmul.f32 v34, v21;
	v25 =	vadd.s32 v20, v33;
	v24 =	vadd.f32 v31, v24  }
0x294: {  	v21 =	vmul.f32 v36, v21;
	v22 =	vadd.f32 v23, v22  }
0x295: {  	v23 =	vadd.f32 v26, v24  }
0x296: {  	v21 =	vadd.f32 v21, v22  }
0x297: {  	[tilespmem:v35+s12+$0x0] =	vst.idx.msk $0xffff, v23  }
0x298: {  	[tilespmem:v25+s12+$0x0] =	vst.idx.msk $0xffff, v21  }
0x299: {  	v21 =	vld [tilespmem:s29+$0x9]  }
0x29a: {  	v22 =	vld [tilespmem:s28+$0xFFFF9000]  }
0x29b: {  	v23 =	vld [tilespmem:s28+$0xFFFFA000];
	_ =	sdelay $0x1  }
0x29c: {  	v37 =	vld [tilespmem:s28+$0xFFFFB000];
	_ =	sdelay $0x1  }
0x29d: {  	v38 =	vbroadcast v21, $0x0;
	v39 =	vunpack.i.l.bf16.f32 v22;
	v40 =	vbroadcast v21, $0x1  }
0x29e: {  	v42 =	vld [tilespmem:s28+$0xFFFFC000];
	v22 =	vunpack.i.u.bf16.f32 v22;
	v41 =	vunpack.i.l.bf16.f32 v23;
	v43 =	vbroadcast v21, $0x2  }
0x29f: {  	v45 =	vld [tilespmem:s28+$0xFFFFD000];
	v23 =	vunpack.i.u.bf16.f32 v23;
	v26 =	vmul.f32 v39, v38;
	v28 =	vmul.f32 v41, v40  }
0x2a0: {  	s31 =	sadd.s32 $0x107, s30;
	v44 =	vunpack.i.l.bf16.f32 v37;
	v22 =	vmul.f32 v22, v38;
	v23 =	vmul.f32 v23, v40  }
0x2a1: {  	v59 =	vmov s31;
	v46 =	vbroadcast v21, $0x3;
	v25 =	vmul.f32 v44, v43  }
0x2a2: {  	v26 =	vadd.f32 v28, v26;
	v22 =	vadd.f32 v23, v22;
	v23 =	vunpack.i.u.bf16.f32 v37  }
0x2a3: {  	v48 =	vld [tilespmem:s28+$0xFFFFE000];
	v47 =	vunpack.i.l.bf16.f32 v42;
	v29 =	vunpack.i.u.bf16.f32 v42;
	v23 =	vmul.f32 v23, v43  }
0x2a4: {  	v51 =	vld [tilespmem:s28+$0xFFFFF000];
	v49 =	vbroadcast v21, $0x4;
	v50 =	vunpack.i.l.bf16.f32 v45;
	v25 =	vadd.f32 v25, v26  }
0x2a5: {  	v26 =	vmul.f32 v47, v46;
	v22 =	vadd.f32 v23, v22;
	v23 =	vmul.f32 v29, v46  }
0x2a6: {  	v60 =	vand.u32 $0x3FF, v59;
	v52 =	vbroadcast v21, $0x5;
	v24 =	vmul.f32 v50, v49  }
0x2a7: {  	v25 =	vadd.f32 v26, v25;
	v22 =	vadd.f32 v23, v22;
	v23 =	vunpack.i.u.bf16.f32 v45  }
0x2a8: {  	v56 =	vld [tilespmem:s28+$0x0];
	v53 =	vunpack.i.l.bf16.f32 v48;
	v54 =	vunpack.i.u.bf16.f32 v48;
	v23 =	vmul.f32 v23, v49  }
0x2a9: {  	v55 =	vbroadcast v21, $0x6;
	v57 =	vunpack.i.l.bf16.f32 v51;
	v24 =	vadd.f32 v24, v25  }
0x2aa: {  	v25 =	vmul.f32 v53, v52;
	v22 =	vadd.f32 v23, v22;
	v23 =	vmul.f32 v54, v52  }
0x2ab: {  	v62 =	vadd.s32 v19, v60;
	v21 =	vbroadcast v21, $0x7;
	v58 =	vmul.f32 v57, v55  }
0x2ac: {  	v24 =	vadd.f32 v25, v24;
	v22 =	vadd.f32 v23, v22;
	v23 =	vunpack.i.u.bf16.f32 v51  }
0x2ad: {  	s26 =	sadd.s32 $0x4, s26;
	v61 =	vunpack.i.l.bf16.f32 v56;
	v63 =	vunpack.i.u.bf16.f32 v56;
	v23 =	vmul.f32 v23, v55  }
0x2ae: {  	p1 =	slt.u32 s26, $0xFC;
	v26 =	vmul.f32 v61, v21;
	v25 =	vadd.s32 v20, v60;
	v24 =	vadd.f32 v58, v24  }
.Ltmp9:
0x2af: {  	v21 =	vmul.f32 v63, v21;
	v22 =	vadd.f32 v23, v22;
	(pc) =	sbr.rel @p1 .LBB2_13-.Ltmp9, $4  }
0x2b0: {  	v23 =	vadd.f32 v26, v24  }
0x2b1: {  	v21 =	vadd.f32 v21, v22  }
0x2b2: {  	[tilespmem:v62+s12+$0x0] =	vst.idx.msk $0xffff, v23  }
0x2b3: {  	s28 =	sadd.s32 $0x40, s28;
	s29 =	sadd.s32 $0x24, s29;
	[tilespmem:v25+s12+$0x0] =	vst.idx.msk $0xffff, v21  }
0x2b4: {  	p1 =	seq.s32 s25, $0x0  }
.Ltmp10:
0x2b5: {  	_ = 	snop;
	(pc) =	sbr.rel @p1 .LBB2_18-.Ltmp10, $1  }
0x2b6: {  	_ =	sdelay $0x3  }
0x2b7: {  	s0 =	rddreg [dreg:$0xa]  }
0x2b8: {  	s0 =	sadd.s32 s17, s0  }
0x2b9: {  	s16 =	rddreg [dreg:$0x2];
	s0 =	sshrl.u32 s0, $0x3  }
0x2ba: {  	s31 =	simm.s32 $0x12820;
	s17 =	simm.s32 $0x1020;
	s16 =	sadd.s32 s16, s0  }
0x2bb: {  	[hbm4b:s16+s1] =	stream.linear.scatter [tilespmem:s31], [sflag:$0x5], $0x400, $0x38;
	[tilespmem:$0x1A920] =	vst v63  }
.LBB2_16:
0x2bc: {  	p1 =	sne.s32 s17, $0x1F3E0  }
.Ltmp11:
0x2bd: {  	_ = 	snop;
	(pc) =	sbr.rel @p1 .LBB2_16-.Ltmp11, $4  }
0x2be: {  	_ = 	snop  }
0x2bf: {  	s0 =	sshra.s32 s17, $0x2;
	s17 =	sadd.s32 $0x1020, s17  }
0x2c0: {  	s16 =	sadd.s32 $0x8000, s16;
	s0 =	sadd.s32 $0x12820, s0  }
0x2c1: {  	[hbm4b:s16+s1] =	stream.linear.scatter [tilespmem:s0], [sflag:$0x5], $0x400, $0x38;
	[tilespmem:$0x1A920] =	vst v63  }
.Ltmp12:
0x2c2: {  	(pc) =	sbr.rel .LBB2_18-.Ltmp12, $4  }
0x2c3: {  	_ = 	snop  }
0x2c4: {  	_ =	swait.ge [sflag:s14], $0x8000  }
0x2c5: {  	[sflag:s14] =	ssyncset.done $0x0  }
0x2c6: {  	[sflag:s14] =	ssyncadd.s32 $0xFFFF8000  }
.LBB2_20:
0x2c7: {  	_ =	sfence.sel $0x180000  }
0x2c8: {  	[bflag:$0x0] =	sbarrier.arrive $0xFFFF  }
0x2c9: {  	_ =	strace $0x9000004D  }
0x2ca: {  	s0 =	stileid.u32;
	[bflag:$0x2] =	sbarrier.arrive $0xFFFF  }
0x2cb: {  	p0 =	sne.s32 s0, $0x0;
	s0 =	rddreg [dreg:$0x1]  }
0x2cc: {  	s0 =	sadd.s32 @!p0 $0x100000, s0  }
0x2cd: {  	[sflag:s0] =	ssyncadd.tile.s32 @!p0 $0x1;
	_ =	shalt  }
.Lfunc_end2:
_tile_overlayer_lowered:
.L_overlay_start_2:
0x2ce: {  	(tag) =	ssettag $0x2  }
0x2cf: {  	s0 =	rddreg [dreg:$0x0];
	s2 =	stileid.u32  }
0x2d0: {  	s1 =	rddreg [dreg:$0x1];
	p0 =	sne.s32 s2, $0x0  }
0x2d1: {  	s3 =	rddreg [dreg:$0x2];
	[bflag:$0x3] =	sbarrier.arrive $0xFFFF;
	s2 =	simm.s32 @!p0 $0x1C05  }
0x2d2: {  	[timem:s3], [sflag:s2] =	dma.local @!p0 [hbm:s0], s1  }
0x2d3: {  	s0 =	simm.s32 @!p0 $0x5  }
0x2d4: {  	_ =	swait.ge @!p0 [sflag:s0], s1  }
0x2d5: {  	s1 =	ssub.s32 @!p0 $0x0, s1;
	[sflag:s0] =	ssyncset.done @!p0 $0x0  }
0x2d6: {  	[sflag:s0] =	ssyncadd.s32 @!p0 s1  }
0x2d7: {  	[bflag:$0x3] =	sbarrier.arrive $0xFFFF  }
0x2d8: {  	_ =	shalt  }

// kernel: sparse-core-data-format-call.1.cloned.1.call-start
scs
called_computation.1_lowered:
.L_overlay_start_0:
0x0: {  	s2 =	sld [smem:$0x3FD9]  }
0x1: {  	s3 =	sld [smem:$0x3FFE];
	_ =	sdelay $0x1  }
0x2: {  	s1 =	srdreg.scid  }
0x3: {  	s0 =	sand.u32 $0x1, s1  }
0x4: {  	s18 =	sshll.u32 s0, $0xA;
	s2 =	sadd.s32 s3, s2  }
0x5: {  	s2 =	sadd.s32 s2, s18  }
0x6: {  	[smem:$0x3FC6] =	sst s2  }
0x7: {  	_ = 	snop  }
0x8: {  	s2 =	sld [smem:$0x3FD0];
	(tm) =	ssettm $0x1  }
0x9: {  	s19 =	sld [smem:$0x3FFB];
	_ =	sdelay $0x3  }
0xa: {  	_ =	strace s19  }
0xb: {  	s3 =	sld [smem:$0x3FFC];
	_ =	sdelay $0x3  }
0xc: {  	_ =	strace s3  }
0xd: {  	s3 =	sld [smem:$0x3FFD];
	_ =	sdelay $0x3  }
0xe: {  	_ =	strace s3  }
0xf: {  	_ =	strace $0x8FFFFFFF  }
0x10: {  	s20 =	sld [smem:$0x3FDB];
	_ =	sdelay $0x1  }
0x11: {  	s4 =	simm.s32 $_scs_section_size  }
0x12: {  	s5 =	simm.s32 $_size__tile_overlayer_lowered;
	s6 =	simm.s32 $_tile_overlayer_lowered  }
0x13: {  	s23 =	simm.s32 $0x1BFF;
	s22 =	sshll.u32 s6, $0x1;
	s3 =	sadd.s32 s4, s20  }
0x14: {  	s7 =	simm.s32 $0x0;
	s21 =	sshll.u32 s5, $0x1;
	s5 =	sadd.s32 s22, s3  }
0x15: {  	[timem:s7], [sflag:s23] =	dma.local [hbm:s5], s21  }
0x16: {  	_ =	swait.ge [sflag:s23], s21  }
0x17: {  	s4 =	ssub.s32 $0x0, s21;
	[sflag:s23] =	ssyncset.done $0x0  }
0x18: {  	[sflag:s23] =	ssyncadd.s32 s4;
	_ =	sdelay $0x1  }
0x19: {  	s24 =	simm.s32 $0x1B8B  }
0x1a: {  	_ =	swait.ge [sflag:s24], $0x1  }
0x1b: {  	[sflag:s24] =	ssyncset.done $0x0  }
0x1c: {  	s26 =	simm.s32 $0x1B8E;
	s25 =	sld [smem:$0x3FFE];
	[sflag:s24] =	ssyncadd.s32 $0xFFFFFFFF  }
0x1d: {  	s27 =	simm.s32 $execute0_lowered;
	[smem:$0x3FD2] =	sst s26  }
0x1e: {  	s5 =	sshll.u32 s27, $0x1;
	_ =	strace $0x80000046;
	[dreg:$0x1] =	wrdreg $0xFFFFFFFF  }
0x1f: {  	s28 =	simm.s32 $_size_execute0_lowered;
	s3 =	sadd.s32 s3, s5;
	[dreg:$0x0] =	wrdreg $0x0  }
0x20: {  	s5 =	sshll.u32 s28, $0x1;
	[dreg:$0x2] =	wrdreg s3  }
0x21: {  	[dreg:$0x3] =	wrdreg s5  }
0x22: {  	[dreg:$0x4] =	wrdreg $0xC0  }
0x23: {  	_ =	task [dreg:s7], $0x5FFFF  }
0x24: {  	[dreg:$0x1] =	wrdreg $0xFFFFFFFF  }
0x25: {  	[dreg:$0x0] =	wrdreg $0x60  }
0x26: {  	[dreg:$0x2] =	wrdreg s25  }
0x27: {  	[dreg:$0x3] =	wrdreg s2  }
0x28: {  	[dreg:$0x4] =	wrdreg $0x9  }
0x29: {  	_ =	task.clear_ibuf [dreg:s7], $0x5FFFF;
	_ =	strace $0x90000046  }
0x2a: {  	s29 =	simm.s32 $0x9;
	_ =	strace $0x80000048  }
0x2b: {  	_ =	swait.ge [sflag:s29], $0x1  }
0x2c: {  	[sflag:s29] =	ssyncadd.s32 $0xFFFFFFFF  }
0x2d: {  	_ =	strace $0x90000048  }
0x2e: {  	_ =	sfence  }
0x2f: {  	s30 =	sld [smem:$0x0];
	_ =	sdelay $0x2  }
0x30: {  	s31 =	sshll.u32 s1, $0xD;
	s1 =	sshrl.u32 s1, $0x2  }
0x31: {  	s3 =	sand.u32 $0x4000, s31;
	s1 =	sadd.s32 s1, s30  }
0x32: {  	s0 =	sor.u32 s3, s0;
	s1 =	sshll.u32 s1, $0x11  }
0x33: {  	s0 =	sor.u32 s1, s0  }
0x34: {  	s0 =	sadd.s32 $0x8F2B, s0  }
0x35: {  	[sflag:s0] =	ssyncadd.remote.s32 $0x1  }
0x36: {  	_ =	sfence.sel $0xFFFF  }
0x37: {  	[dreg:$0x0] =	wrdreg $0xFFFFFFFF;
	(pc) =	sbr.abs _section_cstart, $3  }
0x38: {  	[dreg:$0x1] =	wrdreg $0xFFFFFFFF  }
0x39: {  	_ =	task.clear_ibuf [dreg:s7], $0x2FFFF;
	_ =	strace $0x9FFFFFFF  }
0x3a: {  	(tm) =	ssettm $0x7FFFFFFF  }
0x3b: {  	_ =	shalt  }
tec
execute0_lowered:
.L_overlay_start_1:
0x0: {  	(tag) =	ssettag $0x1  }
0x1: {  	s1 =	rddreg [dreg:$0x0]  }
0x2: {  	s2 =	rddreg [dreg:$0x1]  }
0x3: {  	s0 =	rddreg [dreg:$0x2];
	_ =	strace $0x80000047;
	s4 =	srdreg.scid  }
0x4: {  	s6 =	simm.s32 $0x2;
	s15 =	simm.s32 $0x0;
	p0 =	por $0x0, $0x0  }
0x5: {  	s9 =	simm.s32 $0x80;
	s17 =	simm.s32 $0x0;
	s16 =	simm.s32 $0x0  }
0x6: {  	s18 =	simm.s32 $0x0;
	s11 =	simm.s32 $0x0;
	s13 =	simm.s32 $0x0  }
.Ltmp0:
0x7: {  	s14 =	simm.s32 $0x0;
	s10 =	simm.s32 $0x0;
	(pc) =	sbr.rel .LBB1_1-.Ltmp0, $4  }
0x8: {  	s3 =	sadd.s32 $0x1000, s1;
	s1 =	stileid.u32;
	s5 =	sshll.u32 s4, $0x4  }
0x9: {  	s4 =	simm.s32 $0x1;
	s7 =	sadd.s32 $0x400000, s2;
	s5 =	sand.u32 $0x10, s5  }
0xa: {  	s8 =	sadd.s32 $0x600000, s2;
	[sflag:s4] =	ssyncpa.u1 $0x0;
	s5 =	sor.u32 s1, s5  }
0xb: {  	[sflag:s6] =	ssyncpa.u1 $0x0;
	s6 =	sadd.s32 $0x200000, s2;
	s12 =	smov.u32 s5  }
.LBB1_7:
0xc: {  	s19 =	sadd.s32 $0x2, s11  }
0xd: {  	s15 =	sadd.s32 $0x20, s12;
	s20 =	smov.u32 s12;
	p2 =	sgt.s32 s19, $0x3F  }
0xe: {  	s20 =	smov.u32 @p2 s15  }
0xf: {  	s21 =	smov.u32 s13;
	s15 =	sadd.s32 $0x20, s13;
	p3 =	sgt.s32 s20, $0x3F  }
0x10: {  	s21 =	smov.u32 @p3 s15  }
0x11: {  	s22 =	smov.u32 s14;
	s15 =	sadd.s32 $0x4, s14;
	p4 =	sgt.s32 s21, $0x1F  }
0x12: {  	p1 =	slt.u32 s10, $0x2;
	s22 =	smov.u32 @p4 s15  }
0x13: {  	s10 =	sadd.s32 $0x1, s10;
	s19 =	simm.s32 @p2 $0x0;
	p2 =	sgt.s32 s22, $0x3  }
0x14: {  	s23 =	simm.s32 @!p1 $0x2;
	s22 =	simm.s32 @p2 $0x0;
	p2 =	sne.s32 s10, $0x42  }
.Ltmp1:
0x15: {  	s17 =	smov.u32 s12;
	_ =	swait.ge @!p1 [sflag:s23], $0x2000;
	(pc) =	sbr.rel @!p2 .LBB1_8-.Ltmp1, $4  }
0x16: {  	s16 =	smov.u32 s13;
	s18 =	smov.u32 s14;
	[sflag:s23] =	ssyncset.done @!p1 $0x0  }
0x17: {  	p0 =	por !p0, !p0;
	s20 =	smov.u32 @p3 s5;
	[sflag:s23] =	ssyncadd.s32 @!p1 $0xFFFFE000  }
0x18: {  	s12 =	smov.u32 s20;
	s21 =	simm.s32 @p4 $0x0;
	s15 =	smov.u32 s11  }
0x19: {  	s11 =	smov.u32 s19;
	s13 =	smov.u32 s21;
	s14 =	smov.u32 s22  }
.LBB1_1:
0x1a: {  	p1 =	sgt.u32 s10, $0x3F  }
0x1b: {  	s19 =	sshll.u32 @!p1 s14, $0x14;
	s20 =	sshll.u32 @!p1 s13, $0xF  }
0x1c: {  	s21 =	sshll.u32 @!p1 s12, $0x9;
	s22 =	sshll.u32 @!p1 s11, $0x3;
	s19 =	sadd.s32 @!p1 s3, s19  }
0x1d: {  	s22 =	sand.u32 @!p1 $0x1F0, s22;
	s19 =	sadd.s32 @!p1 s20, s19;
	s20 =	sxor.u32 @!p1 $0xFFFFFFFF, s10  }
0x1e: {  	s19 =	sadd.s32 @!p1 s21, s19;
	s20 =	sshll.u32 @!p1 s20, $0xD;
	s21 =	simm.s32 @!p1 $0x40  }
0x1f: {  	s19 =	sadd.s32 @!p1 s22, s19;
	s20 =	sand.u32 @!p1 $0x2000, s20;
	s22 =	simm.s32 @!p1 $0x40000  }
0x20: {  	[tilespmem:s20], [sflag:$0x1] =	stream.strided.gather @!p1 [hbm4b:s19+s21], $0x2000, s22, s21, $0x38;
	[tilespmem:$0x8200] =	vst v63  }
0x21: {  	p1 =	seq.s32 s10, $0x0  }
0x22: {  	p2 =	seq.s32 @!p1 s10, $0x41  }
0x23: {  	p1 =	por p1, p2  }
.Ltmp2:
0x24: {  	_ = 	snop;
	(pc) =	sbr.rel @p1 .LBB1_7-.Ltmp2, $1  }
0x25: {  	_ =	sdelay $0x3  }
0x26: {  	s19 =	simm.s32 $0x1;
	s21 =	sand.u32 $0x1, s10  }
0x27: {  	_ =	swait.ge [sflag:s4], $0x2000;
	s19 =	simm.s32 @!p0 $0x0;
	s23 =	smul.u32 $0x8400, s21  }
0x28: {  	[sflag:s4] =	ssyncset.done $0x0;
	s20 =	smul.u32 $0x8400, s19  }
0x29: {  	s19 =	sshll.u32 s19, $0xD;
	[sflag:s4] =	ssyncadd.s32 $0xFFFFE000  }
0x2a: {  	s22 =	sor.u32 $0x20, s19;
	s19 =	sshrl.u32 s23, $0x2;
	s20 =	sshrl.u32 s20, $0x2  }
0x2b: {  	s23 =	simm.s32 $0x0;
	s21 =	sor.u32 $0x4000, s20;
	s20 =	sor.u32 $0x4000, s19  }
.LBB1_3:
0x2c: {  	v0 =	vld [tilespmem:s22+$0x0]  }
0x2d: {  	v1 =	vld [tilespmem:s22+$0x10]  }
0x2e: {  	v2 =	vld [tilespmem:s22+$0xFFFFFFF0]  }
0x2f: {  	v3 =	vld [tilespmem:s22+$0xFFFFFFE0];
	_ =	sdelay $0x2  }
0x30: {  	s27 =	sadd.s32 $0x40, s22  }
0x31: {  	v1 =	vperm.xlane.i2c.b16 v1;
	v4 =	vperm.xlane.i2c.b16 v0;
	v0 =	vld [tilespmem:s27+$0x0]  }
0x32: {  	v6 =	vperm.xlane.i2c.b16 v2;
	v2 =	vld [tilespmem:s27+$0x10];
	v7 =	vperm.xlane.i2c.b16 v3  }
0x33: {  	v5 =	vcombine.low v4, v1;
	v8 =	vcombine.high v4, v1;
	v1 =	vld [tilespmem:s27+$0xFFFFFFF0]  }
0x34: {  	s24 =	sadd.s32 $0x0, s21;
	v3 =	vld [tilespmem:s27+$0xFFFFFFE0]  }
0x35: {  	[tilespmem:s24+$0x210 ss:$0x21] =	vst.msk $0xffff, v5;
	v5 =	vcombine.low v7, v6  }
0x36: {  	s25 =	simm.s32 $0x4;
	s26 =	simm.s32 $0x8;
	v4 =	vcombine.high v7, v6;
	s27 =	sadd.s32 $0x40, s27;
	[tilespmem:s24+$0x630 ss:$0x21] =	vst.msk $0xffff, v8  }
.LBB1_4:
0x37: {  	v6 =	vperm.xlane.i2c.b16 v2;
	v7 =	vperm.xlane.i2c.b16 v0;
	v0 =	vld [tilespmem:s27+$0x0];
	[tilespmem:s24+$0x0 ss:$0x21] =	vst.msk $0xffff, v5;
	s28 =	smov.u32 s26;
	p1 =	sne.s32 s26, $0x7C  }
.Ltmp3:
0x38: {  	v2 =	vld [tilespmem:s27+$0x10];
	v8 =	vperm.xlane.i2c.b16 v1;
	[tilespmem:s24+$0x420 ss:$0x21] =	vst.msk $0xffff, v4;
	(pc) =	sbr.rel @p1 .LBB1_4-.Ltmp3, $4  }
0x39: {  	s26 =	sadd.s32 $0x4, s26;
	s24 =	sshra.s32 s25, $0x2;
	v1 =	vld [tilespmem:s27+$0xFFFFFFF0];
	v4 =	vperm.xlane.i2c.b16 v3;
	v9 =	vcombine.low v7, v6  }
0x3a: {  	s25 =	smov.u32 s28;
	s24 =	sadd.s32 s24, s21;
	v6 =	vcombine.high v7, v6;
	v3 =	vld [tilespmem:s27+$0xFFFFFFE0]  }
0x3b: {  	v5 =	vcombine.low v4, v8;
	v4 =	vcombine.high v4, v8;
	[tilespmem:s24+$0x210 ss:$0x21] =	vst.msk $0xffff, v9  }
0x3c: {  	s27 =	sadd.s32 $0x40, s27;
	[tilespmem:s24+$0x630 ss:$0x21] =	vst.msk $0xffff, v6  }
0x3d: {  	v2 =	vperm.xlane.i2c.b16 v2;
	v0 =	vperm.xlane.i2c.b16 v0  }
0x3e: {  	s23 =	sadd.s32 $0x1, s23;
	v1 =	vperm.xlane.i2c.b16 v1  }
0x3f: {  	[tilespmem:s24+$0x0 ss:$0x21] =	vst.msk $0xffff, v5;
	s25 =	sshra.s32 s25, $0x2;
	p1 =	sne.s32 s23, $0x4;
	v3 =	vperm.xlane.i2c.b16 v3;
	v62 =	vcombine.low v0, v2  }
.Ltmp4:
0x40: {  	[tilespmem:s24+$0x420 ss:$0x21] =	vst.msk $0xffff, v4;
	s31 =	sadd.s32 s25, s21;
	v0 =	vcombine.high v0, v2;
	(pc) =	sbr.rel @p1 .LBB1_3-.Ltmp4, $4  }
0x41: {  	v63 =	vcombine.low v3, v1;
	[tilespmem:s31+$0x210 ss:$0x21] =	vst.msk $0xffff, v62  }
0x42: {  	v1 =	vcombine.high v3, v1;
	[tilespmem:s31+$0x630 ss:$0x21] =	vst.msk $0xffff, v0  }
0x43: {  	[tilespmem:s31+$0x0 ss:$0x21] =	vst.msk $0xffff, v63  }
0x44: {  	s22 =	sadd.s32 $0x800, s22;
	s21 =	sadd.s32 $0x840, s21;
	[tilespmem:s31+$0x420 ss:$0x21] =	vst.msk $0xffff, v1  }
0x45: {  	s21 =	sshll.u32 s16, $0x4;
	s22 =	sshll.u32 s16, $0x1  }
0x46: {  	s18 =	sshll.u32 s18, $0x15;
	s17 =	sshll.u32 s17, $0xF;
	s23 =	sshrl.u32 s16, $0x3  }
0x47: {  	s15 =	sshll.u32 s15, $0x9;
	s21 =	sand.u32 $0x1800, s21;
	s24 =	sadd.s32 s18, s17  }
0x48: {  	s22 =	sand.u32 $0x80, s22;
	s31 =	sand.u32 $0x7, s23;
	s25 =	sadd.s32 s2, s24  }
0x49: {  	s26 =	sand.u32 $0x7, s16;
	s21 =	sor.u32 s22, s21;
	s23 =	sadd.s32 s31, s25  }
0x4a: {  	s16 =	sshll.u32 s26, $0x12;
	s21 =	sshrl.u32 s21, $0x4;
	s23 =	sadd.s32 s15, s23  }
0x4b: {  	s27 =	sadd.s32 s18, s6;
	s16 =	sor.u32 $0x20, s16;
	s23 =	sadd.s32 s21, s23  }
0x4c: {  	[hbm4b:s23+s16] =	stream.strided.scatter [tilespmem:s20], [sflag:$0x2], $0x800, s9, s16, $0x10;
	[tilespmem:$0x8200] =	vst v63  }
0x4d: {  	s20 =	sadd.s32 s17, s27  }
0x4e: {  	s20 =	sadd.s32 s31, s20  }
0x4f: {  	s20 =	sadd.s32 s15, s20  }
0x50: {  	s28 =	sadd.s32 $0x4840, s19;
	s29 =	sadd.s32 s18, s7;
	s20 =	sadd.s32 s21, s20  }
0x51: {  	[hbm4b:s20+s16] =	stream.strided.scatter [tilespmem:s28], [sflag:$0x2], $0x800, s9, s16, $0x10;
	[tilespmem:$0x8200] =	vst v63  }
0x52: {  	s18 =	sadd.s32 s18, s8;
	s20 =	sadd.s32 s17, s29  }
0x53: {  	s17 =	sadd.s32 s17, s18;
	s20 =	sadd.s32 s31, s20  }
.Ltmp5:
0x54: {  	s17 =	sadd.s32 s31, s17;
	s20 =	sadd.s32 s15, s20;
	(pc) =	sbr.rel .LBB1_7-.Ltmp5, $4  }
0x55: {  	s30 =	sadd.s32 $0x5080, s19;
	s15 =	sadd.s32 s15, s17;
	s20 =	sadd.s32 s21, s20  }
0x56: {  	[hbm4b:s20+s16] =	stream.strided.scatter [tilespmem:s30], [sflag:$0x2], $0x800, s9, s16, $0x10;
	[tilespmem:$0x8200] =	vst v63  }
0x57: {  	s31 =	sadd.s32 $0x58C0, s19;
	s15 =	sadd.s32 s21, s15  }
0x58: {  	[hbm4b:s15+s16] =	stream.strided.scatter [tilespmem:s31], [sflag:$0x2], $0x800, s9, s16, $0x10;
	[tilespmem:$0x8200] =	vst v63  }
.LBB1_8:
0x59: {  	_ =	sfence.sel $0x180000  }
0x5a: {  	s2 =	simm.s32 $0x1;
	[bflag:$0x0] =	sbarrier.arrive $0xFFFF  }
0x5b: {  	s31 =	simm.s32 $0x2;
	[sflag:s2] =	ssyncpa.u1 $0x1  }
0x5c: {  	[sflag:s31] =	ssyncpa.u1 $0x1  }
0x5d: {  	p0 =	sne.s32 s1, $0x0;
	_ =	strace $0x90000047  }
0x5e: {  	s0 =	sadd.s32 @!p0 $0x100000, s0;
	[bflag:$0x2] =	sbarrier.arrive $0xFFFF  }
0x5f: {  	[sflag:s0] =	ssyncadd.tile.s32 @!p0 $0x1;
	_ =	shalt  }
.Lfunc_end1:
_tile_overlayer_lowered:
.L_overlay_start_2:
0x60: {  	(tag) =	ssettag $0x2  }
0x61: {  	s0 =	rddreg [dreg:$0x0];
	s2 =	stileid.u32  }
0x62: {  	s1 =	rddreg [dreg:$0x1];
	p0 =	sne.s32 s2, $0x0  }
0x63: {  	s3 =	rddreg [dreg:$0x2];
	[bflag:$0x3] =	sbarrier.arrive $0xFFFF;
	s2 =	simm.s32 @!p0 $0x1C01  }
0x64: {  	[timem:s3], [sflag:s2] =	dma.local @!p0 [hbm:s0], s1  }
0x65: {  	s0 =	simm.s32 @!p0 $0x1  }
0x66: {  	_ =	swait.ge @!p0 [sflag:s0], s1  }
0x67: {  	s1 =	ssub.s32 @!p0 $0x0, s1;
	[sflag:s0] =	ssyncset.done @!p0 $0x0  }
0x68: {  	[sflag:s0] =	ssyncadd.s32 @!p0 s1  }
0x69: {  	[bflag:$0x3] =	sbarrier.arrive $0xFFFF  }
0x6a: {  	_ =	shalt  }

// kernel: sparse-core-data-format-call.cloned.1.call-start
scs
called_computation_lowered:
.L_overlay_start_0:
0x0: {  	s2 =	sld [smem:$0x3FD9]  }
0x1: {  	s3 =	sld [smem:$0x3FFE];
	_ =	sdelay $0x1  }
0x2: {  	s1 =	srdreg.scid  }
0x3: {  	s0 =	sand.u32 $0x1, s1  }
0x4: {  	s18 =	sshll.u32 s0, $0xA;
	s2 =	sadd.s32 s3, s2  }
0x5: {  	s2 =	sadd.s32 s2, s18  }
0x6: {  	[smem:$0x3FC6] =	sst s2  }
0x7: {  	_ = 	snop  }
0x8: {  	s2 =	sld [smem:$0x3FD0];
	(tm) =	ssettm $0x1  }
0x9: {  	s19 =	sld [smem:$0x3FFB];
	_ =	sdelay $0x3  }
0xa: {  	_ =	strace s19  }
0xb: {  	s3 =	sld [smem:$0x3FFC];
	_ =	sdelay $0x3  }
0xc: {  	_ =	strace s3  }
0xd: {  	s3 =	sld [smem:$0x3FFD];
	_ =	sdelay $0x3  }
0xe: {  	_ =	strace s3  }
0xf: {  	_ =	strace $0x8FFFFFFF  }
0x10: {  	s20 =	sld [smem:$0x3FDB];
	_ =	sdelay $0x1  }
0x11: {  	s4 =	simm.s32 $_scs_section_size  }
0x12: {  	s5 =	simm.s32 $_size__tile_overlayer_lowered;
	s6 =	simm.s32 $_tile_overlayer_lowered  }
0x13: {  	s23 =	simm.s32 $0x1BFF;
	s22 =	sshll.u32 s6, $0x1;
	s3 =	sadd.s32 s4, s20  }
0x14: {  	s7 =	simm.s32 $0x0;
	s21 =	sshll.u32 s5, $0x1;
	s5 =	sadd.s32 s22, s3  }
0x15: {  	[timem:s7], [sflag:s23] =	dma.local [hbm:s5], s21  }
0x16: {  	_ =	swait.ge [sflag:s23], s21  }
0x17: {  	s4 =	ssub.s32 $0x0, s21;
	[sflag:s23] =	ssyncset.done $0x0  }
0x18: {  	[sflag:s23] =	ssyncadd.s32 s4;
	_ =	sdelay $0x1  }
0x19: {  	s24 =	simm.s32 $0x1B8B  }
0x1a: {  	_ =	swait.ge [sflag:s24], $0x1  }
0x1b: {  	[sflag:s24] =	ssyncset.done $0x0  }
0x1c: {  	s26 =	simm.s32 $0x1B8E;
	s25 =	sld [smem:$0x3FFE];
	[sflag:s24] =	ssyncadd.s32 $0xFFFFFFFF  }
0x1d: {  	s27 =	simm.s32 $execute0_lowered;
	[smem:$0x3FD2] =	sst s26  }
0x1e: {  	s5 =	sshll.u32 s27, $0x1;
	_ =	strace $0x80000049;
	[dreg:$0x1] =	wrdreg $0xFFFFFFFF  }
0x1f: {  	s28 =	simm.s32 $_size_execute0_lowered;
	s3 =	sadd.s32 s3, s5;
	[dreg:$0x0] =	wrdreg $0x0  }
0x20: {  	s5 =	sshll.u32 s28, $0x1;
	[dreg:$0x2] =	wrdreg s3  }
0x21: {  	[dreg:$0x3] =	wrdreg s5  }
0x22: {  	[dreg:$0x4] =	wrdreg $0xC0  }
0x23: {  	_ =	task [dreg:s7], $0x5FFFF  }
0x24: {  	[dreg:$0x1] =	wrdreg $0xFFFFFFFF  }
0x25: {  	[dreg:$0x0] =	wrdreg $0x60  }
0x26: {  	[dreg:$0x2] =	wrdreg s2  }
0x27: {  	[dreg:$0x3] =	wrdreg s25  }
0x28: {  	[dreg:$0x4] =	wrdreg $0x9  }
0x29: {  	_ =	task.clear_ibuf [dreg:s7], $0x5FFFF;
	_ =	strace $0x90000049  }
0x2a: {  	s29 =	simm.s32 $0x9;
	_ =	strace $0x8000004B  }
0x2b: {  	_ =	swait.ge [sflag:s29], $0x1  }
0x2c: {  	[sflag:s29] =	ssyncadd.s32 $0xFFFFFFFF  }
0x2d: {  	_ =	strace $0x9000004B  }
0x2e: {  	_ =	sfence  }
0x2f: {  	s30 =	sld [smem:$0x0];
	_ =	sdelay $0x2  }
0x30: {  	s31 =	sshll.u32 s1, $0xD;
	s1 =	sshrl.u32 s1, $0x2  }
0x31: {  	s3 =	sand.u32 $0x4000, s31;
	s1 =	sadd.s32 s1, s30  }
0x32: {  	s0 =	sor.u32 s3, s0;
	s1 =	sshll.u32 s1, $0x11  }
0x33: {  	s0 =	sor.u32 s1, s0  }
0x34: {  	s0 =	sadd.s32 $0x8F2B, s0  }
0x35: {  	[sflag:s0] =	ssyncadd.remote.s32 $0x1  }
0x36: {  	_ =	sfence.sel $0xFFFF  }
0x37: {  	[dreg:$0x0] =	wrdreg $0xFFFFFFFF;
	(pc) =	sbr.abs _section_cstart, $3  }
0x38: {  	[dreg:$0x1] =	wrdreg $0xFFFFFFFF  }
0x39: {  	_ =	task.clear_ibuf [dreg:s7], $0x2FFFF;
	_ =	strace $0x9FFFFFFF  }
0x3a: {  	(tm) =	ssettm $0x7FFFFFFF  }
0x3b: {  	_ =	shalt  }
tec
execute0_lowered:
.L_overlay_start_1:
0x0: {  	(tag) =	ssettag $0x1  }
0x1: {  	s0 =	srdreg.scid  }
0x2: {  	s1 =	sshll.u32 s0, $0x4  }
0x3: {  	s2 =	rddreg [dreg:$0x0];
	s0 =	stileid.u32;
	s1 =	sand.u32 $0x10, s1  }
0x4: {  	s4 =	rddreg [dreg:$0x1];
	s7 =	simm.s32 $0x1;
	s1 =	sor.u32 s0, s1  }
0x5: {  	s8 =	simm.s32 $0x2;
	s9 =	simm.s32 $0x0;
	s3 =	sshll.u32 s1, $0x4  }
0x6: {  	s12 =	simm.s32 $0x0;
	s11 =	simm.s32 $0x0;
	s6 =	ssub.s32 $0x4000, s3  }
.Ltmp0:
0x7: {  	s4 =	sadd.s32 $0x1000, s4;
	s5 =	sand.u32 $0x1F0, s6;
	(pc) =	sbr.rel .LBB1_1-.Ltmp0, $4  }
0x8: {  	s1 =	rddreg [dreg:$0x2];
	_ =	strace $0x8000004A;
	p0 =	sne.s32 s5, $0x0  }
0x9: {  	s6 =	sshrl.u32 s6, $0x9;
	s5 =	simm.s32 $0x1;
	s7 =	simm.s32 @!p0 $0x0  }
0xa: {  	s10 =	smov.u32 s3;
	[sflag:s5] =	ssyncpa.u1 $0x0;
	s6 =	sadd.s32 s7, s6  }
0xb: {  	[sflag:s8] =	ssyncpa.u1 $0x0;
	s8 =	simm.s32 $0x0;
	s7 =	sadd.s32 $0x1, s6  }
.LBB1_7:
0xc: {  	s14 =	sadd.s32 $0x200, s10  }
0xd: {  	p1 =	sgt.s32 s14, $0x3FFF  }
0xe: {  	s14 =	smov.u32 @p1 s3;
	p1 =	sne.s32 s11, s7  }
.Ltmp1:
0xf: {  	p0 =	slt.u32 s11, $0x2;
	(pc) =	sbr.rel @!p1 .LBB1_8-.Ltmp1, $4  }
0x10: {  	s13 =	simm.s32 @!p0 $0x2  }
0x11: {  	s15 =	sadd.s32 $0x1, s11;
	_ =	swait.ge @!p0 [sflag:s13], $0x4000  }
0x12: {  	s12 =	smov.u32 s10;
	s9 =	sadd.s32 $0x8000, s9;
	[sflag:s13] =	ssyncset.done @!p0 $0x0  }
0x13: {  	s11 =	smov.u32 s15;
	s10 =	smov.u32 s14;
	[sflag:s13] =	ssyncadd.s32 @!p0 $0xFFFFC000  }
.LBB1_1:
0x14: {  	p0 =	sge.u32 s11, s6  }
0x15: {  	s13 =	sxor.u32 @!p0 $0xFFFFFFFF, s11  }
0x16: {  	s31 =	sadd.s32 $0xFFFFFFFF, s11;
	s14 =	sshll.u32 @!p0 s10, $0x7;
	s13 =	sshll.u32 @!p0 s13, $0xE  }
0x17: {  	s15 =	simm.s32 @!p0 $0x0;
	s14 =	sadd.s32 @!p0 s2, s14;
	s13 =	sand.u32 @!p0 $0x4000, s13  }
0x18: {  	[tilespmem:s13], [sflag:$0x1] =	stream.linear.gather @!p0 [hbm4b:s14+s15], $0x4000, $0x38;
	[tilespmem:$0x10000] =	vst v63  }
0x19: {  	p0 =	sge.u32 s31, s6  }
.Ltmp2:
0x1a: {  	_ = 	snop;
	(pc) =	sbr.rel @p0 .LBB1_7-.Ltmp2, $1  }
0x1b: {  	_ =	sdelay $0x3  }
0x1c: {  	s13 =	sshrl.u32 s9, $0x1;
	_ =	swait.ge [sflag:s5], $0x4000  }
0x1d: {  	s15 =	sshll.u32 s11, $0xE;
	s16 =	simm.s32 $0x0;
	s14 =	sand.u32 $0x4000, s13  }
0x1e: {  	[sflag:s5] =	ssyncset.done $0x0;
	s15 =	sand.u32 $0x4000, s15;
	s13 =	sor.u32 $0x200, s14  }
0x1f: {  	s14 =	sor.u32 $0x8080, s14;
	[sflag:s5] =	ssyncadd.s32 $0xFFFFC000;
	s15 =	sor.u32 $0x8000, s15  }
.LBB1_3:
0x20: {  	v0 =	vld [tilespmem:s13+$0xFFFFFE70]  }
0x21: {  	v1 =	vld [tilespmem:s13+$0x70]  }
0x22: {  	v2 =	vld [tilespmem:s13+$0x0]  }
0x23: {  	v3 =	vld [tilespmem:s13+$0xFFFFFE10]  }
0x24: {  	v4 =	vld [tilespmem:s13+$0x10]  }
0x25: {  	v5 =	vld [tilespmem:s13+$0xFFFFFE20]  }
0x26: {  	v7 =	vld [tilespmem:s13+$0x20]  }
0x27: {  	v11 =	vld [tilespmem:s13+$0x30];
	v6 =	vunpack.i.l.s16.s32 v0;
	v8 =	vunpack.i.u.s16.s32 v0;
	v9 =	vunpack.i.u.s16.s32 v1  }
0x28: {  	v10 =	vunpack.i.l.s16.s32 v1;
	v0 =	vunpack.i.u.s16.s32 v2;
	v1 =	vunpack.i.l.s16.s32 v2;
	v2 =	vld [tilespmem:s13+$0xFFFFFE30]  }
0x29: {  	v8 =	vpack.i.b32.b16 v9, v8;
	v9 =	vunpack.i.u.s16.s32 v3;
	v3 =	vunpack.i.l.s16.s32 v3  }
0x2a: {  	v12 =	vld [tilespmem:s13+$0xFFFFFE40];
	v6 =	vpack.i.b32.b16 v10, v6;
	[tilespmem:s14+$0x70] =	vst v8;
	v8 =	vunpack.i.u.s16.s32 v4;
	v4 =	vunpack.i.l.s16.s32 v4  }
0x2b: {  	v13 =	vld [tilespmem:s13+$0x40];
	v10 =	vunpack.i.u.s16.s32 v5;
	v5 =	vunpack.i.l.s16.s32 v5;
	[tilespmem:s14+$0xFFFFFFF0] =	vst v6;
	v3 =	vpack.i.b32.b16 v4, v3  }
0x2c: {  	v6 =	vunpack.i.l.s16.s32 v7;
	v4 =	vld [tilespmem:s13+$0xFFFFFE50];
	[tilespmem:s14+$0xFFFFFF90] =	vst v3;
	v3 =	vpack.i.b32.b16 v8, v9;
	v8 =	vunpack.i.u.s16.s32 v7  }
0x2d: {  	v7 =	vunpack.i.l.s16.s32 v11;
	[tilespmem:s14+$0x10] =	vst v3;
	v3 =	vpack.i.b32.b16 v6, v5;
	v9 =	vunpack.i.u.s16.s32 v2;
	v6 =	vld [tilespmem:s13+$0x50]  }
0x2e: {  	v5 =	vunpack.i.l.s16.s32 v2;
	v2 =	vld [tilespmem:s13+$0xFFFFFE60];
	[tilespmem:s14+$0xFFFFFFA0] =	vst v3;
	v3 =	vpack.i.b32.b16 v8, v10;
	v10 =	vunpack.i.u.s16.s32 v11  }
0x2f: {  	s19 =	simm.s32 $0x0;
	v11 =	vpack.i.b32.b16 v7, v5;
	v7 =	vunpack.i.u.s16.s32 v12;
	v8 =	vunpack.i.l.s16.s32 v12;
	[tilespmem:s14+$0x20] =	vst v3;
	v3 =	vld [tilespmem:s13+$0x60]  }
0x30: {  	s20 =	sadd.s32 $0x80, s13;
	s18 =	smov.u32 s14;
	s17 =	smov.u32 s14;
	v5 =	vld [tilespmem:s13+$0xFFFFFE00];
	[tilespmem:s14+$0xFFFFFFB0] =	vst v11;
	v10 =	vpack.i.b32.b16 v10, v9;
	v9 =	vunpack.i.u.s16.s32 v13;
	v11 =	vunpack.i.l.s16.s32 v13  }
.LBB1_4:
0x31: {  	v12 =	vld [tilespmem:s20+$0xFFFFFE70];
	[tilespmem:s18+$0x30] =	vst v10;
	v8 =	vpack.i.b32.b16 v11, v8;
	v10 =	vunpack.i.u.s16.s32 v4;
	v4 =	vunpack.i.l.s16.s32 v4  }
0x32: {  	s19 =	sadd.s32 $0x2, s19;
	v7 =	vpack.i.b32.b16 v9, v7;
	v11 =	vld [tilespmem:s20+$0x70];
	[tilespmem:s18+$0xFFFFFFC0] =	vst v8;
	v8 =	vunpack.i.u.s16.s32 v6;
	v6 =	vunpack.i.l.s16.s32 v6  }
0x33: {  	p0 =	slt.u32 s19, $0x6;
	v9 =	vld [tilespmem:s20+$0x0];
	[tilespmem:s18+$0x40] =	vst v7;
	v4 =	vpack.i.b32.b16 v6, v4;
	v6 =	vunpack.i.u.s16.s32 v2;
	v2 =	vunpack.i.l.s16.s32 v2  }
0x34: {  	v7 =	vld [tilespmem:s20+$0xFFFFFE10];
	[tilespmem:s18+$0xFFFFFFD0] =	vst v4;
	v4 =	vpack.i.b32.b16 v8, v10;
	v8 =	vunpack.i.u.s16.s32 v3;
	v3 =	vunpack.i.l.s16.s32 v3  }
0x35: {  	v10 =	vld [tilespmem:s20+$0x10];
	v13 =	vunpack.i.u.s16.s32 v5;
	v5 =	vunpack.i.l.s16.s32 v5;
	[tilespmem:s18+$0x50] =	vst v4;
	v2 =	vpack.i.b32.b16 v3, v2  }
0x36: {  	v3 =	vld [tilespmem:s20+$0xFFFFFE20];
	v4 =	vunpack.i.l.s16.s32 v12;
	v1 =	vpack.i.b32.b16 v1, v5;
	v5 =	vpack.i.b32.b16 v0, v13;
	[tilespmem:s18+$0xFFFFFFE0] =	vst v2  }
0x37: {  	v12 =	vunpack.i.u.s16.s32 v12;
	v2 =	vld [tilespmem:s20+$0x20];
	v13 =	vunpack.i.u.s16.s32 v11;
	v11 =	vunpack.i.l.s16.s32 v11;
	[tilespmem:s18+$0xFFFFFF80] =	vst v1  }
0x38: {  	s18 =	sadd.s32 $0x100, s18;
	v0 =	vunpack.i.u.s16.s32 v9;
	v1 =	vunpack.i.l.s16.s32 v9;
	v9 =	vld [tilespmem:s20+$0xFFFFFE30];
	v12 =	vpack.i.b32.b16 v13, v12;
	[tilespmem:s17+$0x0] =	vst v5  }
0x39: {  	v6 =	vpack.i.b32.b16 v8, v6;
	v5 =	vunpack.i.u.s16.s32 v7;
	v7 =	vunpack.i.l.s16.s32 v7;
	v13 =	vld [tilespmem:s20+$0x30];
	[tilespmem:s18+$0x70] =	vst v12  }
0x3a: {  	v4 =	vpack.i.b32.b16 v11, v4;
	v8 =	vunpack.i.u.s16.s32 v10;
	v10 =	vunpack.i.l.s16.s32 v10;
	v12 =	vld [tilespmem:s20+$0xFFFFFE40];
	[tilespmem:s17+$0x60] =	vst v6;
	s17 =	smov.u32 s18  }
0x3b: {  	v6 =	vpack.i.b32.b16 v10, v7;
	v7 =	vunpack.i.u.s16.s32 v3;
	v3 =	vunpack.i.l.s16.s32 v3;
	v11 =	vld [tilespmem:s20+$0x40];
	[tilespmem:s18+$0xFFFFFFF0] =	vst v4  }
.Ltmp3:
0x3c: {  	v5 =	vpack.i.b32.b16 v8, v5;
	[tilespmem:s18+$0xFFFFFF90] =	vst v6;
	v8 =	vunpack.i.u.s16.s32 v2;
	v2 =	vunpack.i.l.s16.s32 v2;
	v4 =	vld [tilespmem:s20+$0xFFFFFE50];
	(pc) =	sbr.rel @p0 .LBB1_4-.Ltmp3, $4  }
0x3d: {  	[tilespmem:s18+$0x10] =	vst v5;
	v2 =	vpack.i.b32.b16 v2, v3;
	v10 =	vunpack.i.u.s16.s32 v9;
	v3 =	vunpack.i.l.s16.s32 v9;
	v6 =	vld [tilespmem:s20+$0x50]  }
0x3e: {  	v5 =	vpack.i.b32.b16 v8, v7;
	[tilespmem:s18+$0xFFFFFFA0] =	vst v2;
	v9 =	vunpack.i.u.s16.s32 v13;
	v7 =	vunpack.i.l.s16.s32 v13;
	v2 =	vld [tilespmem:s20+$0xFFFFFE60]  }
0x3f: {  	[tilespmem:s18+$0x20] =	vst v5;
	v13 =	vpack.i.b32.b16 v7, v3;
	v7 =	vunpack.i.u.s16.s32 v12;
	v8 =	vunpack.i.l.s16.s32 v12;
	v3 =	vld [tilespmem:s20+$0x60]  }
0x40: {  	v10 =	vpack.i.b32.b16 v9, v10;
	v5 =	vld [tilespmem:s20+$0xFFFFFE00];
	[tilespmem:s18+$0xFFFFFFB0] =	vst v13;
	v9 =	vunpack.i.u.s16.s32 v11;
	v11 =	vunpack.i.l.s16.s32 v11;
	s20 =	sadd.s32 $0x80, s20  }
0x41: {  	[tilespmem:s18+$0x30] =	vst v10;
	v8 =	vpack.i.b32.b16 v11, v8  }
0x42: {  	v51 =	vunpack.i.l.s16.s32 v4;
	v7 =	vpack.i.b32.b16 v9, v7;
	[tilespmem:s18+$0xFFFFFFC0] =	vst v8;
	v52 =	vunpack.i.l.s16.s32 v6  }
0x43: {  	v53 =	vunpack.i.u.s16.s32 v4;
	s16 =	sadd.s32 $0x1, s16;
	v54 =	vunpack.i.u.s16.s32 v6;
	[tilespmem:s18+$0x40] =	vst v7;
	v55 =	vpack.i.b32.b16 v52, v51  }
0x44: {  	p0 =	sne.s32 s16, $0x10;
	v56 =	vunpack.i.l.s16.s32 v2;
	v4 =	vpack.i.b32.b16 v54, v53;
	[tilespmem:s18+$0xFFFFFFD0] =	vst v55;
	v57 =	vunpack.i.l.s16.s32 v3  }
.Ltmp4:
0x45: {  	[tilespmem:s18+$0x50] =	vst v4;
	v58 =	vunpack.i.l.s16.s32 v5;
	v59 =	vpack.i.b32.b16 v57, v56;
	(pc) =	sbr.rel @p0 .LBB1_3-.Ltmp4, $4  }
0x46: {  	v61 =	vunpack.i.u.s16.s32 v2;
	v62 =	vunpack.i.u.s16.s32 v3;
	v1 =	vpack.i.b32.b16 v1, v58;
	[tilespmem:s18+$0xFFFFFFE0] =	vst v59  }
0x47: {  	v60 =	vunpack.i.u.s16.s32 v5;
	v63 =	vpack.i.b32.b16 v62, v61;
	[tilespmem:s18+$0xFFFFFF80] =	vst v1  }
0x48: {  	v0 =	vpack.i.b32.b16 v0, v60;
	[tilespmem:s17+$0x60] =	vst v63  }
0x49: {  	s13 =	sadd.s32 $0x400, s13;
	s14 =	sadd.s32 $0x400, s14;
	[tilespmem:s17+$0x0] =	vst v0  }
.Ltmp5:
0x4a: {  	(pc) =	sbr.rel .LBB1_7-.Ltmp5, $4  }
0x4b: {  	_ = 	snop  }
0x4c: {  	s12 =	sshll.u32 s12, $0x7  }
0x4d: {  	s12 =	sadd.s32 s4, s12  }
0x4e: {  	[hbm4b:s12+s8] =	stream.linear.scatter [tilespmem:s15], [sflag:$0x2], $0x4000, $0x38;
	[tilespmem:$0x10000] =	vst v63  }
.LBB1_8:
0x4f: {  	_ =	sfence.sel $0x180000  }
0x50: {  	s2 =	simm.s32 $0x1;
	[bflag:$0x0] =	sbarrier.arrive $0xFFFF  }
0x51: {  	s31 =	simm.s32 $0x2;
	[sflag:s2] =	ssyncpa.u1 $0x1  }
0x52: {  	[sflag:s31] =	ssyncpa.u1 $0x1  }
0x53: {  	p0 =	sne.s32 s0, $0x0;
	_ =	strace $0x9000004A  }
0x54: {  	s0 =	sadd.s32 @!p0 $0x100000, s1;
	[bflag:$0x2] =	sbarrier.arrive $0xFFFF  }
0x55: {  	[sflag:s0] =	ssyncadd.tile.s32 @!p0 $0x1;
	_ =	shalt  }
.Lfunc_end1:
_tile_overlayer_lowered:
.L_overlay_start_2:
0x56: {  	(tag) =	ssettag $0x2  }
0x57: {  	s0 =	rddreg [dreg:$0x0];
	s2 =	stileid.u32  }
0x58: {  	s1 =	rddreg [dreg:$0x1];
	p0 =	sne.s32 s2, $0x0  }
0x59: {  	s3 =	rddreg [dreg:$0x2];
	[bflag:$0x3] =	sbarrier.arrive $0xFFFF;
	s2 =	simm.s32 @!p0 $0x1C01  }
0x5a: {  	[timem:s3], [sflag:s2] =	dma.local @!p0 [hbm:s0], s1  }
0x5b: {  	s0 =	simm.s32 @!p0 $0x1  }
0x5c: {  	_ =	swait.ge @!p0 [sflag:s0], s1  }
0x5d: {  	s1 =	ssub.s32 @!p0 $0x0, s1;
	[sflag:s0] =	ssyncset.done @!p0 $0x0  }
0x5e: {  	[sflag:s0] =	ssyncadd.s32 @!p0 s1  }
0x5f: {  	[bflag:$0x3] =	sbarrier.arrive $0xFFFF  }
0x60: {  	_ =	shalt  }

</sc_bundles>
